<compile_context>
chip_gen: v7x
topology: tpu7x:2x2x1
jax: 0.10.2.dev20260603
libtpu: 0.0.44.dev20260713+nightly
codegen_flags: <defaults>
</compile_context>

<pallas_src>
import jax
import jax.numpy as jnp
from jax import lax
from jax.experimental import pallas as pl
from jax.experimental.pallas import tpu as pltpu
from jax.experimental.pallas import tpu_sc as plsc

N = 100000
D_TOT = 128
D_LAT = 120
HIDDEN = 64

_NW = 32
_SC_ROWS = 200
_GS = 40
_NG = _SC_ROWS // _GS
_NSC = N // _SC_ROWS
_ITERS = -(-_NSC // _NW)

_BLK_PRE = 4000
_ROWS_BLK = 2000


def _precompute_body(x_ref, w_ref, ta_ref, tb_ref):
    g = jnp.dot(x_ref[...], w_ref[...], preferred_element_type=jnp.float32)
    ta_ref[...] = g[:, 0:2 * HIDDEN]
    tb_ref[...] = g[:, HIDDEN:3 * HIDDEN]


def _update_body(x_ref, s_ref, w0_ref, b1_ref, w2_ref, b2_ref, o_ref):
    xb = x_ref[...]
    h = jnp.tanh(
        jnp.dot(xb, w0_ref[...], preferred_element_type=jnp.float32)
        + s_ref[:, 0:HIDDEN] + b1_ref[...])
    o_ref[...] = xb + jnp.dot(h, w2_ref[...],
                              preferred_element_type=jnp.float32) + b2_ref[...]


def _update_body_hi(buf_ref, x_ref, s_ref, w0_ref, b1_ref, w2_ref, b2_ref,
                    o_ref):
    del buf_ref
    _update_body(x_ref, s_ref, w0_ref, b1_ref, w2_ref, b2_ref, o_ref)


_SPLITS = ((0, 56000), (56000, 28000), (84000, 16000))


def _make_sc_body(row_off, nrows):
    nsc = nrows // _SC_ROWS
    iters = -(-nsc // _NW)

    def _sc_body(ta, tb, nT, out, i_v, a_v, b_v, c_v, sem_i, sem_g, sem_o):
        wid = lax.axis_index("s") * 2 + lax.axis_index("c")

        def issue_idx(it):
            ch = wid + _NW * it

            @pl.when(ch < nsc)
            def _():
                pltpu.make_async_copy(
                    nT.at[:, pl.ds(row_off + ch * _SC_ROWS, _SC_ROWS)],
                    i_v.at[it % 2], sem_i).start()

        issue_idx(0)

        def body(it, carry):
            ch = wid + _NW * it
            p = it % 2

            @pl.when(ch < nsc)
            def _():
                base = ch * _SC_ROWS
                pltpu.make_async_copy(
                    nT.at[:, pl.ds(0, _SC_ROWS)], i_v.at[p], sem_i).wait()
                @pl.when(it > 0)
                def _():
                    pltpu.make_async_copy(
                        a_v, out.at[pl.ds(0, _SC_ROWS)], sem_o).wait()

                cps = []
                for k in range(_NG):
                    rs = pl.ds(k * _GS, _GS)
                    cps.append(pltpu.async_copy(
                        ta.at[i_v.at[p, 0, rs]], a_v.at[rs], sem_g))
                    cps.append(pltpu.async_copy(
                        ta.at[i_v.at[p, 1, rs]], b_v.at[rs], sem_g))
                    cps.append(pltpu.async_copy(
                        tb.at[i_v.at[p, 2, rs]], c_v.at[rs], sem_g))
                issue_idx(it + 1)
                for cp in cps:
                    cp.wait()

                def add_rows(i, c2):
                    r = i * 4
                    for dr in range(4):
                        for j in range(HIDDEN // 16):
                            sl = pl.ds(j * 16, 16)
                            sh = pl.ds(HIDDEN + j * 16, 16)
                            plsc.addupdate(a_v.at[r + dr, sl],
                                           b_v[r + dr, sh] + c_v[r + dr, sh])
                    return c2

                lax.fori_loop(0, _SC_ROWS // 4, add_rows, 0)
                pltpu.async_copy(a_v, out.at[pl.ds(base, _SC_ROWS)], sem_o)

            return carry

        lax.fori_loop(0, iters, body, 0)
        pltpu.make_async_copy(a_v, out.at[pl.ds(0, _SC_ROWS)], sem_o).wait()

    return _sc_body


def _make_sc_call(row_off, nrows):
    return pl.kernel(
        _make_sc_body(row_off, nrows),
        out_type=jax.ShapeDtypeStruct((nrows, 2 * HIDDEN), jnp.float32),
        mesh=plsc.VectorSubcoreMesh(core_axis_name="c", subcore_axis_name="s"),
        compiler_params=pltpu.CompilerParams(use_tc_tiling_on_sc=False),
        scratch_types=[
            pltpu.VMEM((2, 3, _SC_ROWS), jnp.int32),
            pltpu.VMEM((_SC_ROWS, 2 * HIDDEN), jnp.float32),
            pltpu.VMEM((_SC_ROWS, 2 * HIDDEN), jnp.float32),
            pltpu.VMEM((_SC_ROWS, 2 * HIDDEN), jnp.float32),
            pltpu.SemaphoreType.DMA,
            pltpu.SemaphoreType.DMA,
            pltpu.SemaphoreType.DMA,
        ],
    )


_sc_gathers = tuple(_make_sc_call(off, n) for off, n in _SPLITS)


def kernel(x, neighbour_index, W1, b1, W2, b2):
    W1r = W1.reshape(4, D_TOT, HIDDEN)
    w1cat = jnp.concatenate([W1r[1], W1r[2], W1r[3]], axis=1)
    w0 = W1r[0]
    w2p = jnp.pad(W2, ((0, 0), (0, D_TOT - D_LAT)))
    b2p = jnp.pad(b2, (0, D_TOT - D_LAT)).reshape(1, D_TOT)
    b1r = b1.reshape(1, HIDDEN)
    nT = neighbour_index.T[1:4]

    ta, tb = pl.pallas_call(
        _precompute_body,
        grid=(N // _BLK_PRE,),
        in_specs=[pl.BlockSpec((_BLK_PRE, D_TOT), lambda i: (i, 0)),
                  pl.BlockSpec((D_TOT, 3 * HIDDEN), lambda i: (0, 0))],
        out_specs=[pl.BlockSpec((_BLK_PRE, 2 * HIDDEN), lambda i: (i, 0))] * 2,
        out_shape=[jax.ShapeDtypeStruct((N, 2 * HIDDEN), jnp.float32)] * 2,
    )(x, w1cat)

    s_parts = [g(ta, tb, nT) for g in _sc_gathers]

    wspecs = [pl.BlockSpec((D_TOT, HIDDEN), lambda i: (0, 0)),
              pl.BlockSpec((1, HIDDEN), lambda i: (0, 0)),
              pl.BlockSpec((HIDDEN, D_TOT), lambda i: (0, 0)),
              pl.BlockSpec((1, D_TOT), lambda i: (0, 0))]
    out = pl.pallas_call(
        _update_body,
        grid=(_SPLITS[0][1] // _ROWS_BLK,),
        in_specs=[pl.BlockSpec((_ROWS_BLK, D_TOT), lambda i: (i, 0)),
                  pl.BlockSpec((_ROWS_BLK, 2 * HIDDEN), lambda i: (i, 0))]
                 + wspecs,
        out_specs=pl.BlockSpec((_ROWS_BLK, D_TOT), lambda i: (i, 0)),
        out_shape=jax.ShapeDtypeStruct((N, D_TOT), jnp.float32),
    )(x, s_parts[0], w0, b1r, w2p, b2p)

    for (off, nrows), s in zip(_SPLITS[1:], s_parts[1:]):
        blk0 = off // _ROWS_BLK
        out = pl.pallas_call(
            _update_body_hi,
            grid=(nrows // _ROWS_BLK,),
            in_specs=[pl.BlockSpec((8, D_TOT), lambda i: (0, 0)),
                      pl.BlockSpec((_ROWS_BLK, D_TOT),
                                   lambda i, b=blk0: (i + b, 0)),
                      pl.BlockSpec((_ROWS_BLK, 2 * HIDDEN),
                                   lambda i: (i, 0))]
                     + wspecs,
            out_specs=pl.BlockSpec((_ROWS_BLK, D_TOT),
                                   lambda i, b=blk0: (i + b, 0)),
            out_shape=jax.ShapeDtypeStruct((N, D_TOT), jnp.float32),
            input_output_aliases={0: 0},
        )(out, x, s, w0, b1r, w2p, b2p)
    return out

# --- scband reference (transcript-rebuilt; emitter-appended) ---
"""Pipeline reference for scband-neural-solver-56607668961693 (READ-ONLY COPY).

The authoritative reference and input builder live on the scoring server;
editing this copy changes nothing except your own understanding.
"""

import jax, jax.numpy as jnp
import numpy as np

N_PATCH = 100000
D_LAT = 120
D_ANC = 8
D_TOT = D_LAT + D_ANC  # 128
HIDDEN = 64
NSTEPS = 1
STEPSIZE = 1.0


def setup_inputs(seed: int = 0) -> dict:
    key = jax.random.key(seed)
    k1, k2, k3, k4 = jax.random.split(key, 4)
    x = jax.random.normal(k1, (N_PATCH, D_TOT), dtype=jnp.float32)
    # neighbour list: column 0 is the vertex itself, columns 1..3 are its 3 neighbours
    nbrs = jax.random.randint(k2, (N_PATCH, 3), 0, N_PATCH, dtype=jnp.int32)
    self_idx = jnp.arange(N_PATCH, dtype=jnp.int32)[:, None]
    neighbour_index = jnp.concatenate([self_idx, nbrs], axis=1)  # (N_PATCH, 4)
    # interaction model Phi_theta: MLP over flattened (4, D_TOT) patch stencil -> D_LAT
    W1 = jax.random.normal(k3, (4 * D_TOT, HIDDEN), dtype=jnp.float32) * 0.02
    b1 = jnp.zeros((HIDDEN,), dtype=jnp.float32)
    W2 = jax.random.normal(k4, (HIDDEN, D_LAT), dtype=jnp.float32) * 0.02
    b2 = jnp.zeros((D_LAT,), dtype=jnp.float32)
    return {"x": x, "neighbour_index": neighbour_index, "W1": W1, "b1": b1, "W2": W2, "b2": b2}


def _interaction_model(z, W1, b1, W2, b2):
    # z: (N_PATCH, 4, D_TOT) -> (N_PATCH, D_LAT)
    zf = z.reshape(z.shape[0], -1)
    h = jnp.tanh(zf @ W1 + b1)
    return h @ W2 + b2


def reference(x, neighbour_index, W1, b1, W2, b2):
    # single-sample (dim==2) path of NeuralSolver.forward
    for _ in range(NSTEPS):
        # torch.gather over the repeated tensor reduces to a row gather:
        # z[i, k, :] = x[neighbour_index[i, k], :]
        z = jnp.take(x, neighbour_index, axis=0)  # (N_PATCH, 4, D_TOT)
        fz = _interaction_model(z, W1, b1, W2, b2)  # (N_PATCH, D_LAT)
        # pad dynamical increment with zeros over the ancillary channels
        dx = jnp.pad(fz, ((0, 0), (0, D_TOT - D_LAT)), mode="constant", constant_values=0.0)
        x = x + STEPSIZE * dx
    return x

if __name__ == "__main__":
    import jax
    _d = setup_inputs()
    print(jax.jit(kernel)(*tuple(_d.values())))

</pallas_src>

<mosaic_0001>
#map = affine_map<(d0, d1) -> (0, 0)>
module attributes {stable_mosaic.version = 14 : i64} {
  func.func @_sc_body(%arg0: i32, %arg1: i32, %arg2: memref<100000x128xf32, #tpu.memory_space<hbm>>, %arg3: memref<100000x128xf32, #tpu.memory_space<hbm>>, %arg4: memref<3x100000xi32, #tpu.memory_space<hbm>>, %arg5: memref<16000x128xf32, #tpu.memory_space<hbm>>, %arg6: memref<2x3x200xi32, #tpu.memory_space<vmem>>, %arg7: memref<200x128xf32, #tpu.memory_space<vmem>>, %arg8: memref<200x128xf32, #tpu.memory_space<vmem>>, %arg9: memref<200x128xf32, #tpu.memory_space<vmem>>, %arg10: memref<!tpu.dma_semaphore, #tpu.memory_space<semaphore_mem>>, %arg11: memref<!tpu.dma_semaphore, #tpu.memory_space<semaphore_mem>>, %arg12: memref<!tpu.dma_semaphore, #tpu.memory_space<semaphore_mem>>) attributes {dimension_semantics = [#tpu.dimension_semantics<core_parallel>, #tpu.dimension_semantics<subcore_parallel>], iteration_bounds = array<i64: 2, 16>, scalar_prefetch = 0 : i64, scratch_operands = 7 : i64, tpu.core_type = #tpu.core_type<sc_vector_subcore>, window_params = [{transform_indices = #map}, {transform_indices = #map}, {transform_indices = #map}, {transform_indices = #map}]} {
    %mul3A = arith.constant 2 : i32
    %mul3A_0 = arith.muli %arg1, %mul3A : i32
    %add3A = arith.addi %mul3A_0, %arg0 : i32
    %add3A_1 = arith.constant 0 : i32
    %add3A_2 = arith.addi %add3A, %add3A_1 : i32
    %lt3A = arith.constant 80 : i32
    %lt3A_3 = arith.cmpi slt, %add3A_2, %lt3A : i32
    %convert_element_type3A = arith.extui %lt3A_3 : i1 to i32
    %cond3A = arith.constant 0 : i32
    %cond3A_4 = arith.cmpi ne, %convert_element_type3A, %cond3A : i32
    scf.if %cond3A_4 {
      %mul3A_15 = arith.constant 200 : i32
      %mul3A_16 = arith.muli %add3A_2, %mul3A_15 : i32
      %add3A_17 = arith.constant 84000 : i32
      %add3A_18 = arith.addi %add3A_17, %mul3A_16 : i32
      %dma_start3A = arith.constant 0 : i32
      %dma_start3A_19 = arith.constant 0 : i32
      %dma_start3A_20 = arith.constant 0 : i32
      %dma_start3A_21 = tpu.memref_slice %arg6[%dma_start3A, %dma_start3A_19, %dma_start3A_20] : memref<2x3x200xi32, #tpu.memory_space<vmem>> -> memref<1x3x200xi32, #tpu.memory_space<vmem>>
      %dma_start3A_22 = tpu.memref_squeeze %dma_start3A_21 : memref<1x3x200xi32, #tpu.memory_space<vmem>> -> memref<3x200xi32, #tpu.memory_space<vmem>>
      %dma_start3A_23 = arith.constant 0 : i32
      %dma_start3A_24 = tpu.memref_slice %arg4[%dma_start3A_23, %add3A_18] : memref<3x100000xi32, #tpu.memory_space<hbm>> -> memref<3x200xi32, #tpu.memory_space<hbm>>
      %dma_start3A_25 = arith.constant 0 : i32
      %dma_start3A_26 = arith.constant 0 : i32
      %dma_start3A_27 = tpu.memref_slice %arg6[%dma_start3A, %dma_start3A_25, %dma_start3A_26] : memref<2x3x200xi32, #tpu.memory_space<vmem>> -> memref<1x3x200xi32, #tpu.memory_space<vmem>>
      %dma_start3A_28 = tpu.memref_squeeze %dma_start3A_27 : memref<1x3x200xi32, #tpu.memory_space<vmem>> -> memref<3x200xi32, #tpu.memory_space<vmem>>
      %dma_start3A_29 = arith.constant 0 : i32
      %dma_start3A_30 = tpu.memref_slice %arg4[%dma_start3A_29, %add3A_18] : memref<3x100000xi32, #tpu.memory_space<hbm>> -> memref<3x200xi32, #tpu.memory_space<hbm>>
      tpu.enqueue_dma source(%dma_start3A_30 : memref<3x200xi32, #tpu.memory_space<hbm>>) target(%dma_start3A_28 : memref<3x200xi32, #tpu.memory_space<vmem>>) target_semaphore(%arg10 : memref<!tpu.dma_semaphore, #tpu.memory_space<semaphore_mem>>)
    } else {
    }
    %scan3A = arith.constant 0 : i32
    %scan3A_5 = arith.constant 0 : i32
    %scan3A_6 = arith.constant 3 : i32
    %scan3A_7 = arith.addi %scan3A_5, %scan3A_6 : i32
    %scan3A_8 = arith.constant 1 : i32
    scf.for %scan3A_15 = %scan3A_5 to %scan3A_7 step %scan3A_8  : i32 {
      %mul3A_16 = arith.constant 32 : i32
      %mul3A_17 = arith.muli %mul3A_16, %scan3A_15 : i32
      %add3A_18 = arith.addi %add3A, %mul3A_17 : i32
      %jit3A = arith.constant 2 : i32
      %eq3A = arith.constant 0 : i32
      %eq3A_19 = arith.cmpi eq, %jit3A, %eq3A : i32
      %jit3A_20 = arith.constant 1 : i32
      %select_n3A = arith.select %eq3A_19, %jit3A_20, %jit3A : i32
      %rem3A = arith.remsi %scan3A_15, %select_n3A : i32
      %ne3A = arith.constant 0 : i32
      %ne3A_21 = arith.cmpi ne, %rem3A, %ne3A : i32
      %lt3A_22 = arith.constant 0 : i32
      %lt3A_23 = arith.cmpi slt, %rem3A, %lt3A_22 : i32
      %lt3A_24 = arith.constant 0 : i32
      %lt3A_25 = arith.cmpi slt, %select_n3A, %lt3A_24 : i32
      %ne3A_26 = arith.xori %lt3A_23, %lt3A_25 : i1
      %and3A = arith.andi %ne3A_26, %ne3A_21 : i1
      %add3A_27 = arith.addi %rem3A, %select_n3A : i32
      %select_n3A_28 = arith.select %and3A, %add3A_27, %rem3A : i32
      %lt3A_29 = arith.constant 80 : i32
      %lt3A_30 = arith.cmpi slt, %add3A_18, %lt3A_29 : i32
      %convert_element_type3A_31 = arith.extui %lt3A_30 : i1 to i32
      %cond3A_32 = arith.constant 0 : i32
      %cond3A_33 = arith.cmpi ne, %convert_element_type3A_31, %cond3A_32 : i32
      scf.if %cond3A_33 {
        %mul3A_34 = arith.constant 200 : i32
        %mul3A_35 = arith.muli %add3A_18, %mul3A_34 : i32
        %dma_wait3A_36 = arith.constant 0 : i32
        %dma_wait3A_37 = arith.constant 0 : i32
        %dma_wait3A_38 = tpu.memref_slice %arg6[%select_n3A_28, %dma_wait3A_36, %dma_wait3A_37] : memref<2x3x200xi32, #tpu.memory_space<vmem>> -> memref<1x3x200xi32, #tpu.memory_space<vmem>>
        %dma_wait3A_39 = tpu.memref_squeeze %dma_wait3A_38 : memref<1x3x200xi32, #tpu.memory_space<vmem>> -> memref<3x200xi32, #tpu.memory_space<vmem>>
        %dma_wait3A_40 = arith.constant 0 : i32
        %dma_wait3A_41 = arith.constant 0 : i32
        %dma_wait3A_42 = tpu.memref_slice %arg4[%dma_wait3A_40, %dma_wait3A_41] : memref<3x100000xi32, #tpu.memory_space<hbm>> -> memref<3x200xi32, #tpu.memory_space<hbm>>
        %dma_wait3A_43 = arith.constant 0 : i32
        %dma_wait3A_44 = arith.constant 0 : i32
        %dma_wait3A_45 = tpu.memref_slice %arg6[%select_n3A_28, %dma_wait3A_43, %dma_wait3A_44] : memref<2x3x200xi32, #tpu.memory_space<vmem>> -> memref<1x3x200xi32, #tpu.memory_space<vmem>>
        %dma_wait3A_46 = tpu.memref_squeeze %dma_wait3A_45 : memref<1x3x200xi32, #tpu.memory_space<vmem>> -> memref<3x200xi32, #tpu.memory_space<vmem>>
        %dma_wait3A_47 = arith.constant 0 : i32
        %dma_wait3A_48 = arith.constant 0 : i32
        %dma_wait3A_49 = tpu.memref_slice %arg4[%dma_wait3A_47, %dma_wait3A_48] : memref<3x100000xi32, #tpu.memory_space<hbm>> -> memref<3x200xi32, #tpu.memory_space<hbm>>
        tpu.wait_dma2 semaphore(%arg10 : memref<!tpu.dma_semaphore, #tpu.memory_space<semaphore_mem>>) src(%dma_wait3A_49 : memref<3x200xi32, #tpu.memory_space<hbm>>) dst(%dma_wait3A_46 : memref<3x200xi32, #tpu.memory_space<vmem>>)
        %gt3A = arith.constant 0 : i32
        %gt3A_50 = arith.cmpi sgt, %scan3A_15, %gt3A : i32
        %convert_element_type3A_51 = arith.extui %gt3A_50 : i1 to i32
        %cond3A_52 = arith.constant 0 : i32
        %cond3A_53 = arith.cmpi ne, %convert_element_type3A_51, %cond3A_52 : i32
        scf.if %cond3A_53 {
          %dma_wait3A_373 = arith.constant 0 : i32
          %dma_wait3A_374 = arith.constant 0 : i32
          %dma_wait3A_375 = tpu.memref_slice %arg5[%dma_wait3A_373, %dma_wait3A_374] : memref<16000x128xf32, #tpu.memory_space<hbm>> -> memref<200x128xf32, #tpu.memory_space<hbm>>
          %dma_wait3A_376 = arith.constant 0 : i32
          %dma_wait3A_377 = arith.constant 0 : i32
          %dma_wait3A_378 = tpu.memref_slice %arg5[%dma_wait3A_376, %dma_wait3A_377] : memref<16000x128xf32, #tpu.memory_space<hbm>> -> memref<200x128xf32, #tpu.memory_space<hbm>>
          tpu.wait_dma2 semaphore(%arg12 : memref<!tpu.dma_semaphore, #tpu.memory_space<semaphore_mem>>) src(%arg7 : memref<200x128xf32, #tpu.memory_space<vmem>>) dst(%dma_wait3A_378 : memref<200x128xf32, #tpu.memory_space<hbm>>)
        } else {
        }
        %dma_start3A = arith.constant 0 : i32
        %dma_start3A_54 = arith.constant 0 : i32
        %dma_start3A_55 = arith.constant 0 : i32
        %dma_start3A_56 = tpu.memref_slice %arg7[%dma_start3A_54, %dma_start3A_55] : memref<200x128xf32, #tpu.memory_space<vmem>> -> memref<40x128xf32, #tpu.memory_space<vmem>>
        %dma_start3A_57 = arith.constant 0 : i32
        %dma_start3A_58 = tpu.memref_slice %arg6[%select_n3A_28, %dma_start3A, %dma_start3A_57] : memref<2x3x200xi32, #tpu.memory_space<vmem>> -> memref<1x1x40xi32, #tpu.memory_space<vmem>>
        %dma_start3A_59 = tpu.memref_squeeze %dma_start3A_58 : memref<1x1x40xi32, #tpu.memory_space<vmem>> -> memref<40xi32, #tpu.memory_space<vmem>>
        %dma_start3A_60 = arith.constant 0 : i32
        %dma_start3A_61 = arith.constant 0 : i32
        %dma_start3A_62 = tpu.memref_slice %arg2[%dma_start3A_60, %dma_start3A_61] : memref<100000x128xf32, #tpu.memory_space<hbm>> -> memref<100000x128xf32, #tpu.memory_space<hbm>>
        tpu.enqueue_indirect_dma source(%dma_start3A_62 : memref<100000x128xf32, #tpu.memory_space<hbm>>) target(%dma_start3A_56 : memref<40x128xf32, #tpu.memory_space<vmem>>) offsets(%dma_start3A_59 : memref<40xi32, #tpu.memory_space<vmem>>) semaphore(%arg11 : memref<!tpu.dma_semaphore, #tpu.memory_space<semaphore_mem>>)
        %dma_start3A_63 = arith.constant 1 : i32
        %dma_start3A_64 = arith.constant 0 : i32
        %dma_start3A_65 = arith.constant 0 : i32
        %dma_start3A_66 = tpu.memref_slice %arg8[%dma_start3A_64, %dma_start3A_65] : memref<200x128xf32, #tpu.memory_space<vmem>> -> memref<40x128xf32, #tpu.memory_space<vmem>>
        %dma_start3A_67 = arith.constant 0 : i32
        %dma_start3A_68 = tpu.memref_slice %arg6[%select_n3A_28, %dma_start3A_63, %dma_start3A_67] : memref<2x3x200xi32, #tpu.memory_space<vmem>> -> memref<1x1x40xi32, #tpu.memory_space<vmem>>
        %dma_start3A_69 = tpu.memref_squeeze %dma_start3A_68 : memref<1x1x40xi32, #tpu.memory_space<vmem>> -> memref<40xi32, #tpu.memory_space<vmem>>
        %dma_start3A_70 = arith.constant 0 : i32
        %dma_start3A_71 = arith.constant 0 : i32
        %dma_start3A_72 = tpu.memref_slice %arg2[%dma_start3A_70, %dma_start3A_71] : memref<100000x128xf32, #tpu.memory_space<hbm>> -> memref<100000x128xf32, #tpu.memory_space<hbm>>
        tpu.enqueue_indirect_dma source(%dma_start3A_72 : memref<100000x128xf32, #tpu.memory_space<hbm>>) target(%dma_start3A_66 : memref<40x128xf32, #tpu.memory_space<vmem>>) offsets(%dma_start3A_69 : memref<40xi32, #tpu.memory_space<vmem>>) semaphore(%arg11 : memref<!tpu.dma_semaphore, #tpu.memory_space<semaphore_mem>>)
        %dma_start3A_73 = arith.constant 2 : i32
        %dma_start3A_74 = arith.constant 0 : i32
        %dma_start3A_75 = arith.constant 0 : i32
        %dma_start3A_76 = tpu.memref_slice %arg9[%dma_start3A_74, %dma_start3A_75] : memref<200x128xf32, #tpu.memory_space<vmem>> -> memref<40x128xf32, #tpu.memory_space<vmem>>
        %dma_start3A_77 = arith.constant 0 : i32
        %dma_start3A_78 = tpu.memref_slice %arg6[%select_n3A_28, %dma_start3A_73, %dma_start3A_77] : memref<2x3x200xi32, #tpu.memory_space<vmem>> -> memref<1x1x40xi32, #tpu.memory_space<vmem>>
        %dma_start3A_79 = tpu.memref_squeeze %dma_start3A_78 : memref<1x1x40xi32, #tpu.memory_space<vmem>> -> memref<40xi32, #tpu.memory_space<vmem>>
        %dma_start3A_80 = arith.constant 0 : i32
        %dma_start3A_81 = arith.constant 0 : i32
        %dma_start3A_82 = tpu.memref_slice %arg3[%dma_start3A_80, %dma_start3A_81] : memref<100000x128xf32, #tpu.memory_space<hbm>> -> memref<100000x128xf32, #tpu.memory_space<hbm>>
        tpu.enqueue_indirect_dma source(%dma_start3A_82 : memref<100000x128xf32, #tpu.memory_space<hbm>>) target(%dma_start3A_76 : memref<40x128xf32, #tpu.memory_space<vmem>>) offsets(%dma_start3A_79 : memref<40xi32, #tpu.memory_space<vmem>>) semaphore(%arg11 : memref<!tpu.dma_semaphore, #tpu.memory_space<semaphore_mem>>)
        %dma_start3A_83 = arith.constant 0 : i32
        %dma_start3A_84 = arith.constant 40 : i32
        %dma_start3A_85 = arith.constant 0 : i32
        %dma_start3A_86 = tpu.memref_slice %arg7[%dma_start3A_84, %dma_start3A_85] : memref<200x128xf32, #tpu.memory_space<vmem>> -> memref<40x128xf32, #tpu.memory_space<vmem>>
        %dma_start3A_87 = arith.constant 40 : i32
        %dma_start3A_88 = tpu.memref_slice %arg6[%select_n3A_28, %dma_start3A_83, %dma_start3A_87] : memref<2x3x200xi32, #tpu.memory_space<vmem>> -> memref<1x1x40xi32, #tpu.memory_space<vmem>>
        %dma_start3A_89 = tpu.memref_squeeze %dma_start3A_88 : memref<1x1x40xi32, #tpu.memory_space<vmem>> -> memref<40xi32, #tpu.memory_space<vmem>>
        %dma_start3A_90 = arith.constant 0 : i32
        %dma_start3A_91 = arith.constant 0 : i32
        %dma_start3A_92 = tpu.memref_slice %arg2[%dma_start3A_90, %dma_start3A_91] : memref<100000x128xf32, #tpu.memory_space<hbm>> -> memref<100000x128xf32, #tpu.memory_space<hbm>>
        tpu.enqueue_indirect_dma source(%dma_start3A_92 : memref<100000x128xf32, #tpu.memory_space<hbm>>) target(%dma_start3A_86 : memref<40x128xf32, #tpu.memory_space<vmem>>) offsets(%dma_start3A_89 : memref<40xi32, #tpu.memory_space<vmem>>) semaphore(%arg11 : memref<!tpu.dma_semaphore, #tpu.memory_space<semaphore_mem>>)
        %dma_start3A_93 = arith.constant 1 : i32
        %dma_start3A_94 = arith.constant 40 : i32
        %dma_start3A_95 = arith.constant 0 : i32
        %dma_start3A_96 = tpu.memref_slice %arg8[%dma_start3A_94, %dma_start3A_95] : memref<200x128xf32, #tpu.memory_space<vmem>> -> memref<40x128xf32, #tpu.memory_space<vmem>>
        %dma_start3A_97 = arith.constant 40 : i32
        %dma_start3A_98 = tpu.memref_slice %arg6[%select_n3A_28, %dma_start3A_93, %dma_start3A_97] : memref<2x3x200xi32, #tpu.memory_space<vmem>> -> memref<1x1x40xi32, #tpu.memory_space<vmem>>
        %dma_start3A_99 = tpu.memref_squeeze %dma_start3A_98 : memref<1x1x40xi32, #tpu.memory_space<vmem>> -> memref<40xi32, #tpu.memory_space<vmem>>
        %dma_start3A_100 = arith.constant 0 : i32
        %dma_start3A_101 = arith.constant 0 : i32
        %dma_start3A_102 = tpu.memref_slice %arg2[%dma_start3A_100, %dma_start3A_101] : memref<100000x128xf32, #tpu.memory_space<hbm>> -> memref<100000x128xf32, #tpu.memory_space<hbm>>
        tpu.enqueue_indirect_dma source(%dma_start3A_102 : memref<100000x128xf32, #tpu.memory_space<hbm>>) target(%dma_start3A_96 : memref<40x128xf32, #tpu.memory_space<vmem>>) offsets(%dma_start3A_99 : memref<40xi32, #tpu.memory_space<vmem>>) semaphore(%arg11 : memref<!tpu.dma_semaphore, #tpu.memory_space<semaphore_mem>>)
        %dma_start3A_103 = arith.constant 2 : i32
        %dma_start3A_104 = arith.constant 40 : i32
        %dma_start3A_105 = arith.constant 0 : i32
        %dma_start3A_106 = tpu.memref_slice %arg9[%dma_start3A_104, %dma_start3A_105] : memref<200x128xf32, #tpu.memory_space<vmem>> -> memref<40x128xf32, #tpu.memory_space<vmem>>
        %dma_start3A_107 = arith.constant 40 : i32
        %dma_start3A_108 = tpu.memref_slice %arg6[%select_n3A_28, %dma_start3A_103, %dma_start3A_107] : memref<2x3x200xi32, #tpu.memory_space<vmem>> -> memref<1x1x40xi32, #tpu.memory_space<vmem>>
        %dma_start3A_109 = tpu.memref_squeeze %dma_start3A_108 : memref<1x1x40xi32, #tpu.memory_space<vmem>> -> memref<40xi32, #tpu.memory_space<vmem>>
        %dma_start3A_110 = arith.constant 0 : i32
        %dma_start3A_111 = arith.constant 0 : i32
        %dma_start3A_112 = tpu.memref_slice %arg3[%dma_start3A_110, %dma_start3A_111] : memref<100000x128xf32, #tpu.memory_space<hbm>> -> memref<100000x128xf32, #tpu.memory_space<hbm>>
        tpu.enqueue_indirect_dma source(%dma_start3A_112 : memref<100000x128xf32, #tpu.memory_space<hbm>>) target(%dma_start3A_106 : memref<40x128xf32, #tpu.memory_space<vmem>>) offsets(%dma_start3A_109 : memref<40xi32, #tpu.memory_space<vmem>>) semaphore(%arg11 : memref<!tpu.dma_semaphore, #tpu.memory_space<semaphore_mem>>)
        %dma_start3A_113 = arith.constant 0 : i32
        %dma_start3A_114 = arith.constant 80 : i32
        %dma_start3A_115 = arith.constant 0 : i32
        %dma_start3A_116 = tpu.memref_slice %arg7[%dma_start3A_114, %dma_start3A_115] : memref<200x128xf32, #tpu.memory_space<vmem>> -> memref<40x128xf32, #tpu.memory_space<vmem>>
        %dma_start3A_117 = arith.constant 80 : i32
        %dma_start3A_118 = tpu.memref_slice %arg6[%select_n3A_28, %dma_start3A_113, %dma_start3A_117] : memref<2x3x200xi32, #tpu.memory_space<vmem>> -> memref<1x1x40xi32, #tpu.memory_space<vmem>>
        %dma_start3A_119 = tpu.memref_squeeze %dma_start3A_118 : memref<1x1x40xi32, #tpu.memory_space<vmem>> -> memref<40xi32, #tpu.memory_space<vmem>>
        %dma_start3A_120 = arith.constant 0 : i32
        %dma_start3A_121 = arith.constant 0 : i32
        %dma_start3A_122 = tpu.memref_slice %arg2[%dma_start3A_120, %dma_start3A_121] : memref<100000x128xf32, #tpu.memory_space<hbm>> -> memref<100000x128xf32, #tpu.memory_space<hbm>>
        tpu.enqueue_indirect_dma source(%dma_start3A_122 : memref<100000x128xf32, #tpu.memory_space<hbm>>) target(%dma_start3A_116 : memref<40x128xf32, #tpu.memory_space<vmem>>) offsets(%dma_start3A_119 : memref<40xi32, #tpu.memory_space<vmem>>) semaphore(%arg11 : memref<!tpu.dma_semaphore, #tpu.memory_space<semaphore_mem>>)
        %dma_start3A_123 = arith.constant 1 : i32
        %dma_start3A_124 = arith.constant 80 : i32
        %dma_start3A_125 = arith.constant 0 : i32
        %dma_start3A_126 = tpu.memref_slice %arg8[%dma_start3A_124, %dma_start3A_125] : memref<200x128xf32, #tpu.memory_space<vmem>> -> memref<40x128xf32, #tpu.memory_space<vmem>>
        %dma_start3A_127 = arith.constant 80 : i32
        %dma_start3A_128 = tpu.memref_slice %arg6[%select_n3A_28, %dma_start3A_123, %dma_start3A_127] : memref<2x3x200xi32, #tpu.memory_space<vmem>> -> memref<1x1x40xi32, #tpu.memory_space<vmem>>
        %dma_start3A_129 = tpu.memref_squeeze %dma_start3A_128 : memref<1x1x40xi32, #tpu.memory_space<vmem>> -> memref<40xi32, #tpu.memory_space<vmem>>
        %dma_start3A_130 = arith.constant 0 : i32
        %dma_start3A_131 = arith.constant 0 : i32
        %dma_start3A_132 = tpu.memref_slice %arg2[%dma_start3A_130, %dma_start3A_131] : memref<100000x128xf32, #tpu.memory_space<hbm>> -> memref<100000x128xf32, #tpu.memory_space<hbm>>
        tpu.enqueue_indirect_dma source(%dma_start3A_132 : memref<100000x128xf32, #tpu.memory_space<hbm>>) target(%dma_start3A_126 : memref<40x128xf32, #tpu.memory_space<vmem>>) offsets(%dma_start3A_129 : memref<40xi32, #tpu.memory_space<vmem>>) semaphore(%arg11 : memref<!tpu.dma_semaphore, #tpu.memory_space<semaphore_mem>>)
        %dma_start3A_133 = arith.constant 2 : i32
        %dma_start3A_134 = arith.constant 80 : i32
        %dma_start3A_135 = arith.constant 0 : i32
        %dma_start3A_136 = tpu.memref_slice %arg9[%dma_start3A_134, %dma_start3A_135] : memref<200x128xf32, #tpu.memory_space<vmem>> -> memref<40x128xf32, #tpu.memory_space<vmem>>
        %dma_start3A_137 = arith.constant 80 : i32
        %dma_start3A_138 = tpu.memref_slice %arg6[%select_n3A_28, %dma_start3A_133, %dma_start3A_137] : memref<2x3x200xi32, #tpu.memory_space<vmem>> -> memref<1x1x40xi32, #tpu.memory_space<vmem>>
        %dma_start3A_139 = tpu.memref_squeeze %dma_start3A_138 : memref<1x1x40xi32, #tpu.memory_space<vmem>> -> memref<40xi32, #tpu.memory_space<vmem>>
        %dma_start3A_140 = arith.constant 0 : i32
        %dma_start3A_141 = arith.constant 0 : i32
        %dma_start3A_142 = tpu.memref_slice %arg3[%dma_start3A_140, %dma_start3A_141] : memref<100000x128xf32, #tpu.memory_space<hbm>> -> memref<100000x128xf32, #tpu.memory_space<hbm>>
        tpu.enqueue_indirect_dma source(%dma_start3A_142 : memref<100000x128xf32, #tpu.memory_space<hbm>>) target(%dma_start3A_136 : memref<40x128xf32, #tpu.memory_space<vmem>>) offsets(%dma_start3A_139 : memref<40xi32, #tpu.memory_space<vmem>>) semaphore(%arg11 : memref<!tpu.dma_semaphore, #tpu.memory_space<semaphore_mem>>)
        %dma_start3A_143 = arith.constant 0 : i32
        %dma_start3A_144 = arith.constant 120 : i32
        %dma_start3A_145 = arith.constant 0 : i32
        %dma_start3A_146 = tpu.memref_slice %arg7[%dma_start3A_144, %dma_start3A_145] : memref<200x128xf32, #tpu.memory_space<vmem>> -> memref<40x128xf32, #tpu.memory_space<vmem>>
        %dma_start3A_147 = arith.constant 120 : i32
        %dma_start3A_148 = tpu.memref_slice %arg6[%select_n3A_28, %dma_start3A_143, %dma_start3A_147] : memref<2x3x200xi32, #tpu.memory_space<vmem>> -> memref<1x1x40xi32, #tpu.memory_space<vmem>>
        %dma_start3A_149 = tpu.memref_squeeze %dma_start3A_148 : memref<1x1x40xi32, #tpu.memory_space<vmem>> -> memref<40xi32, #tpu.memory_space<vmem>>
        %dma_start3A_150 = arith.constant 0 : i32
        %dma_start3A_151 = arith.constant 0 : i32
        %dma_start3A_152 = tpu.memref_slice %arg2[%dma_start3A_150, %dma_start3A_151] : memref<100000x128xf32, #tpu.memory_space<hbm>> -> memref<100000x128xf32, #tpu.memory_space<hbm>>
        tpu.enqueue_indirect_dma source(%dma_start3A_152 : memref<100000x128xf32, #tpu.memory_space<hbm>>) target(%dma_start3A_146 : memref<40x128xf32, #tpu.memory_space<vmem>>) offsets(%dma_start3A_149 : memref<40xi32, #tpu.memory_space<vmem>>) semaphore(%arg11 : memref<!tpu.dma_semaphore, #tpu.memory_space<semaphore_mem>>)
        %dma_start3A_153 = arith.constant 1 : i32
        %dma_start3A_154 = arith.constant 120 : i32
        %dma_start3A_155 = arith.constant 0 : i32
        %dma_start3A_156 = tpu.memref_slice %arg8[%dma_start3A_154, %dma_start3A_155] : memref<200x128xf32, #tpu.memory_space<vmem>> -> memref<40x128xf32, #tpu.memory_space<vmem>>
        %dma_start3A_157 = arith.constant 120 : i32
        %dma_start3A_158 = tpu.memref_slice %arg6[%select_n3A_28, %dma_start3A_153, %dma_start3A_157] : memref<2x3x200xi32, #tpu.memory_space<vmem>> -> memref<1x1x40xi32, #tpu.memory_space<vmem>>
        %dma_start3A_159 = tpu.memref_squeeze %dma_start3A_158 : memref<1x1x40xi32, #tpu.memory_space<vmem>> -> memref<40xi32, #tpu.memory_space<vmem>>
        %dma_start3A_160 = arith.constant 0 : i32
        %dma_start3A_161 = arith.constant 0 : i32
        %dma_start3A_162 = tpu.memref_slice %arg2[%dma_start3A_160, %dma_start3A_161] : memref<100000x128xf32, #tpu.memory_space<hbm>> -> memref<100000x128xf32, #tpu.memory_space<hbm>>
        tpu.enqueue_indirect_dma source(%dma_start3A_162 : memref<100000x128xf32, #tpu.memory_space<hbm>>) target(%dma_start3A_156 : memref<40x128xf32, #tpu.memory_space<vmem>>) offsets(%dma_start3A_159 : memref<40xi32, #tpu.memory_space<vmem>>) semaphore(%arg11 : memref<!tpu.dma_semaphore, #tpu.memory_space<semaphore_mem>>)
        %dma_start3A_163 = arith.constant 2 : i32
        %dma_start3A_164 = arith.constant 120 : i32
        %dma_start3A_165 = arith.constant 0 : i32
        %dma_start3A_166 = tpu.memref_slice %arg9[%dma_start3A_164, %dma_start3A_165] : memref<200x128xf32, #tpu.memory_space<vmem>> -> memref<40x128xf32, #tpu.memory_space<vmem>>
        %dma_start3A_167 = arith.constant 120 : i32
        %dma_start3A_168 = tpu.memref_slice %arg6[%select_n3A_28, %dma_start3A_163, %dma_start3A_167] : memref<2x3x200xi32, #tpu.memory_space<vmem>> -> memref<1x1x40xi32, #tpu.memory_space<vmem>>
        %dma_start3A_169 = tpu.memref_squeeze %dma_start3A_168 : memref<1x1x40xi32, #tpu.memory_space<vmem>> -> memref<40xi32, #tpu.memory_space<vmem>>
        %dma_start3A_170 = arith.constant 0 : i32
        %dma_start3A_171 = arith.constant 0 : i32
        %dma_start3A_172 = tpu.memref_slice %arg3[%dma_start3A_170, %dma_start3A_171] : memref<100000x128xf32, #tpu.memory_space<hbm>> -> memref<100000x128xf32, #tpu.memory_space<hbm>>
        tpu.enqueue_indirect_dma source(%dma_start3A_172 : memref<100000x128xf32, #tpu.memory_space<hbm>>) target(%dma_start3A_166 : memref<40x128xf32, #tpu.memory_space<vmem>>) offsets(%dma_start3A_169 : memref<40xi32, #tpu.memory_space<vmem>>) semaphore(%arg11 : memref<!tpu.dma_semaphore, #tpu.memory_space<semaphore_mem>>)
        %dma_start3A_173 = arith.constant 0 : i32
        %dma_start3A_174 = arith.constant 160 : i32
        %dma_start3A_175 = arith.constant 0 : i32
        %dma_start3A_176 = tpu.memref_slice %arg7[%dma_start3A_174, %dma_start3A_175] : memref<200x128xf32, #tpu.memory_space<vmem>> -> memref<40x128xf32, #tpu.memory_space<vmem>>
        %dma_start3A_177 = arith.constant 160 : i32
        %dma_start3A_178 = tpu.memref_slice %arg6[%select_n3A_28, %dma_start3A_173, %dma_start3A_177] : memref<2x3x200xi32, #tpu.memory_space<vmem>> -> memref<1x1x40xi32, #tpu.memory_space<vmem>>
        %dma_start3A_179 = tpu.memref_squeeze %dma_start3A_178 : memref<1x1x40xi32, #tpu.memory_space<vmem>> -> memref<40xi32, #tpu.memory_space<vmem>>
        %dma_start3A_180 = arith.constant 0 : i32
        %dma_start3A_181 = arith.constant 0 : i32
        %dma_start3A_182 = tpu.memref_slice %arg2[%dma_start3A_180, %dma_start3A_181] : memref<100000x128xf32, #tpu.memory_space<hbm>> -> memref<100000x128xf32, #tpu.memory_space<hbm>>
        tpu.enqueue_indirect_dma source(%dma_start3A_182 : memref<100000x128xf32, #tpu.memory_space<hbm>>) target(%dma_start3A_176 : memref<40x128xf32, #tpu.memory_space<vmem>>) offsets(%dma_start3A_179 : memref<40xi32, #tpu.memory_space<vmem>>) semaphore(%arg11 : memref<!tpu.dma_semaphore, #tpu.memory_space<semaphore_mem>>)
        %dma_start3A_183 = arith.constant 1 : i32
        %dma_start3A_184 = arith.constant 160 : i32
        %dma_start3A_185 = arith.constant 0 : i32
        %dma_start3A_186 = tpu.memref_slice %arg8[%dma_start3A_184, %dma_start3A_185] : memref<200x128xf32, #tpu.memory_space<vmem>> -> memref<40x128xf32, #tpu.memory_space<vmem>>
        %dma_start3A_187 = arith.constant 160 : i32
        %dma_start3A_188 = tpu.memref_slice %arg6[%select_n3A_28, %dma_start3A_183, %dma_start3A_187] : memref<2x3x200xi32, #tpu.memory_space<vmem>> -> memref<1x1x40xi32, #tpu.memory_space<vmem>>
        %dma_start3A_189 = tpu.memref_squeeze %dma_start3A_188 : memref<1x1x40xi32, #tpu.memory_space<vmem>> -> memref<40xi32, #tpu.memory_space<vmem>>
        %dma_start3A_190 = arith.constant 0 : i32
        %dma_start3A_191 = arith.constant 0 : i32
        %dma_start3A_192 = tpu.memref_slice %arg2[%dma_start3A_190, %dma_start3A_191] : memref<100000x128xf32, #tpu.memory_space<hbm>> -> memref<100000x128xf32, #tpu.memory_space<hbm>>
        tpu.enqueue_indirect_dma source(%dma_start3A_192 : memref<100000x128xf32, #tpu.memory_space<hbm>>) target(%dma_start3A_186 : memref<40x128xf32, #tpu.memory_space<vmem>>) offsets(%dma_start3A_189 : memref<40xi32, #tpu.memory_space<vmem>>) semaphore(%arg11 : memref<!tpu.dma_semaphore, #tpu.memory_space<semaphore_mem>>)
        %dma_start3A_193 = arith.constant 2 : i32
        %dma_start3A_194 = arith.constant 160 : i32
        %dma_start3A_195 = arith.constant 0 : i32
        %dma_start3A_196 = tpu.memref_slice %arg9[%dma_start3A_194, %dma_start3A_195] : memref<200x128xf32, #tpu.memory_space<vmem>> -> memref<40x128xf32, #tpu.memory_space<vmem>>
        %dma_start3A_197 = arith.constant 160 : i32
        %dma_start3A_198 = tpu.memref_slice %arg6[%select_n3A_28, %dma_start3A_193, %dma_start3A_197] : memref<2x3x200xi32, #tpu.memory_space<vmem>> -> memref<1x1x40xi32, #tpu.memory_space<vmem>>
        %dma_start3A_199 = tpu.memref_squeeze %dma_start3A_198 : memref<1x1x40xi32, #tpu.memory_space<vmem>> -> memref<40xi32, #tpu.memory_space<vmem>>
        %dma_start3A_200 = arith.constant 0 : i32
        %dma_start3A_201 = arith.constant 0 : i32
        %dma_start3A_202 = tpu.memref_slice %arg3[%dma_start3A_200, %dma_start3A_201] : memref<100000x128xf32, #tpu.memory_space<hbm>> -> memref<100000x128xf32, #tpu.memory_space<hbm>>
        tpu.enqueue_indirect_dma source(%dma_start3A_202 : memref<100000x128xf32, #tpu.memory_space<hbm>>) target(%dma_start3A_196 : memref<40x128xf32, #tpu.memory_space<vmem>>) offsets(%dma_start3A_199 : memref<40xi32, #tpu.memory_space<vmem>>) semaphore(%arg11 : memref<!tpu.dma_semaphore, #tpu.memory_space<semaphore_mem>>)
        %add3A_203 = arith.constant 1 : i32
        %add3A_204 = arith.addi %scan3A_15, %add3A_203 : i32
        %mul3A_205 = arith.constant 32 : i32
        %mul3A_206 = arith.muli %mul3A_205, %add3A_204 : i32
        %add3A_207 = arith.addi %add3A, %mul3A_206 : i32
        %lt3A_208 = arith.constant 80 : i32
        %lt3A_209 = arith.cmpi slt, %add3A_207, %lt3A_208 : i32
        %convert_element_type3A_210 = arith.extui %lt3A_209 : i1 to i32
        %cond3A_211 = arith.constant 0 : i32
        %cond3A_212 = arith.cmpi ne, %convert_element_type3A_210, %cond3A_211 : i32
        scf.if %cond3A_212 {
          %mul3A_373 = arith.constant 200 : i32
          %mul3A_374 = arith.muli %add3A_207, %mul3A_373 : i32
          %add3A_375 = arith.constant 84000 : i32
          %add3A_376 = arith.addi %add3A_375, %mul3A_374 : i32
          %jit3A_377 = arith.constant 2 : i32
          %eq3A_378 = arith.constant 0 : i32
          %eq3A_379 = arith.cmpi eq, %jit3A_377, %eq3A_378 : i32
          %jit3A_380 = arith.constant 1 : i32
          %select_n3A_381 = arith.select %eq3A_379, %jit3A_380, %jit3A_377 : i32
          %rem3A_382 = arith.remsi %add3A_204, %select_n3A_381 : i32
          %ne3A_383 = arith.constant 0 : i32
          %ne3A_384 = arith.cmpi ne, %rem3A_382, %ne3A_383 : i32
          %lt3A_385 = arith.constant 0 : i32
          %lt3A_386 = arith.cmpi slt, %rem3A_382, %lt3A_385 : i32
          %lt3A_387 = arith.constant 0 : i32
          %lt3A_388 = arith.cmpi slt, %select_n3A_381, %lt3A_387 : i32
          %ne3A_389 = arith.xori %lt3A_386, %lt3A_388 : i1
          %and3A_390 = arith.andi %ne3A_389, %ne3A_384 : i1
          %add3A_391 = arith.addi %rem3A_382, %select_n3A_381 : i32
          %select_n3A_392 = arith.select %and3A_390, %add3A_391, %rem3A_382 : i32
          %dma_start3A_393 = arith.constant 0 : i32
          %dma_start3A_394 = arith.constant 0 : i32
          %dma_start3A_395 = tpu.memref_slice %arg6[%select_n3A_392, %dma_start3A_393, %dma_start3A_394] : memref<2x3x200xi32, #tpu.memory_space<vmem>> -> memref<1x3x200xi32, #tpu.memory_space<vmem>>
          %dma_start3A_396 = tpu.memref_squeeze %dma_start3A_395 : memref<1x3x200xi32, #tpu.memory_space<vmem>> -> memref<3x200xi32, #tpu.memory_space<vmem>>
          %dma_start3A_397 = arith.constant 0 : i32
          %dma_start3A_398 = tpu.memref_slice %arg4[%dma_start3A_397, %add3A_376] : memref<3x100000xi32, #tpu.memory_space<hbm>> -> memref<3x200xi32, #tpu.memory_space<hbm>>
          %dma_start3A_399 = arith.constant 0 : i32
          %dma_start3A_400 = arith.constant 0 : i32
          %dma_start3A_401 = tpu.memref_slice %arg6[%select_n3A_392, %dma_start3A_399, %dma_start3A_400] : memref<2x3x200xi32, #tpu.memory_space<vmem>> -> memref<1x3x200xi32, #tpu.memory_space<vmem>>
          %dma_start3A_402 = tpu.memref_squeeze %dma_start3A_401 : memref<1x3x200xi32, #tpu.memory_space<vmem>> -> memref<3x200xi32, #tpu.memory_space<vmem>>
          %dma_start3A_403 = arith.constant 0 : i32
          %dma_start3A_404 = tpu.memref_slice %arg4[%dma_start3A_403, %add3A_376] : memref<3x100000xi32, #tpu.memory_space<hbm>> -> memref<3x200xi32, #tpu.memory_space<hbm>>
          tpu.enqueue_dma source(%dma_start3A_404 : memref<3x200xi32, #tpu.memory_space<hbm>>) target(%dma_start3A_402 : memref<3x200xi32, #tpu.memory_space<vmem>>) target_semaphore(%arg10 : memref<!tpu.dma_semaphore, #tpu.memory_space<semaphore_mem>>)
        } else {
        }
        %dma_wait3A_213 = arith.constant 0 : i32
        %dma_wait3A_214 = arith.constant 0 : i32
        %dma_wait3A_215 = arith.constant 0 : i32
        %dma_wait3A_216 = tpu.memref_slice %arg7[%dma_wait3A_214, %dma_wait3A_215] : memref<200x128xf32, #tpu.memory_space<vmem>> -> memref<40x128xf32, #tpu.memory_space<vmem>>
        %dma_wait3A_217 = arith.constant 0 : i32
        %dma_wait3A_218 = tpu.memref_slice %arg6[%select_n3A_28, %dma_wait3A_213, %dma_wait3A_217] : memref<2x3x200xi32, #tpu.memory_space<vmem>> -> memref<1x1x40xi32, #tpu.memory_space<vmem>>
        %dma_wait3A_219 = tpu.memref_squeeze %dma_wait3A_218 : memref<1x1x40xi32, #tpu.memory_space<vmem>> -> memref<40xi32, #tpu.memory_space<vmem>>
        %dma_wait3A_220 = arith.constant 0 : i32
        %dma_wait3A_221 = arith.constant 0 : i32
        %dma_wait3A_222 = tpu.memref_slice %arg2[%dma_wait3A_220, %dma_wait3A_221] : memref<100000x128xf32, #tpu.memory_space<hbm>> -> memref<100000x128xf32, #tpu.memory_space<hbm>>
        tpu.wait_indirect_dma semaphore(%arg11 : memref<!tpu.dma_semaphore, #tpu.memory_space<semaphore_mem>>) src(%dma_wait3A_222 : memref<100000x128xf32, #tpu.memory_space<hbm>>) dst(%dma_wait3A_216 : memref<40x128xf32, #tpu.memory_space<vmem>>)
        %dma_wait3A_223 = arith.constant 1 : i32
        %dma_wait3A_224 = arith.constant 0 : i32
        %dma_wait3A_225 = arith.constant 0 : i32
        %dma_wait3A_226 = tpu.memref_slice %arg8[%dma_wait3A_224, %dma_wait3A_225] : memref<200x128xf32, #tpu.memory_space<vmem>> -> memref<40x128xf32, #tpu.memory_space<vmem>>
        %dma_wait3A_227 = arith.constant 0 : i32
        %dma_wait3A_228 = tpu.memref_slice %arg6[%select_n3A_28, %dma_wait3A_223, %dma_wait3A_227] : memref<2x3x200xi32, #tpu.memory_space<vmem>> -> memref<1x1x40xi32, #tpu.memory_space<vmem>>
        %dma_wait3A_229 = tpu.memref_squeeze %dma_wait3A_228 : memref<1x1x40xi32, #tpu.memory_space<vmem>> -> memref<40xi32, #tpu.memory_space<vmem>>
        %dma_wait3A_230 = arith.constant 0 : i32
        %dma_wait3A_231 = arith.constant 0 : i32
        %dma_wait3A_232 = tpu.memref_slice %arg2[%dma_wait3A_230, %dma_wait3A_231] : memref<100000x128xf32, #tpu.memory_space<hbm>> -> memref<100000x128xf32, #tpu.memory_space<hbm>>
        tpu.wait_indirect_dma semaphore(%arg11 : memref<!tpu.dma_semaphore, #tpu.memory_space<semaphore_mem>>) src(%dma_wait3A_232 : memref<100000x128xf32, #tpu.memory_space<hbm>>) dst(%dma_wait3A_226 : memref<40x128xf32, #tpu.memory_space<vmem>>)
        %dma_wait3A_233 = arith.constant 2 : i32
        %dma_wait3A_234 = arith.constant 0 : i32
        %dma_wait3A_235 = arith.constant 0 : i32
        %dma_wait3A_236 = tpu.memref_slice %arg9[%dma_wait3A_234, %dma_wait3A_235] : memref<200x128xf32, #tpu.memory_space<vmem>> -> memref<40x128xf32, #tpu.memory_space<vmem>>
        %dma_wait3A_237 = arith.constant 0 : i32
        %dma_wait3A_238 = tpu.memref_slice %arg6[%select_n3A_28, %dma_wait3A_233, %dma_wait3A_237] : memref<2x3x200xi32, #tpu.memory_space<vmem>> -> memref<1x1x40xi32, #tpu.memory_space<vmem>>
        %dma_wait3A_239 = tpu.memref_squeeze %dma_wait3A_238 : memref<1x1x40xi32, #tpu.memory_space<vmem>> -> memref<40xi32, #tpu.memory_space<vmem>>
        %dma_wait3A_240 = arith.constant 0 : i32
        %dma_wait3A_241 = arith.constant 0 : i32
        %dma_wait3A_242 = tpu.memref_slice %arg3[%dma_wait3A_240, %dma_wait3A_241] : memref<100000x128xf32, #tpu.memory_space<hbm>> -> memref<100000x128xf32, #tpu.memory_space<hbm>>
        tpu.wait_indirect_dma semaphore(%arg11 : memref<!tpu.dma_semaphore, #tpu.memory_space<semaphore_mem>>) src(%dma_wait3A_242 : memref<100000x128xf32, #tpu.memory_space<hbm>>) dst(%dma_wait3A_236 : memref<40x128xf32, #tpu.memory_space<vmem>>)
        %dma_wait3A_243 = arith.constant 0 : i32
        %dma_wait3A_244 = arith.constant 40 : i32
        %dma_wait3A_245 = arith.constant 0 : i32
        %dma_wait3A_246 = tpu.memref_slice %arg7[%dma_wait3A_244, %dma_wait3A_245] : memref<200x128xf32, #tpu.memory_space<vmem>> -> memref<40x128xf32, #tpu.memory_space<vmem>>
        %dma_wait3A_247 = arith.constant 40 : i32
        %dma_wait3A_248 = tpu.memref_slice %arg6[%select_n3A_28, %dma_wait3A_243, %dma_wait3A_247] : memref<2x3x200xi32, #tpu.memory_space<vmem>> -> memref<1x1x40xi32, #tpu.memory_space<vmem>>
        %dma_wait3A_249 = tpu.memref_squeeze %dma_wait3A_248 : memref<1x1x40xi32, #tpu.memory_space<vmem>> -> memref<40xi32, #tpu.memory_space<vmem>>
        %dma_wait3A_250 = arith.constant 0 : i32
        %dma_wait3A_251 = arith.constant 0 : i32
        %dma_wait3A_252 = tpu.memref_slice %arg2[%dma_wait3A_250, %dma_wait3A_251] : memref<100000x128xf32, #tpu.memory_space<hbm>> -> memref<100000x128xf32, #tpu.memory_space<hbm>>
        tpu.wait_indirect_dma semaphore(%arg11 : memref<!tpu.dma_semaphore, #tpu.memory_space<semaphore_mem>>) src(%dma_wait3A_252 : memref<100000x128xf32, #tpu.memory_space<hbm>>) dst(%dma_wait3A_246 : memref<40x128xf32, #tpu.memory_space<vmem>>)
        %dma_wait3A_253 = arith.constant 1 : i32
        %dma_wait3A_254 = arith.constant 40 : i32
        %dma_wait3A_255 = arith.constant 0 : i32
        %dma_wait3A_256 = tpu.memref_slice %arg8[%dma_wait3A_254, %dma_wait3A_255] : memref<200x128xf32, #tpu.memory_space<vmem>> -> memref<40x128xf32, #tpu.memory_space<vmem>>
        %dma_wait3A_257 = arith.constant 40 : i32
        %dma_wait3A_258 = tpu.memref_slice %arg6[%select_n3A_28, %dma_wait3A_253, %dma_wait3A_257] : memref<2x3x200xi32, #tpu.memory_space<vmem>> -> memref<1x1x40xi32, #tpu.memory_space<vmem>>
        %dma_wait3A_259 = tpu.memref_squeeze %dma_wait3A_258 : memref<1x1x40xi32, #tpu.memory_space<vmem>> -> memref<40xi32, #tpu.memory_space<vmem>>
        %dma_wait3A_260 = arith.constant 0 : i32
        %dma_wait3A_261 = arith.constant 0 : i32
        %dma_wait3A_262 = tpu.memref_slice %arg2[%dma_wait3A_260, %dma_wait3A_261] : memref<100000x128xf32, #tpu.memory_space<hbm>> -> memref<100000x128xf32, #tpu.memory_space<hbm>>
        tpu.wait_indirect_dma semaphore(%arg11 : memref<!tpu.dma_semaphore, #tpu.memory_space<semaphore_mem>>) src(%dma_wait3A_262 : memref<100000x128xf32, #tpu.memory_space<hbm>>) dst(%dma_wait3A_256 : memref<40x128xf32, #tpu.memory_space<vmem>>)
        %dma_wait3A_263 = arith.constant 2 : i32
        %dma_wait3A_264 = arith.constant 40 : i32
        %dma_wait3A_265 = arith.constant 0 : i32
        %dma_wait3A_266 = tpu.memref_slice %arg9[%dma_wait3A_264, %dma_wait3A_265] : memref<200x128xf32, #tpu.memory_space<vmem>> -> memref<40x128xf32, #tpu.memory_space<vmem>>
        %dma_wait3A_267 = arith.constant 40 : i32
        %dma_wait3A_268 = tpu.memref_slice %arg6[%select_n3A_28, %dma_wait3A_263, %dma_wait3A_267] : memref<2x3x200xi32, #tpu.memory_space<vmem>> -> memref<1x1x40xi32, #tpu.memory_space<vmem>>
        %dma_wait3A_269 = tpu.memref_squeeze %dma_wait3A_268 : memref<1x1x40xi32, #tpu.memory_space<vmem>> -> memref<40xi32, #tpu.memory_space<vmem>>
        %dma_wait3A_270 = arith.constant 0 : i32
        %dma_wait3A_271 = arith.constant 0 : i32
        %dma_wait3A_272 = tpu.memref_slice %arg3[%dma_wait3A_270, %dma_wait3A_271] : memref<100000x128xf32, #tpu.memory_space<hbm>> -> memref<100000x128xf32, #tpu.memory_space<hbm>>
        tpu.wait_indirect_dma semaphore(%arg11 : memref<!tpu.dma_semaphore, #tpu.memory_space<semaphore_mem>>) src(%dma_wait3A_272 : memref<100000x128xf32, #tpu.memory_space<hbm>>) dst(%dma_wait3A_266 : memref<40x128xf32, #tpu.memory_space<vmem>>)
        %dma_wait3A_273 = arith.constant 0 : i32
        %dma_wait3A_274 = arith.constant 80 : i32
        %dma_wait3A_275 = arith.constant 0 : i32
        %dma_wait3A_276 = tpu.memref_slice %arg7[%dma_wait3A_274, %dma_wait3A_275] : memref<200x128xf32, #tpu.memory_space<vmem>> -> memref<40x128xf32, #tpu.memory_space<vmem>>
        %dma_wait3A_277 = arith.constant 80 : i32
        %dma_wait3A_278 = tpu.memref_slice %arg6[%select_n3A_28, %dma_wait3A_273, %dma_wait3A_277] : memref<2x3x200xi32, #tpu.memory_space<vmem>> -> memref<1x1x40xi32, #tpu.memory_space<vmem>>
        %dma_wait3A_279 = tpu.memref_squeeze %dma_wait3A_278 : memref<1x1x40xi32, #tpu.memory_space<vmem>> -> memref<40xi32, #tpu.memory_space<vmem>>
        %dma_wait3A_280 = arith.constant 0 : i32
        %dma_wait3A_281 = arith.constant 0 : i32
        %dma_wait3A_282 = tpu.memref_slice %arg2[%dma_wait3A_280, %dma_wait3A_281] : memref<100000x128xf32, #tpu.memory_space<hbm>> -> memref<100000x128xf32, #tpu.memory_space<hbm>>
        tpu.wait_indirect_dma semaphore(%arg11 : memref<!tpu.dma_semaphore, #tpu.memory_space<semaphore_mem>>) src(%dma_wait3A_282 : memref<100000x128xf32, #tpu.memory_space<hbm>>) dst(%dma_wait3A_276 : memref<40x128xf32, #tpu.memory_space<vmem>>)
        %dma_wait3A_283 = arith.constant 1 : i32
        %dma_wait3A_284 = arith.constant 80 : i32
        %dma_wait3A_285 = arith.constant 0 : i32
        %dma_wait3A_286 = tpu.memref_slice %arg8[%dma_wait3A_284, %dma_wait3A_285] : memref<200x128xf32, #tpu.memory_space<vmem>> -> memref<40x128xf32, #tpu.memory_space<vmem>>
        %dma_wait3A_287 = arith.constant 80 : i32
        %dma_wait3A_288 = tpu.memref_slice %arg6[%select_n3A_28, %dma_wait3A_283, %dma_wait3A_287] : memref<2x3x200xi32, #tpu.memory_space<vmem>> -> memref<1x1x40xi32, #tpu.memory_space<vmem>>
        %dma_wait3A_289 = tpu.memref_squeeze %dma_wait3A_288 : memref<1x1x40xi32, #tpu.memory_space<vmem>> -> memref<40xi32, #tpu.memory_space<vmem>>
        %dma_wait3A_290 = arith.constant 0 : i32
        %dma_wait3A_291 = arith.constant 0 : i32
        %dma_wait3A_292 = tpu.memref_slice %arg2[%dma_wait3A_290, %dma_wait3A_291] : memref<100000x128xf32, #tpu.memory_space<hbm>> -> memref<100000x128xf32, #tpu.memory_space<hbm>>
        tpu.wait_indirect_dma semaphore(%arg11 : memref<!tpu.dma_semaphore, #tpu.memory_space<semaphore_mem>>) src(%dma_wait3A_292 : memref<100000x128xf32, #tpu.memory_space<hbm>>) dst(%dma_wait3A_286 : memref<40x128xf32, #tpu.memory_space<vmem>>)
        %dma_wait3A_293 = arith.constant 2 : i32
        %dma_wait3A_294 = arith.constant 80 : i32
        %dma_wait3A_295 = arith.constant 0 : i32
        %dma_wait3A_296 = tpu.memref_slice %arg9[%dma_wait3A_294, %dma_wait3A_295] : memref<200x128xf32, #tpu.memory_space<vmem>> -> memref<40x128xf32, #tpu.memory_space<vmem>>
        %dma_wait3A_297 = arith.constant 80 : i32
        %dma_wait3A_298 = tpu.memref_slice %arg6[%select_n3A_28, %dma_wait3A_293, %dma_wait3A_297] : memref<2x3x200xi32, #tpu.memory_space<vmem>> -> memref<1x1x40xi32, #tpu.memory_space<vmem>>
        %dma_wait3A_299 = tpu.memref_squeeze %dma_wait3A_298 : memref<1x1x40xi32, #tpu.memory_space<vmem>> -> memref<40xi32, #tpu.memory_space<vmem>>
        %dma_wait3A_300 = arith.constant 0 : i32
        %dma_wait3A_301 = arith.constant 0 : i32
        %dma_wait3A_302 = tpu.memref_slice %arg3[%dma_wait3A_300, %dma_wait3A_301] : memref<100000x128xf32, #tpu.memory_space<hbm>> -> memref<100000x128xf32, #tpu.memory_space<hbm>>
        tpu.wait_indirect_dma semaphore(%arg11 : memref<!tpu.dma_semaphore, #tpu.memory_space<semaphore_mem>>) src(%dma_wait3A_302 : memref<100000x128xf32, #tpu.memory_space<hbm>>) dst(%dma_wait3A_296 : memref<40x128xf32, #tpu.memory_space<vmem>>)
        %dma_wait3A_303 = arith.constant 0 : i32
        %dma_wait3A_304 = arith.constant 120 : i32
        %dma_wait3A_305 = arith.constant 0 : i32
        %dma_wait3A_306 = tpu.memref_slice %arg7[%dma_wait3A_304, %dma_wait3A_305] : memref<200x128xf32, #tpu.memory_space<vmem>> -> memref<40x128xf32, #tpu.memory_space<vmem>>
        %dma_wait3A_307 = arith.constant 120 : i32
        %dma_wait3A_308 = tpu.memref_slice %arg6[%select_n3A_28, %dma_wait3A_303, %dma_wait3A_307] : memref<2x3x200xi32, #tpu.memory_space<vmem>> -> memref<1x1x40xi32, #tpu.memory_space<vmem>>
        %dma_wait3A_309 = tpu.memref_squeeze %dma_wait3A_308 : memref<1x1x40xi32, #tpu.memory_space<vmem>> -> memref<40xi32, #tpu.memory_space<vmem>>
        %dma_wait3A_310 = arith.constant 0 : i32
        %dma_wait3A_311 = arith.constant 0 : i32
        %dma_wait3A_312 = tpu.memref_slice %arg2[%dma_wait3A_310, %dma_wait3A_311] : memref<100000x128xf32, #tpu.memory_space<hbm>> -> memref<100000x128xf32, #tpu.memory_space<hbm>>
        tpu.wait_indirect_dma semaphore(%arg11 : memref<!tpu.dma_semaphore, #tpu.memory_space<semaphore_mem>>) src(%dma_wait3A_312 : memref<100000x128xf32, #tpu.memory_space<hbm>>) dst(%dma_wait3A_306 : memref<40x128xf32, #tpu.memory_space<vmem>>)
        %dma_wait3A_313 = arith.constant 1 : i32
        %dma_wait3A_314 = arith.constant 120 : i32
        %dma_wait3A_315 = arith.constant 0 : i32
        %dma_wait3A_316 = tpu.memref_slice %arg8[%dma_wait3A_314, %dma_wait3A_315] : memref<200x128xf32, #tpu.memory_space<vmem>> -> memref<40x128xf32, #tpu.memory_space<vmem>>
        %dma_wait3A_317 = arith.constant 120 : i32
        %dma_wait3A_318 = tpu.memref_slice %arg6[%select_n3A_28, %dma_wait3A_313, %dma_wait3A_317] : memref<2x3x200xi32, #tpu.memory_space<vmem>> -> memref<1x1x40xi32, #tpu.memory_space<vmem>>
        %dma_wait3A_319 = tpu.memref_squeeze %dma_wait3A_318 : memref<1x1x40xi32, #tpu.memory_space<vmem>> -> memref<40xi32, #tpu.memory_space<vmem>>
        %dma_wait3A_320 = arith.constant 0 : i32
        %dma_wait3A_321 = arith.constant 0 : i32
        %dma_wait3A_322 = tpu.memref_slice %arg2[%dma_wait3A_320, %dma_wait3A_321] : memref<100000x128xf32, #tpu.memory_space<hbm>> -> memref<100000x128xf32, #tpu.memory_space<hbm>>
        tpu.wait_indirect_dma semaphore(%arg11 : memref<!tpu.dma_semaphore, #tpu.memory_space<semaphore_mem>>) src(%dma_wait3A_322 : memref<100000x128xf32, #tpu.memory_space<hbm>>) dst(%dma_wait3A_316 : memref<40x128xf32, #tpu.memory_space<vmem>>)
        %dma_wait3A_323 = arith.constant 2 : i32
        %dma_wait3A_324 = arith.constant 120 : i32
        %dma_wait3A_325 = arith.constant 0 : i32
        %dma_wait3A_326 = tpu.memref_slice %arg9[%dma_wait3A_324, %dma_wait3A_325] : memref<200x128xf32, #tpu.memory_space<vmem>> -> memref<40x128xf32, #tpu.memory_space<vmem>>
        %dma_wait3A_327 = arith.constant 120 : i32
        %dma_wait3A_328 = tpu.memref_slice %arg6[%select_n3A_28, %dma_wait3A_323, %dma_wait3A_327] : memref<2x3x200xi32, #tpu.memory_space<vmem>> -> memref<1x1x40xi32, #tpu.memory_space<vmem>>
        %dma_wait3A_329 = tpu.memref_squeeze %dma_wait3A_328 : memref<1x1x40xi32, #tpu.memory_space<vmem>> -> memref<40xi32, #tpu.memory_space<vmem>>
        %dma_wait3A_330 = arith.constant 0 : i32
        %dma_wait3A_331 = arith.constant 0 : i32
        %dma_wait3A_332 = tpu.memref_slice %arg3[%dma_wait3A_330, %dma_wait3A_331] : memref<100000x128xf32, #tpu.memory_space<hbm>> -> memref<100000x128xf32, #tpu.memory_space<hbm>>
        tpu.wait_indirect_dma semaphore(%arg11 : memref<!tpu.dma_semaphore, #tpu.memory_space<semaphore_mem>>) src(%dma_wait3A_332 : memref<100000x128xf32, #tpu.memory_space<hbm>>) dst(%dma_wait3A_326 : memref<40x128xf32, #tpu.memory_space<vmem>>)
        %dma_wait3A_333 = arith.constant 0 : i32
        %dma_wait3A_334 = arith.constant 160 : i32
        %dma_wait3A_335 = arith.constant 0 : i32
        %dma_wait3A_336 = tpu.memref_slice %arg7[%dma_wait3A_334, %dma_wait3A_335] : memref<200x128xf32, #tpu.memory_space<vmem>> -> memref<40x128xf32, #tpu.memory_space<vmem>>
        %dma_wait3A_337 = arith.constant 160 : i32
        %dma_wait3A_338 = tpu.memref_slice %arg6[%select_n3A_28, %dma_wait3A_333, %dma_wait3A_337] : memref<2x3x200xi32, #tpu.memory_space<vmem>> -> memref<1x1x40xi32, #tpu.memory_space<vmem>>
        %dma_wait3A_339 = tpu.memref_squeeze %dma_wait3A_338 : memref<1x1x40xi32, #tpu.memory_space<vmem>> -> memref<40xi32, #tpu.memory_space<vmem>>
        %dma_wait3A_340 = arith.constant 0 : i32
        %dma_wait3A_341 = arith.constant 0 : i32
        %dma_wait3A_342 = tpu.memref_slice %arg2[%dma_wait3A_340, %dma_wait3A_341] : memref<100000x128xf32, #tpu.memory_space<hbm>> -> memref<100000x128xf32, #tpu.memory_space<hbm>>
        tpu.wait_indirect_dma semaphore(%arg11 : memref<!tpu.dma_semaphore, #tpu.memory_space<semaphore_mem>>) src(%dma_wait3A_342 : memref<100000x128xf32, #tpu.memory_space<hbm>>) dst(%dma_wait3A_336 : memref<40x128xf32, #tpu.memory_space<vmem>>)
        %dma_wait3A_343 = arith.constant 1 : i32
        %dma_wait3A_344 = arith.constant 160 : i32
        %dma_wait3A_345 = arith.constant 0 : i32
        %dma_wait3A_346 = tpu.memref_slice %arg8[%dma_wait3A_344, %dma_wait3A_345] : memref<200x128xf32, #tpu.memory_space<vmem>> -> memref<40x128xf32, #tpu.memory_space<vmem>>
        %dma_wait3A_347 = arith.constant 160 : i32
        %dma_wait3A_348 = tpu.memref_slice %arg6[%select_n3A_28, %dma_wait3A_343, %dma_wait3A_347] : memref<2x3x200xi32, #tpu.memory_space<vmem>> -> memref<1x1x40xi32, #tpu.memory_space<vmem>>
        %dma_wait3A_349 = tpu.memref_squeeze %dma_wait3A_348 : memref<1x1x40xi32, #tpu.memory_space<vmem>> -> memref<40xi32, #tpu.memory_space<vmem>>
        %dma_wait3A_350 = arith.constant 0 : i32
        %dma_wait3A_351 = arith.constant 0 : i32
        %dma_wait3A_352 = tpu.memref_slice %arg2[%dma_wait3A_350, %dma_wait3A_351] : memref<100000x128xf32, #tpu.memory_space<hbm>> -> memref<100000x128xf32, #tpu.memory_space<hbm>>
        tpu.wait_indirect_dma semaphore(%arg11 : memref<!tpu.dma_semaphore, #tpu.memory_space<semaphore_mem>>) src(%dma_wait3A_352 : memref<100000x128xf32, #tpu.memory_space<hbm>>) dst(%dma_wait3A_346 : memref<40x128xf32, #tpu.memory_space<vmem>>)
        %dma_wait3A_353 = arith.constant 2 : i32
        %dma_wait3A_354 = arith.constant 160 : i32
        %dma_wait3A_355 = arith.constant 0 : i32
        %dma_wait3A_356 = tpu.memref_slice %arg9[%dma_wait3A_354, %dma_wait3A_355] : memref<200x128xf32, #tpu.memory_space<vmem>> -> memref<40x128xf32, #tpu.memory_space<vmem>>
        %dma_wait3A_357 = arith.constant 160 : i32
        %dma_wait3A_358 = tpu.memref_slice %arg6[%select_n3A_28, %dma_wait3A_353, %dma_wait3A_357] : memref<2x3x200xi32, #tpu.memory_space<vmem>> -> memref<1x1x40xi32, #tpu.memory_space<vmem>>
        %dma_wait3A_359 = tpu.memref_squeeze %dma_wait3A_358 : memref<1x1x40xi32, #tpu.memory_space<vmem>> -> memref<40xi32, #tpu.memory_space<vmem>>
        %dma_wait3A_360 = arith.constant 0 : i32
        %dma_wait3A_361 = arith.constant 0 : i32
        %dma_wait3A_362 = tpu.memref_slice %arg3[%dma_wait3A_360, %dma_wait3A_361] : memref<100000x128xf32, #tpu.memory_space<hbm>> -> memref<100000x128xf32, #tpu.memory_space<hbm>>
        tpu.wait_indirect_dma semaphore(%arg11 : memref<!tpu.dma_semaphore, #tpu.memory_space<semaphore_mem>>) src(%dma_wait3A_362 : memref<100000x128xf32, #tpu.memory_space<hbm>>) dst(%dma_wait3A_356 : memref<40x128xf32, #tpu.memory_space<vmem>>)
        %scan3A_363 = arith.constant 0 : i32
        %scan3A_364 = arith.constant 0 : i32
        %scan3A_365 = arith.constant 50 : i32
        %scan3A_366 = arith.addi %scan3A_364, %scan3A_365 : i32
        %scan3A_367 = arith.constant 1 : i32
        scf.for %scan3A_373 = %scan3A_364 to %scan3A_366 step %scan3A_367  : i32 {
          %mul3A_374 = arith.constant 4 : i32
          %mul3A_375 = arith.muli %scan3A_373, %mul3A_374 : i32
          %add3A_376 = arith.constant 0 : i32
          %add3A_377 = arith.addi %mul3A_375, %add3A_376 : i32
          %add3A_378 = arith.constant 0 : i32
          %add3A_379 = arith.addi %mul3A_375, %add3A_378 : i32
          %get3A = arith.index_cast %add3A_379 : i32 to index
          %get3A_380 = arith.constant 64 : index
          %get3A_381 = tpu.vector_load %arg8[%get3A, %get3A_380] {strides = array<i32>} : memref<200x128xf32, #tpu.memory_space<vmem>>, vector<1x16xf32>,
          %get3A_382 = vector.shape_cast %get3A_381 : vector<1x16xf32> to vector<16xf32>
          %add3A_383 = arith.constant 0 : i32
          %add3A_384 = arith.addi %mul3A_375, %add3A_383 : i32
          %get3A_385 = arith.index_cast %add3A_384 : i32 to index
          %get3A_386 = arith.constant 64 : index
          %get3A_387 = tpu.vector_load %arg9[%get3A_385, %get3A_386] {strides = array<i32>} : memref<200x128xf32, #tpu.memory_space<vmem>>, vector<1x16xf32>,
          %get3A_388 = vector.shape_cast %get3A_387 : vector<1x16xf32> to vector<16xf32>
          %add3A_389 = arith.addf %get3A_382, %get3A_388 : vector<16xf32>
          %swap3A = arith.index_cast %add3A_377 : i32 to index
          %swap3A_390 = arith.constant 0 : index
          %swap3A_391 = tpu.vector_load %arg7[%swap3A, %swap3A_390] {strides = array<i32>} : memref<200x128xf32, #tpu.memory_space<vmem>>, vector<1x16xf32>,
          %swap3A_392 = vector.shape_cast %swap3A_391 : vector<1x16xf32> to vector<16xf32>
          %swap3A_393 = vector.shape_cast %add3A_389 : vector<16xf32> to vector<1x16xf32>
          tpu.vector_store %arg7[%swap3A, %swap3A_390], %swap3A_393 {add = true, strides = array<i32>} : memref<200x128xf32, #tpu.memory_space<vmem>>, vector<1x16xf32>,
          %add3A_394 = arith.constant 0 : i32
          %add3A_395 = arith.addi %mul3A_375, %add3A_394 : i32
          %add3A_396 = arith.constant 0 : i32
          %add3A_397 = arith.addi %mul3A_375, %add3A_396 : i32
          %get3A_398 = arith.index_cast %add3A_397 : i32 to index
          %get3A_399 = arith.constant 80 : index
          %get3A_400 = tpu.vector_load %arg8[%get3A_398, %get3A_399] {strides = array<i32>} : memref<200x128xf32, #tpu.memory_space<vmem>>, vector<1x16xf32>,
          %get3A_401 = vector.shape_cast %get3A_400 : vector<1x16xf32> to vector<16xf32>
          %add3A_402 = arith.constant 0 : i32
          %add3A_403 = arith.addi %mul3A_375, %add3A_402 : i32
          %get3A_404 = arith.index_cast %add3A_403 : i32 to index
          %get3A_405 = arith.constant 80 : index
          %get3A_406 = tpu.vector_load %arg9[%get3A_404, %get3A_405] {strides = array<i32>} : memref<200x128xf32, #tpu.memory_space<vmem>>, vector<1x16xf32>,
          %get3A_407 = vector.shape_cast %get3A_406 : vector<1x16xf32> to vector<16xf32>
          %add3A_408 = arith.addf %get3A_401, %get3A_407 : vector<16xf32>
          %swap3A_409 = arith.index_cast %add3A_395 : i32 to index
          %swap3A_410 = arith.constant 16 : index
          %swap3A_411 = tpu.vector_load %arg7[%swap3A_409, %swap3A_410] {strides = array<i32>} : memref<200x128xf32, #tpu.memory_space<vmem>>, vector<1x16xf32>,
          %swap3A_412 = vector.shape_cast %swap3A_411 : vector<1x16xf32> to vector<16xf32>
          %swap3A_413 = vector.shape_cast %add3A_408 : vector<16xf32> to vector<1x16xf32>
          tpu.vector_store %arg7[%swap3A_409, %swap3A_410], %swap3A_413 {add = true, strides = array<i32>} : memref<200x128xf32, #tpu.memory_space<vmem>>, vector<1x16xf32>,
          %add3A_414 = arith.constant 0 : i32
          %add3A_415 = arith.addi %mul3A_375, %add3A_414 : i32
          %add3A_416 = arith.constant 0 : i32
          %add3A_417 = arith.addi %mul3A_375, %add3A_416 : i32
          %get3A_418 = arith.index_cast %add3A_417 : i32 to index
          %get3A_419 = arith.constant 96 : index
          %get3A_420 = tpu.vector_load %arg8[%get3A_418, %get3A_419] {strides = array<i32>} : memref<200x128xf32, #tpu.memory_space<vmem>>, vector<1x16xf32>,
          %get3A_421 = vector.shape_cast %get3A_420 : vector<1x16xf32> to vector<16xf32>
          %add3A_422 = arith.constant 0 : i32
          %add3A_423 = arith.addi %mul3A_375, %add3A_422 : i32
          %get3A_424 = arith.index_cast %add3A_423 : i32 to index
          %get3A_425 = arith.constant 96 : index
          %get3A_426 = tpu.vector_load %arg9[%get3A_424, %get3A_425] {strides = array<i32>} : memref<200x128xf32, #tpu.memory_space<vmem>>, vector<1x16xf32>,
          %get3A_427 = vector.shape_cast %get3A_426 : vector<1x16xf32> to vector<16xf32>
          %add3A_428 = arith.addf %get3A_421, %get3A_427 : vector<16xf32>
          %swap3A_429 = arith.index_cast %add3A_415 : i32 to index
          %swap3A_430 = arith.constant 32 : index
          %swap3A_431 = tpu.vector_load %arg7[%swap3A_429, %swap3A_430] {strides = array<i32>} : memref<200x128xf32, #tpu.memory_space<vmem>>, vector<1x16xf32>,
          %swap3A_432 = vector.shape_cast %swap3A_431 : vector<1x16xf32> to vector<16xf32>
          %swap3A_433 = vector.shape_cast %add3A_428 : vector<16xf32> to vector<1x16xf32>
          tpu.vector_store %arg7[%swap3A_429, %swap3A_430], %swap3A_433 {add = true, strides = array<i32>} : memref<200x128xf32, #tpu.memory_space<vmem>>, vector<1x16xf32>,
          %add3A_434 = arith.constant 0 : i32
          %add3A_435 = arith.addi %mul3A_375, %add3A_434 : i32
          %add3A_436 = arith.constant 0 : i32
          %add3A_437 = arith.addi %mul3A_375, %add3A_436 : i32
          %get3A_438 = arith.index_cast %add3A_437 : i32 to index
          %get3A_439 = arith.constant 112 : index
          %get3A_440 = tpu.vector_load %arg8[%get3A_438, %get3A_439] {strides = array<i32>} : memref<200x128xf32, #tpu.memory_space<vmem>>, vector<1x16xf32>,
          %get3A_441 = vector.shape_cast %get3A_440 : vector<1x16xf32> to vector<16xf32>
          %add3A_442 = arith.constant 0 : i32
          %add3A_443 = arith.addi %mul3A_375, %add3A_442 : i32
          %get3A_444 = arith.index_cast %add3A_443 : i32 to index
          %get3A_445 = arith.constant 112 : index
          %get3A_446 = tpu.vector_load %arg9[%get3A_444, %get3A_445] {strides = array<i32>} : memref<200x128xf32, #tpu.memory_space<vmem>>, vector<1x16xf32>,
          %get3A_447 = vector.shape_cast %get3A_446 : vector<1x16xf32> to vector<16xf32>
          %add3A_448 = arith.addf %get3A_441, %get3A_447 : vector<16xf32>
          %swap3A_449 = arith.index_cast %add3A_435 : i32 to index
          %swap3A_450 = arith.constant 48 : index
          %swap3A_451 = tpu.vector_load %arg7[%swap3A_449, %swap3A_450] {strides = array<i32>} : memref<200x128xf32, #tpu.memory_space<vmem>>, vector<1x16xf32>,
          %swap3A_452 = vector.shape_cast %swap3A_451 : vector<1x16xf32> to vector<16xf32>
          %swap3A_453 = vector.shape_cast %add3A_448 : vector<16xf32> to vector<1x16xf32>
          tpu.vector_store %arg7[%swap3A_449, %swap3A_450], %swap3A_453 {add = true, strides = array<i32>} : memref<200x128xf32, #tpu.memory_space<vmem>>, vector<1x16xf32>,
          %add3A_454 = arith.constant 1 : i32
          %add3A_455 = arith.addi %mul3A_375, %add3A_454 : i32
          %add3A_456 = arith.constant 1 : i32
          %add3A_457 = arith.addi %mul3A_375, %add3A_456 : i32
          %get3A_458 = arith.index_cast %add3A_457 : i32 to index
          %get3A_459 = arith.constant 64 : index
          %get3A_460 = tpu.vector_load %arg8[%get3A_458, %get3A_459] {strides = array<i32>} : memref<200x128xf32, #tpu.memory_space<vmem>>, vector<1x16xf32>,
          %get3A_461 = vector.shape_cast %get3A_460 : vector<1x16xf32> to vector<16xf32>
          %add3A_462 = arith.constant 1 : i32
          %add3A_463 = arith.addi %mul3A_375, %add3A_462 : i32
          %get3A_464 = arith.index_cast %add3A_463 : i32 to index
          %get3A_465 = arith.constant 64 : index
          %get3A_466 = tpu.vector_load %arg9[%get3A_464, %get3A_465] {strides = array<i32>} : memref<200x128xf32, #tpu.memory_space<vmem>>, vector<1x16xf32>,
          %get3A_467 = vector.shape_cast %get3A_466 : vector<1x16xf32> to vector<16xf32>
          %add3A_468 = arith.addf %get3A_461, %get3A_467 : vector<16xf32>
          %swap3A_469 = arith.index_cast %add3A_455 : i32 to index
          %swap3A_470 = arith.constant 0 : index
          %swap3A_471 = tpu.vector_load %arg7[%swap3A_469, %swap3A_470] {strides = array<i32>} : memref<200x128xf32, #tpu.memory_space<vmem>>, vector<1x16xf32>,
          %swap3A_472 = vector.shape_cast %swap3A_471 : vector<1x16xf32> to vector<16xf32>
          %swap3A_473 = vector.shape_cast %add3A_468 : vector<16xf32> to vector<1x16xf32>
          tpu.vector_store %arg7[%swap3A_469, %swap3A_470], %swap3A_473 {add = true, strides = array<i32>} : memref<200x128xf32, #tpu.memory_space<vmem>>, vector<1x16xf32>,
          %add3A_474 = arith.constant 1 : i32
          %add3A_475 = arith.addi %mul3A_375, %add3A_474 : i32
          %add3A_476 = arith.constant 1 : i32
          %add3A_477 = arith.addi %mul3A_375, %add3A_476 : i32
          %get3A_478 = arith.index_cast %add3A_477 : i32 to index
          %get3A_479 = arith.constant 80 : index
          %get3A_480 = tpu.vector_load %arg8[%get3A_478, %get3A_479] {strides = array<i32>} : memref<200x128xf32, #tpu.memory_space<vmem>>, vector<1x16xf32>,
          %get3A_481 = vector.shape_cast %get3A_480 : vector<1x16xf32> to vector<16xf32>
          %add3A_482 = arith.constant 1 : i32
          %add3A_483 = arith.addi %mul3A_375, %add3A_482 : i32
          %get3A_484 = arith.index_cast %add3A_483 : i32 to index
          %get3A_485 = arith.constant 80 : index
          %get3A_486 = tpu.vector_load %arg9[%get3A_484, %get3A_485] {strides = array<i32>} : memref<200x128xf32, #tpu.memory_space<vmem>>, vector<1x16xf32>,
          %get3A_487 = vector.shape_cast %get3A_486 : vector<1x16xf32> to vector<16xf32>
          %add3A_488 = arith.addf %get3A_481, %get3A_487 : vector<16xf32>
          %swap3A_489 = arith.index_cast %add3A_475 : i32 to index
          %swap3A_490 = arith.constant 16 : index
          %swap3A_491 = tpu.vector_load %arg7[%swap3A_489, %swap3A_490] {strides = array<i32>} : memref<200x128xf32, #tpu.memory_space<vmem>>, vector<1x16xf32>,
          %swap3A_492 = vector.shape_cast %swap3A_491 : vector<1x16xf32> to vector<16xf32>
          %swap3A_493 = vector.shape_cast %add3A_488 : vector<16xf32> to vector<1x16xf32>
          tpu.vector_store %arg7[%swap3A_489, %swap3A_490], %swap3A_493 {add = true, strides = array<i32>} : memref<200x128xf32, #tpu.memory_space<vmem>>, vector<1x16xf32>,
          %add3A_494 = arith.constant 1 : i32
          %add3A_495 = arith.addi %mul3A_375, %add3A_494 : i32
          %add3A_496 = arith.constant 1 : i32
          %add3A_497 = arith.addi %mul3A_375, %add3A_496 : i32
          %get3A_498 = arith.index_cast %add3A_497 : i32 to index
          %get3A_499 = arith.constant 96 : index
          %get3A_500 = tpu.vector_load %arg8[%get3A_498, %get3A_499] {strides = array<i32>} : memref<200x128xf32, #tpu.memory_space<vmem>>, vector<1x16xf32>,
          %get3A_501 = vector.shape_cast %get3A_500 : vector<1x16xf32> to vector<16xf32>
          %add3A_502 = arith.constant 1 : i32
          %add3A_503 = arith.addi %mul3A_375, %add3A_502 : i32
          %get3A_504 = arith.index_cast %add3A_503 : i32 to index
          %get3A_505 = arith.constant 96 : index
          %get3A_506 = tpu.vector_load %arg9[%get3A_504, %get3A_505] {strides = array<i32>} : memref<200x128xf32, #tpu.memory_space<vmem>>, vector<1x16xf32>,
          %get3A_507 = vector.shape_cast %get3A_506 : vector<1x16xf32> to vector<16xf32>
          %add3A_508 = arith.addf %get3A_501, %get3A_507 : vector<16xf32>
          %swap3A_509 = arith.index_cast %add3A_495 : i32 to index
          %swap3A_510 = arith.constant 32 : index
          %swap3A_511 = tpu.vector_load %arg7[%swap3A_509, %swap3A_510] {strides = array<i32>} : memref<200x128xf32, #tpu.memory_space<vmem>>, vector<1x16xf32>,
          %swap3A_512 = vector.shape_cast %swap3A_511 : vector<1x16xf32> to vector<16xf32>
          %swap3A_513 = vector.shape_cast %add3A_508 : vector<16xf32> to vector<1x16xf32>
          tpu.vector_store %arg7[%swap3A_509, %swap3A_510], %swap3A_513 {add = true, strides = array<i32>} : memref<200x128xf32, #tpu.memory_space<vmem>>, vector<1x16xf32>,
          %add3A_514 = arith.constant 1 : i32
          %add3A_515 = arith.addi %mul3A_375, %add3A_514 : i32
          %add3A_516 = arith.constant 1 : i32
          %add3A_517 = arith.addi %mul3A_375, %add3A_516 : i32
          %get3A_518 = arith.index_cast %add3A_517 : i32 to index
          %get3A_519 = arith.constant 112 : index
          %get3A_520 = tpu.vector_load %arg8[%get3A_518, %get3A_519] {strides = array<i32>} : memref<200x128xf32, #tpu.memory_space<vmem>>, vector<1x16xf32>,
          %get3A_521 = vector.shape_cast %get3A_520 : vector<1x16xf32> to vector<16xf32>
          %add3A_522 = arith.constant 1 : i32
          %add3A_523 = arith.addi %mul3A_375, %add3A_522 : i32
          %get3A_524 = arith.index_cast %add3A_523 : i32 to index
          %get3A_525 = arith.constant 112 : index
          %get3A_526 = tpu.vector_load %arg9[%get3A_524, %get3A_525] {strides = array<i32>} : memref<200x128xf32, #tpu.memory_space<vmem>>, vector<1x16xf32>,
          %get3A_527 = vector.shape_cast %get3A_526 : vector<1x16xf32> to vector<16xf32>
          %add3A_528 = arith.addf %get3A_521, %get3A_527 : vector<16xf32>
          %swap3A_529 = arith.index_cast %add3A_515 : i32 to index
          %swap3A_530 = arith.constant 48 : index
          %swap3A_531 = tpu.vector_load %arg7[%swap3A_529, %swap3A_530] {strides = array<i32>} : memref<200x128xf32, #tpu.memory_space<vmem>>, vector<1x16xf32>,
          %swap3A_532 = vector.shape_cast %swap3A_531 : vector<1x16xf32> to vector<16xf32>
          %swap3A_533 = vector.shape_cast %add3A_528 : vector<16xf32> to vector<1x16xf32>
          tpu.vector_store %arg7[%swap3A_529, %swap3A_530], %swap3A_533 {add = true, strides = array<i32>} : memref<200x128xf32, #tpu.memory_space<vmem>>, vector<1x16xf32>,
          %add3A_534 = arith.constant 2 : i32
          %add3A_535 = arith.addi %mul3A_375, %add3A_534 : i32
          %add3A_536 = arith.constant 2 : i32
          %add3A_537 = arith.addi %mul3A_375, %add3A_536 : i32
          %get3A_538 = arith.index_cast %add3A_537 : i32 to index
          %get3A_539 = arith.constant 64 : index
          %get3A_540 = tpu.vector_load %arg8[%get3A_538, %get3A_539] {strides = array<i32>} : memref<200x128xf32, #tpu.memory_space<vmem>>, vector<1x16xf32>,
          %get3A_541 = vector.shape_cast %get3A_540 : vector<1x16xf32> to vector<16xf32>
          %add3A_542 = arith.constant 2 : i32
          %add3A_543 = arith.addi %mul3A_375, %add3A_542 : i32
          %get3A_544 = arith.index_cast %add3A_543 : i32 to index
          %get3A_545 = arith.constant 64 : index
          %get3A_546 = tpu.vector_load %arg9[%get3A_544, %get3A_545] {strides = array<i32>} : memref<200x128xf32, #tpu.memory_space<vmem>>, vector<1x16xf32>,
          %get3A_547 = vector.shape_cast %get3A_546 : vector<1x16xf32> to vector<16xf32>
          %add3A_548 = arith.addf %get3A_541, %get3A_547 : vector<16xf32>
          %swap3A_549 = arith.index_cast %add3A_535 : i32 to index
          %swap3A_550 = arith.constant 0 : index
          %swap3A_551 = tpu.vector_load %arg7[%swap3A_549, %swap3A_550] {strides = array<i32>} : memref<200x128xf32, #tpu.memory_space<vmem>>, vector<1x16xf32>,
          %swap3A_552 = vector.shape_cast %swap3A_551 : vector<1x16xf32> to vector<16xf32>
          %swap3A_553 = vector.shape_cast %add3A_548 : vector<16xf32> to vector<1x16xf32>
          tpu.vector_store %arg7[%swap3A_549, %swap3A_550], %swap3A_553 {add = true, strides = array<i32>} : memref<200x128xf32, #tpu.memory_space<vmem>>, vector<1x16xf32>,
          %add3A_554 = arith.constant 2 : i32
          %add3A_555 = arith.addi %mul3A_375, %add3A_554 : i32
          %add3A_556 = arith.constant 2 : i32
          %add3A_557 = arith.addi %mul3A_375, %add3A_556 : i32
          %get3A_558 = arith.index_cast %add3A_557 : i32 to index
          %get3A_559 = arith.constant 80 : index
          %get3A_560 = tpu.vector_load %arg8[%get3A_558, %get3A_559] {strides = array<i32>} : memref<200x128xf32, #tpu.memory_space<vmem>>, vector<1x16xf32>,
          %get3A_561 = vector.shape_cast %get3A_560 : vector<1x16xf32> to vector<16xf32>
          %add3A_562 = arith.constant 2 : i32
          %add3A_563 = arith.addi %mul3A_375, %add3A_562 : i32
          %get3A_564 = arith.index_cast %add3A_563 : i32 to index
          %get3A_565 = arith.constant 80 : index
          %get3A_566 = tpu.vector_load %arg9[%get3A_564, %get3A_565] {strides = array<i32>} : memref<200x128xf32, #tpu.memory_space<vmem>>, vector<1x16xf32>,
          %get3A_567 = vector.shape_cast %get3A_566 : vector<1x16xf32> to vector<16xf32>
          %add3A_568 = arith.addf %get3A_561, %get3A_567 : vector<16xf32>
          %swap3A_569 = arith.index_cast %add3A_555 : i32 to index
          %swap3A_570 = arith.constant 16 : index
          %swap3A_571 = tpu.vector_load %arg7[%swap3A_569, %swap3A_570] {strides = array<i32>} : memref<200x128xf32, #tpu.memory_space<vmem>>, vector<1x16xf32>,
          %swap3A_572 = vector.shape_cast %swap3A_571 : vector<1x16xf32> to vector<16xf32>
          %swap3A_573 = vector.shape_cast %add3A_568 : vector<16xf32> to vector<1x16xf32>
          tpu.vector_store %arg7[%swap3A_569, %swap3A_570], %swap3A_573 {add = true, strides = array<i32>} : memref<200x128xf32, #tpu.memory_space<vmem>>, vector<1x16xf32>,
          %add3A_574 = arith.constant 2 : i32
          %add3A_575 = arith.addi %mul3A_375, %add3A_574 : i32
          %add3A_576 = arith.constant 2 : i32
          %add3A_577 = arith.addi %mul3A_375, %add3A_576 : i32
          %get3A_578 = arith.index_cast %add3A_577 : i32 to index
          %get3A_579 = arith.constant 96 : index
          %get3A_580 = tpu.vector_load %arg8[%get3A_578, %get3A_579] {strides = array<i32>} : memref<200x128xf32, #tpu.memory_space<vmem>>, vector<1x16xf32>,
          %get3A_581 = vector.shape_cast %get3A_580 : vector<1x16xf32> to vector<16xf32>
          %add3A_582 = arith.constant 2 : i32
          %add3A_583 = arith.addi %mul3A_375, %add3A_582 : i32
          %get3A_584 = arith.index_cast %add3A_583 : i32 to index
          %get3A_585 = arith.constant 96 : index
          %get3A_586 = tpu.vector_load %arg9[%get3A_584, %get3A_585] {strides = array<i32>} : memref<200x128xf32, #tpu.memory_space<vmem>>, vector<1x16xf32>,
          %get3A_587 = vector.shape_cast %get3A_586 : vector<1x16xf32> to vector<16xf32>
          %add3A_588 = arith.addf %get3A_581, %get3A_587 : vector<16xf32>
          %swap3A_589 = arith.index_cast %add3A_575 : i32 to index
          %swap3A_590 = arith.constant 32 : index
          %swap3A_591 = tpu.vector_load %arg7[%swap3A_589, %swap3A_590] {strides = array<i32>} : memref<200x128xf32, #tpu.memory_space<vmem>>, vector<1x16xf32>,
          %swap3A_592 = vector.shape_cast %swap3A_591 : vector<1x16xf32> to vector<16xf32>
          %swap3A_593 = vector.shape_cast %add3A_588 : vector<16xf32> to vector<1x16xf32>
          tpu.vector_store %arg7[%swap3A_589, %swap3A_590], %swap3A_593 {add = true, strides = array<i32>} : memref<200x128xf32, #tpu.memory_space<vmem>>, vector<1x16xf32>,
          %add3A_594 = arith.constant 2 : i32
          %add3A_595 = arith.addi %mul3A_375, %add3A_594 : i32
          %add3A_596 = arith.constant 2 : i32
          %add3A_597 = arith.addi %mul3A_375, %add3A_596 : i32
          %get3A_598 = arith.index_cast %add3A_597 : i32 to index
          %get3A_599 = arith.constant 112 : index
          %get3A_600 = tpu.vector_load %arg8[%get3A_598, %get3A_599] {strides = array<i32>} : memref<200x128xf32, #tpu.memory_space<vmem>>, vector<1x16xf32>,
          %get3A_601 = vector.shape_cast %get3A_600 : vector<1x16xf32> to vector<16xf32>
          %add3A_602 = arith.constant 2 : i32
          %add3A_603 = arith.addi %mul3A_375, %add3A_602 : i32
          %get3A_604 = arith.index_cast %add3A_603 : i32 to index
          %get3A_605 = arith.constant 112 : index
          %get3A_606 = tpu.vector_load %arg9[%get3A_604, %get3A_605] {strides = array<i32>} : memref<200x128xf32, #tpu.memory_space<vmem>>, vector<1x16xf32>,
          %get3A_607 = vector.shape_cast %get3A_606 : vector<1x16xf32> to vector<16xf32>
          %add3A_608 = arith.addf %get3A_601, %get3A_607 : vector<16xf32>
          %swap3A_609 = arith.index_cast %add3A_595 : i32 to index
          %swap3A_610 = arith.constant 48 : index
          %swap3A_611 = tpu.vector_load %arg7[%swap3A_609, %swap3A_610] {strides = array<i32>} : memref<200x128xf32, #tpu.memory_space<vmem>>, vector<1x16xf32>,
          %swap3A_612 = vector.shape_cast %swap3A_611 : vector<1x16xf32> to vector<16xf32>
          %swap3A_613 = vector.shape_cast %add3A_608 : vector<16xf32> to vector<1x16xf32>
          tpu.vector_store %arg7[%swap3A_609, %swap3A_610], %swap3A_613 {add = true, strides = array<i32>} : memref<200x128xf32, #tpu.memory_space<vmem>>, vector<1x16xf32>,
          %add3A_614 = arith.constant 3 : i32
          %add3A_615 = arith.addi %mul3A_375, %add3A_614 : i32
          %add3A_616 = arith.constant 3 : i32
          %add3A_617 = arith.addi %mul3A_375, %add3A_616 : i32
          %get3A_618 = arith.index_cast %add3A_617 : i32 to index
          %get3A_619 = arith.constant 64 : index
          %get3A_620 = tpu.vector_load %arg8[%get3A_618, %get3A_619] {strides = array<i32>} : memref<200x128xf32, #tpu.memory_space<vmem>>, vector<1x16xf32>,
          %get3A_621 = vector.shape_cast %get3A_620 : vector<1x16xf32> to vector<16xf32>
          %add3A_622 = arith.constant 3 : i32
          %add3A_623 = arith.addi %mul3A_375, %add3A_622 : i32
          %get3A_624 = arith.index_cast %add3A_623 : i32 to index
          %get3A_625 = arith.constant 64 : index
          %get3A_626 = tpu.vector_load %arg9[%get3A_624, %get3A_625] {strides = array<i32>} : memref<200x128xf32, #tpu.memory_space<vmem>>, vector<1x16xf32>,
          %get3A_627 = vector.shape_cast %get3A_626 : vector<1x16xf32> to vector<16xf32>
          %add3A_628 = arith.addf %get3A_621, %get3A_627 : vector<16xf32>
          %swap3A_629 = arith.index_cast %add3A_615 : i32 to index
          %swap3A_630 = arith.constant 0 : index
          %swap3A_631 = tpu.vector_load %arg7[%swap3A_629, %swap3A_630] {strides = array<i32>} : memref<200x128xf32, #tpu.memory_space<vmem>>, vector<1x16xf32>,
          %swap3A_632 = vector.shape_cast %swap3A_631 : vector<1x16xf32> to vector<16xf32>
          %swap3A_633 = vector.shape_cast %add3A_628 : vector<16xf32> to vector<1x16xf32>
          tpu.vector_store %arg7[%swap3A_629, %swap3A_630], %swap3A_633 {add = true, strides = array<i32>} : memref<200x128xf32, #tpu.memory_space<vmem>>, vector<1x16xf32>,
          %add3A_634 = arith.constant 3 : i32
          %add3A_635 = arith.addi %mul3A_375, %add3A_634 : i32
          %add3A_636 = arith.constant 3 : i32
          %add3A_637 = arith.addi %mul3A_375, %add3A_636 : i32
          %get3A_638 = arith.index_cast %add3A_637 : i32 to index
          %get3A_639 = arith.constant 80 : index
          %get3A_640 = tpu.vector_load %arg8[%get3A_638, %get3A_639] {strides = array<i32>} : memref<200x128xf32, #tpu.memory_space<vmem>>, vector<1x16xf32>,
          %get3A_641 = vector.shape_cast %get3A_640 : vector<1x16xf32> to vector<16xf32>
          %add3A_642 = arith.constant 3 : i32
          %add3A_643 = arith.addi %mul3A_375, %add3A_642 : i32
          %get3A_644 = arith.index_cast %add3A_643 : i32 to index
          %get3A_645 = arith.constant 80 : index
          %get3A_646 = tpu.vector_load %arg9[%get3A_644, %get3A_645] {strides = array<i32>} : memref<200x128xf32, #tpu.memory_space<vmem>>, vector<1x16xf32>,
          %get3A_647 = vector.shape_cast %get3A_646 : vector<1x16xf32> to vector<16xf32>
          %add3A_648 = arith.addf %get3A_641, %get3A_647 : vector<16xf32>
          %swap3A_649 = arith.index_cast %add3A_635 : i32 to index
          %swap3A_650 = arith.constant 16 : index
          %swap3A_651 = tpu.vector_load %arg7[%swap3A_649, %swap3A_650] {strides = array<i32>} : memref<200x128xf32, #tpu.memory_space<vmem>>, vector<1x16xf32>,
          %swap3A_652 = vector.shape_cast %swap3A_651 : vector<1x16xf32> to vector<16xf32>
          %swap3A_653 = vector.shape_cast %add3A_648 : vector<16xf32> to vector<1x16xf32>
          tpu.vector_store %arg7[%swap3A_649, %swap3A_650], %swap3A_653 {add = true, strides = array<i32>} : memref<200x128xf32, #tpu.memory_space<vmem>>, vector<1x16xf32>,
          %add3A_654 = arith.constant 3 : i32
          %add3A_655 = arith.addi %mul3A_375, %add3A_654 : i32
          %add3A_656 = arith.constant 3 : i32
          %add3A_657 = arith.addi %mul3A_375, %add3A_656 : i32
          %get3A_658 = arith.index_cast %add3A_657 : i32 to index
          %get3A_659 = arith.constant 96 : index
          %get3A_660 = tpu.vector_load %arg8[%get3A_658, %get3A_659] {strides = array<i32>} : memref<200x128xf32, #tpu.memory_space<vmem>>, vector<1x16xf32>,
          %get3A_661 = vector.shape_cast %get3A_660 : vector<1x16xf32> to vector<16xf32>
          %add3A_662 = arith.constant 3 : i32
          %add3A_663 = arith.addi %mul3A_375, %add3A_662 : i32
          %get3A_664 = arith.index_cast %add3A_663 : i32 to index
          %get3A_665 = arith.constant 96 : index
          %get3A_666 = tpu.vector_load %arg9[%get3A_664, %get3A_665] {strides = array<i32>} : memref<200x128xf32, #tpu.memory_space<vmem>>, vector<1x16xf32>,
          %get3A_667 = vector.shape_cast %get3A_666 : vector<1x16xf32> to vector<16xf32>
          %add3A_668 = arith.addf %get3A_661, %get3A_667 : vector<16xf32>
          %swap3A_669 = arith.index_cast %add3A_655 : i32 to index
          %swap3A_670 = arith.constant 32 : index
          %swap3A_671 = tpu.vector_load %arg7[%swap3A_669, %swap3A_670] {strides = array<i32>} : memref<200x128xf32, #tpu.memory_space<vmem>>, vector<1x16xf32>,
          %swap3A_672 = vector.shape_cast %swap3A_671 : vector<1x16xf32> to vector<16xf32>
          %swap3A_673 = vector.shape_cast %add3A_668 : vector<16xf32> to vector<1x16xf32>
          tpu.vector_store %arg7[%swap3A_669, %swap3A_670], %swap3A_673 {add = true, strides = array<i32>} : memref<200x128xf32, #tpu.memory_space<vmem>>, vector<1x16xf32>,
          %add3A_674 = arith.constant 3 : i32
          %add3A_675 = arith.addi %mul3A_375, %add3A_674 : i32
          %add3A_676 = arith.constant 3 : i32
          %add3A_677 = arith.addi %mul3A_375, %add3A_676 : i32
          %get3A_678 = arith.index_cast %add3A_677 : i32 to index
          %get3A_679 = arith.constant 112 : index
          %get3A_680 = tpu.vector_load %arg8[%get3A_678, %get3A_679] {strides = array<i32>} : memref<200x128xf32, #tpu.memory_space<vmem>>, vector<1x16xf32>,
          %get3A_681 = vector.shape_cast %get3A_680 : vector<1x16xf32> to vector<16xf32>
          %add3A_682 = arith.constant 3 : i32
          %add3A_683 = arith.addi %mul3A_375, %add3A_682 : i32
          %get3A_684 = arith.index_cast %add3A_683 : i32 to index
          %get3A_685 = arith.constant 112 : index
          %get3A_686 = tpu.vector_load %arg9[%get3A_684, %get3A_685] {strides = array<i32>} : memref<200x128xf32, #tpu.memory_space<vmem>>, vector<1x16xf32>,
          %get3A_687 = vector.shape_cast %get3A_686 : vector<1x16xf32> to vector<16xf32>
          %add3A_688 = arith.addf %get3A_681, %get3A_687 : vector<16xf32>
          %swap3A_689 = arith.index_cast %add3A_675 : i32 to index
          %swap3A_690 = arith.constant 48 : index
          %swap3A_691 = tpu.vector_load %arg7[%swap3A_689, %swap3A_690] {strides = array<i32>} : memref<200x128xf32, #tpu.memory_space<vmem>>, vector<1x16xf32>,
          %swap3A_692 = vector.shape_cast %swap3A_691 : vector<1x16xf32> to vector<16xf32>
          %swap3A_693 = vector.shape_cast %add3A_688 : vector<16xf32> to vector<1x16xf32>
          tpu.vector_store %arg7[%swap3A_689, %swap3A_690], %swap3A_693 {add = true, strides = array<i32>} : memref<200x128xf32, #tpu.memory_space<vmem>>, vector<1x16xf32>,
        }
        %scan3A_368 = arith.constant 50 : i32
        %dma_start3A_369 = arith.constant 0 : i32
        %dma_start3A_370 = tpu.memref_slice %arg5[%mul3A_35, %dma_start3A_369] : memref<16000x128xf32, #tpu.memory_space<hbm>> -> memref<200x128xf32, #tpu.memory_space<hbm>>
        %dma_start3A_371 = arith.constant 0 : i32
        %dma_start3A_372 = tpu.memref_slice %arg5[%mul3A_35, %dma_start3A_371] : memref<16000x128xf32, #tpu.memory_space<hbm>> -> memref<200x128xf32, #tpu.memory_space<hbm>>
        tpu.enqueue_dma source(%arg7 : memref<200x128xf32, #tpu.memory_space<vmem>>) target(%dma_start3A_372 : memref<200x128xf32, #tpu.memory_space<hbm>>) target_semaphore(%arg12 : memref<!tpu.dma_semaphore, #tpu.memory_space<semaphore_mem>>)
      } else {
      }
    }
    %scan3A_9 = arith.constant 3 : i32
    %dma_wait3A = arith.constant 0 : i32
    %dma_wait3A_10 = arith.constant 0 : i32
    %dma_wait3A_11 = tpu.memref_slice %arg5[%dma_wait3A, %dma_wait3A_10] : memref<16000x128xf32, #tpu.memory_space<hbm>> -> memref<200x128xf32, #tpu.memory_space<hbm>>
    %dma_wait3A_12 = arith.constant 0 : i32
    %dma_wait3A_13 = arith.constant 0 : i32
    %dma_wait3A_14 = tpu.memref_slice %arg5[%dma_wait3A_12, %dma_wait3A_13] : memref<16000x128xf32, #tpu.memory_space<hbm>> -> memref<200x128xf32, #tpu.memory_space<hbm>>
    tpu.wait_dma2 semaphore(%arg12 : memref<!tpu.dma_semaphore, #tpu.memory_space<semaphore_mem>>) src(%arg7 : memref<200x128xf32, #tpu.memory_space<vmem>>) dst(%dma_wait3A_14 : memref<200x128xf32, #tpu.memory_space<hbm>>)
    return
  }
}

#map = affine_map<(d0, d1) -> (0, 0)>
module attributes {stable_mosaic.version = 14 : i64} {
  func.func @_sc_body(%arg0: i32, %arg1: i32, %arg2: memref<100000x128xf32, #tpu.memory_space<hbm>>, %arg3: memref<100000x128xf32, #tpu.memory_space<hbm>>, %arg4: memref<3x100000xi32, #tpu.memory_space<hbm>>, %arg5: memref<56000x128xf32, #tpu.memory_space<hbm>>, %arg6: memref<2x3x200xi32, #tpu.memory_space<vmem>>, %arg7: memref<200x128xf32, #tpu.memory_space<vmem>>, %arg8: memref<200x128xf32, #tpu.memory_space<vmem>>, %arg9: memref<200x128xf32, #tpu.memory_space<vmem>>, %arg10: memref<!tpu.dma_semaphore, #tpu.memory_space<semaphore_mem>>, %arg11: memref<!tpu.dma_semaphore, #tpu.memory_space<semaphore_mem>>, %arg12: memref<!tpu.dma_semaphore, #tpu.memory_space<semaphore_mem>>) attributes {dimension_semantics = [#tpu.dimension_semantics<core_parallel>, #tpu.dimension_semantics<subcore_parallel>], iteration_bounds = array<i64: 2, 16>, scalar_prefetch = 0 : i64, scratch_operands = 7 : i64, tpu.core_type = #tpu.core_type<sc_vector_subcore>, window_params = [{transform_indices = #map}, {transform_indices = #map}, {transform_indices = #map}, {transform_indices = #map}]} {
    %mul3A = arith.constant 2 : i32
    %mul3A_0 = arith.muli %arg1, %mul3A : i32
    %add3A = arith.addi %mul3A_0, %arg0 : i32
    %add3A_1 = arith.constant 0 : i32
    %add3A_2 = arith.addi %add3A, %add3A_1 : i32
    %lt3A = arith.constant 280 : i32
    %lt3A_3 = arith.cmpi slt, %add3A_2, %lt3A : i32
    %convert_element_type3A = arith.extui %lt3A_3 : i1 to i32
    %cond3A = arith.constant 0 : i32
    %cond3A_4 = arith.cmpi ne, %convert_element_type3A, %cond3A : i32
    scf.if %cond3A_4 {
      %mul3A_15 = arith.constant 200 : i32
      %mul3A_16 = arith.muli %add3A_2, %mul3A_15 : i32
      %add3A_17 = arith.constant 0 : i32
      %add3A_18 = arith.addi %add3A_17, %mul3A_16 : i32
      %dma_start3A = arith.constant 0 : i32
      %dma_start3A_19 = arith.constant 0 : i32
      %dma_start3A_20 = arith.constant 0 : i32
      %dma_start3A_21 = tpu.memref_slice %arg6[%dma_start3A, %dma_start3A_19, %dma_start3A_20] : memref<2x3x200xi32, #tpu.memory_space<vmem>> -> memref<1x3x200xi32, #tpu.memory_space<vmem>>
      %dma_start3A_22 = tpu.memref_squeeze %dma_start3A_21 : memref<1x3x200xi32, #tpu.memory_space<vmem>> -> memref<3x200xi32, #tpu.memory_space<vmem>>
      %dma_start3A_23 = arith.constant 0 : i32
      %dma_start3A_24 = tpu.memref_slice %arg4[%dma_start3A_23, %add3A_18] : memref<3x100000xi32, #tpu.memory_space<hbm>> -> memref<3x200xi32, #tpu.memory_space<hbm>>
      %dma_start3A_25 = arith.constant 0 : i32
      %dma_start3A_26 = arith.constant 0 : i32
      %dma_start3A_27 = tpu.memref_slice %arg6[%dma_start3A, %dma_start3A_25, %dma_start3A_26] : memref<2x3x200xi32, #tpu.memory_space<vmem>> -> memref<1x3x200xi32, #tpu.memory_space<vmem>>
      %dma_start3A_28 = tpu.memref_squeeze %dma_start3A_27 : memref<1x3x200xi32, #tpu.memory_space<vmem>> -> memref<3x200xi32, #tpu.memory_space<vmem>>
      %dma_start3A_29 = arith.constant 0 : i32
      %dma_start3A_30 = tpu.memref_slice %arg4[%dma_start3A_29, %add3A_18] : memref<3x100000xi32, #tpu.memory_space<hbm>> -> memref<3x200xi32, #tpu.memory_space<hbm>>
      tpu.enqueue_dma source(%dma_start3A_30 : memref<3x200xi32, #tpu.memory_space<hbm>>) target(%dma_start3A_28 : memref<3x200xi32, #tpu.memory_space<vmem>>) target_semaphore(%arg10 : memref<!tpu.dma_semaphore, #tpu.memory_space<semaphore_mem>>)
    } else {
    }
    %scan3A = arith.constant 0 : i32
    %scan3A_5 = arith.constant 0 : i32
    %scan3A_6 = arith.constant 9 : i32
    %scan3A_7 = arith.addi %scan3A_5, %scan3A_6 : i32
    %scan3A_8 = arith.constant 1 : i32
    scf.for %scan3A_15 = %scan3A_5 to %scan3A_7 step %scan3A_8  : i32 {
      %mul3A_16 = arith.constant 32 : i32
      %mul3A_17 = arith.muli %mul3A_16, %scan3A_15 : i32
      %add3A_18 = arith.addi %add3A, %mul3A_17 : i32
      %jit3A = arith.constant 2 : i32
      %eq3A = arith.constant 0 : i32
      %eq3A_19 = arith.cmpi eq, %jit3A, %eq3A : i32
      %jit3A_20 = arith.constant 1 : i32
      %select_n3A = arith.select %eq3A_19, %jit3A_20, %jit3A : i32
      %rem3A = arith.remsi %scan3A_15, %select_n3A : i32
      %ne3A = arith.constant 0 : i32
      %ne3A_21 = arith.cmpi ne, %rem3A, %ne3A : i32
      %lt3A_22 = arith.constant 0 : i32
      %lt3A_23 = arith.cmpi slt, %rem3A, %lt3A_22 : i32
      %lt3A_24 = arith.constant 0 : i32
      %lt3A_25 = arith.cmpi slt, %select_n3A, %lt3A_24 : i32
      %ne3A_26 = arith.xori %lt3A_23, %lt3A_25 : i1
      %and3A = arith.andi %ne3A_26, %ne3A_21 : i1
      %add3A_27 = arith.addi %rem3A, %select_n3A : i32
      %select_n3A_28 = arith.select %and3A, %add3A_27, %rem3A : i32
      %lt3A_29 = arith.constant 280 : i32
      %lt3A_30 = arith.cmpi slt, %add3A_18, %lt3A_29 : i32
      %convert_element_type3A_31 = arith.extui %lt3A_30 : i1 to i32
      %cond3A_32 = arith.constant 0 : i32
      %cond3A_33 = arith.cmpi ne, %convert_element_type3A_31, %cond3A_32 : i32
      scf.if %cond3A_33 {
        %mul3A_34 = arith.constant 200 : i32
        %mul3A_35 = arith.muli %add3A_18, %mul3A_34 : i32
        %dma_wait3A_36 = arith.constant 0 : i32
        %dma_wait3A_37 = arith.constant 0 : i32
        %dma_wait3A_38 = tpu.memref_slice %arg6[%select_n3A_28, %dma_wait3A_36, %dma_wait3A_37] : memref<2x3x200xi32, #tpu.memory_space<vmem>> -> memref<1x3x200xi32, #tpu.memory_space<vmem>>
        %dma_wait3A_39 = tpu.memref_squeeze %dma_wait3A_38 : memref<1x3x200xi32, #tpu.memory_space<vmem>> -> memref<3x200xi32, #tpu.memory_space<vmem>>
        %dma_wait3A_40 = arith.constant 0 : i32
        %dma_wait3A_41 = arith.constant 0 : i32
        %dma_wait3A_42 = tpu.memref_slice %arg4[%dma_wait3A_40, %dma_wait3A_41] : memref<3x100000xi32, #tpu.memory_space<hbm>> -> memref<3x200xi32, #tpu.memory_space<hbm>>
        %dma_wait3A_43 = arith.constant 0 : i32
        %dma_wait3A_44 = arith.constant 0 : i32
        %dma_wait3A_45 = tpu.memref_slice %arg6[%select_n3A_28, %dma_wait3A_43, %dma_wait3A_44] : memref<2x3x200xi32, #tpu.memory_space<vmem>> -> memref<1x3x200xi32, #tpu.memory_space<vmem>>
        %dma_wait3A_46 = tpu.memref_squeeze %dma_wait3A_45 : memref<1x3x200xi32, #tpu.memory_space<vmem>> -> memref<3x200xi32, #tpu.memory_space<vmem>>
        %dma_wait3A_47 = arith.constant 0 : i32
        %dma_wait3A_48 = arith.constant 0 : i32
        %dma_wait3A_49 = tpu.memref_slice %arg4[%dma_wait3A_47, %dma_wait3A_48] : memref<3x100000xi32, #tpu.memory_space<hbm>> -> memref<3x200xi32, #tpu.memory_space<hbm>>
        tpu.wait_dma2 semaphore(%arg10 : memref<!tpu.dma_semaphore, #tpu.memory_space<semaphore_mem>>) src(%dma_wait3A_49 : memref<3x200xi32, #tpu.memory_space<hbm>>) dst(%dma_wait3A_46 : memref<3x200xi32, #tpu.memory_space<vmem>>)
        %gt3A = arith.constant 0 : i32
        %gt3A_50 = arith.cmpi sgt, %scan3A_15, %gt3A : i32
        %convert_element_type3A_51 = arith.extui %gt3A_50 : i1 to i32
        %cond3A_52 = arith.constant 0 : i32
        %cond3A_53 = arith.cmpi ne, %convert_element_type3A_51, %cond3A_52 : i32
        scf.if %cond3A_53 {
          %dma_wait3A_373 = arith.constant 0 : i32
          %dma_wait3A_374 = arith.constant 0 : i32
          %dma_wait3A_375 = tpu.memref_slice %arg5[%dma_wait3A_373, %dma_wait3A_374] : memref<56000x128xf32, #tpu.memory_space<hbm>> -> memref<200x128xf32, #tpu.memory_space<hbm>>
          %dma_wait3A_376 = arith.constant 0 : i32
          %dma_wait3A_377 = arith.constant 0 : i32
          %dma_wait3A_378 = tpu.memref_slice %arg5[%dma_wait3A_376, %dma_wait3A_377] : memref<56000x128xf32, #tpu.memory_space<hbm>> -> memref<200x128xf32, #tpu.memory_space<hbm>>
          tpu.wait_dma2 semaphore(%arg12 : memref<!tpu.dma_semaphore, #tpu.memory_space<semaphore_mem>>) src(%arg7 : memref<200x128xf32, #tpu.memory_space<vmem>>) dst(%dma_wait3A_378 : memref<200x128xf32, #tpu.memory_space<hbm>>)
        } else {
        }
        %dma_start3A = arith.constant 0 : i32
        %dma_start3A_54 = arith.constant 0 : i32
        %dma_start3A_55 = arith.constant 0 : i32
        %dma_start3A_56 = tpu.memref_slice %arg7[%dma_start3A_54, %dma_start3A_55] : memref<200x128xf32, #tpu.memory_space<vmem>> -> memref<40x128xf32, #tpu.memory_space<vmem>>
        %dma_start3A_57 = arith.constant 0 : i32
        %dma_start3A_58 = tpu.memref_slice %arg6[%select_n3A_28, %dma_start3A, %dma_start3A_57] : memref<2x3x200xi32, #tpu.memory_space<vmem>> -> memref<1x1x40xi32, #tpu.memory_space<vmem>>
        %dma_start3A_59 = tpu.memref_squeeze %dma_start3A_58 : memref<1x1x40xi32, #tpu.memory_space<vmem>> -> memref<40xi32, #tpu.memory_space<vmem>>
        %dma_start3A_60 = arith.constant 0 : i32
        %dma_start3A_61 = arith.constant 0 : i32
        %dma_start3A_62 = tpu.memref_slice %arg2[%dma_start3A_60, %dma_start3A_61] : memref<100000x128xf32, #tpu.memory_space<hbm>> -> memref<100000x128xf32, #tpu.memory_space<hbm>>
        tpu.enqueue_indirect_dma source(%dma_start3A_62 : memref<100000x128xf32, #tpu.memory_space<hbm>>) target(%dma_start3A_56 : memref<40x128xf32, #tpu.memory_space<vmem>>) offsets(%dma_start3A_59 : memref<40xi32, #tpu.memory_space<vmem>>) semaphore(%arg11 : memref<!tpu.dma_semaphore, #tpu.memory_space<semaphore_mem>>)
        %dma_start3A_63 = arith.constant 1 : i32
        %dma_start3A_64 = arith.constant 0 : i32
        %dma_start3A_65 = arith.constant 0 : i32
        %dma_start3A_66 = tpu.memref_slice %arg8[%dma_start3A_64, %dma_start3A_65] : memref<200x128xf32, #tpu.memory_space<vmem>> -> memref<40x128xf32, #tpu.memory_space<vmem>>
        %dma_start3A_67 = arith.constant 0 : i32
        %dma_start3A_68 = tpu.memref_slice %arg6[%select_n3A_28, %dma_start3A_63, %dma_start3A_67] : memref<2x3x200xi32, #tpu.memory_space<vmem>> -> memref<1x1x40xi32, #tpu.memory_space<vmem>>
        %dma_start3A_69 = tpu.memref_squeeze %dma_start3A_68 : memref<1x1x40xi32, #tpu.memory_space<vmem>> -> memref<40xi32, #tpu.memory_space<vmem>>
        %dma_start3A_70 = arith.constant 0 : i32
        %dma_start3A_71 = arith.constant 0 : i32
        %dma_start3A_72 = tpu.memref_slice %arg2[%dma_start3A_70, %dma_start3A_71] : memref<100000x128xf32, #tpu.memory_space<hbm>> -> memref<100000x128xf32, #tpu.memory_space<hbm>>
        tpu.enqueue_indirect_dma source(%dma_start3A_72 : memref<100000x128xf32, #tpu.memory_space<hbm>>) target(%dma_start3A_66 : memref<40x128xf32, #tpu.memory_space<vmem>>) offsets(%dma_start3A_69 : memref<40xi32, #tpu.memory_space<vmem>>) semaphore(%arg11 : memref<!tpu.dma_semaphore, #tpu.memory_space<semaphore_mem>>)
        %dma_start3A_73 = arith.constant 2 : i32
        %dma_start3A_74 = arith.constant 0 : i32
        %dma_start3A_75 = arith.constant 0 : i32
        %dma_start3A_76 = tpu.memref_slice %arg9[%dma_start3A_74, %dma_start3A_75] : memref<200x128xf32, #tpu.memory_space<vmem>> -> memref<40x128xf32, #tpu.memory_space<vmem>>
        %dma_start3A_77 = arith.constant 0 : i32
        %dma_start3A_78 = tpu.memref_slice %arg6[%select_n3A_28, %dma_start3A_73, %dma_start3A_77] : memref<2x3x200xi32, #tpu.memory_space<vmem>> -> memref<1x1x40xi32, #tpu.memory_space<vmem>>
        %dma_start3A_79 = tpu.memref_squeeze %dma_start3A_78 : memref<1x1x40xi32, #tpu.memory_space<vmem>> -> memref<40xi32, #tpu.memory_space<vmem>>
        %dma_start3A_80 = arith.constant 0 : i32
        %dma_start3A_81 = arith.constant 0 : i32
        %dma_start3A_82 = tpu.memref_slice %arg3[%dma_start3A_80, %dma_start3A_81] : memref<100000x128xf32, #tpu.memory_space<hbm>> -> memref<100000x128xf32, #tpu.memory_space<hbm>>
        tpu.enqueue_indirect_dma source(%dma_start3A_82 : memref<100000x128xf32, #tpu.memory_space<hbm>>) target(%dma_start3A_76 : memref<40x128xf32, #tpu.memory_space<vmem>>) offsets(%dma_start3A_79 : memref<40xi32, #tpu.memory_space<vmem>>) semaphore(%arg11 : memref<!tpu.dma_semaphore, #tpu.memory_space<semaphore_mem>>)
        %dma_start3A_83 = arith.constant 0 : i32
        %dma_start3A_84 = arith.constant 40 : i32
        %dma_start3A_85 = arith.constant 0 : i32
        %dma_start3A_86 = tpu.memref_slice %arg7[%dma_start3A_84, %dma_start3A_85] : memref<200x128xf32, #tpu.memory_space<vmem>> -> memref<40x128xf32, #tpu.memory_space<vmem>>
        %dma_start3A_87 = arith.constant 40 : i32
        %dma_start3A_88 = tpu.memref_slice %arg6[%select_n3A_28, %dma_start3A_83, %dma_start3A_87] : memref<2x3x200xi32, #tpu.memory_space<vmem>> -> memref<1x1x40xi32, #tpu.memory_space<vmem>>
        %dma_start3A_89 = tpu.memref_squeeze %dma_start3A_88 : memref<1x1x40xi32, #tpu.memory_space<vmem>> -> memref<40xi32, #tpu.memory_space<vmem>>
        %dma_start3A_90 = arith.constant 0 : i32
        %dma_start3A_91 = arith.constant 0 : i32
        %dma_start3A_92 = tpu.memref_slice %arg2[%dma_start3A_90, %dma_start3A_91] : memref<100000x128xf32, #tpu.memory_space<hbm>> -> memref<100000x128xf32, #tpu.memory_space<hbm>>
        tpu.enqueue_indirect_dma source(%dma_start3A_92 : memref<100000x128xf32, #tpu.memory_space<hbm>>) target(%dma_start3A_86 : memref<40x128xf32, #tpu.memory_space<vmem>>) offsets(%dma_start3A_89 : memref<40xi32, #tpu.memory_space<vmem>>) semaphore(%arg11 : memref<!tpu.dma_semaphore, #tpu.memory_space<semaphore_mem>>)
        %dma_start3A_93 = arith.constant 1 : i32
        %dma_start3A_94 = arith.constant 40 : i32
        %dma_start3A_95 = arith.constant 0 : i32
        %dma_start3A_96 = tpu.memref_slice %arg8[%dma_start3A_94, %dma_start3A_95] : memref<200x128xf32, #tpu.memory_space<vmem>> -> memref<40x128xf32, #tpu.memory_space<vmem>>
        %dma_start3A_97 = arith.constant 40 : i32
        %dma_start3A_98 = tpu.memref_slice %arg6[%select_n3A_28, %dma_start3A_93, %dma_start3A_97] : memref<2x3x200xi32, #tpu.memory_space<vmem>> -> memref<1x1x40xi32, #tpu.memory_space<vmem>>
        %dma_start3A_99 = tpu.memref_squeeze %dma_start3A_98 : memref<1x1x40xi32, #tpu.memory_space<vmem>> -> memref<40xi32, #tpu.memory_space<vmem>>
        %dma_start3A_100 = arith.constant 0 : i32
        %dma_start3A_101 = arith.constant 0 : i32
        %dma_start3A_102 = tpu.memref_slice %arg2[%dma_start3A_100, %dma_start3A_101] : memref<100000x128xf32, #tpu.memory_space<hbm>> -> memref<100000x128xf32, #tpu.memory_space<hbm>>
        tpu.enqueue_indirect_dma source(%dma_start3A_102 : memref<100000x128xf32, #tpu.memory_space<hbm>>) target(%dma_start3A_96 : memref<40x128xf32, #tpu.memory_space<vmem>>) offsets(%dma_start3A_99 : memref<40xi32, #tpu.memory_space<vmem>>) semaphore(%arg11 : memref<!tpu.dma_semaphore, #tpu.memory_space<semaphore_mem>>)
        %dma_start3A_103 = arith.constant 2 : i32
        %dma_start3A_104 = arith.constant 40 : i32
        %dma_start3A_105 = arith.constant 0 : i32
        %dma_start3A_106 = tpu.memref_slice %arg9[%dma_start3A_104, %dma_start3A_105] : memref<200x128xf32, #tpu.memory_space<vmem>> -> memref<40x128xf32, #tpu.memory_space<vmem>>
        %dma_start3A_107 = arith.constant 40 : i32
        %dma_start3A_108 = tpu.memref_slice %arg6[%select_n3A_28, %dma_start3A_103, %dma_start3A_107] : memref<2x3x200xi32, #tpu.memory_space<vmem>> -> memref<1x1x40xi32, #tpu.memory_space<vmem>>
        %dma_start3A_109 = tpu.memref_squeeze %dma_start3A_108 : memref<1x1x40xi32, #tpu.memory_space<vmem>> -> memref<40xi32, #tpu.memory_space<vmem>>
        %dma_start3A_110 = arith.constant 0 : i32
        %dma_start3A_111 = arith.constant 0 : i32
        %dma_start3A_112 = tpu.memref_slice %arg3[%dma_start3A_110, %dma_start3A_111] : memref<100000x128xf32, #tpu.memory_space<hbm>> -> memref<100000x128xf32, #tpu.memory_space<hbm>>
        tpu.enqueue_indirect_dma source(%dma_start3A_112 : memref<100000x128xf32, #tpu.memory_space<hbm>>) target(%dma_start3A_106 : memref<40x128xf32, #tpu.memory_space<vmem>>) offsets(%dma_start3A_109 : memref<40xi32, #tpu.memory_space<vmem>>) semaphore(%arg11 : memref<!tpu.dma_semaphore, #tpu.memory_space<semaphore_mem>>)
        %dma_start3A_113 = arith.constant 0 : i32
        %dma_start3A_114 = arith.constant 80 : i32
        %dma_start3A_115 = arith.constant 0 : i32
        %dma_start3A_116 = tpu.memref_slice %arg7[%dma_start3A_114, %dma_start3A_115] : memref<200x128xf32, #tpu.memory_space<vmem>> -> memref<40x128xf32, #tpu.memory_space<vmem>>
        %dma_start3A_117 = arith.constant 80 : i32
        %dma_start3A_118 = tpu.memref_slice %arg6[%select_n3A_28, %dma_start3A_113, %dma_start3A_117] : memref<2x3x200xi32, #tpu.memory_space<vmem>> -> memref<1x1x40xi32, #tpu.memory_space<vmem>>
        %dma_start3A_119 = tpu.memref_squeeze %dma_start3A_118 : memref<1x1x40xi32, #tpu.memory_space<vmem>> -> memref<40xi32, #tpu.memory_space<vmem>>
        %dma_start3A_120 = arith.constant 0 : i32
        %dma_start3A_121 = arith.constant 0 : i32
        %dma_start3A_122 = tpu.memref_slice %arg2[%dma_start3A_120, %dma_start3A_121] : memref<100000x128xf32, #tpu.memory_space<hbm>> -> memref<100000x128xf32, #tpu.memory_space<hbm>>
        tpu.enqueue_indirect_dma source(%dma_start3A_122 : memref<100000x128xf32, #tpu.memory_space<hbm>>) target(%dma_start3A_116 : memref<40x128xf32, #tpu.memory_space<vmem>>) offsets(%dma_start3A_119 : memref<40xi32, #tpu.memory_space<vmem>>) semaphore(%arg11 : memref<!tpu.dma_semaphore, #tpu.memory_space<semaphore_mem>>)
        %dma_start3A_123 = arith.constant 1 : i32
        %dma_start3A_124 = arith.constant 80 : i32
        %dma_start3A_125 = arith.constant 0 : i32
        %dma_start3A_126 = tpu.memref_slice %arg8[%dma_start3A_124, %dma_start3A_125] : memref<200x128xf32, #tpu.memory_space<vmem>> -> memref<40x128xf32, #tpu.memory_space<vmem>>
        %dma_start3A_127 = arith.constant 80 : i32
        %dma_start3A_128 = tpu.memref_slice %arg6[%select_n3A_28, %dma_start3A_123, %dma_start3A_127] : memref<2x3x200xi32, #tpu.memory_space<vmem>> -> memref<1x1x40xi32, #tpu.memory_space<vmem>>
        %dma_start3A_129 = tpu.memref_squeeze %dma_start3A_128 : memref<1x1x40xi32, #tpu.memory_space<vmem>> -> memref<40xi32, #tpu.memory_space<vmem>>
        %dma_start3A_130 = arith.constant 0 : i32
        %dma_start3A_131 = arith.constant 0 : i32
        %dma_start3A_132 = tpu.memref_slice %arg2[%dma_start3A_130, %dma_start3A_131] : memref<100000x128xf32, #tpu.memory_space<hbm>> -> memref<100000x128xf32, #tpu.memory_space<hbm>>
        tpu.enqueue_indirect_dma source(%dma_start3A_132 : memref<100000x128xf32, #tpu.memory_space<hbm>>) target(%dma_start3A_126 : memref<40x128xf32, #tpu.memory_space<vmem>>) offsets(%dma_start3A_129 : memref<40xi32, #tpu.memory_space<vmem>>) semaphore(%arg11 : memref<!tpu.dma_semaphore, #tpu.memory_space<semaphore_mem>>)
        %dma_start3A_133 = arith.constant 2 : i32
        %dma_start3A_134 = arith.constant 80 : i32
        %dma_start3A_135 = arith.constant 0 : i32
        %dma_start3A_136 = tpu.memref_slice %arg9[%dma_start3A_134, %dma_start3A_135] : memref<200x128xf32, #tpu.memory_space<vmem>> -> memref<40x128xf32, #tpu.memory_space<vmem>>
        %dma_start3A_137 = arith.constant 80 : i32
        %dma_start3A_138 = tpu.memref_slice %arg6[%select_n3A_28, %dma_start3A_133, %dma_start3A_137] : memref<2x3x200xi32, #tpu.memory_space<vmem>> -> memref<1x1x40xi32, #tpu.memory_space<vmem>>
        %dma_start3A_139 = tpu.memref_squeeze %dma_start3A_138 : memref<1x1x40xi32, #tpu.memory_space<vmem>> -> memref<40xi32, #tpu.memory_space<vmem>>
        %dma_start3A_140 = arith.constant 0 : i32
        %dma_start3A_141 = arith.constant 0 : i32
        %dma_start3A_142 = tpu.memref_slice %arg3[%dma_start3A_140, %dma_start3A_141] : memref<100000x128xf32, #tpu.memory_space<hbm>> -> memref<100000x128xf32, #tpu.memory_space<hbm>>
        tpu.enqueue_indirect_dma source(%dma_start3A_142 : memref<100000x128xf32, #tpu.memory_space<hbm>>) target(%dma_start3A_136 : memref<40x128xf32, #tpu.memory_space<vmem>>) offsets(%dma_start3A_139 : memref<40xi32, #tpu.memory_space<vmem>>) semaphore(%arg11 : memref<!tpu.dma_semaphore, #tpu.memory_space<semaphore_mem>>)
        %dma_start3A_143 = arith.constant 0 : i32
        %dma_start3A_144 = arith.constant 120 : i32
        %dma_start3A_145 = arith.constant 0 : i32
        %dma_start3A_146 = tpu.memref_slice %arg7[%dma_start3A_144, %dma_start3A_145] : memref<200x128xf32, #tpu.memory_space<vmem>> -> memref<40x128xf32, #tpu.memory_space<vmem>>
        %dma_start3A_147 = arith.constant 120 : i32
        %dma_start3A_148 = tpu.memref_slice %arg6[%select_n3A_28, %dma_start3A_143, %dma_start3A_147] : memref<2x3x200xi32, #tpu.memory_space<vmem>> -> memref<1x1x40xi32, #tpu.memory_space<vmem>>
        %dma_start3A_149 = tpu.memref_squeeze %dma_start3A_148 : memref<1x1x40xi32, #tpu.memory_space<vmem>> -> memref<40xi32, #tpu.memory_space<vmem>>
        %dma_start3A_150 = arith.constant 0 : i32
        %dma_start3A_151 = arith.constant 0 : i32
        %dma_start3A_152 = tpu.memref_slice %arg2[%dma_start3A_150, %dma_start3A_151] : memref<100000x128xf32, #tpu.memory_space<hbm>> -> memref<100000x128xf32, #tpu.memory_space<hbm>>
        tpu.enqueue_indirect_dma source(%dma_start3A_152 : memref<100000x128xf32, #tpu.memory_space<hbm>>) target(%dma_start3A_146 : memref<40x128xf32, #tpu.memory_space<vmem>>) offsets(%dma_start3A_149 : memref<40xi32, #tpu.memory_space<vmem>>) semaphore(%arg11 : memref<!tpu.dma_semaphore, #tpu.memory_space<semaphore_mem>>)
        %dma_start3A_153 = arith.constant 1 : i32
        %dma_start3A_154 = arith.constant 120 : i32
        %dma_start3A_155 = arith.constant 0 : i32
        %dma_start3A_156 = tpu.memref_slice %arg8[%dma_start3A_154, %dma_start3A_155] : memref<200x128xf32, #tpu.memory_space<vmem>> -> memref<40x128xf32, #tpu.memory_space<vmem>>
        %dma_start3A_157 = arith.constant 120 : i32
        %dma_start3A_158 = tpu.memref_slice %arg6[%select_n3A_28, %dma_start3A_153, %dma_start3A_157] : memref<2x3x200xi32, #tpu.memory_space<vmem>> -> memref<1x1x40xi32, #tpu.memory_space<vmem>>
        %dma_start3A_159 = tpu.memref_squeeze %dma_start3A_158 : memref<1x1x40xi32, #tpu.memory_space<vmem>> -> memref<40xi32, #tpu.memory_space<vmem>>
        %dma_start3A_160 = arith.constant 0 : i32
        %dma_start3A_161 = arith.constant 0 : i32
        %dma_start3A_162 = tpu.memref_slice %arg2[%dma_start3A_160, %dma_start3A_161] : memref<100000x128xf32, #tpu.memory_space<hbm>> -> memref<100000x128xf32, #tpu.memory_space<hbm>>
        tpu.enqueue_indirect_dma source(%dma_start3A_162 : memref<100000x128xf32, #tpu.memory_space<hbm>>) target(%dma_start3A_156 : memref<40x128xf32, #tpu.memory_space<vmem>>) offsets(%dma_start3A_159 : memref<40xi32, #tpu.memory_space<vmem>>) semaphore(%arg11 : memref<!tpu.dma_semaphore, #tpu.memory_space<semaphore_mem>>)
        %dma_start3A_163 = arith.constant 2 : i32
        %dma_start3A_164 = arith.constant 120 : i32
        %dma_start3A_165 = arith.constant 0 : i32
        %dma_start3A_166 = tpu.memref_slice %arg9[%dma_start3A_164, %dma_start3A_165] : memref<200x128xf32, #tpu.memory_space<vmem>> -> memref<40x128xf32, #tpu.memory_space<vmem>>
        %dma_start3A_167 = arith.constant 120 : i32
        %dma_start3A_168 = tpu.memref_slice %arg6[%select_n3A_28, %dma_start3A_163, %dma_start3A_167] : memref<2x3x200xi32, #tpu.memory_space<vmem>> -> memref<1x1x40xi32, #tpu.memory_space<vmem>>
        %dma_start3A_169 = tpu.memref_squeeze %dma_start3A_168 : memref<1x1x40xi32, #tpu.memory_space<vmem>> -> memref<40xi32, #tpu.memory_space<vmem>>
        %dma_start3A_170 = arith.constant 0 : i32
        %dma_start3A_171 = arith.constant 0 : i32
        %dma_start3A_172 = tpu.memref_slice %arg3[%dma_start3A_170, %dma_start3A_171] : memref<100000x128xf32, #tpu.memory_space<hbm>> -> memref<100000x128xf32, #tpu.memory_space<hbm>>
        tpu.enqueue_indirect_dma source(%dma_start3A_172 : memref<100000x128xf32, #tpu.memory_space<hbm>>) target(%dma_start3A_166 : memref<40x128xf32, #tpu.memory_space<vmem>>) offsets(%dma_start3A_169 : memref<40xi32, #tpu.memory_space<vmem>>) semaphore(%arg11 : memref<!tpu.dma_semaphore, #tpu.memory_space<semaphore_mem>>)
        %dma_start3A_173 = arith.constant 0 : i32
        %dma_start3A_174 = arith.constant 160 : i32
        %dma_start3A_175 = arith.constant 0 : i32
        %dma_start3A_176 = tpu.memref_slice %arg7[%dma_start3A_174, %dma_start3A_175] : memref<200x128xf32, #tpu.memory_space<vmem>> -> memref<40x128xf32, #tpu.memory_space<vmem>>
        %dma_start3A_177 = arith.constant 160 : i32
        %dma_start3A_178 = tpu.memref_slice %arg6[%select_n3A_28, %dma_start3A_173, %dma_start3A_177] : memref<2x3x200xi32, #tpu.memory_space<vmem>> -> memref<1x1x40xi32, #tpu.memory_space<vmem>>
        %dma_start3A_179 = tpu.memref_squeeze %dma_start3A_178 : memref<1x1x40xi32, #tpu.memory_space<vmem>> -> memref<40xi32, #tpu.memory_space<vmem>>
        %dma_start3A_180 = arith.constant 0 : i32
        %dma_start3A_181 = arith.constant 0 : i32
        %dma_start3A_182 = tpu.memref_slice %arg2[%dma_start3A_180, %dma_start3A_181] : memref<100000x128xf32, #tpu.memory_space<hbm>> -> memref<100000x128xf32, #tpu.memory_space<hbm>>
        tpu.enqueue_indirect_dma source(%dma_start3A_182 : memref<100000x128xf32, #tpu.memory_space<hbm>>) target(%dma_start3A_176 : memref<40x128xf32, #tpu.memory_space<vmem>>) offsets(%dma_start3A_179 : memref<40xi32, #tpu.memory_space<vmem>>) semaphore(%arg11 : memref<!tpu.dma_semaphore, #tpu.memory_space<semaphore_mem>>)
        %dma_start3A_183 = arith.constant 1 : i32
        %dma_start3A_184 = arith.constant 160 : i32
        %dma_start3A_185 = arith.constant 0 : i32
        %dma_start3A_186 = tpu.memref_slice %arg8[%dma_start3A_184, %dma_start3A_185] : memref<200x128xf32, #tpu.memory_space<vmem>> -> memref<40x128xf32, #tpu.memory_space<vmem>>
        %dma_start3A_187 = arith.constant 160 : i32
        %dma_start3A_188 = tpu.memref_slice %arg6[%select_n3A_28, %dma_start3A_183, %dma_start3A_187] : memref<2x3x200xi32, #tpu.memory_space<vmem>> -> memref<1x1x40xi32, #tpu.memory_space<vmem>>
        %dma_start3A_189 = tpu.memref_squeeze %dma_start3A_188 : memref<1x1x40xi32, #tpu.memory_space<vmem>> -> memref<40xi32, #tpu.memory_space<vmem>>
        %dma_start3A_190 = arith.constant 0 : i32
        %dma_start3A_191 = arith.constant 0 : i32
        %dma_start3A_192 = tpu.memref_slice %arg2[%dma_start3A_190, %dma_start3A_191] : memref<100000x128xf32, #tpu.memory_space<hbm>> -> memref<100000x128xf32, #tpu.memory_space<hbm>>
        tpu.enqueue_indirect_dma source(%dma_start3A_192 : memref<100000x128xf32, #tpu.memory_space<hbm>>) target(%dma_start3A_186 : memref<40x128xf32, #tpu.memory_space<vmem>>) offsets(%dma_start3A_189 : memref<40xi32, #tpu.memory_space<vmem>>) semaphore(%arg11 : memref<!tpu.dma_semaphore, #tpu.memory_space<semaphore_mem>>)
        %dma_start3A_193 = arith.constant 2 : i32
        %dma_start3A_194 = arith.constant 160 : i32
        %dma_start3A_195 = arith.constant 0 : i32
        %dma_start3A_196 = tpu.memref_slice %arg9[%dma_start3A_194, %dma_start3A_195] : memref<200x128xf32, #tpu.memory_space<vmem>> -> memref<40x128xf32, #tpu.memory_space<vmem>>
        %dma_start3A_197 = arith.constant 160 : i32
        %dma_start3A_198 = tpu.memref_slice %arg6[%select_n3A_28, %dma_start3A_193, %dma_start3A_197] : memref<2x3x200xi32, #tpu.memory_space<vmem>> -> memref<1x1x40xi32, #tpu.memory_space<vmem>>
        %dma_start3A_199 = tpu.memref_squeeze %dma_start3A_198 : memref<1x1x40xi32, #tpu.memory_space<vmem>> -> memref<40xi32, #tpu.memory_space<vmem>>
        %dma_start3A_200 = arith.constant 0 : i32
        %dma_start3A_201 = arith.constant 0 : i32
        %dma_start3A_202 = tpu.memref_slice %arg3[%dma_start3A_200, %dma_start3A_201] : memref<100000x128xf32, #tpu.memory_space<hbm>> -> memref<100000x128xf32, #tpu.memory_space<hbm>>
        tpu.enqueue_indirect_dma source(%dma_start3A_202 : memref<100000x128xf32, #tpu.memory_space<hbm>>) target(%dma_start3A_196 : memref<40x128xf32, #tpu.memory_space<vmem>>) offsets(%dma_start3A_199 : memref<40xi32, #tpu.memory_space<vmem>>) semaphore(%arg11 : memref<!tpu.dma_semaphore, #tpu.memory_space<semaphore_mem>>)
        %add3A_203 = arith.constant 1 : i32
        %add3A_204 = arith.addi %scan3A_15, %add3A_203 : i32
        %mul3A_205 = arith.constant 32 : i32
        %mul3A_206 = arith.muli %mul3A_205, %add3A_204 : i32
        %add3A_207 = arith.addi %add3A, %mul3A_206 : i32
        %lt3A_208 = arith.constant 280 : i32
        %lt3A_209 = arith.cmpi slt, %add3A_207, %lt3A_208 : i32
        %convert_element_type3A_210 = arith.extui %lt3A_209 : i1 to i32
        %cond3A_211 = arith.constant 0 : i32
        %cond3A_212 = arith.cmpi ne, %convert_element_type3A_210, %cond3A_211 : i32
        scf.if %cond3A_212 {
          %mul3A_373 = arith.constant 200 : i32
          %mul3A_374 = arith.muli %add3A_207, %mul3A_373 : i32
          %add3A_375 = arith.constant 0 : i32
          %add3A_376 = arith.addi %add3A_375, %mul3A_374 : i32
          %jit3A_377 = arith.constant 2 : i32
          %eq3A_378 = arith.constant 0 : i32
          %eq3A_379 = arith.cmpi eq, %jit3A_377, %eq3A_378 : i32
          %jit3A_380 = arith.constant 1 : i32
          %select_n3A_381 = arith.select %eq3A_379, %jit3A_380, %jit3A_377 : i32
          %rem3A_382 = arith.remsi %add3A_204, %select_n3A_381 : i32
          %ne3A_383 = arith.constant 0 : i32
          %ne3A_384 = arith.cmpi ne, %rem3A_382, %ne3A_383 : i32
          %lt3A_385 = arith.constant 0 : i32
          %lt3A_386 = arith.cmpi slt, %rem3A_382, %lt3A_385 : i32
          %lt3A_387 = arith.constant 0 : i32
          %lt3A_388 = arith.cmpi slt, %select_n3A_381, %lt3A_387 : i32
          %ne3A_389 = arith.xori %lt3A_386, %lt3A_388 : i1
          %and3A_390 = arith.andi %ne3A_389, %ne3A_384 : i1
          %add3A_391 = arith.addi %rem3A_382, %select_n3A_381 : i32
          %select_n3A_392 = arith.select %and3A_390, %add3A_391, %rem3A_382 : i32
          %dma_start3A_393 = arith.constant 0 : i32
          %dma_start3A_394 = arith.constant 0 : i32
          %dma_start3A_395 = tpu.memref_slice %arg6[%select_n3A_392, %dma_start3A_393, %dma_start3A_394] : memref<2x3x200xi32, #tpu.memory_space<vmem>> -> memref<1x3x200xi32, #tpu.memory_space<vmem>>
          %dma_start3A_396 = tpu.memref_squeeze %dma_start3A_395 : memref<1x3x200xi32, #tpu.memory_space<vmem>> -> memref<3x200xi32, #tpu.memory_space<vmem>>
          %dma_start3A_397 = arith.constant 0 : i32
          %dma_start3A_398 = tpu.memref_slice %arg4[%dma_start3A_397, %add3A_376] : memref<3x100000xi32, #tpu.memory_space<hbm>> -> memref<3x200xi32, #tpu.memory_space<hbm>>
          %dma_start3A_399 = arith.constant 0 : i32
          %dma_start3A_400 = arith.constant 0 : i32
          %dma_start3A_401 = tpu.memref_slice %arg6[%select_n3A_392, %dma_start3A_399, %dma_start3A_400] : memref<2x3x200xi32, #tpu.memory_space<vmem>> -> memref<1x3x200xi32, #tpu.memory_space<vmem>>
          %dma_start3A_402 = tpu.memref_squeeze %dma_start3A_401 : memref<1x3x200xi32, #tpu.memory_space<vmem>> -> memref<3x200xi32, #tpu.memory_space<vmem>>
          %dma_start3A_403 = arith.constant 0 : i32
          %dma_start3A_404 = tpu.memref_slice %arg4[%dma_start3A_403, %add3A_376] : memref<3x100000xi32, #tpu.memory_space<hbm>> -> memref<3x200xi32, #tpu.memory_space<hbm>>
          tpu.enqueue_dma source(%dma_start3A_404 : memref<3x200xi32, #tpu.memory_space<hbm>>) target(%dma_start3A_402 : memref<3x200xi32, #tpu.memory_space<vmem>>) target_semaphore(%arg10 : memref<!tpu.dma_semaphore, #tpu.memory_space<semaphore_mem>>)
        } else {
        }
        %dma_wait3A_213 = arith.constant 0 : i32
        %dma_wait3A_214 = arith.constant 0 : i32
        %dma_wait3A_215 = arith.constant 0 : i32
        %dma_wait3A_216 = tpu.memref_slice %arg7[%dma_wait3A_214, %dma_wait3A_215] : memref<200x128xf32, #tpu.memory_space<vmem>> -> memref<40x128xf32, #tpu.memory_space<vmem>>
        %dma_wait3A_217 = arith.constant 0 : i32
        %dma_wait3A_218 = tpu.memref_slice %arg6[%select_n3A_28, %dma_wait3A_213, %dma_wait3A_217] : memref<2x3x200xi32, #tpu.memory_space<vmem>> -> memref<1x1x40xi32, #tpu.memory_space<vmem>>
        %dma_wait3A_219 = tpu.memref_squeeze %dma_wait3A_218 : memref<1x1x40xi32, #tpu.memory_space<vmem>> -> memref<40xi32, #tpu.memory_space<vmem>>
        %dma_wait3A_220 = arith.constant 0 : i32
        %dma_wait3A_221 = arith.constant 0 : i32
        %dma_wait3A_222 = tpu.memref_slice %arg2[%dma_wait3A_220, %dma_wait3A_221] : memref<100000x128xf32, #tpu.memory_space<hbm>> -> memref<100000x128xf32, #tpu.memory_space<hbm>>
        tpu.wait_indirect_dma semaphore(%arg11 : memref<!tpu.dma_semaphore, #tpu.memory_space<semaphore_mem>>) src(%dma_wait3A_222 : memref<100000x128xf32, #tpu.memory_space<hbm>>) dst(%dma_wait3A_216 : memref<40x128xf32, #tpu.memory_space<vmem>>)
        %dma_wait3A_223 = arith.constant 1 : i32
        %dma_wait3A_224 = arith.constant 0 : i32
        %dma_wait3A_225 = arith.constant 0 : i32
        %dma_wait3A_226 = tpu.memref_slice %arg8[%dma_wait3A_224, %dma_wait3A_225] : memref<200x128xf32, #tpu.memory_space<vmem>> -> memref<40x128xf32, #tpu.memory_space<vmem>>
        %dma_wait3A_227 = arith.constant 0 : i32
        %dma_wait3A_228 = tpu.memref_slice %arg6[%select_n3A_28, %dma_wait3A_223, %dma_wait3A_227] : memref<2x3x200xi32, #tpu.memory_space<vmem>> -> memref<1x1x40xi32, #tpu.memory_space<vmem>>
        %dma_wait3A_229 = tpu.memref_squeeze %dma_wait3A_228 : memref<1x1x40xi32, #tpu.memory_space<vmem>> -> memref<40xi32, #tpu.memory_space<vmem>>
        %dma_wait3A_230 = arith.constant 0 : i32
        %dma_wait3A_231 = arith.constant 0 : i32
        %dma_wait3A_232 = tpu.memref_slice %arg2[%dma_wait3A_230, %dma_wait3A_231] : memref<100000x128xf32, #tpu.memory_space<hbm>> -> memref<100000x128xf32, #tpu.memory_space<hbm>>
        tpu.wait_indirect_dma semaphore(%arg11 : memref<!tpu.dma_semaphore, #tpu.memory_space<semaphore_mem>>) src(%dma_wait3A_232 : memref<100000x128xf32, #tpu.memory_space<hbm>>) dst(%dma_wait3A_226 : memref<40x128xf32, #tpu.memory_space<vmem>>)
        %dma_wait3A_233 = arith.constant 2 : i32
        %dma_wait3A_234 = arith.constant 0 : i32
        %dma_wait3A_235 = arith.constant 0 : i32
        %dma_wait3A_236 = tpu.memref_slice %arg9[%dma_wait3A_234, %dma_wait3A_235] : memref<200x128xf32, #tpu.memory_space<vmem>> -> memref<40x128xf32, #tpu.memory_space<vmem>>
        %dma_wait3A_237 = arith.constant 0 : i32
        %dma_wait3A_238 = tpu.memref_slice %arg6[%select_n3A_28, %dma_wait3A_233, %dma_wait3A_237] : memref<2x3x200xi32, #tpu.memory_space<vmem>> -> memref<1x1x40xi32, #tpu.memory_space<vmem>>
        %dma_wait3A_239 = tpu.memref_squeeze %dma_wait3A_238 : memref<1x1x40xi32, #tpu.memory_space<vmem>> -> memref<40xi32, #tpu.memory_space<vmem>>
        %dma_wait3A_240 = arith.constant 0 : i32
        %dma_wait3A_241 = arith.constant 0 : i32
        %dma_wait3A_242 = tpu.memref_slice %arg3[%dma_wait3A_240, %dma_wait3A_241] : memref<100000x128xf32, #tpu.memory_space<hbm>> -> memref<100000x128xf32, #tpu.memory_space<hbm>>
        tpu.wait_indirect_dma semaphore(%arg11 : memref<!tpu.dma_semaphore, #tpu.memory_space<semaphore_mem>>) src(%dma_wait3A_242 : memref<100000x128xf32, #tpu.memory_space<hbm>>) dst(%dma_wait3A_236 : memref<40x128xf32, #tpu.memory_space<vmem>>)
        %dma_wait3A_243 = arith.constant 0 : i32
        %dma_wait3A_244 = arith.constant 40 : i32
        %dma_wait3A_245 = arith.constant 0 : i32
        %dma_wait3A_246 = tpu.memref_slice %arg7[%dma_wait3A_244, %dma_wait3A_245] : memref<200x128xf32, #tpu.memory_space<vmem>> -> memref<40x128xf32, #tpu.memory_space<vmem>>
        %dma_wait3A_247 = arith.constant 40 : i32
        %dma_wait3A_248 = tpu.memref_slice %arg6[%select_n3A_28, %dma_wait3A_243, %dma_wait3A_247] : memref<2x3x200xi32, #tpu.memory_space<vmem>> -> memref<1x1x40xi32, #tpu.memory_space<vmem>>
        %dma_wait3A_249 = tpu.memref_squeeze %dma_wait3A_248 : memref<1x1x40xi32, #tpu.memory_space<vmem>> -> memref<40xi32, #tpu.memory_space<vmem>>
        %dma_wait3A_250 = arith.constant 0 : i32
        %dma_wait3A_251 = arith.constant 0 : i32
        %dma_wait3A_252 = tpu.memref_slice %arg2[%dma_wait3A_250, %dma_wait3A_251] : memref<100000x128xf32, #tpu.memory_space<hbm>> -> memref<100000x128xf32, #tpu.memory_space<hbm>>
        tpu.wait_indirect_dma semaphore(%arg11 : memref<!tpu.dma_semaphore, #tpu.memory_space<semaphore_mem>>) src(%dma_wait3A_252 : memref<100000x128xf32, #tpu.memory_space<hbm>>) dst(%dma_wait3A_246 : memref<40x128xf32, #tpu.memory_space<vmem>>)
        %dma_wait3A_253 = arith.constant 1 : i32
        %dma_wait3A_254 = arith.constant 40 : i32
        %dma_wait3A_255 = arith.constant 0 : i32
        %dma_wait3A_256 = tpu.memref_slice %arg8[%dma_wait3A_254, %dma_wait3A_255] : memref<200x128xf32, #tpu.memory_space<vmem>> -> memref<40x128xf32, #tpu.memory_space<vmem>>
        %dma_wait3A_257 = arith.constant 40 : i32
        %dma_wait3A_258 = tpu.memref_slice %arg6[%select_n3A_28, %dma_wait3A_253, %dma_wait3A_257] : memref<2x3x200xi32, #tpu.memory_space<vmem>> -> memref<1x1x40xi32, #tpu.memory_space<vmem>>
        %dma_wait3A_259 = tpu.memref_squeeze %dma_wait3A_258 : memref<1x1x40xi32, #tpu.memory_space<vmem>> -> memref<40xi32, #tpu.memory_space<vmem>>
        %dma_wait3A_260 = arith.constant 0 : i32
        %dma_wait3A_261 = arith.constant 0 : i32
        %dma_wait3A_262 = tpu.memref_slice %arg2[%dma_wait3A_260, %dma_wait3A_261] : memref<100000x128xf32, #tpu.memory_space<hbm>> -> memref<100000x128xf32, #tpu.memory_space<hbm>>
        tpu.wait_indirect_dma semaphore(%arg11 : memref<!tpu.dma_semaphore, #tpu.memory_space<semaphore_mem>>) src(%dma_wait3A_262 : memref<100000x128xf32, #tpu.memory_space<hbm>>) dst(%dma_wait3A_256 : memref<40x128xf32, #tpu.memory_space<vmem>>)
        %dma_wait3A_263 = arith.constant 2 : i32
        %dma_wait3A_264 = arith.constant 40 : i32
        %dma_wait3A_265 = arith.constant 0 : i32
        %dma_wait3A_266 = tpu.memref_slice %arg9[%dma_wait3A_264, %dma_wait3A_265] : memref<200x128xf32, #tpu.memory_space<vmem>> -> memref<40x128xf32, #tpu.memory_space<vmem>>
        %dma_wait3A_267 = arith.constant 40 : i32
        %dma_wait3A_268 = tpu.memref_slice %arg6[%select_n3A_28, %dma_wait3A_263, %dma_wait3A_267] : memref<2x3x200xi32, #tpu.memory_space<vmem>> -> memref<1x1x40xi32, #tpu.memory_space<vmem>>
        %dma_wait3A_269 = tpu.memref_squeeze %dma_wait3A_268 : memref<1x1x40xi32, #tpu.memory_space<vmem>> -> memref<40xi32, #tpu.memory_space<vmem>>
        %dma_wait3A_270 = arith.constant 0 : i32
        %dma_wait3A_271 = arith.constant 0 : i32
        %dma_wait3A_272 = tpu.memref_slice %arg3[%dma_wait3A_270, %dma_wait3A_271] : memref<100000x128xf32, #tpu.memory_space<hbm>> -> memref<100000x128xf32, #tpu.memory_space<hbm>>
        tpu.wait_indirect_dma semaphore(%arg11 : memref<!tpu.dma_semaphore, #tpu.memory_space<semaphore_mem>>) src(%dma_wait3A_272 : memref<100000x128xf32, #tpu.memory_space<hbm>>) dst(%dma_wait3A_266 : memref<40x128xf32, #tpu.memory_space<vmem>>)
        %dma_wait3A_273 = arith.constant 0 : i32
        %dma_wait3A_274 = arith.constant 80 : i32
        %dma_wait3A_275 = arith.constant 0 : i32
        %dma_wait3A_276 = tpu.memref_slice %arg7[%dma_wait3A_274, %dma_wait3A_275] : memref<200x128xf32, #tpu.memory_space<vmem>> -> memref<40x128xf32, #tpu.memory_space<vmem>>
        %dma_wait3A_277 = arith.constant 80 : i32
        %dma_wait3A_278 = tpu.memref_slice %arg6[%select_n3A_28, %dma_wait3A_273, %dma_wait3A_277] : memref<2x3x200xi32, #tpu.memory_space<vmem>> -> memref<1x1x40xi32, #tpu.memory_space<vmem>>
        %dma_wait3A_279 = tpu.memref_squeeze %dma_wait3A_278 : memref<1x1x40xi32, #tpu.memory_space<vmem>> -> memref<40xi32, #tpu.memory_space<vmem>>
        %dma_wait3A_280 = arith.constant 0 : i32
        %dma_wait3A_281 = arith.constant 0 : i32
        %dma_wait3A_282 = tpu.memref_slice %arg2[%dma_wait3A_280, %dma_wait3A_281] : memref<100000x128xf32, #tpu.memory_space<hbm>> -> memref<100000x128xf32, #tpu.memory_space<hbm>>
        tpu.wait_indirect_dma semaphore(%arg11 : memref<!tpu.dma_semaphore, #tpu.memory_space<semaphore_mem>>) src(%dma_wait3A_282 : memref<100000x128xf32, #tpu.memory_space<hbm>>) dst(%dma_wait3A_276 : memref<40x128xf32, #tpu.memory_space<vmem>>)
        %dma_wait3A_283 = arith.constant 1 : i32
        %dma_wait3A_284 = arith.constant 80 : i32
        %dma_wait3A_285 = arith.constant 0 : i32
        %dma_wait3A_286 = tpu.memref_slice %arg8[%dma_wait3A_284, %dma_wait3A_285] : memref<200x128xf32, #tpu.memory_space<vmem>> -> memref<40x128xf32, #tpu.memory_space<vmem>>
        %dma_wait3A_287 = arith.constant 80 : i32
        %dma_wait3A_288 = tpu.memref_slice %arg6[%select_n3A_28, %dma_wait3A_283, %dma_wait3A_287] : memref<2x3x200xi32, #tpu.memory_space<vmem>> -> memref<1x1x40xi32, #tpu.memory_space<vmem>>
        %dma_wait3A_289 = tpu.memref_squeeze %dma_wait3A_288 : memref<1x1x40xi32, #tpu.memory_space<vmem>> -> memref<40xi32, #tpu.memory_space<vmem>>
        %dma_wait3A_290 = arith.constant 0 : i32
        %dma_wait3A_291 = arith.constant 0 : i32
        %dma_wait3A_292 = tpu.memref_slice %arg2[%dma_wait3A_290, %dma_wait3A_291] : memref<100000x128xf32, #tpu.memory_space<hbm>> -> memref<100000x128xf32, #tpu.memory_space<hbm>>
        tpu.wait_indirect_dma semaphore(%arg11 : memref<!tpu.dma_semaphore, #tpu.memory_space<semaphore_mem>>) src(%dma_wait3A_292 : memref<100000x128xf32, #tpu.memory_space<hbm>>) dst(%dma_wait3A_286 : memref<40x128xf32, #tpu.memory_space<vmem>>)
        %dma_wait3A_293 = arith.constant 2 : i32
        %dma_wait3A_294 = arith.constant 80 : i32
        %dma_wait3A_295 = arith.constant 0 : i32
        %dma_wait3A_296 = tpu.memref_slice %arg9[%dma_wait3A_294, %dma_wait3A_295] : memref<200x128xf32, #tpu.memory_space<vmem>> -> memref<40x128xf32, #tpu.memory_space<vmem>>
        %dma_wait3A_297 = arith.constant 80 : i32
        %dma_wait3A_298 = tpu.memref_slice %arg6[%select_n3A_28, %dma_wait3A_293, %dma_wait3A_297] : memref<2x3x200xi32, #tpu.memory_space<vmem>> -> memref<1x1x40xi32, #tpu.memory_space<vmem>>
        %dma_wait3A_299 = tpu.memref_squeeze %dma_wait3A_298 : memref<1x1x40xi32, #tpu.memory_space<vmem>> -> memref<40xi32, #tpu.memory_space<vmem>>
        %dma_wait3A_300 = arith.constant 0 : i32
        %dma_wait3A_301 = arith.constant 0 : i32
        %dma_wait3A_302 = tpu.memref_slice %arg3[%dma_wait3A_300, %dma_wait3A_301] : memref<100000x128xf32, #tpu.memory_space<hbm>> -> memref<100000x128xf32, #tpu.memory_space<hbm>>
        tpu.wait_indirect_dma semaphore(%arg11 : memref<!tpu.dma_semaphore, #tpu.memory_space<semaphore_mem>>) src(%dma_wait3A_302 : memref<100000x128xf32, #tpu.memory_space<hbm>>) dst(%dma_wait3A_296 : memref<40x128xf32, #tpu.memory_space<vmem>>)
        %dma_wait3A_303 = arith.constant 0 : i32
        %dma_wait3A_304 = arith.constant 120 : i32
        %dma_wait3A_305 = arith.constant 0 : i32
        %dma_wait3A_306 = tpu.memref_slice %arg7[%dma_wait3A_304, %dma_wait3A_305] : memref<200x128xf32, #tpu.memory_space<vmem>> -> memref<40x128xf32, #tpu.memory_space<vmem>>
        %dma_wait3A_307 = arith.constant 120 : i32
        %dma_wait3A_308 = tpu.memref_slice %arg6[%select_n3A_28, %dma_wait3A_303, %dma_wait3A_307] : memref<2x3x200xi32, #tpu.memory_space<vmem>> -> memref<1x1x40xi32, #tpu.memory_space<vmem>>
        %dma_wait3A_309 = tpu.memref_squeeze %dma_wait3A_308 : memref<1x1x40xi32, #tpu.memory_space<vmem>> -> memref<40xi32, #tpu.memory_space<vmem>>
        %dma_wait3A_310 = arith.constant 0 : i32
        %dma_wait3A_311 = arith.constant 0 : i32
        %dma_wait3A_312 = tpu.memref_slice %arg2[%dma_wait3A_310, %dma_wait3A_311] : memref<100000x128xf32, #tpu.memory_space<hbm>> -> memref<100000x128xf32, #tpu.memory_space<hbm>>
        tpu.wait_indirect_dma semaphore(%arg11 : memref<!tpu.dma_semaphore, #tpu.memory_space<semaphore_mem>>) src(%dma_wait3A_312 : memref<100000x128xf32, #tpu.memory_space<hbm>>) dst(%dma_wait3A_306 : memref<40x128xf32, #tpu.memory_space<vmem>>)
        %dma_wait3A_313 = arith.constant 1 : i32
        %dma_wait3A_314 = arith.constant 120 : i32
        %dma_wait3A_315 = arith.constant 0 : i32
        %dma_wait3A_316 = tpu.memref_slice %arg8[%dma_wait3A_314, %dma_wait3A_315] : memref<200x128xf32, #tpu.memory_space<vmem>> -> memref<40x128xf32, #tpu.memory_space<vmem>>
        %dma_wait3A_317 = arith.constant 120 : i32
        %dma_wait3A_318 = tpu.memref_slice %arg6[%select_n3A_28, %dma_wait3A_313, %dma_wait3A_317] : memref<2x3x200xi32, #tpu.memory_space<vmem>> -> memref<1x1x40xi32, #tpu.memory_space<vmem>>
        %dma_wait3A_319 = tpu.memref_squeeze %dma_wait3A_318 : memref<1x1x40xi32, #tpu.memory_space<vmem>> -> memref<40xi32, #tpu.memory_space<vmem>>
        %dma_wait3A_320 = arith.constant 0 : i32
        %dma_wait3A_321 = arith.constant 0 : i32
        %dma_wait3A_322 = tpu.memref_slice %arg2[%dma_wait3A_320, %dma_wait3A_321] : memref<100000x128xf32, #tpu.memory_space<hbm>> -> memref<100000x128xf32, #tpu.memory_space<hbm>>
        tpu.wait_indirect_dma semaphore(%arg11 : memref<!tpu.dma_semaphore, #tpu.memory_space<semaphore_mem>>) src(%dma_wait3A_322 : memref<100000x128xf32, #tpu.memory_space<hbm>>) dst(%dma_wait3A_316 : memref<40x128xf32, #tpu.memory_space<vmem>>)
        %dma_wait3A_323 = arith.constant 2 : i32
        %dma_wait3A_324 = arith.constant 120 : i32
        %dma_wait3A_325 = arith.constant 0 : i32
        %dma_wait3A_326 = tpu.memref_slice %arg9[%dma_wait3A_324, %dma_wait3A_325] : memref<200x128xf32, #tpu.memory_space<vmem>> -> memref<40x128xf32, #tpu.memory_space<vmem>>
        %dma_wait3A_327 = arith.constant 120 : i32
        %dma_wait3A_328 = tpu.memref_slice %arg6[%select_n3A_28, %dma_wait3A_323, %dma_wait3A_327] : memref<2x3x200xi32, #tpu.memory_space<vmem>> -> memref<1x1x40xi32, #tpu.memory_space<vmem>>
        %dma_wait3A_329 = tpu.memref_squeeze %dma_wait3A_328 : memref<1x1x40xi32, #tpu.memory_space<vmem>> -> memref<40xi32, #tpu.memory_space<vmem>>
        %dma_wait3A_330 = arith.constant 0 : i32
        %dma_wait3A_331 = arith.constant 0 : i32
        %dma_wait3A_332 = tpu.memref_slice %arg3[%dma_wait3A_330, %dma_wait3A_331] : memref<100000x128xf32, #tpu.memory_space<hbm>> -> memref<100000x128xf32, #tpu.memory_space<hbm>>
        tpu.wait_indirect_dma semaphore(%arg11 : memref<!tpu.dma_semaphore, #tpu.memory_space<semaphore_mem>>) src(%dma_wait3A_332 : memref<100000x128xf32, #tpu.memory_space<hbm>>) dst(%dma_wait3A_326 : memref<40x128xf32, #tpu.memory_space<vmem>>)
        %dma_wait3A_333 = arith.constant 0 : i32
        %dma_wait3A_334 = arith.constant 160 : i32
        %dma_wait3A_335 = arith.constant 0 : i32
        %dma_wait3A_336 = tpu.memref_slice %arg7[%dma_wait3A_334, %dma_wait3A_335] : memref<200x128xf32, #tpu.memory_space<vmem>> -> memref<40x128xf32, #tpu.memory_space<vmem>>
        %dma_wait3A_337 = arith.constant 160 : i32
        %dma_wait3A_338 = tpu.memref_slice %arg6[%select_n3A_28, %dma_wait3A_333, %dma_wait3A_337] : memref<2x3x200xi32, #tpu.memory_space<vmem>> -> memref<1x1x40xi32, #tpu.memory_space<vmem>>
        %dma_wait3A_339 = tpu.memref_squeeze %dma_wait3A_338 : memref<1x1x40xi32, #tpu.memory_space<vmem>> -> memref<40xi32, #tpu.memory_space<vmem>>
        %dma_wait3A_340 = arith.constant 0 : i32
        %dma_wait3A_341 = arith.constant 0 : i32
        %dma_wait3A_342 = tpu.memref_slice %arg2[%dma_wait3A_340, %dma_wait3A_341] : memref<100000x128xf32, #tpu.memory_space<hbm>> -> memref<100000x128xf32, #tpu.memory_space<hbm>>
        tpu.wait_indirect_dma semaphore(%arg11 : memref<!tpu.dma_semaphore, #tpu.memory_space<semaphore_mem>>) src(%dma_wait3A_342 : memref<100000x128xf32, #tpu.memory_space<hbm>>) dst(%dma_wait3A_336 : memref<40x128xf32, #tpu.memory_space<vmem>>)
        %dma_wait3A_343 = arith.constant 1 : i32
        %dma_wait3A_344 = arith.constant 160 : i32
        %dma_wait3A_345 = arith.constant 0 : i32
        %dma_wait3A_346 = tpu.memref_slice %arg8[%dma_wait3A_344, %dma_wait3A_345] : memref<200x128xf32, #tpu.memory_space<vmem>> -> memref<40x128xf32, #tpu.memory_space<vmem>>
        %dma_wait3A_347 = arith.constant 160 : i32
        %dma_wait3A_348 = tpu.memref_slice %arg6[%select_n3A_28, %dma_wait3A_343, %dma_wait3A_347] : memref<2x3x200xi32, #tpu.memory_space<vmem>> -> memref<1x1x40xi32, #tpu.memory_space<vmem>>
        %dma_wait3A_349 = tpu.memref_squeeze %dma_wait3A_348 : memref<1x1x40xi32, #tpu.memory_space<vmem>> -> memref<40xi32, #tpu.memory_space<vmem>>
        %dma_wait3A_350 = arith.constant 0 : i32
        %dma_wait3A_351 = arith.constant 0 : i32
        %dma_wait3A_352 = tpu.memref_slice %arg2[%dma_wait3A_350, %dma_wait3A_351] : memref<100000x128xf32, #tpu.memory_space<hbm>> -> memref<100000x128xf32, #tpu.memory_space<hbm>>
        tpu.wait_indirect_dma semaphore(%arg11 : memref<!tpu.dma_semaphore, #tpu.memory_space<semaphore_mem>>) src(%dma_wait3A_352 : memref<100000x128xf32, #tpu.memory_space<hbm>>) dst(%dma_wait3A_346 : memref<40x128xf32, #tpu.memory_space<vmem>>)
        %dma_wait3A_353 = arith.constant 2 : i32
        %dma_wait3A_354 = arith.constant 160 : i32
        %dma_wait3A_355 = arith.constant 0 : i32
        %dma_wait3A_356 = tpu.memref_slice %arg9[%dma_wait3A_354, %dma_wait3A_355] : memref<200x128xf32, #tpu.memory_space<vmem>> -> memref<40x128xf32, #tpu.memory_space<vmem>>
        %dma_wait3A_357 = arith.constant 160 : i32
        %dma_wait3A_358 = tpu.memref_slice %arg6[%select_n3A_28, %dma_wait3A_353, %dma_wait3A_357] : memref<2x3x200xi32, #tpu.memory_space<vmem>> -> memref<1x1x40xi32, #tpu.memory_space<vmem>>
        %dma_wait3A_359 = tpu.memref_squeeze %dma_wait3A_358 : memref<1x1x40xi32, #tpu.memory_space<vmem>> -> memref<40xi32, #tpu.memory_space<vmem>>
        %dma_wait3A_360 = arith.constant 0 : i32
        %dma_wait3A_361 = arith.constant 0 : i32
        %dma_wait3A_362 = tpu.memref_slice %arg3[%dma_wait3A_360, %dma_wait3A_361] : memref<100000x128xf32, #tpu.memory_space<hbm>> -> memref<100000x128xf32, #tpu.memory_space<hbm>>
        tpu.wait_indirect_dma semaphore(%arg11 : memref<!tpu.dma_semaphore, #tpu.memory_space<semaphore_mem>>) src(%dma_wait3A_362 : memref<100000x128xf32, #tpu.memory_space<hbm>>) dst(%dma_wait3A_356 : memref<40x128xf32, #tpu.memory_space<vmem>>)
        %scan3A_363 = arith.constant 0 : i32
        %scan3A_364 = arith.constant 0 : i32
        %scan3A_365 = arith.constant 50 : i32
        %scan3A_366 = arith.addi %scan3A_364, %scan3A_365 : i32
        %scan3A_367 = arith.constant 1 : i32
        scf.for %scan3A_373 = %scan3A_364 to %scan3A_366 step %scan3A_367  : i32 {
          %mul3A_374 = arith.constant 4 : i32
          %mul3A_375 = arith.muli %scan3A_373, %mul3A_374 : i32
          %add3A_376 = arith.constant 0 : i32
          %add3A_377 = arith.addi %mul3A_375, %add3A_376 : i32
          %add3A_378 = arith.constant 0 : i32
          %add3A_379 = arith.addi %mul3A_375, %add3A_378 : i32
          %get3A = arith.index_cast %add3A_379 : i32 to index
          %get3A_380 = arith.constant 64 : index
          %get3A_381 = tpu.vector_load %arg8[%get3A, %get3A_380] {strides = array<i32>} : memref<200x128xf32, #tpu.memory_space<vmem>>, vector<1x16xf32>,
          %get3A_382 = vector.shape_cast %get3A_381 : vector<1x16xf32> to vector<16xf32>
          %add3A_383 = arith.constant 0 : i32
          %add3A_384 = arith.addi %mul3A_375, %add3A_383 : i32
          %get3A_385 = arith.index_cast %add3A_384 : i32 to index
          %get3A_386 = arith.constant 64 : index
          %get3A_387 = tpu.vector_load %arg9[%get3A_385, %get3A_386] {strides = array<i32>} : memref<200x128xf32, #tpu.memory_space<vmem>>, vector<1x16xf32>,
          %get3A_388 = vector.shape_cast %get3A_387 : vector<1x16xf32> to vector<16xf32>
          %add3A_389 = arith.addf %get3A_382, %get3A_388 : vector<16xf32>
          %swap3A = arith.index_cast %add3A_377 : i32 to index
          %swap3A_390 = arith.constant 0 : index
          %swap3A_391 = tpu.vector_load %arg7[%swap3A, %swap3A_390] {strides = array<i32>} : memref<200x128xf32, #tpu.memory_space<vmem>>, vector<1x16xf32>,
          %swap3A_392 = vector.shape_cast %swap3A_391 : vector<1x16xf32> to vector<16xf32>
          %swap3A_393 = vector.shape_cast %add3A_389 : vector<16xf32> to vector<1x16xf32>
          tpu.vector_store %arg7[%swap3A, %swap3A_390], %swap3A_393 {add = true, strides = array<i32>} : memref<200x128xf32, #tpu.memory_space<vmem>>, vector<1x16xf32>,
          %add3A_394 = arith.constant 0 : i32
          %add3A_395 = arith.addi %mul3A_375, %add3A_394 : i32
          %add3A_396 = arith.constant 0 : i32
          %add3A_397 = arith.addi %mul3A_375, %add3A_396 : i32
          %get3A_398 = arith.index_cast %add3A_397 : i32 to index
          %get3A_399 = arith.constant 80 : index
          %get3A_400 = tpu.vector_load %arg8[%get3A_398, %get3A_399] {strides = array<i32>} : memref<200x128xf32, #tpu.memory_space<vmem>>, vector<1x16xf32>,
          %get3A_401 = vector.shape_cast %get3A_400 : vector<1x16xf32> to vector<16xf32>
          %add3A_402 = arith.constant 0 : i32
          %add3A_403 = arith.addi %mul3A_375, %add3A_402 : i32
          %get3A_404 = arith.index_cast %add3A_403 : i32 to index
          %get3A_405 = arith.constant 80 : index
          %get3A_406 = tpu.vector_load %arg9[%get3A_404, %get3A_405] {strides = array<i32>} : memref<200x128xf32, #tpu.memory_space<vmem>>, vector<1x16xf32>,
          %get3A_407 = vector.shape_cast %get3A_406 : vector<1x16xf32> to vector<16xf32>
          %add3A_408 = arith.addf %get3A_401, %get3A_407 : vector<16xf32>
          %swap3A_409 = arith.index_cast %add3A_395 : i32 to index
          %swap3A_410 = arith.constant 16 : index
          %swap3A_411 = tpu.vector_load %arg7[%swap3A_409, %swap3A_410] {strides = array<i32>} : memref<200x128xf32, #tpu.memory_space<vmem>>, vector<1x16xf32>,
          %swap3A_412 = vector.shape_cast %swap3A_411 : vector<1x16xf32> to vector<16xf32>
          %swap3A_413 = vector.shape_cast %add3A_408 : vector<16xf32> to vector<1x16xf32>
          tpu.vector_store %arg7[%swap3A_409, %swap3A_410], %swap3A_413 {add = true, strides = array<i32>} : memref<200x128xf32, #tpu.memory_space<vmem>>, vector<1x16xf32>,
          %add3A_414 = arith.constant 0 : i32
          %add3A_415 = arith.addi %mul3A_375, %add3A_414 : i32
          %add3A_416 = arith.constant 0 : i32
          %add3A_417 = arith.addi %mul3A_375, %add3A_416 : i32
          %get3A_418 = arith.index_cast %add3A_417 : i32 to index
          %get3A_419 = arith.constant 96 : index
          %get3A_420 = tpu.vector_load %arg8[%get3A_418, %get3A_419] {strides = array<i32>} : memref<200x128xf32, #tpu.memory_space<vmem>>, vector<1x16xf32>,
          %get3A_421 = vector.shape_cast %get3A_420 : vector<1x16xf32> to vector<16xf32>
          %add3A_422 = arith.constant 0 : i32
          %add3A_423 = arith.addi %mul3A_375, %add3A_422 : i32
          %get3A_424 = arith.index_cast %add3A_423 : i32 to index
          %get3A_425 = arith.constant 96 : index
          %get3A_426 = tpu.vector_load %arg9[%get3A_424, %get3A_425] {strides = array<i32>} : memref<200x128xf32, #tpu.memory_space<vmem>>, vector<1x16xf32>,
          %get3A_427 = vector.shape_cast %get3A_426 : vector<1x16xf32> to vector<16xf32>
          %add3A_428 = arith.addf %get3A_421, %get3A_427 : vector<16xf32>
          %swap3A_429 = arith.index_cast %add3A_415 : i32 to index
          %swap3A_430 = arith.constant 32 : index
          %swap3A_431 = tpu.vector_load %arg7[%swap3A_429, %swap3A_430] {strides = array<i32>} : memref<200x128xf32, #tpu.memory_space<vmem>>, vector<1x16xf32>,
          %swap3A_432 = vector.shape_cast %swap3A_431 : vector<1x16xf32> to vector<16xf32>
          %swap3A_433 = vector.shape_cast %add3A_428 : vector<16xf32> to vector<1x16xf32>
          tpu.vector_store %arg7[%swap3A_429, %swap3A_430], %swap3A_433 {add = true, strides = array<i32>} : memref<200x128xf32, #tpu.memory_space<vmem>>, vector<1x16xf32>,
          %add3A_434 = arith.constant 0 : i32
          %add3A_435 = arith.addi %mul3A_375, %add3A_434 : i32
          %add3A_436 = arith.constant 0 : i32
          %add3A_437 = arith.addi %mul3A_375, %add3A_436 : i32
          %get3A_438 = arith.index_cast %add3A_437 : i32 to index
          %get3A_439 = arith.constant 112 : index
          %get3A_440 = tpu.vector_load %arg8[%get3A_438, %get3A_439] {strides = array<i32>} : memref<200x128xf32, #tpu.memory_space<vmem>>, vector<1x16xf32>,
          %get3A_441 = vector.shape_cast %get3A_440 : vector<1x16xf32> to vector<16xf32>
          %add3A_442 = arith.constant 0 : i32
          %add3A_443 = arith.addi %mul3A_375, %add3A_442 : i32
          %get3A_444 = arith.index_cast %add3A_443 : i32 to index
          %get3A_445 = arith.constant 112 : index
          %get3A_446 = tpu.vector_load %arg9[%get3A_444, %get3A_445] {strides = array<i32>} : memref<200x128xf32, #tpu.memory_space<vmem>>, vector<1x16xf32>,
          %get3A_447 = vector.shape_cast %get3A_446 : vector<1x16xf32> to vector<16xf32>
          %add3A_448 = arith.addf %get3A_441, %get3A_447 : vector<16xf32>
          %swap3A_449 = arith.index_cast %add3A_435 : i32 to index
          %swap3A_450 = arith.constant 48 : index
          %swap3A_451 = tpu.vector_load %arg7[%swap3A_449, %swap3A_450] {strides = array<i32>} : memref<200x128xf32, #tpu.memory_space<vmem>>, vector<1x16xf32>,
          %swap3A_452 = vector.shape_cast %swap3A_451 : vector<1x16xf32> to vector<16xf32>
          %swap3A_453 = vector.shape_cast %add3A_448 : vector<16xf32> to vector<1x16xf32>
          tpu.vector_store %arg7[%swap3A_449, %swap3A_450], %swap3A_453 {add = true, strides = array<i32>} : memref<200x128xf32, #tpu.memory_space<vmem>>, vector<1x16xf32>,
          %add3A_454 = arith.constant 1 : i32
          %add3A_455 = arith.addi %mul3A_375, %add3A_454 : i32
          %add3A_456 = arith.constant 1 : i32
          %add3A_457 = arith.addi %mul3A_375, %add3A_456 : i32
          %get3A_458 = arith.index_cast %add3A_457 : i32 to index
          %get3A_459 = arith.constant 64 : index
          %get3A_460 = tpu.vector_load %arg8[%get3A_458, %get3A_459] {strides = array<i32>} : memref<200x128xf32, #tpu.memory_space<vmem>>, vector<1x16xf32>,
          %get3A_461 = vector.shape_cast %get3A_460 : vector<1x16xf32> to vector<16xf32>
          %add3A_462 = arith.constant 1 : i32
          %add3A_463 = arith.addi %mul3A_375, %add3A_462 : i32
          %get3A_464 = arith.index_cast %add3A_463 : i32 to index
          %get3A_465 = arith.constant 64 : index
          %get3A_466 = tpu.vector_load %arg9[%get3A_464, %get3A_465] {strides = array<i32>} : memref<200x128xf32, #tpu.memory_space<vmem>>, vector<1x16xf32>,
          %get3A_467 = vector.shape_cast %get3A_466 : vector<1x16xf32> to vector<16xf32>
          %add3A_468 = arith.addf %get3A_461, %get3A_467 : vector<16xf32>
          %swap3A_469 = arith.index_cast %add3A_455 : i32 to index
          %swap3A_470 = arith.constant 0 : index
          %swap3A_471 = tpu.vector_load %arg7[%swap3A_469, %swap3A_470] {strides = array<i32>} : memref<200x128xf32, #tpu.memory_space<vmem>>, vector<1x16xf32>,
          %swap3A_472 = vector.shape_cast %swap3A_471 : vector<1x16xf32> to vector<16xf32>
          %swap3A_473 = vector.shape_cast %add3A_468 : vector<16xf32> to vector<1x16xf32>
          tpu.vector_store %arg7[%swap3A_469, %swap3A_470], %swap3A_473 {add = true, strides = array<i32>} : memref<200x128xf32, #tpu.memory_space<vmem>>, vector<1x16xf32>,
          %add3A_474 = arith.constant 1 : i32
          %add3A_475 = arith.addi %mul3A_375, %add3A_474 : i32
          %add3A_476 = arith.constant 1 : i32
          %add3A_477 = arith.addi %mul3A_375, %add3A_476 : i32
          %get3A_478 = arith.index_cast %add3A_477 : i32 to index
          %get3A_479 = arith.constant 80 : index
          %get3A_480 = tpu.vector_load %arg8[%get3A_478, %get3A_479] {strides = array<i32>} : memref<200x128xf32, #tpu.memory_space<vmem>>, vector<1x16xf32>,
          %get3A_481 = vector.shape_cast %get3A_480 : vector<1x16xf32> to vector<16xf32>
          %add3A_482 = arith.constant 1 : i32
          %add3A_483 = arith.addi %mul3A_375, %add3A_482 : i32
          %get3A_484 = arith.index_cast %add3A_483 : i32 to index
          %get3A_485 = arith.constant 80 : index
          %get3A_486 = tpu.vector_load %arg9[%get3A_484, %get3A_485] {strides = array<i32>} : memref<200x128xf32, #tpu.memory_space<vmem>>, vector<1x16xf32>,
          %get3A_487 = vector.shape_cast %get3A_486 : vector<1x16xf32> to vector<16xf32>
          %add3A_488 = arith.addf %get3A_481, %get3A_487 : vector<16xf32>
          %swap3A_489 = arith.index_cast %add3A_475 : i32 to index
          %swap3A_490 = arith.constant 16 : index
          %swap3A_491 = tpu.vector_load %arg7[%swap3A_489, %swap3A_490] {strides = array<i32>} : memref<200x128xf32, #tpu.memory_space<vmem>>, vector<1x16xf32>,
          %swap3A_492 = vector.shape_cast %swap3A_491 : vector<1x16xf32> to vector<16xf32>
          %swap3A_493 = vector.shape_cast %add3A_488 : vector<16xf32> to vector<1x16xf32>
          tpu.vector_store %arg7[%swap3A_489, %swap3A_490], %swap3A_493 {add = true, strides = array<i32>} : memref<200x128xf32, #tpu.memory_space<vmem>>, vector<1x16xf32>,
          %add3A_494 = arith.constant 1 : i32
          %add3A_495 = arith.addi %mul3A_375, %add3A_494 : i32
          %add3A_496 = arith.constant 1 : i32
          %add3A_497 = arith.addi %mul3A_375, %add3A_496 : i32
          %get3A_498 = arith.index_cast %add3A_497 : i32 to index
          %get3A_499 = arith.constant 96 : index
          %get3A_500 = tpu.vector_load %arg8[%get3A_498, %get3A_499] {strides = array<i32>} : memref<200x128xf32, #tpu.memory_space<vmem>>, vector<1x16xf32>,
          %get3A_501 = vector.shape_cast %get3A_500 : vector<1x16xf32> to vector<16xf32>
          %add3A_502 = arith.constant 1 : i32
          %add3A_503 = arith.addi %mul3A_375, %add3A_502 : i32
          %get3A_504 = arith.index_cast %add3A_503 : i32 to index
          %get3A_505 = arith.constant 96 : index
          %get3A_506 = tpu.vector_load %arg9[%get3A_504, %get3A_505] {strides = array<i32>} : memref<200x128xf32, #tpu.memory_space<vmem>>, vector<1x16xf32>,
          %get3A_507 = vector.shape_cast %get3A_506 : vector<1x16xf32> to vector<16xf32>
          %add3A_508 = arith.addf %get3A_501, %get3A_507 : vector<16xf32>
          %swap3A_509 = arith.index_cast %add3A_495 : i32 to index
          %swap3A_510 = arith.constant 32 : index
          %swap3A_511 = tpu.vector_load %arg7[%swap3A_509, %swap3A_510] {strides = array<i32>} : memref<200x128xf32, #tpu.memory_space<vmem>>, vector<1x16xf32>,
          %swap3A_512 = vector.shape_cast %swap3A_511 : vector<1x16xf32> to vector<16xf32>
          %swap3A_513 = vector.shape_cast %add3A_508 : vector<16xf32> to vector<1x16xf32>
          tpu.vector_store %arg7[%swap3A_509, %swap3A_510], %swap3A_513 {add = true, strides = array<i32>} : memref<200x128xf32, #tpu.memory_space<vmem>>, vector<1x16xf32>,
          %add3A_514 = arith.constant 1 : i32
          %add3A_515 = arith.addi %mul3A_375, %add3A_514 : i32
          %add3A_516 = arith.constant 1 : i32
          %add3A_517 = arith.addi %mul3A_375, %add3A_516 : i32
          %get3A_518 = arith.index_cast %add3A_517 : i32 to index
          %get3A_519 = arith.constant 112 : index
          %get3A_520 = tpu.vector_load %arg8[%get3A_518, %get3A_519] {strides = array<i32>} : memref<200x128xf32, #tpu.memory_space<vmem>>, vector<1x16xf32>,
          %get3A_521 = vector.shape_cast %get3A_520 : vector<1x16xf32> to vector<16xf32>
          %add3A_522 = arith.constant 1 : i32
          %add3A_523 = arith.addi %mul3A_375, %add3A_522 : i32
          %get3A_524 = arith.index_cast %add3A_523 : i32 to index
          %get3A_525 = arith.constant 112 : index
          %get3A_526 = tpu.vector_load %arg9[%get3A_524, %get3A_525] {strides = array<i32>} : memref<200x128xf32, #tpu.memory_space<vmem>>, vector<1x16xf32>,
          %get3A_527 = vector.shape_cast %get3A_526 : vector<1x16xf32> to vector<16xf32>
          %add3A_528 = arith.addf %get3A_521, %get3A_527 : vector<16xf32>
          %swap3A_529 = arith.index_cast %add3A_515 : i32 to index
          %swap3A_530 = arith.constant 48 : index
          %swap3A_531 = tpu.vector_load %arg7[%swap3A_529, %swap3A_530] {strides = array<i32>} : memref<200x128xf32, #tpu.memory_space<vmem>>, vector<1x16xf32>,
          %swap3A_532 = vector.shape_cast %swap3A_531 : vector<1x16xf32> to vector<16xf32>
          %swap3A_533 = vector.shape_cast %add3A_528 : vector<16xf32> to vector<1x16xf32>
          tpu.vector_store %arg7[%swap3A_529, %swap3A_530], %swap3A_533 {add = true, strides = array<i32>} : memref<200x128xf32, #tpu.memory_space<vmem>>, vector<1x16xf32>,
          %add3A_534 = arith.constant 2 : i32
          %add3A_535 = arith.addi %mul3A_375, %add3A_534 : i32
          %add3A_536 = arith.constant 2 : i32
          %add3A_537 = arith.addi %mul3A_375, %add3A_536 : i32
          %get3A_538 = arith.index_cast %add3A_537 : i32 to index
          %get3A_539 = arith.constant 64 : index
          %get3A_540 = tpu.vector_load %arg8[%get3A_538, %get3A_539] {strides = array<i32>} : memref<200x128xf32, #tpu.memory_space<vmem>>, vector<1x16xf32>,
          %get3A_541 = vector.shape_cast %get3A_540 : vector<1x16xf32> to vector<16xf32>
          %add3A_542 = arith.constant 2 : i32
          %add3A_543 = arith.addi %mul3A_375, %add3A_542 : i32
          %get3A_544 = arith.index_cast %add3A_543 : i32 to index
          %get3A_545 = arith.constant 64 : index
          %get3A_546 = tpu.vector_load %arg9[%get3A_544, %get3A_545] {strides = array<i32>} : memref<200x128xf32, #tpu.memory_space<vmem>>, vector<1x16xf32>,
          %get3A_547 = vector.shape_cast %get3A_546 : vector<1x16xf32> to vector<16xf32>
          %add3A_548 = arith.addf %get3A_541, %get3A_547 : vector<16xf32>
          %swap3A_549 = arith.index_cast %add3A_535 : i32 to index
          %swap3A_550 = arith.constant 0 : index
          %swap3A_551 = tpu.vector_load %arg7[%swap3A_549, %swap3A_550] {strides = array<i32>} : memref<200x128xf32, #tpu.memory_space<vmem>>, vector<1x16xf32>,
          %swap3A_552 = vector.shape_cast %swap3A_551 : vector<1x16xf32> to vector<16xf32>
          %swap3A_553 = vector.shape_cast %add3A_548 : vector<16xf32> to vector<1x16xf32>
          tpu.vector_store %arg7[%swap3A_549, %swap3A_550], %swap3A_553 {add = true, strides = array<i32>} : memref<200x128xf32, #tpu.memory_space<vmem>>, vector<1x16xf32>,
          %add3A_554 = arith.constant 2 : i32
          %add3A_555 = arith.addi %mul3A_375, %add3A_554 : i32
          %add3A_556 = arith.constant 2 : i32
          %add3A_557 = arith.addi %mul3A_375, %add3A_556 : i32
          %get3A_558 = arith.index_cast %add3A_557 : i32 to index
          %get3A_559 = arith.constant 80 : index
          %get3A_560 = tpu.vector_load %arg8[%get3A_558, %get3A_559] {strides = array<i32>} : memref<200x128xf32, #tpu.memory_space<vmem>>, vector<1x16xf32>,
          %get3A_561 = vector.shape_cast %get3A_560 : vector<1x16xf32> to vector<16xf32>
          %add3A_562 = arith.constant 2 : i32
          %add3A_563 = arith.addi %mul3A_375, %add3A_562 : i32
          %get3A_564 = arith.index_cast %add3A_563 : i32 to index
          %get3A_565 = arith.constant 80 : index
          %get3A_566 = tpu.vector_load %arg9[%get3A_564, %get3A_565] {strides = array<i32>} : memref<200x128xf32, #tpu.memory_space<vmem>>, vector<1x16xf32>,
          %get3A_567 = vector.shape_cast %get3A_566 : vector<1x16xf32> to vector<16xf32>
          %add3A_568 = arith.addf %get3A_561, %get3A_567 : vector<16xf32>
          %swap3A_569 = arith.index_cast %add3A_555 : i32 to index
          %swap3A_570 = arith.constant 16 : index
          %swap3A_571 = tpu.vector_load %arg7[%swap3A_569, %swap3A_570] {strides = array<i32>} : memref<200x128xf32, #tpu.memory_space<vmem>>, vector<1x16xf32>,
          %swap3A_572 = vector.shape_cast %swap3A_571 : vector<1x16xf32> to vector<16xf32>
          %swap3A_573 = vector.shape_cast %add3A_568 : vector<16xf32> to vector<1x16xf32>
          tpu.vector_store %arg7[%swap3A_569, %swap3A_570], %swap3A_573 {add = true, strides = array<i32>} : memref<200x128xf32, #tpu.memory_space<vmem>>, vector<1x16xf32>,
          %add3A_574 = arith.constant 2 : i32
          %add3A_575 = arith.addi %mul3A_375, %add3A_574 : i32
          %add3A_576 = arith.constant 2 : i32
          %add3A_577 = arith.addi %mul3A_375, %add3A_576 : i32
          %get3A_578 = arith.index_cast %add3A_577 : i32 to index
          %get3A_579 = arith.constant 96 : index
          %get3A_580 = tpu.vector_load %arg8[%get3A_578, %get3A_579] {strides = array<i32>} : memref<200x128xf32, #tpu.memory_space<vmem>>, vector<1x16xf32>,
          %get3A_581 = vector.shape_cast %get3A_580 : vector<1x16xf32> to vector<16xf32>
          %add3A_582 = arith.constant 2 : i32
          %add3A_583 = arith.addi %mul3A_375, %add3A_582 : i32
          %get3A_584 = arith.index_cast %add3A_583 : i32 to index
          %get3A_585 = arith.constant 96 : index
          %get3A_586 = tpu.vector_load %arg9[%get3A_584, %get3A_585] {strides = array<i32>} : memref<200x128xf32, #tpu.memory_space<vmem>>, vector<1x16xf32>,
          %get3A_587 = vector.shape_cast %get3A_586 : vector<1x16xf32> to vector<16xf32>
          %add3A_588 = arith.addf %get3A_581, %get3A_587 : vector<16xf32>
          %swap3A_589 = arith.index_cast %add3A_575 : i32 to index
          %swap3A_590 = arith.constant 32 : index
          %swap3A_591 = tpu.vector_load %arg7[%swap3A_589, %swap3A_590] {strides = array<i32>} : memref<200x128xf32, #tpu.memory_space<vmem>>, vector<1x16xf32>,
          %swap3A_592 = vector.shape_cast %swap3A_591 : vector<1x16xf32> to vector<16xf32>
          %swap3A_593 = vector.shape_cast %add3A_588 : vector<16xf32> to vector<1x16xf32>
          tpu.vector_store %arg7[%swap3A_589, %swap3A_590], %swap3A_593 {add = true, strides = array<i32>} : memref<200x128xf32, #tpu.memory_space<vmem>>, vector<1x16xf32>,
          %add3A_594 = arith.constant 2 : i32
          %add3A_595 = arith.addi %mul3A_375, %add3A_594 : i32
          %add3A_596 = arith.constant 2 : i32
          %add3A_597 = arith.addi %mul3A_375, %add3A_596 : i32
          %get3A_598 = arith.index_cast %add3A_597 : i32 to index
          %get3A_599 = arith.constant 112 : index
          %get3A_600 = tpu.vector_load %arg8[%get3A_598, %get3A_599] {strides = array<i32>} : memref<200x128xf32, #tpu.memory_space<vmem>>, vector<1x16xf32>,
          %get3A_601 = vector.shape_cast %get3A_600 : vector<1x16xf32> to vector<16xf32>
          %add3A_602 = arith.constant 2 : i32
          %add3A_603 = arith.addi %mul3A_375, %add3A_602 : i32
          %get3A_604 = arith.index_cast %add3A_603 : i32 to index
          %get3A_605 = arith.constant 112 : index
          %get3A_606 = tpu.vector_load %arg9[%get3A_604, %get3A_605] {strides = array<i32>} : memref<200x128xf32, #tpu.memory_space<vmem>>, vector<1x16xf32>,
          %get3A_607 = vector.shape_cast %get3A_606 : vector<1x16xf32> to vector<16xf32>
          %add3A_608 = arith.addf %get3A_601, %get3A_607 : vector<16xf32>
          %swap3A_609 = arith.index_cast %add3A_595 : i32 to index
          %swap3A_610 = arith.constant 48 : index
          %swap3A_611 = tpu.vector_load %arg7[%swap3A_609, %swap3A_610] {strides = array<i32>} : memref<200x128xf32, #tpu.memory_space<vmem>>, vector<1x16xf32>,
          %swap3A_612 = vector.shape_cast %swap3A_611 : vector<1x16xf32> to vector<16xf32>
          %swap3A_613 = vector.shape_cast %add3A_608 : vector<16xf32> to vector<1x16xf32>
          tpu.vector_store %arg7[%swap3A_609, %swap3A_610], %swap3A_613 {add = true, strides = array<i32>} : memref<200x128xf32, #tpu.memory_space<vmem>>, vector<1x16xf32>,
          %add3A_614 = arith.constant 3 : i32
          %add3A_615 = arith.addi %mul3A_375, %add3A_614 : i32
          %add3A_616 = arith.constant 3 : i32
          %add3A_617 = arith.addi %mul3A_375, %add3A_616 : i32
          %get3A_618 = arith.index_cast %add3A_617 : i32 to index
          %get3A_619 = arith.constant 64 : index
          %get3A_620 = tpu.vector_load %arg8[%get3A_618, %get3A_619] {strides = array<i32>} : memref<200x128xf32, #tpu.memory_space<vmem>>, vector<1x16xf32>,
          %get3A_621 = vector.shape_cast %get3A_620 : vector<1x16xf32> to vector<16xf32>
          %add3A_622 = arith.constant 3 : i32
          %add3A_623 = arith.addi %mul3A_375, %add3A_622 : i32
          %get3A_624 = arith.index_cast %add3A_623 : i32 to index
          %get3A_625 = arith.constant 64 : index
          %get3A_626 = tpu.vector_load %arg9[%get3A_624, %get3A_625] {strides = array<i32>} : memref<200x128xf32, #tpu.memory_space<vmem>>, vector<1x16xf32>,
          %get3A_627 = vector.shape_cast %get3A_626 : vector<1x16xf32> to vector<16xf32>
          %add3A_628 = arith.addf %get3A_621, %get3A_627 : vector<16xf32>
          %swap3A_629 = arith.index_cast %add3A_615 : i32 to index
          %swap3A_630 = arith.constant 0 : index
          %swap3A_631 = tpu.vector_load %arg7[%swap3A_629, %swap3A_630] {strides = array<i32>} : memref<200x128xf32, #tpu.memory_space<vmem>>, vector<1x16xf32>,
          %swap3A_632 = vector.shape_cast %swap3A_631 : vector<1x16xf32> to vector<16xf32>
          %swap3A_633 = vector.shape_cast %add3A_628 : vector<16xf32> to vector<1x16xf32>
          tpu.vector_store %arg7[%swap3A_629, %swap3A_630], %swap3A_633 {add = true, strides = array<i32>} : memref<200x128xf32, #tpu.memory_space<vmem>>, vector<1x16xf32>,
          %add3A_634 = arith.constant 3 : i32
          %add3A_635 = arith.addi %mul3A_375, %add3A_634 : i32
          %add3A_636 = arith.constant 3 : i32
          %add3A_637 = arith.addi %mul3A_375, %add3A_636 : i32
          %get3A_638 = arith.index_cast %add3A_637 : i32 to index
          %get3A_639 = arith.constant 80 : index
          %get3A_640 = tpu.vector_load %arg8[%get3A_638, %get3A_639] {strides = array<i32>} : memref<200x128xf32, #tpu.memory_space<vmem>>, vector<1x16xf32>,
          %get3A_641 = vector.shape_cast %get3A_640 : vector<1x16xf32> to vector<16xf32>
          %add3A_642 = arith.constant 3 : i32
          %add3A_643 = arith.addi %mul3A_375, %add3A_642 : i32
          %get3A_644 = arith.index_cast %add3A_643 : i32 to index
          %get3A_645 = arith.constant 80 : index
          %get3A_646 = tpu.vector_load %arg9[%get3A_644, %get3A_645] {strides = array<i32>} : memref<200x128xf32, #tpu.memory_space<vmem>>, vector<1x16xf32>,
          %get3A_647 = vector.shape_cast %get3A_646 : vector<1x16xf32> to vector<16xf32>
          %add3A_648 = arith.addf %get3A_641, %get3A_647 : vector<16xf32>
          %swap3A_649 = arith.index_cast %add3A_635 : i32 to index
          %swap3A_650 = arith.constant 16 : index
          %swap3A_651 = tpu.vector_load %arg7[%swap3A_649, %swap3A_650] {strides = array<i32>} : memref<200x128xf32, #tpu.memory_space<vmem>>, vector<1x16xf32>,
          %swap3A_652 = vector.shape_cast %swap3A_651 : vector<1x16xf32> to vector<16xf32>
          %swap3A_653 = vector.shape_cast %add3A_648 : vector<16xf32> to vector<1x16xf32>
          tpu.vector_store %arg7[%swap3A_649, %swap3A_650], %swap3A_653 {add = true, strides = array<i32>} : memref<200x128xf32, #tpu.memory_space<vmem>>, vector<1x16xf32>,
          %add3A_654 = arith.constant 3 : i32
          %add3A_655 = arith.addi %mul3A_375, %add3A_654 : i32
          %add3A_656 = arith.constant 3 : i32
          %add3A_657 = arith.addi %mul3A_375, %add3A_656 : i32
          %get3A_658 = arith.index_cast %add3A_657 : i32 to index
          %get3A_659 = arith.constant 96 : index
          %get3A_660 = tpu.vector_load %arg8[%get3A_658, %get3A_659] {strides = array<i32>} : memref<200x128xf32, #tpu.memory_space<vmem>>, vector<1x16xf32>,
          %get3A_661 = vector.shape_cast %get3A_660 : vector<1x16xf32> to vector<16xf32>
          %add3A_662 = arith.constant 3 : i32
          %add3A_663 = arith.addi %mul3A_375, %add3A_662 : i32
          %get3A_664 = arith.index_cast %add3A_663 : i32 to index
          %get3A_665 = arith.constant 96 : index
          %get3A_666 = tpu.vector_load %arg9[%get3A_664, %get3A_665] {strides = array<i32>} : memref<200x128xf32, #tpu.memory_space<vmem>>, vector<1x16xf32>,
          %get3A_667 = vector.shape_cast %get3A_666 : vector<1x16xf32> to vector<16xf32>
          %add3A_668 = arith.addf %get3A_661, %get3A_667 : vector<16xf32>
          %swap3A_669 = arith.index_cast %add3A_655 : i32 to index
          %swap3A_670 = arith.constant 32 : index
          %swap3A_671 = tpu.vector_load %arg7[%swap3A_669, %swap3A_670] {strides = array<i32>} : memref<200x128xf32, #tpu.memory_space<vmem>>, vector<1x16xf32>,
          %swap3A_672 = vector.shape_cast %swap3A_671 : vector<1x16xf32> to vector<16xf32>
          %swap3A_673 = vector.shape_cast %add3A_668 : vector<16xf32> to vector<1x16xf32>
          tpu.vector_store %arg7[%swap3A_669, %swap3A_670], %swap3A_673 {add = true, strides = array<i32>} : memref<200x128xf32, #tpu.memory_space<vmem>>, vector<1x16xf32>,
          %add3A_674 = arith.constant 3 : i32
          %add3A_675 = arith.addi %mul3A_375, %add3A_674 : i32
          %add3A_676 = arith.constant 3 : i32
          %add3A_677 = arith.addi %mul3A_375, %add3A_676 : i32
          %get3A_678 = arith.index_cast %add3A_677 : i32 to index
          %get3A_679 = arith.constant 112 : index
          %get3A_680 = tpu.vector_load %arg8[%get3A_678, %get3A_679] {strides = array<i32>} : memref<200x128xf32, #tpu.memory_space<vmem>>, vector<1x16xf32>,
          %get3A_681 = vector.shape_cast %get3A_680 : vector<1x16xf32> to vector<16xf32>
          %add3A_682 = arith.constant 3 : i32
          %add3A_683 = arith.addi %mul3A_375, %add3A_682 : i32
          %get3A_684 = arith.index_cast %add3A_683 : i32 to index
          %get3A_685 = arith.constant 112 : index
          %get3A_686 = tpu.vector_load %arg9[%get3A_684, %get3A_685] {strides = array<i32>} : memref<200x128xf32, #tpu.memory_space<vmem>>, vector<1x16xf32>,
          %get3A_687 = vector.shape_cast %get3A_686 : vector<1x16xf32> to vector<16xf32>
          %add3A_688 = arith.addf %get3A_681, %get3A_687 : vector<16xf32>
          %swap3A_689 = arith.index_cast %add3A_675 : i32 to index
          %swap3A_690 = arith.constant 48 : index
          %swap3A_691 = tpu.vector_load %arg7[%swap3A_689, %swap3A_690] {strides = array<i32>} : memref<200x128xf32, #tpu.memory_space<vmem>>, vector<1x16xf32>,
          %swap3A_692 = vector.shape_cast %swap3A_691 : vector<1x16xf32> to vector<16xf32>
          %swap3A_693 = vector.shape_cast %add3A_688 : vector<16xf32> to vector<1x16xf32>
          tpu.vector_store %arg7[%swap3A_689, %swap3A_690], %swap3A_693 {add = true, strides = array<i32>} : memref<200x128xf32, #tpu.memory_space<vmem>>, vector<1x16xf32>,
        }
        %scan3A_368 = arith.constant 50 : i32
        %dma_start3A_369 = arith.constant 0 : i32
        %dma_start3A_370 = tpu.memref_slice %arg5[%mul3A_35, %dma_start3A_369] : memref<56000x128xf32, #tpu.memory_space<hbm>> -> memref<200x128xf32, #tpu.memory_space<hbm>>
        %dma_start3A_371 = arith.constant 0 : i32
        %dma_start3A_372 = tpu.memref_slice %arg5[%mul3A_35, %dma_start3A_371] : memref<56000x128xf32, #tpu.memory_space<hbm>> -> memref<200x128xf32, #tpu.memory_space<hbm>>
        tpu.enqueue_dma source(%arg7 : memref<200x128xf32, #tpu.memory_space<vmem>>) target(%dma_start3A_372 : memref<200x128xf32, #tpu.memory_space<hbm>>) target_semaphore(%arg12 : memref<!tpu.dma_semaphore, #tpu.memory_space<semaphore_mem>>)
      } else {
      }
    }
    %scan3A_9 = arith.constant 9 : i32
    %dma_wait3A = arith.constant 0 : i32
    %dma_wait3A_10 = arith.constant 0 : i32
    %dma_wait3A_11 = tpu.memref_slice %arg5[%dma_wait3A, %dma_wait3A_10] : memref<56000x128xf32, #tpu.memory_space<hbm>> -> memref<200x128xf32, #tpu.memory_space<hbm>>
    %dma_wait3A_12 = arith.constant 0 : i32
    %dma_wait3A_13 = arith.constant 0 : i32
    %dma_wait3A_14 = tpu.memref_slice %arg5[%dma_wait3A_12, %dma_wait3A_13] : memref<56000x128xf32, #tpu.memory_space<hbm>> -> memref<200x128xf32, #tpu.memory_space<hbm>>
    tpu.wait_dma2 semaphore(%arg12 : memref<!tpu.dma_semaphore, #tpu.memory_space<semaphore_mem>>) src(%arg7 : memref<200x128xf32, #tpu.memory_space<vmem>>) dst(%dma_wait3A_14 : memref<200x128xf32, #tpu.memory_space<hbm>>)
    return
  }
}

#map = affine_map<(d0, d1) -> (0, 0)>
module attributes {stable_mosaic.version = 14 : i64} {
  func.func @_sc_body(%arg0: i32, %arg1: i32, %arg2: memref<100000x128xf32, #tpu.memory_space<hbm>>, %arg3: memref<100000x128xf32, #tpu.memory_space<hbm>>, %arg4: memref<3x100000xi32, #tpu.memory_space<hbm>>, %arg5: memref<28000x128xf32, #tpu.memory_space<hbm>>, %arg6: memref<2x3x200xi32, #tpu.memory_space<vmem>>, %arg7: memref<200x128xf32, #tpu.memory_space<vmem>>, %arg8: memref<200x128xf32, #tpu.memory_space<vmem>>, %arg9: memref<200x128xf32, #tpu.memory_space<vmem>>, %arg10: memref<!tpu.dma_semaphore, #tpu.memory_space<semaphore_mem>>, %arg11: memref<!tpu.dma_semaphore, #tpu.memory_space<semaphore_mem>>, %arg12: memref<!tpu.dma_semaphore, #tpu.memory_space<semaphore_mem>>) attributes {dimension_semantics = [#tpu.dimension_semantics<core_parallel>, #tpu.dimension_semantics<subcore_parallel>], iteration_bounds = array<i64: 2, 16>, scalar_prefetch = 0 : i64, scratch_operands = 7 : i64, tpu.core_type = #tpu.core_type<sc_vector_subcore>, window_params = [{transform_indices = #map}, {transform_indices = #map}, {transform_indices = #map}, {transform_indices = #map}]} {
    %mul3A = arith.constant 2 : i32
    %mul3A_0 = arith.muli %arg1, %mul3A : i32
    %add3A = arith.addi %mul3A_0, %arg0 : i32
    %add3A_1 = arith.constant 0 : i32
    %add3A_2 = arith.addi %add3A, %add3A_1 : i32
    %lt3A = arith.constant 140 : i32
    %lt3A_3 = arith.cmpi slt, %add3A_2, %lt3A : i32
    %convert_element_type3A = arith.extui %lt3A_3 : i1 to i32
    %cond3A = arith.constant 0 : i32
    %cond3A_4 = arith.cmpi ne, %convert_element_type3A, %cond3A : i32
    scf.if %cond3A_4 {
      %mul3A_15 = arith.constant 200 : i32
      %mul3A_16 = arith.muli %add3A_2, %mul3A_15 : i32
      %add3A_17 = arith.constant 56000 : i32
      %add3A_18 = arith.addi %add3A_17, %mul3A_16 : i32
      %dma_start3A = arith.constant 0 : i32
      %dma_start3A_19 = arith.constant 0 : i32
      %dma_start3A_20 = arith.constant 0 : i32
      %dma_start3A_21 = tpu.memref_slice %arg6[%dma_start3A, %dma_start3A_19, %dma_start3A_20] : memref<2x3x200xi32, #tpu.memory_space<vmem>> -> memref<1x3x200xi32, #tpu.memory_space<vmem>>
      %dma_start3A_22 = tpu.memref_squeeze %dma_start3A_21 : memref<1x3x200xi32, #tpu.memory_space<vmem>> -> memref<3x200xi32, #tpu.memory_space<vmem>>
      %dma_start3A_23 = arith.constant 0 : i32
      %dma_start3A_24 = tpu.memref_slice %arg4[%dma_start3A_23, %add3A_18] : memref<3x100000xi32, #tpu.memory_space<hbm>> -> memref<3x200xi32, #tpu.memory_space<hbm>>
      %dma_start3A_25 = arith.constant 0 : i32
      %dma_start3A_26 = arith.constant 0 : i32
      %dma_start3A_27 = tpu.memref_slice %arg6[%dma_start3A, %dma_start3A_25, %dma_start3A_26] : memref<2x3x200xi32, #tpu.memory_space<vmem>> -> memref<1x3x200xi32, #tpu.memory_space<vmem>>
      %dma_start3A_28 = tpu.memref_squeeze %dma_start3A_27 : memref<1x3x200xi32, #tpu.memory_space<vmem>> -> memref<3x200xi32, #tpu.memory_space<vmem>>
      %dma_start3A_29 = arith.constant 0 : i32
      %dma_start3A_30 = tpu.memref_slice %arg4[%dma_start3A_29, %add3A_18] : memref<3x100000xi32, #tpu.memory_space<hbm>> -> memref<3x200xi32, #tpu.memory_space<hbm>>
      tpu.enqueue_dma source(%dma_start3A_30 : memref<3x200xi32, #tpu.memory_space<hbm>>) target(%dma_start3A_28 : memref<3x200xi32, #tpu.memory_space<vmem>>) target_semaphore(%arg10 : memref<!tpu.dma_semaphore, #tpu.memory_space<semaphore_mem>>)
    } else {
    }
    %scan3A = arith.constant 0 : i32
    %scan3A_5 = arith.constant 0 : i32
    %scan3A_6 = arith.constant 5 : i32
    %scan3A_7 = arith.addi %scan3A_5, %scan3A_6 : i32
    %scan3A_8 = arith.constant 1 : i32
    scf.for %scan3A_15 = %scan3A_5 to %scan3A_7 step %scan3A_8  : i32 {
      %mul3A_16 = arith.constant 32 : i32
      %mul3A_17 = arith.muli %mul3A_16, %scan3A_15 : i32
      %add3A_18 = arith.addi %add3A, %mul3A_17 : i32
      %jit3A = arith.constant 2 : i32
      %eq3A = arith.constant 0 : i32
      %eq3A_19 = arith.cmpi eq, %jit3A, %eq3A : i32
      %jit3A_20 = arith.constant 1 : i32
      %select_n3A = arith.select %eq3A_19, %jit3A_20, %jit3A : i32
      %rem3A = arith.remsi %scan3A_15, %select_n3A : i32
      %ne3A = arith.constant 0 : i32
      %ne3A_21 = arith.cmpi ne, %rem3A, %ne3A : i32
      %lt3A_22 = arith.constant 0 : i32
      %lt3A_23 = arith.cmpi slt, %rem3A, %lt3A_22 : i32
      %lt3A_24 = arith.constant 0 : i32
      %lt3A_25 = arith.cmpi slt, %select_n3A, %lt3A_24 : i32
      %ne3A_26 = arith.xori %lt3A_23, %lt3A_25 : i1
      %and3A = arith.andi %ne3A_26, %ne3A_21 : i1
      %add3A_27 = arith.addi %rem3A, %select_n3A : i32
      %select_n3A_28 = arith.select %and3A, %add3A_27, %rem3A : i32
      %lt3A_29 = arith.constant 140 : i32
      %lt3A_30 = arith.cmpi slt, %add3A_18, %lt3A_29 : i32
      %convert_element_type3A_31 = arith.extui %lt3A_30 : i1 to i32
      %cond3A_32 = arith.constant 0 : i32
      %cond3A_33 = arith.cmpi ne, %convert_element_type3A_31, %cond3A_32 : i32
      scf.if %cond3A_33 {
        %mul3A_34 = arith.constant 200 : i32
        %mul3A_35 = arith.muli %add3A_18, %mul3A_34 : i32
        %dma_wait3A_36 = arith.constant 0 : i32
        %dma_wait3A_37 = arith.constant 0 : i32
        %dma_wait3A_38 = tpu.memref_slice %arg6[%select_n3A_28, %dma_wait3A_36, %dma_wait3A_37] : memref<2x3x200xi32, #tpu.memory_space<vmem>> -> memref<1x3x200xi32, #tpu.memory_space<vmem>>
        %dma_wait3A_39 = tpu.memref_squeeze %dma_wait3A_38 : memref<1x3x200xi32, #tpu.memory_space<vmem>> -> memref<3x200xi32, #tpu.memory_space<vmem>>
        %dma_wait3A_40 = arith.constant 0 : i32
        %dma_wait3A_41 = arith.constant 0 : i32
        %dma_wait3A_42 = tpu.memref_slice %arg4[%dma_wait3A_40, %dma_wait3A_41] : memref<3x100000xi32, #tpu.memory_space<hbm>> -> memref<3x200xi32, #tpu.memory_space<hbm>>
        %dma_wait3A_43 = arith.constant 0 : i32
        %dma_wait3A_44 = arith.constant 0 : i32
        %dma_wait3A_45 = tpu.memref_slice %arg6[%select_n3A_28, %dma_wait3A_43, %dma_wait3A_44] : memref<2x3x200xi32, #tpu.memory_space<vmem>> -> memref<1x3x200xi32, #tpu.memory_space<vmem>>
        %dma_wait3A_46 = tpu.memref_squeeze %dma_wait3A_45 : memref<1x3x200xi32, #tpu.memory_space<vmem>> -> memref<3x200xi32, #tpu.memory_space<vmem>>
        %dma_wait3A_47 = arith.constant 0 : i32
        %dma_wait3A_48 = arith.constant 0 : i32
        %dma_wait3A_49 = tpu.memref_slice %arg4[%dma_wait3A_47, %dma_wait3A_48] : memref<3x100000xi32, #tpu.memory_space<hbm>> -> memref<3x200xi32, #tpu.memory_space<hbm>>
        tpu.wait_dma2 semaphore(%arg10 : memref<!tpu.dma_semaphore, #tpu.memory_space<semaphore_mem>>) src(%dma_wait3A_49 : memref<3x200xi32, #tpu.memory_space<hbm>>) dst(%dma_wait3A_46 : memref<3x200xi32, #tpu.memory_space<vmem>>)
        %gt3A = arith.constant 0 : i32
        %gt3A_50 = arith.cmpi sgt, %scan3A_15, %gt3A : i32
        %convert_element_type3A_51 = arith.extui %gt3A_50 : i1 to i32
        %cond3A_52 = arith.constant 0 : i32
        %cond3A_53 = arith.cmpi ne, %convert_element_type3A_51, %cond3A_52 : i32
        scf.if %cond3A_53 {
          %dma_wait3A_373 = arith.constant 0 : i32
          %dma_wait3A_374 = arith.constant 0 : i32
          %dma_wait3A_375 = tpu.memref_slice %arg5[%dma_wait3A_373, %dma_wait3A_374] : memref<28000x128xf32, #tpu.memory_space<hbm>> -> memref<200x128xf32, #tpu.memory_space<hbm>>
          %dma_wait3A_376 = arith.constant 0 : i32
          %dma_wait3A_377 = arith.constant 0 : i32
          %dma_wait3A_378 = tpu.memref_slice %arg5[%dma_wait3A_376, %dma_wait3A_377] : memref<28000x128xf32, #tpu.memory_space<hbm>> -> memref<200x128xf32, #tpu.memory_space<hbm>>
          tpu.wait_dma2 semaphore(%arg12 : memref<!tpu.dma_semaphore, #tpu.memory_space<semaphore_mem>>) src(%arg7 : memref<200x128xf32, #tpu.memory_space<vmem>>) dst(%dma_wait3A_378 : memref<200x128xf32, #tpu.memory_space<hbm>>)
        } else {
        }
        %dma_start3A = arith.constant 0 : i32
        %dma_start3A_54 = arith.constant 0 : i32
        %dma_start3A_55 = arith.constant 0 : i32
        %dma_start3A_56 = tpu.memref_slice %arg7[%dma_start3A_54, %dma_start3A_55] : memref<200x128xf32, #tpu.memory_space<vmem>> -> memref<40x128xf32, #tpu.memory_space<vmem>>
        %dma_start3A_57 = arith.constant 0 : i32
        %dma_start3A_58 = tpu.memref_slice %arg6[%select_n3A_28, %dma_start3A, %dma_start3A_57] : memref<2x3x200xi32, #tpu.memory_space<vmem>> -> memref<1x1x40xi32, #tpu.memory_space<vmem>>
        %dma_start3A_59 = tpu.memref_squeeze %dma_start3A_58 : memref<1x1x40xi32, #tpu.memory_space<vmem>> -> memref<40xi32, #tpu.memory_space<vmem>>
        %dma_start3A_60 = arith.constant 0 : i32
        %dma_start3A_61 = arith.constant 0 : i32
        %dma_start3A_62 = tpu.memref_slice %arg2[%dma_start3A_60, %dma_start3A_61] : memref<100000x128xf32, #tpu.memory_space<hbm>> -> memref<100000x128xf32, #tpu.memory_space<hbm>>
        tpu.enqueue_indirect_dma source(%dma_start3A_62 : memref<100000x128xf32, #tpu.memory_space<hbm>>) target(%dma_start3A_56 : memref<40x128xf32, #tpu.memory_space<vmem>>) offsets(%dma_start3A_59 : memref<40xi32, #tpu.memory_space<vmem>>) semaphore(%arg11 : memref<!tpu.dma_semaphore, #tpu.memory_space<semaphore_mem>>)
        %dma_start3A_63 = arith.constant 1 : i32
        %dma_start3A_64 = arith.constant 0 : i32
        %dma_start3A_65 = arith.constant 0 : i32
        %dma_start3A_66 = tpu.memref_slice %arg8[%dma_start3A_64, %dma_start3A_65] : memref<200x128xf32, #tpu.memory_space<vmem>> -> memref<40x128xf32, #tpu.memory_space<vmem>>
        %dma_start3A_67 = arith.constant 0 : i32
        %dma_start3A_68 = tpu.memref_slice %arg6[%select_n3A_28, %dma_start3A_63, %dma_start3A_67] : memref<2x3x200xi32, #tpu.memory_space<vmem>> -> memref<1x1x40xi32, #tpu.memory_space<vmem>>
        %dma_start3A_69 = tpu.memref_squeeze %dma_start3A_68 : memref<1x1x40xi32, #tpu.memory_space<vmem>> -> memref<40xi32, #tpu.memory_space<vmem>>
        %dma_start3A_70 = arith.constant 0 : i32
        %dma_start3A_71 = arith.constant 0 : i32
        %dma_start3A_72 = tpu.memref_slice %arg2[%dma_start3A_70, %dma_start3A_71] : memref<100000x128xf32, #tpu.memory_space<hbm>> -> memref<100000x128xf32, #tpu.memory_space<hbm>>
        tpu.enqueue_indirect_dma source(%dma_start3A_72 : memref<100000x128xf32, #tpu.memory_space<hbm>>) target(%dma_start3A_66 : memref<40x128xf32, #tpu.memory_space<vmem>>) offsets(%dma_start3A_69 : memref<40xi32, #tpu.memory_space<vmem>>) semaphore(%arg11 : memref<!tpu.dma_semaphore, #tpu.memory_space<semaphore_mem>>)
        %dma_start3A_73 = arith.constant 2 : i32
        %dma_start3A_74 = arith.constant 0 : i32
        %dma_start3A_75 = arith.constant 0 : i32
        %dma_start3A_76 = tpu.memref_slice %arg9[%dma_start3A_74, %dma_start3A_75] : memref<200x128xf32, #tpu.memory_space<vmem>> -> memref<40x128xf32, #tpu.memory_space<vmem>>
        %dma_start3A_77 = arith.constant 0 : i32
        %dma_start3A_78 = tpu.memref_slice %arg6[%select_n3A_28, %dma_start3A_73, %dma_start3A_77] : memref<2x3x200xi32, #tpu.memory_space<vmem>> -> memref<1x1x40xi32, #tpu.memory_space<vmem>>
        %dma_start3A_79 = tpu.memref_squeeze %dma_start3A_78 : memref<1x1x40xi32, #tpu.memory_space<vmem>> -> memref<40xi32, #tpu.memory_space<vmem>>
        %dma_start3A_80 = arith.constant 0 : i32
        %dma_start3A_81 = arith.constant 0 : i32
        %dma_start3A_82 = tpu.memref_slice %arg3[%dma_start3A_80, %dma_start3A_81] : memref<100000x128xf32, #tpu.memory_space<hbm>> -> memref<100000x128xf32, #tpu.memory_space<hbm>>
        tpu.enqueue_indirect_dma source(%dma_start3A_82 : memref<100000x128xf32, #tpu.memory_space<hbm>>) target(%dma_start3A_76 : memref<40x128xf32, #tpu.memory_space<vmem>>) offsets(%dma_start3A_79 : memref<40xi32, #tpu.memory_space<vmem>>) semaphore(%arg11 : memref<!tpu.dma_semaphore, #tpu.memory_space<semaphore_mem>>)
        %dma_start3A_83 = arith.constant 0 : i32
        %dma_start3A_84 = arith.constant 40 : i32
        %dma_start3A_85 = arith.constant 0 : i32
        %dma_start3A_86 = tpu.memref_slice %arg7[%dma_start3A_84, %dma_start3A_85] : memref<200x128xf32, #tpu.memory_space<vmem>> -> memref<40x128xf32, #tpu.memory_space<vmem>>
        %dma_start3A_87 = arith.constant 40 : i32
        %dma_start3A_88 = tpu.memref_slice %arg6[%select_n3A_28, %dma_start3A_83, %dma_start3A_87] : memref<2x3x200xi32, #tpu.memory_space<vmem>> -> memref<1x1x40xi32, #tpu.memory_space<vmem>>
        %dma_start3A_89 = tpu.memref_squeeze %dma_start3A_88 : memref<1x1x40xi32, #tpu.memory_space<vmem>> -> memref<40xi32, #tpu.memory_space<vmem>>
        %dma_start3A_90 = arith.constant 0 : i32
        %dma_start3A_91 = arith.constant 0 : i32
        %dma_start3A_92 = tpu.memref_slice %arg2[%dma_start3A_90, %dma_start3A_91] : memref<100000x128xf32, #tpu.memory_space<hbm>> -> memref<100000x128xf32, #tpu.memory_space<hbm>>
        tpu.enqueue_indirect_dma source(%dma_start3A_92 : memref<100000x128xf32, #tpu.memory_space<hbm>>) target(%dma_start3A_86 : memref<40x128xf32, #tpu.memory_space<vmem>>) offsets(%dma_start3A_89 : memref<40xi32, #tpu.memory_space<vmem>>) semaphore(%arg11 : memref<!tpu.dma_semaphore, #tpu.memory_space<semaphore_mem>>)
        %dma_start3A_93 = arith.constant 1 : i32
        %dma_start3A_94 = arith.constant 40 : i32
        %dma_start3A_95 = arith.constant 0 : i32
        %dma_start3A_96 = tpu.memref_slice %arg8[%dma_start3A_94, %dma_start3A_95] : memref<200x128xf32, #tpu.memory_space<vmem>> -> memref<40x128xf32, #tpu.memory_space<vmem>>
        %dma_start3A_97 = arith.constant 40 : i32
        %dma_start3A_98 = tpu.memref_slice %arg6[%select_n3A_28, %dma_start3A_93, %dma_start3A_97] : memref<2x3x200xi32, #tpu.memory_space<vmem>> -> memref<1x1x40xi32, #tpu.memory_space<vmem>>
        %dma_start3A_99 = tpu.memref_squeeze %dma_start3A_98 : memref<1x1x40xi32, #tpu.memory_space<vmem>> -> memref<40xi32, #tpu.memory_space<vmem>>
        %dma_start3A_100 = arith.constant 0 : i32
        %dma_start3A_101 = arith.constant 0 : i32
        %dma_start3A_102 = tpu.memref_slice %arg2[%dma_start3A_100, %dma_start3A_101] : memref<100000x128xf32, #tpu.memory_space<hbm>> -> memref<100000x128xf32, #tpu.memory_space<hbm>>
        tpu.enqueue_indirect_dma source(%dma_start3A_102 : memref<100000x128xf32, #tpu.memory_space<hbm>>) target(%dma_start3A_96 : memref<40x128xf32, #tpu.memory_space<vmem>>) offsets(%dma_start3A_99 : memref<40xi32, #tpu.memory_space<vmem>>) semaphore(%arg11 : memref<!tpu.dma_semaphore, #tpu.memory_space<semaphore_mem>>)
        %dma_start3A_103 = arith.constant 2 : i32
        %dma_start3A_104 = arith.constant 40 : i32
        %dma_start3A_105 = arith.constant 0 : i32
        %dma_start3A_106 = tpu.memref_slice %arg9[%dma_start3A_104, %dma_start3A_105] : memref<200x128xf32, #tpu.memory_space<vmem>> -> memref<40x128xf32, #tpu.memory_space<vmem>>
        %dma_start3A_107 = arith.constant 40 : i32
        %dma_start3A_108 = tpu.memref_slice %arg6[%select_n3A_28, %dma_start3A_103, %dma_start3A_107] : memref<2x3x200xi32, #tpu.memory_space<vmem>> -> memref<1x1x40xi32, #tpu.memory_space<vmem>>
        %dma_start3A_109 = tpu.memref_squeeze %dma_start3A_108 : memref<1x1x40xi32, #tpu.memory_space<vmem>> -> memref<40xi32, #tpu.memory_space<vmem>>
        %dma_start3A_110 = arith.constant 0 : i32
        %dma_start3A_111 = arith.constant 0 : i32
        %dma_start3A_112 = tpu.memref_slice %arg3[%dma_start3A_110, %dma_start3A_111] : memref<100000x128xf32, #tpu.memory_space<hbm>> -> memref<100000x128xf32, #tpu.memory_space<hbm>>
        tpu.enqueue_indirect_dma source(%dma_start3A_112 : memref<100000x128xf32, #tpu.memory_space<hbm>>) target(%dma_start3A_106 : memref<40x128xf32, #tpu.memory_space<vmem>>) offsets(%dma_start3A_109 : memref<40xi32, #tpu.memory_space<vmem>>) semaphore(%arg11 : memref<!tpu.dma_semaphore, #tpu.memory_space<semaphore_mem>>)
        %dma_start3A_113 = arith.constant 0 : i32
        %dma_start3A_114 = arith.constant 80 : i32
        %dma_start3A_115 = arith.constant 0 : i32
        %dma_start3A_116 = tpu.memref_slice %arg7[%dma_start3A_114, %dma_start3A_115] : memref<200x128xf32, #tpu.memory_space<vmem>> -> memref<40x128xf32, #tpu.memory_space<vmem>>
        %dma_start3A_117 = arith.constant 80 : i32
        %dma_start3A_118 = tpu.memref_slice %arg6[%select_n3A_28, %dma_start3A_113, %dma_start3A_117] : memref<2x3x200xi32, #tpu.memory_space<vmem>> -> memref<1x1x40xi32, #tpu.memory_space<vmem>>
        %dma_start3A_119 = tpu.memref_squeeze %dma_start3A_118 : memref<1x1x40xi32, #tpu.memory_space<vmem>> -> memref<40xi32, #tpu.memory_space<vmem>>
        %dma_start3A_120 = arith.constant 0 : i32
        %dma_start3A_121 = arith.constant 0 : i32
        %dma_start3A_122 = tpu.memref_slice %arg2[%dma_start3A_120, %dma_start3A_121] : memref<100000x128xf32, #tpu.memory_space<hbm>> -> memref<100000x128xf32, #tpu.memory_space<hbm>>
        tpu.enqueue_indirect_dma source(%dma_start3A_122 : memref<100000x128xf32, #tpu.memory_space<hbm>>) target(%dma_start3A_116 : memref<40x128xf32, #tpu.memory_space<vmem>>) offsets(%dma_start3A_119 : memref<40xi32, #tpu.memory_space<vmem>>) semaphore(%arg11 : memref<!tpu.dma_semaphore, #tpu.memory_space<semaphore_mem>>)
        %dma_start3A_123 = arith.constant 1 : i32
        %dma_start3A_124 = arith.constant 80 : i32
        %dma_start3A_125 = arith.constant 0 : i32
        %dma_start3A_126 = tpu.memref_slice %arg8[%dma_start3A_124, %dma_start3A_125] : memref<200x128xf32, #tpu.memory_space<vmem>> -> memref<40x128xf32, #tpu.memory_space<vmem>>
        %dma_start3A_127 = arith.constant 80 : i32
        %dma_start3A_128 = tpu.memref_slice %arg6[%select_n3A_28, %dma_start3A_123, %dma_start3A_127] : memref<2x3x200xi32, #tpu.memory_space<vmem>> -> memref<1x1x40xi32, #tpu.memory_space<vmem>>
        %dma_start3A_129 = tpu.memref_squeeze %dma_start3A_128 : memref<1x1x40xi32, #tpu.memory_space<vmem>> -> memref<40xi32, #tpu.memory_space<vmem>>
        %dma_start3A_130 = arith.constant 0 : i32
        %dma_start3A_131 = arith.constant 0 : i32
        %dma_start3A_132 = tpu.memref_slice %arg2[%dma_start3A_130, %dma_start3A_131] : memref<100000x128xf32, #tpu.memory_space<hbm>> -> memref<100000x128xf32, #tpu.memory_space<hbm>>
        tpu.enqueue_indirect_dma source(%dma_start3A_132 : memref<100000x128xf32, #tpu.memory_space<hbm>>) target(%dma_start3A_126 : memref<40x128xf32, #tpu.memory_space<vmem>>) offsets(%dma_start3A_129 : memref<40xi32, #tpu.memory_space<vmem>>) semaphore(%arg11 : memref<!tpu.dma_semaphore, #tpu.memory_space<semaphore_mem>>)
        %dma_start3A_133 = arith.constant 2 : i32
        %dma_start3A_134 = arith.constant 80 : i32
        %dma_start3A_135 = arith.constant 0 : i32
        %dma_start3A_136 = tpu.memref_slice %arg9[%dma_start3A_134, %dma_start3A_135] : memref<200x128xf32, #tpu.memory_space<vmem>> -> memref<40x128xf32, #tpu.memory_space<vmem>>
        %dma_start3A_137 = arith.constant 80 : i32
        %dma_start3A_138 = tpu.memref_slice %arg6[%select_n3A_28, %dma_start3A_133, %dma_start3A_137] : memref<2x3x200xi32, #tpu.memory_space<vmem>> -> memref<1x1x40xi32, #tpu.memory_space<vmem>>
        %dma_start3A_139 = tpu.memref_squeeze %dma_start3A_138 : memref<1x1x40xi32, #tpu.memory_space<vmem>> -> memref<40xi32, #tpu.memory_space<vmem>>
        %dma_start3A_140 = arith.constant 0 : i32
        %dma_start3A_141 = arith.constant 0 : i32
        %dma_start3A_142 = tpu.memref_slice %arg3[%dma_start3A_140, %dma_start3A_141] : memref<100000x128xf32, #tpu.memory_space<hbm>> -> memref<100000x128xf32, #tpu.memory_space<hbm>>
        tpu.enqueue_indirect_dma source(%dma_start3A_142 : memref<100000x128xf32, #tpu.memory_space<hbm>>) target(%dma_start3A_136 : memref<40x128xf32, #tpu.memory_space<vmem>>) offsets(%dma_start3A_139 : memref<40xi32, #tpu.memory_space<vmem>>) semaphore(%arg11 : memref<!tpu.dma_semaphore, #tpu.memory_space<semaphore_mem>>)
        %dma_start3A_143 = arith.constant 0 : i32
        %dma_start3A_144 = arith.constant 120 : i32
        %dma_start3A_145 = arith.constant 0 : i32
        %dma_start3A_146 = tpu.memref_slice %arg7[%dma_start3A_144, %dma_start3A_145] : memref<200x128xf32, #tpu.memory_space<vmem>> -> memref<40x128xf32, #tpu.memory_space<vmem>>
        %dma_start3A_147 = arith.constant 120 : i32
        %dma_start3A_148 = tpu.memref_slice %arg6[%select_n3A_28, %dma_start3A_143, %dma_start3A_147] : memref<2x3x200xi32, #tpu.memory_space<vmem>> -> memref<1x1x40xi32, #tpu.memory_space<vmem>>
        %dma_start3A_149 = tpu.memref_squeeze %dma_start3A_148 : memref<1x1x40xi32, #tpu.memory_space<vmem>> -> memref<40xi32, #tpu.memory_space<vmem>>
        %dma_start3A_150 = arith.constant 0 : i32
        %dma_start3A_151 = arith.constant 0 : i32
        %dma_start3A_152 = tpu.memref_slice %arg2[%dma_start3A_150, %dma_start3A_151] : memref<100000x128xf32, #tpu.memory_space<hbm>> -> memref<100000x128xf32, #tpu.memory_space<hbm>>
        tpu.enqueue_indirect_dma source(%dma_start3A_152 : memref<100000x128xf32, #tpu.memory_space<hbm>>) target(%dma_start3A_146 : memref<40x128xf32, #tpu.memory_space<vmem>>) offsets(%dma_start3A_149 : memref<40xi32, #tpu.memory_space<vmem>>) semaphore(%arg11 : memref<!tpu.dma_semaphore, #tpu.memory_space<semaphore_mem>>)
        %dma_start3A_153 = arith.constant 1 : i32
        %dma_start3A_154 = arith.constant 120 : i32
        %dma_start3A_155 = arith.constant 0 : i32
        %dma_start3A_156 = tpu.memref_slice %arg8[%dma_start3A_154, %dma_start3A_155] : memref<200x128xf32, #tpu.memory_space<vmem>> -> memref<40x128xf32, #tpu.memory_space<vmem>>
        %dma_start3A_157 = arith.constant 120 : i32
        %dma_start3A_158 = tpu.memref_slice %arg6[%select_n3A_28, %dma_start3A_153, %dma_start3A_157] : memref<2x3x200xi32, #tpu.memory_space<vmem>> -> memref<1x1x40xi32, #tpu.memory_space<vmem>>
        %dma_start3A_159 = tpu.memref_squeeze %dma_start3A_158 : memref<1x1x40xi32, #tpu.memory_space<vmem>> -> memref<40xi32, #tpu.memory_space<vmem>>
        %dma_start3A_160 = arith.constant 0 : i32
        %dma_start3A_161 = arith.constant 0 : i32
        %dma_start3A_162 = tpu.memref_slice %arg2[%dma_start3A_160, %dma_start3A_161] : memref<100000x128xf32, #tpu.memory_space<hbm>> -> memref<100000x128xf32, #tpu.memory_space<hbm>>
        tpu.enqueue_indirect_dma source(%dma_start3A_162 : memref<100000x128xf32, #tpu.memory_space<hbm>>) target(%dma_start3A_156 : memref<40x128xf32, #tpu.memory_space<vmem>>) offsets(%dma_start3A_159 : memref<40xi32, #tpu.memory_space<vmem>>) semaphore(%arg11 : memref<!tpu.dma_semaphore, #tpu.memory_space<semaphore_mem>>)
        %dma_start3A_163 = arith.constant 2 : i32
        %dma_start3A_164 = arith.constant 120 : i32
        %dma_start3A_165 = arith.constant 0 : i32
        %dma_start3A_166 = tpu.memref_slice %arg9[%dma_start3A_164, %dma_start3A_165] : memref<200x128xf32, #tpu.memory_space<vmem>> -> memref<40x128xf32, #tpu.memory_space<vmem>>
        %dma_start3A_167 = arith.constant 120 : i32
        %dma_start3A_168 = tpu.memref_slice %arg6[%select_n3A_28, %dma_start3A_163, %dma_start3A_167] : memref<2x3x200xi32, #tpu.memory_space<vmem>> -> memref<1x1x40xi32, #tpu.memory_space<vmem>>
        %dma_start3A_169 = tpu.memref_squeeze %dma_start3A_168 : memref<1x1x40xi32, #tpu.memory_space<vmem>> -> memref<40xi32, #tpu.memory_space<vmem>>
        %dma_start3A_170 = arith.constant 0 : i32
        %dma_start3A_171 = arith.constant 0 : i32
        %dma_start3A_172 = tpu.memref_slice %arg3[%dma_start3A_170, %dma_start3A_171] : memref<100000x128xf32, #tpu.memory_space<hbm>> -> memref<100000x128xf32, #tpu.memory_space<hbm>>
        tpu.enqueue_indirect_dma source(%dma_start3A_172 : memref<100000x128xf32, #tpu.memory_space<hbm>>) target(%dma_start3A_166 : memref<40x128xf32, #tpu.memory_space<vmem>>) offsets(%dma_start3A_169 : memref<40xi32, #tpu.memory_space<vmem>>) semaphore(%arg11 : memref<!tpu.dma_semaphore, #tpu.memory_space<semaphore_mem>>)
        %dma_start3A_173 = arith.constant 0 : i32
        %dma_start3A_174 = arith.constant 160 : i32
        %dma_start3A_175 = arith.constant 0 : i32
        %dma_start3A_176 = tpu.memref_slice %arg7[%dma_start3A_174, %dma_start3A_175] : memref<200x128xf32, #tpu.memory_space<vmem>> -> memref<40x128xf32, #tpu.memory_space<vmem>>
        %dma_start3A_177 = arith.constant 160 : i32
        %dma_start3A_178 = tpu.memref_slice %arg6[%select_n3A_28, %dma_start3A_173, %dma_start3A_177] : memref<2x3x200xi32, #tpu.memory_space<vmem>> -> memref<1x1x40xi32, #tpu.memory_space<vmem>>
        %dma_start3A_179 = tpu.memref_squeeze %dma_start3A_178 : memref<1x1x40xi32, #tpu.memory_space<vmem>> -> memref<40xi32, #tpu.memory_space<vmem>>
        %dma_start3A_180 = arith.constant 0 : i32
        %dma_start3A_181 = arith.constant 0 : i32
        %dma_start3A_182 = tpu.memref_slice %arg2[%dma_start3A_180, %dma_start3A_181] : memref<100000x128xf32, #tpu.memory_space<hbm>> -> memref<100000x128xf32, #tpu.memory_space<hbm>>
        tpu.enqueue_indirect_dma source(%dma_start3A_182 : memref<100000x128xf32, #tpu.memory_space<hbm>>) target(%dma_start3A_176 : memref<40x128xf32, #tpu.memory_space<vmem>>) offsets(%dma_start3A_179 : memref<40xi32, #tpu.memory_space<vmem>>) semaphore(%arg11 : memref<!tpu.dma_semaphore, #tpu.memory_space<semaphore_mem>>)
        %dma_start3A_183 = arith.constant 1 : i32
        %dma_start3A_184 = arith.constant 160 : i32
        %dma_start3A_185 = arith.constant 0 : i32
        %dma_start3A_186 = tpu.memref_slice %arg8[%dma_start3A_184, %dma_start3A_185] : memref<200x128xf32, #tpu.memory_space<vmem>> -> memref<40x128xf32, #tpu.memory_space<vmem>>
        %dma_start3A_187 = arith.constant 160 : i32
        %dma_start3A_188 = tpu.memref_slice %arg6[%select_n3A_28, %dma_start3A_183, %dma_start3A_187] : memref<2x3x200xi32, #tpu.memory_space<vmem>> -> memref<1x1x40xi32, #tpu.memory_space<vmem>>
        %dma_start3A_189 = tpu.memref_squeeze %dma_start3A_188 : memref<1x1x40xi32, #tpu.memory_space<vmem>> -> memref<40xi32, #tpu.memory_space<vmem>>
        %dma_start3A_190 = arith.constant 0 : i32
        %dma_start3A_191 = arith.constant 0 : i32
        %dma_start3A_192 = tpu.memref_slice %arg2[%dma_start3A_190, %dma_start3A_191] : memref<100000x128xf32, #tpu.memory_space<hbm>> -> memref<100000x128xf32, #tpu.memory_space<hbm>>
        tpu.enqueue_indirect_dma source(%dma_start3A_192 : memref<100000x128xf32, #tpu.memory_space<hbm>>) target(%dma_start3A_186 : memref<40x128xf32, #tpu.memory_space<vmem>>) offsets(%dma_start3A_189 : memref<40xi32, #tpu.memory_space<vmem>>) semaphore(%arg11 : memref<!tpu.dma_semaphore, #tpu.memory_space<semaphore_mem>>)
        %dma_start3A_193 = arith.constant 2 : i32
        %dma_start3A_194 = arith.constant 160 : i32
        %dma_start3A_195 = arith.constant 0 : i32
        %dma_start3A_196 = tpu.memref_slice %arg9[%dma_start3A_194, %dma_start3A_195] : memref<200x128xf32, #tpu.memory_space<vmem>> -> memref<40x128xf32, #tpu.memory_space<vmem>>
        %dma_start3A_197 = arith.constant 160 : i32
        %dma_start3A_198 = tpu.memref_slice %arg6[%select_n3A_28, %dma_start3A_193, %dma_start3A_197] : memref<2x3x200xi32, #tpu.memory_space<vmem>> -> memref<1x1x40xi32, #tpu.memory_space<vmem>>
        %dma_start3A_199 = tpu.memref_squeeze %dma_start3A_198 : memref<1x1x40xi32, #tpu.memory_space<vmem>> -> memref<40xi32, #tpu.memory_space<vmem>>
        %dma_start3A_200 = arith.constant 0 : i32
        %dma_start3A_201 = arith.constant 0 : i32
        %dma_start3A_202 = tpu.memref_slice %arg3[%dma_start3A_200, %dma_start3A_201] : memref<100000x128xf32, #tpu.memory_space<hbm>> -> memref<100000x128xf32, #tpu.memory_space<hbm>>
        tpu.enqueue_indirect_dma source(%dma_start3A_202 : memref<100000x128xf32, #tpu.memory_space<hbm>>) target(%dma_start3A_196 : memref<40x128xf32, #tpu.memory_space<vmem>>) offsets(%dma_start3A_199 : memref<40xi32, #tpu.memory_space<vmem>>) semaphore(%arg11 : memref<!tpu.dma_semaphore, #tpu.memory_space<semaphore_mem>>)
        %add3A_203 = arith.constant 1 : i32
        %add3A_204 = arith.addi %scan3A_15, %add3A_203 : i32
        %mul3A_205 = arith.constant 32 : i32
        %mul3A_206 = arith.muli %mul3A_205, %add3A_204 : i32
        %add3A_207 = arith.addi %add3A, %mul3A_206 : i32
        %lt3A_208 = arith.constant 140 : i32
        %lt3A_209 = arith.cmpi slt, %add3A_207, %lt3A_208 : i32
        %convert_element_type3A_210 = arith.extui %lt3A_209 : i1 to i32
        %cond3A_211 = arith.constant 0 : i32
        %cond3A_212 = arith.cmpi ne, %convert_element_type3A_210, %cond3A_211 : i32
        scf.if %cond3A_212 {
          %mul3A_373 = arith.constant 200 : i32
          %mul3A_374 = arith.muli %add3A_207, %mul3A_373 : i32
          %add3A_375 = arith.constant 56000 : i32
          %add3A_376 = arith.addi %add3A_375, %mul3A_374 : i32
          %jit3A_377 = arith.constant 2 : i32
          %eq3A_378 = arith.constant 0 : i32
          %eq3A_379 = arith.cmpi eq, %jit3A_377, %eq3A_378 : i32
          %jit3A_380 = arith.constant 1 : i32
          %select_n3A_381 = arith.select %eq3A_379, %jit3A_380, %jit3A_377 : i32
          %rem3A_382 = arith.remsi %add3A_204, %select_n3A_381 : i32
          %ne3A_383 = arith.constant 0 : i32
          %ne3A_384 = arith.cmpi ne, %rem3A_382, %ne3A_383 : i32
          %lt3A_385 = arith.constant 0 : i32
          %lt3A_386 = arith.cmpi slt, %rem3A_382, %lt3A_385 : i32
          %lt3A_387 = arith.constant 0 : i32
          %lt3A_388 = arith.cmpi slt, %select_n3A_381, %lt3A_387 : i32
          %ne3A_389 = arith.xori %lt3A_386, %lt3A_388 : i1
          %and3A_390 = arith.andi %ne3A_389, %ne3A_384 : i1
          %add3A_391 = arith.addi %rem3A_382, %select_n3A_381 : i32
          %select_n3A_392 = arith.select %and3A_390, %add3A_391, %rem3A_382 : i32
          %dma_start3A_393 = arith.constant 0 : i32
          %dma_start3A_394 = arith.constant 0 : i32
          %dma_start3A_395 = tpu.memref_slice %arg6[%select_n3A_392, %dma_start3A_393, %dma_start3A_394] : memref<2x3x200xi32, #tpu.memory_space<vmem>> -> memref<1x3x200xi32, #tpu.memory_space<vmem>>
          %dma_start3A_396 = tpu.memref_squeeze %dma_start3A_395 : memref<1x3x200xi32, #tpu.memory_space<vmem>> -> memref<3x200xi32, #tpu.memory_space<vmem>>
          %dma_start3A_397 = arith.constant 0 : i32
          %dma_start3A_398 = tpu.memref_slice %arg4[%dma_start3A_397, %add3A_376] : memref<3x100000xi32, #tpu.memory_space<hbm>> -> memref<3x200xi32, #tpu.memory_space<hbm>>
          %dma_start3A_399 = arith.constant 0 : i32
          %dma_start3A_400 = arith.constant 0 : i32
          %dma_start3A_401 = tpu.memref_slice %arg6[%select_n3A_392, %dma_start3A_399, %dma_start3A_400] : memref<2x3x200xi32, #tpu.memory_space<vmem>> -> memref<1x3x200xi32, #tpu.memory_space<vmem>>
          %dma_start3A_402 = tpu.memref_squeeze %dma_start3A_401 : memref<1x3x200xi32, #tpu.memory_space<vmem>> -> memref<3x200xi32, #tpu.memory_space<vmem>>
          %dma_start3A_403 = arith.constant 0 : i32
          %dma_start3A_404 = tpu.memref_slice %arg4[%dma_start3A_403, %add3A_376] : memref<3x100000xi32, #tpu.memory_space<hbm>> -> memref<3x200xi32, #tpu.memory_space<hbm>>
          tpu.enqueue_dma source(%dma_start3A_404 : memref<3x200xi32, #tpu.memory_space<hbm>>) target(%dma_start3A_402 : memref<3x200xi32, #tpu.memory_space<vmem>>) target_semaphore(%arg10 : memref<!tpu.dma_semaphore, #tpu.memory_space<semaphore_mem>>)
        } else {
        }
        %dma_wait3A_213 = arith.constant 0 : i32
        %dma_wait3A_214 = arith.constant 0 : i32
        %dma_wait3A_215 = arith.constant 0 : i32
        %dma_wait3A_216 = tpu.memref_slice %arg7[%dma_wait3A_214, %dma_wait3A_215] : memref<200x128xf32, #tpu.memory_space<vmem>> -> memref<40x128xf32, #tpu.memory_space<vmem>>
        %dma_wait3A_217 = arith.constant 0 : i32
        %dma_wait3A_218 = tpu.memref_slice %arg6[%select_n3A_28, %dma_wait3A_213, %dma_wait3A_217] : memref<2x3x200xi32, #tpu.memory_space<vmem>> -> memref<1x1x40xi32, #tpu.memory_space<vmem>>
        %dma_wait3A_219 = tpu.memref_squeeze %dma_wait3A_218 : memref<1x1x40xi32, #tpu.memory_space<vmem>> -> memref<40xi32, #tpu.memory_space<vmem>>
        %dma_wait3A_220 = arith.constant 0 : i32
        %dma_wait3A_221 = arith.constant 0 : i32
        %dma_wait3A_222 = tpu.memref_slice %arg2[%dma_wait3A_220, %dma_wait3A_221] : memref<100000x128xf32, #tpu.memory_space<hbm>> -> memref<100000x128xf32, #tpu.memory_space<hbm>>
        tpu.wait_indirect_dma semaphore(%arg11 : memref<!tpu.dma_semaphore, #tpu.memory_space<semaphore_mem>>) src(%dma_wait3A_222 : memref<100000x128xf32, #tpu.memory_space<hbm>>) dst(%dma_wait3A_216 : memref<40x128xf32, #tpu.memory_space<vmem>>)
        %dma_wait3A_223 = arith.constant 1 : i32
        %dma_wait3A_224 = arith.constant 0 : i32
        %dma_wait3A_225 = arith.constant 0 : i32
        %dma_wait3A_226 = tpu.memref_slice %arg8[%dma_wait3A_224, %dma_wait3A_225] : memref<200x128xf32, #tpu.memory_space<vmem>> -> memref<40x128xf32, #tpu.memory_space<vmem>>
        %dma_wait3A_227 = arith.constant 0 : i32
        %dma_wait3A_228 = tpu.memref_slice %arg6[%select_n3A_28, %dma_wait3A_223, %dma_wait3A_227] : memref<2x3x200xi32, #tpu.memory_space<vmem>> -> memref<1x1x40xi32, #tpu.memory_space<vmem>>
        %dma_wait3A_229 = tpu.memref_squeeze %dma_wait3A_228 : memref<1x1x40xi32, #tpu.memory_space<vmem>> -> memref<40xi32, #tpu.memory_space<vmem>>
        %dma_wait3A_230 = arith.constant 0 : i32
        %dma_wait3A_231 = arith.constant 0 : i32
        %dma_wait3A_232 = tpu.memref_slice %arg2[%dma_wait3A_230, %dma_wait3A_231] : memref<100000x128xf32, #tpu.memory_space<hbm>> -> memref<100000x128xf32, #tpu.memory_space<hbm>>
        tpu.wait_indirect_dma semaphore(%arg11 : memref<!tpu.dma_semaphore, #tpu.memory_space<semaphore_mem>>) src(%dma_wait3A_232 : memref<100000x128xf32, #tpu.memory_space<hbm>>) dst(%dma_wait3A_226 : memref<40x128xf32, #tpu.memory_space<vmem>>)
        %dma_wait3A_233 = arith.constant 2 : i32
        %dma_wait3A_234 = arith.constant 0 : i32
        %dma_wait3A_235 = arith.constant 0 : i32
        %dma_wait3A_236 = tpu.memref_slice %arg9[%dma_wait3A_234, %dma_wait3A_235] : memref<200x128xf32, #tpu.memory_space<vmem>> -> memref<40x128xf32, #tpu.memory_space<vmem>>
        %dma_wait3A_237 = arith.constant 0 : i32
        %dma_wait3A_238 = tpu.memref_slice %arg6[%select_n3A_28, %dma_wait3A_233, %dma_wait3A_237] : memref<2x3x200xi32, #tpu.memory_space<vmem>> -> memref<1x1x40xi32, #tpu.memory_space<vmem>>
        %dma_wait3A_239 = tpu.memref_squeeze %dma_wait3A_238 : memref<1x1x40xi32, #tpu.memory_space<vmem>> -> memref<40xi32, #tpu.memory_space<vmem>>
        %dma_wait3A_240 = arith.constant 0 : i32
        %dma_wait3A_241 = arith.constant 0 : i32
        %dma_wait3A_242 = tpu.memref_slice %arg3[%dma_wait3A_240, %dma_wait3A_241] : memref<100000x128xf32, #tpu.memory_space<hbm>> -> memref<100000x128xf32, #tpu.memory_space<hbm>>
        tpu.wait_indirect_dma semaphore(%arg11 : memref<!tpu.dma_semaphore, #tpu.memory_space<semaphore_mem>>) src(%dma_wait3A_242 : memref<100000x128xf32, #tpu.memory_space<hbm>>) dst(%dma_wait3A_236 : memref<40x128xf32, #tpu.memory_space<vmem>>)
        %dma_wait3A_243 = arith.constant 0 : i32
        %dma_wait3A_244 = arith.constant 40 : i32
        %dma_wait3A_245 = arith.constant 0 : i32
        %dma_wait3A_246 = tpu.memref_slice %arg7[%dma_wait3A_244, %dma_wait3A_245] : memref<200x128xf32, #tpu.memory_space<vmem>> -> memref<40x128xf32, #tpu.memory_space<vmem>>
        %dma_wait3A_247 = arith.constant 40 : i32
        %dma_wait3A_248 = tpu.memref_slice %arg6[%select_n3A_28, %dma_wait3A_243, %dma_wait3A_247] : memref<2x3x200xi32, #tpu.memory_space<vmem>> -> memref<1x1x40xi32, #tpu.memory_space<vmem>>
        %dma_wait3A_249 = tpu.memref_squeeze %dma_wait3A_248 : memref<1x1x40xi32, #tpu.memory_space<vmem>> -> memref<40xi32, #tpu.memory_space<vmem>>
        %dma_wait3A_250 = arith.constant 0 : i32
        %dma_wait3A_251 = arith.constant 0 : i32
        %dma_wait3A_252 = tpu.memref_slice %arg2[%dma_wait3A_250, %dma_wait3A_251] : memref<100000x128xf32, #tpu.memory_space<hbm>> -> memref<100000x128xf32, #tpu.memory_space<hbm>>
        tpu.wait_indirect_dma semaphore(%arg11 : memref<!tpu.dma_semaphore, #tpu.memory_space<semaphore_mem>>) src(%dma_wait3A_252 : memref<100000x128xf32, #tpu.memory_space<hbm>>) dst(%dma_wait3A_246 : memref<40x128xf32, #tpu.memory_space<vmem>>)
        %dma_wait3A_253 = arith.constant 1 : i32
        %dma_wait3A_254 = arith.constant 40 : i32
        %dma_wait3A_255 = arith.constant 0 : i32
        %dma_wait3A_256 = tpu.memref_slice %arg8[%dma_wait3A_254, %dma_wait3A_255] : memref<200x128xf32, #tpu.memory_space<vmem>> -> memref<40x128xf32, #tpu.memory_space<vmem>>
        %dma_wait3A_257 = arith.constant 40 : i32
        %dma_wait3A_258 = tpu.memref_slice %arg6[%select_n3A_28, %dma_wait3A_253, %dma_wait3A_257] : memref<2x3x200xi32, #tpu.memory_space<vmem>> -> memref<1x1x40xi32, #tpu.memory_space<vmem>>
        %dma_wait3A_259 = tpu.memref_squeeze %dma_wait3A_258 : memref<1x1x40xi32, #tpu.memory_space<vmem>> -> memref<40xi32, #tpu.memory_space<vmem>>
        %dma_wait3A_260 = arith.constant 0 : i32
        %dma_wait3A_261 = arith.constant 0 : i32
        %dma_wait3A_262 = tpu.memref_slice %arg2[%dma_wait3A_260, %dma_wait3A_261] : memref<100000x128xf32, #tpu.memory_space<hbm>> -> memref<100000x128xf32, #tpu.memory_space<hbm>>
        tpu.wait_indirect_dma semaphore(%arg11 : memref<!tpu.dma_semaphore, #tpu.memory_space<semaphore_mem>>) src(%dma_wait3A_262 : memref<100000x128xf32, #tpu.memory_space<hbm>>) dst(%dma_wait3A_256 : memref<40x128xf32, #tpu.memory_space<vmem>>)
        %dma_wait3A_263 = arith.constant 2 : i32
        %dma_wait3A_264 = arith.constant 40 : i32
        %dma_wait3A_265 = arith.constant 0 : i32
        %dma_wait3A_266 = tpu.memref_slice %arg9[%dma_wait3A_264, %dma_wait3A_265] : memref<200x128xf32, #tpu.memory_space<vmem>> -> memref<40x128xf32, #tpu.memory_space<vmem>>
        %dma_wait3A_267 = arith.constant 40 : i32
        %dma_wait3A_268 = tpu.memref_slice %arg6[%select_n3A_28, %dma_wait3A_263, %dma_wait3A_267] : memref<2x3x200xi32, #tpu.memory_space<vmem>> -> memref<1x1x40xi32, #tpu.memory_space<vmem>>
        %dma_wait3A_269 = tpu.memref_squeeze %dma_wait3A_268 : memref<1x1x40xi32, #tpu.memory_space<vmem>> -> memref<40xi32, #tpu.memory_space<vmem>>
        %dma_wait3A_270 = arith.constant 0 : i32
        %dma_wait3A_271 = arith.constant 0 : i32
        %dma_wait3A_272 = tpu.memref_slice %arg3[%dma_wait3A_270, %dma_wait3A_271] : memref<100000x128xf32, #tpu.memory_space<hbm>> -> memref<100000x128xf32, #tpu.memory_space<hbm>>
        tpu.wait_indirect_dma semaphore(%arg11 : memref<!tpu.dma_semaphore, #tpu.memory_space<semaphore_mem>>) src(%dma_wait3A_272 : memref<100000x128xf32, #tpu.memory_space<hbm>>) dst(%dma_wait3A_266 : memref<40x128xf32, #tpu.memory_space<vmem>>)
        %dma_wait3A_273 = arith.constant 0 : i32
        %dma_wait3A_274 = arith.constant 80 : i32
        %dma_wait3A_275 = arith.constant 0 : i32
        %dma_wait3A_276 = tpu.memref_slice %arg7[%dma_wait3A_274, %dma_wait3A_275] : memref<200x128xf32, #tpu.memory_space<vmem>> -> memref<40x128xf32, #tpu.memory_space<vmem>>
        %dma_wait3A_277 = arith.constant 80 : i32
        %dma_wait3A_278 = tpu.memref_slice %arg6[%select_n3A_28, %dma_wait3A_273, %dma_wait3A_277] : memref<2x3x200xi32, #tpu.memory_space<vmem>> -> memref<1x1x40xi32, #tpu.memory_space<vmem>>
        %dma_wait3A_279 = tpu.memref_squeeze %dma_wait3A_278 : memref<1x1x40xi32, #tpu.memory_space<vmem>> -> memref<40xi32, #tpu.memory_space<vmem>>
        %dma_wait3A_280 = arith.constant 0 : i32
        %dma_wait3A_281 = arith.constant 0 : i32
        %dma_wait3A_282 = tpu.memref_slice %arg2[%dma_wait3A_280, %dma_wait3A_281] : memref<100000x128xf32, #tpu.memory_space<hbm>> -> memref<100000x128xf32, #tpu.memory_space<hbm>>
        tpu.wait_indirect_dma semaphore(%arg11 : memref<!tpu.dma_semaphore, #tpu.memory_space<semaphore_mem>>) src(%dma_wait3A_282 : memref<100000x128xf32, #tpu.memory_space<hbm>>) dst(%dma_wait3A_276 : memref<40x128xf32, #tpu.memory_space<vmem>>)
        %dma_wait3A_283 = arith.constant 1 : i32
        %dma_wait3A_284 = arith.constant 80 : i32
        %dma_wait3A_285 = arith.constant 0 : i32
        %dma_wait3A_286 = tpu.memref_slice %arg8[%dma_wait3A_284, %dma_wait3A_285] : memref<200x128xf32, #tpu.memory_space<vmem>> -> memref<40x128xf32, #tpu.memory_space<vmem>>
        %dma_wait3A_287 = arith.constant 80 : i32
        %dma_wait3A_288 = tpu.memref_slice %arg6[%select_n3A_28, %dma_wait3A_283, %dma_wait3A_287] : memref<2x3x200xi32, #tpu.memory_space<vmem>> -> memref<1x1x40xi32, #tpu.memory_space<vmem>>
        %dma_wait3A_289 = tpu.memref_squeeze %dma_wait3A_288 : memref<1x1x40xi32, #tpu.memory_space<vmem>> -> memref<40xi32, #tpu.memory_space<vmem>>
        %dma_wait3A_290 = arith.constant 0 : i32
        %dma_wait3A_291 = arith.constant 0 : i32
        %dma_wait3A_292 = tpu.memref_slice %arg2[%dma_wait3A_290, %dma_wait3A_291] : memref<100000x128xf32, #tpu.memory_space<hbm>> -> memref<100000x128xf32, #tpu.memory_space<hbm>>
        tpu.wait_indirect_dma semaphore(%arg11 : memref<!tpu.dma_semaphore, #tpu.memory_space<semaphore_mem>>) src(%dma_wait3A_292 : memref<100000x128xf32, #tpu.memory_space<hbm>>) dst(%dma_wait3A_286 : memref<40x128xf32, #tpu.memory_space<vmem>>)
        %dma_wait3A_293 = arith.constant 2 : i32
        %dma_wait3A_294 = arith.constant 80 : i32
        %dma_wait3A_295 = arith.constant 0 : i32
        %dma_wait3A_296 = tpu.memref_slice %arg9[%dma_wait3A_294, %dma_wait3A_295] : memref<200x128xf32, #tpu.memory_space<vmem>> -> memref<40x128xf32, #tpu.memory_space<vmem>>
        %dma_wait3A_297 = arith.constant 80 : i32
        %dma_wait3A_298 = tpu.memref_slice %arg6[%select_n3A_28, %dma_wait3A_293, %dma_wait3A_297] : memref<2x3x200xi32, #tpu.memory_space<vmem>> -> memref<1x1x40xi32, #tpu.memory_space<vmem>>
        %dma_wait3A_299 = tpu.memref_squeeze %dma_wait3A_298 : memref<1x1x40xi32, #tpu.memory_space<vmem>> -> memref<40xi32, #tpu.memory_space<vmem>>
        %dma_wait3A_300 = arith.constant 0 : i32
        %dma_wait3A_301 = arith.constant 0 : i32
        %dma_wait3A_302 = tpu.memref_slice %arg3[%dma_wait3A_300, %dma_wait3A_301] : memref<100000x128xf32, #tpu.memory_space<hbm>> -> memref<100000x128xf32, #tpu.memory_space<hbm>>
        tpu.wait_indirect_dma semaphore(%arg11 : memref<!tpu.dma_semaphore, #tpu.memory_space<semaphore_mem>>) src(%dma_wait3A_302 : memref<100000x128xf32, #tpu.memory_space<hbm>>) dst(%dma_wait3A_296 : memref<40x128xf32, #tpu.memory_space<vmem>>)
        %dma_wait3A_303 = arith.constant 0 : i32
        %dma_wait3A_304 = arith.constant 120 : i32
        %dma_wait3A_305 = arith.constant 0 : i32
        %dma_wait3A_306 = tpu.memref_slice %arg7[%dma_wait3A_304, %dma_wait3A_305] : memref<200x128xf32, #tpu.memory_space<vmem>> -> memref<40x128xf32, #tpu.memory_space<vmem>>
        %dma_wait3A_307 = arith.constant 120 : i32
        %dma_wait3A_308 = tpu.memref_slice %arg6[%select_n3A_28, %dma_wait3A_303, %dma_wait3A_307] : memref<2x3x200xi32, #tpu.memory_space<vmem>> -> memref<1x1x40xi32, #tpu.memory_space<vmem>>
        %dma_wait3A_309 = tpu.memref_squeeze %dma_wait3A_308 : memref<1x1x40xi32, #tpu.memory_space<vmem>> -> memref<40xi32, #tpu.memory_space<vmem>>
        %dma_wait3A_310 = arith.constant 0 : i32
        %dma_wait3A_311 = arith.constant 0 : i32
        %dma_wait3A_312 = tpu.memref_slice %arg2[%dma_wait3A_310, %dma_wait3A_311] : memref<100000x128xf32, #tpu.memory_space<hbm>> -> memref<100000x128xf32, #tpu.memory_space<hbm>>
        tpu.wait_indirect_dma semaphore(%arg11 : memref<!tpu.dma_semaphore, #tpu.memory_space<semaphore_mem>>) src(%dma_wait3A_312 : memref<100000x128xf32, #tpu.memory_space<hbm>>) dst(%dma_wait3A_306 : memref<40x128xf32, #tpu.memory_space<vmem>>)
        %dma_wait3A_313 = arith.constant 1 : i32
        %dma_wait3A_314 = arith.constant 120 : i32
        %dma_wait3A_315 = arith.constant 0 : i32
        %dma_wait3A_316 = tpu.memref_slice %arg8[%dma_wait3A_314, %dma_wait3A_315] : memref<200x128xf32, #tpu.memory_space<vmem>> -> memref<40x128xf32, #tpu.memory_space<vmem>>
        %dma_wait3A_317 = arith.constant 120 : i32
        %dma_wait3A_318 = tpu.memref_slice %arg6[%select_n3A_28, %dma_wait3A_313, %dma_wait3A_317] : memref<2x3x200xi32, #tpu.memory_space<vmem>> -> memref<1x1x40xi32, #tpu.memory_space<vmem>>
        %dma_wait3A_319 = tpu.memref_squeeze %dma_wait3A_318 : memref<1x1x40xi32, #tpu.memory_space<vmem>> -> memref<40xi32, #tpu.memory_space<vmem>>
        %dma_wait3A_320 = arith.constant 0 : i32
        %dma_wait3A_321 = arith.constant 0 : i32
        %dma_wait3A_322 = tpu.memref_slice %arg2[%dma_wait3A_320, %dma_wait3A_321] : memref<100000x128xf32, #tpu.memory_space<hbm>> -> memref<100000x128xf32, #tpu.memory_space<hbm>>
        tpu.wait_indirect_dma semaphore(%arg11 : memref<!tpu.dma_semaphore, #tpu.memory_space<semaphore_mem>>) src(%dma_wait3A_322 : memref<100000x128xf32, #tpu.memory_space<hbm>>) dst(%dma_wait3A_316 : memref<40x128xf32, #tpu.memory_space<vmem>>)
        %dma_wait3A_323 = arith.constant 2 : i32
        %dma_wait3A_324 = arith.constant 120 : i32
        %dma_wait3A_325 = arith.constant 0 : i32
        %dma_wait3A_326 = tpu.memref_slice %arg9[%dma_wait3A_324, %dma_wait3A_325] : memref<200x128xf32, #tpu.memory_space<vmem>> -> memref<40x128xf32, #tpu.memory_space<vmem>>
        %dma_wait3A_327 = arith.constant 120 : i32
        %dma_wait3A_328 = tpu.memref_slice %arg6[%select_n3A_28, %dma_wait3A_323, %dma_wait3A_327] : memref<2x3x200xi32, #tpu.memory_space<vmem>> -> memref<1x1x40xi32, #tpu.memory_space<vmem>>
        %dma_wait3A_329 = tpu.memref_squeeze %dma_wait3A_328 : memref<1x1x40xi32, #tpu.memory_space<vmem>> -> memref<40xi32, #tpu.memory_space<vmem>>
        %dma_wait3A_330 = arith.constant 0 : i32
        %dma_wait3A_331 = arith.constant 0 : i32
        %dma_wait3A_332 = tpu.memref_slice %arg3[%dma_wait3A_330, %dma_wait3A_331] : memref<100000x128xf32, #tpu.memory_space<hbm>> -> memref<100000x128xf32, #tpu.memory_space<hbm>>
        tpu.wait_indirect_dma semaphore(%arg11 : memref<!tpu.dma_semaphore, #tpu.memory_space<semaphore_mem>>) src(%dma_wait3A_332 : memref<100000x128xf32, #tpu.memory_space<hbm>>) dst(%dma_wait3A_326 : memref<40x128xf32, #tpu.memory_space<vmem>>)
        %dma_wait3A_333 = arith.constant 0 : i32
        %dma_wait3A_334 = arith.constant 160 : i32
        %dma_wait3A_335 = arith.constant 0 : i32
        %dma_wait3A_336 = tpu.memref_slice %arg7[%dma_wait3A_334, %dma_wait3A_335] : memref<200x128xf32, #tpu.memory_space<vmem>> -> memref<40x128xf32, #tpu.memory_space<vmem>>
        %dma_wait3A_337 = arith.constant 160 : i32
        %dma_wait3A_338 = tpu.memref_slice %arg6[%select_n3A_28, %dma_wait3A_333, %dma_wait3A_337] : memref<2x3x200xi32, #tpu.memory_space<vmem>> -> memref<1x1x40xi32, #tpu.memory_space<vmem>>
        %dma_wait3A_339 = tpu.memref_squeeze %dma_wait3A_338 : memref<1x1x40xi32, #tpu.memory_space<vmem>> -> memref<40xi32, #tpu.memory_space<vmem>>
        %dma_wait3A_340 = arith.constant 0 : i32
        %dma_wait3A_341 = arith.constant 0 : i32
        %dma_wait3A_342 = tpu.memref_slice %arg2[%dma_wait3A_340, %dma_wait3A_341] : memref<100000x128xf32, #tpu.memory_space<hbm>> -> memref<100000x128xf32, #tpu.memory_space<hbm>>
        tpu.wait_indirect_dma semaphore(%arg11 : memref<!tpu.dma_semaphore, #tpu.memory_space<semaphore_mem>>) src(%dma_wait3A_342 : memref<100000x128xf32, #tpu.memory_space<hbm>>) dst(%dma_wait3A_336 : memref<40x128xf32, #tpu.memory_space<vmem>>)
        %dma_wait3A_343 = arith.constant 1 : i32
        %dma_wait3A_344 = arith.constant 160 : i32
        %dma_wait3A_345 = arith.constant 0 : i32
        %dma_wait3A_346 = tpu.memref_slice %arg8[%dma_wait3A_344, %dma_wait3A_345] : memref<200x128xf32, #tpu.memory_space<vmem>> -> memref<40x128xf32, #tpu.memory_space<vmem>>
        %dma_wait3A_347 = arith.constant 160 : i32
        %dma_wait3A_348 = tpu.memref_slice %arg6[%select_n3A_28, %dma_wait3A_343, %dma_wait3A_347] : memref<2x3x200xi32, #tpu.memory_space<vmem>> -> memref<1x1x40xi32, #tpu.memory_space<vmem>>
        %dma_wait3A_349 = tpu.memref_squeeze %dma_wait3A_348 : memref<1x1x40xi32, #tpu.memory_space<vmem>> -> memref<40xi32, #tpu.memory_space<vmem>>
        %dma_wait3A_350 = arith.constant 0 : i32
        %dma_wait3A_351 = arith.constant 0 : i32
        %dma_wait3A_352 = tpu.memref_slice %arg2[%dma_wait3A_350, %dma_wait3A_351] : memref<100000x128xf32, #tpu.memory_space<hbm>> -> memref<100000x128xf32, #tpu.memory_space<hbm>>
        tpu.wait_indirect_dma semaphore(%arg11 : memref<!tpu.dma_semaphore, #tpu.memory_space<semaphore_mem>>) src(%dma_wait3A_352 : memref<100000x128xf32, #tpu.memory_space<hbm>>) dst(%dma_wait3A_346 : memref<40x128xf32, #tpu.memory_space<vmem>>)
        %dma_wait3A_353 = arith.constant 2 : i32
        %dma_wait3A_354 = arith.constant 160 : i32
        %dma_wait3A_355 = arith.constant 0 : i32
        %dma_wait3A_356 = tpu.memref_slice %arg9[%dma_wait3A_354, %dma_wait3A_355] : memref<200x128xf32, #tpu.memory_space<vmem>> -> memref<40x128xf32, #tpu.memory_space<vmem>>
        %dma_wait3A_357 = arith.constant 160 : i32
        %dma_wait3A_358 = tpu.memref_slice %arg6[%select_n3A_28, %dma_wait3A_353, %dma_wait3A_357] : memref<2x3x200xi32, #tpu.memory_space<vmem>> -> memref<1x1x40xi32, #tpu.memory_space<vmem>>
        %dma_wait3A_359 = tpu.memref_squeeze %dma_wait3A_358 : memref<1x1x40xi32, #tpu.memory_space<vmem>> -> memref<40xi32, #tpu.memory_space<vmem>>
        %dma_wait3A_360 = arith.constant 0 : i32
        %dma_wait3A_361 = arith.constant 0 : i32
        %dma_wait3A_362 = tpu.memref_slice %arg3[%dma_wait3A_360, %dma_wait3A_361] : memref<100000x128xf32, #tpu.memory_space<hbm>> -> memref<100000x128xf32, #tpu.memory_space<hbm>>
        tpu.wait_indirect_dma semaphore(%arg11 : memref<!tpu.dma_semaphore, #tpu.memory_space<semaphore_mem>>) src(%dma_wait3A_362 : memref<100000x128xf32, #tpu.memory_space<hbm>>) dst(%dma_wait3A_356 : memref<40x128xf32, #tpu.memory_space<vmem>>)
        %scan3A_363 = arith.constant 0 : i32
        %scan3A_364 = arith.constant 0 : i32
        %scan3A_365 = arith.constant 50 : i32
        %scan3A_366 = arith.addi %scan3A_364, %scan3A_365 : i32
        %scan3A_367 = arith.constant 1 : i32
        scf.for %scan3A_373 = %scan3A_364 to %scan3A_366 step %scan3A_367  : i32 {
          %mul3A_374 = arith.constant 4 : i32
          %mul3A_375 = arith.muli %scan3A_373, %mul3A_374 : i32
          %add3A_376 = arith.constant 0 : i32
          %add3A_377 = arith.addi %mul3A_375, %add3A_376 : i32
          %add3A_378 = arith.constant 0 : i32
          %add3A_379 = arith.addi %mul3A_375, %add3A_378 : i32
          %get3A = arith.index_cast %add3A_379 : i32 to index
          %get3A_380 = arith.constant 64 : index
          %get3A_381 = tpu.vector_load %arg8[%get3A, %get3A_380] {strides = array<i32>} : memref<200x128xf32, #tpu.memory_space<vmem>>, vector<1x16xf32>,
          %get3A_382 = vector.shape_cast %get3A_381 : vector<1x16xf32> to vector<16xf32>
          %add3A_383 = arith.constant 0 : i32
          %add3A_384 = arith.addi %mul3A_375, %add3A_383 : i32
          %get3A_385 = arith.index_cast %add3A_384 : i32 to index
          %get3A_386 = arith.constant 64 : index
          %get3A_387 = tpu.vector_load %arg9[%get3A_385, %get3A_386] {strides = array<i32>} : memref<200x128xf32, #tpu.memory_space<vmem>>, vector<1x16xf32>,
          %get3A_388 = vector.shape_cast %get3A_387 : vector<1x16xf32> to vector<16xf32>
          %add3A_389 = arith.addf %get3A_382, %get3A_388 : vector<16xf32>
          %swap3A = arith.index_cast %add3A_377 : i32 to index
          %swap3A_390 = arith.constant 0 : index
          %swap3A_391 = tpu.vector_load %arg7[%swap3A, %swap3A_390] {strides = array<i32>} : memref<200x128xf32, #tpu.memory_space<vmem>>, vector<1x16xf32>,
          %swap3A_392 = vector.shape_cast %swap3A_391 : vector<1x16xf32> to vector<16xf32>
          %swap3A_393 = vector.shape_cast %add3A_389 : vector<16xf32> to vector<1x16xf32>
          tpu.vector_store %arg7[%swap3A, %swap3A_390], %swap3A_393 {add = true, strides = array<i32>} : memref<200x128xf32, #tpu.memory_space<vmem>>, vector<1x16xf32>,
          %add3A_394 = arith.constant 0 : i32
          %add3A_395 = arith.addi %mul3A_375, %add3A_394 : i32
          %add3A_396 = arith.constant 0 : i32
          %add3A_397 = arith.addi %mul3A_375, %add3A_396 : i32
          %get3A_398 = arith.index_cast %add3A_397 : i32 to index
          %get3A_399 = arith.constant 80 : index
          %get3A_400 = tpu.vector_load %arg8[%get3A_398, %get3A_399] {strides = array<i32>} : memref<200x128xf32, #tpu.memory_space<vmem>>, vector<1x16xf32>,
          %get3A_401 = vector.shape_cast %get3A_400 : vector<1x16xf32> to vector<16xf32>
          %add3A_402 = arith.constant 0 : i32
          %add3A_403 = arith.addi %mul3A_375, %add3A_402 : i32
          %get3A_404 = arith.index_cast %add3A_403 : i32 to index
          %get3A_405 = arith.constant 80 : index
          %get3A_406 = tpu.vector_load %arg9[%get3A_404, %get3A_405] {strides = array<i32>} : memref<200x128xf32, #tpu.memory_space<vmem>>, vector<1x16xf32>,
          %get3A_407 = vector.shape_cast %get3A_406 : vector<1x16xf32> to vector<16xf32>
          %add3A_408 = arith.addf %get3A_401, %get3A_407 : vector<16xf32>
          %swap3A_409 = arith.index_cast %add3A_395 : i32 to index
          %swap3A_410 = arith.constant 16 : index
          %swap3A_411 = tpu.vector_load %arg7[%swap3A_409, %swap3A_410] {strides = array<i32>} : memref<200x128xf32, #tpu.memory_space<vmem>>, vector<1x16xf32>,
          %swap3A_412 = vector.shape_cast %swap3A_411 : vector<1x16xf32> to vector<16xf32>
          %swap3A_413 = vector.shape_cast %add3A_408 : vector<16xf32> to vector<1x16xf32>
          tpu.vector_store %arg7[%swap3A_409, %swap3A_410], %swap3A_413 {add = true, strides = array<i32>} : memref<200x128xf32, #tpu.memory_space<vmem>>, vector<1x16xf32>,
          %add3A_414 = arith.constant 0 : i32
          %add3A_415 = arith.addi %mul3A_375, %add3A_414 : i32
          %add3A_416 = arith.constant 0 : i32
          %add3A_417 = arith.addi %mul3A_375, %add3A_416 : i32
          %get3A_418 = arith.index_cast %add3A_417 : i32 to index
          %get3A_419 = arith.constant 96 : index
          %get3A_420 = tpu.vector_load %arg8[%get3A_418, %get3A_419] {strides = array<i32>} : memref<200x128xf32, #tpu.memory_space<vmem>>, vector<1x16xf32>,
          %get3A_421 = vector.shape_cast %get3A_420 : vector<1x16xf32> to vector<16xf32>
          %add3A_422 = arith.constant 0 : i32
          %add3A_423 = arith.addi %mul3A_375, %add3A_422 : i32
          %get3A_424 = arith.index_cast %add3A_423 : i32 to index
          %get3A_425 = arith.constant 96 : index
          %get3A_426 = tpu.vector_load %arg9[%get3A_424, %get3A_425] {strides = array<i32>} : memref<200x128xf32, #tpu.memory_space<vmem>>, vector<1x16xf32>,
          %get3A_427 = vector.shape_cast %get3A_426 : vector<1x16xf32> to vector<16xf32>
          %add3A_428 = arith.addf %get3A_421, %get3A_427 : vector<16xf32>
          %swap3A_429 = arith.index_cast %add3A_415 : i32 to index
          %swap3A_430 = arith.constant 32 : index
          %swap3A_431 = tpu.vector_load %arg7[%swap3A_429, %swap3A_430] {strides = array<i32>} : memref<200x128xf32, #tpu.memory_space<vmem>>, vector<1x16xf32>,
          %swap3A_432 = vector.shape_cast %swap3A_431 : vector<1x16xf32> to vector<16xf32>
          %swap3A_433 = vector.shape_cast %add3A_428 : vector<16xf32> to vector<1x16xf32>
          tpu.vector_store %arg7[%swap3A_429, %swap3A_430], %swap3A_433 {add = true, strides = array<i32>} : memref<200x128xf32, #tpu.memory_space<vmem>>, vector<1x16xf32>,
          %add3A_434 = arith.constant 0 : i32
          %add3A_435 = arith.addi %mul3A_375, %add3A_434 : i32
          %add3A_436 = arith.constant 0 : i32
          %add3A_437 = arith.addi %mul3A_375, %add3A_436 : i32
          %get3A_438 = arith.index_cast %add3A_437 : i32 to index
          %get3A_439 = arith.constant 112 : index
          %get3A_440 = tpu.vector_load %arg8[%get3A_438, %get3A_439] {strides = array<i32>} : memref<200x128xf32, #tpu.memory_space<vmem>>, vector<1x16xf32>,
          %get3A_441 = vector.shape_cast %get3A_440 : vector<1x16xf32> to vector<16xf32>
          %add3A_442 = arith.constant 0 : i32
          %add3A_443 = arith.addi %mul3A_375, %add3A_442 : i32
          %get3A_444 = arith.index_cast %add3A_443 : i32 to index
          %get3A_445 = arith.constant 112 : index
          %get3A_446 = tpu.vector_load %arg9[%get3A_444, %get3A_445] {strides = array<i32>} : memref<200x128xf32, #tpu.memory_space<vmem>>, vector<1x16xf32>,
          %get3A_447 = vector.shape_cast %get3A_446 : vector<1x16xf32> to vector<16xf32>
          %add3A_448 = arith.addf %get3A_441, %get3A_447 : vector<16xf32>
          %swap3A_449 = arith.index_cast %add3A_435 : i32 to index
          %swap3A_450 = arith.constant 48 : index
          %swap3A_451 = tpu.vector_load %arg7[%swap3A_449, %swap3A_450] {strides = array<i32>} : memref<200x128xf32, #tpu.memory_space<vmem>>, vector<1x16xf32>,
          %swap3A_452 = vector.shape_cast %swap3A_451 : vector<1x16xf32> to vector<16xf32>
          %swap3A_453 = vector.shape_cast %add3A_448 : vector<16xf32> to vector<1x16xf32>
          tpu.vector_store %arg7[%swap3A_449, %swap3A_450], %swap3A_453 {add = true, strides = array<i32>} : memref<200x128xf32, #tpu.memory_space<vmem>>, vector<1x16xf32>,
          %add3A_454 = arith.constant 1 : i32
          %add3A_455 = arith.addi %mul3A_375, %add3A_454 : i32
          %add3A_456 = arith.constant 1 : i32
          %add3A_457 = arith.addi %mul3A_375, %add3A_456 : i32
          %get3A_458 = arith.index_cast %add3A_457 : i32 to index
          %get3A_459 = arith.constant 64 : index
          %get3A_460 = tpu.vector_load %arg8[%get3A_458, %get3A_459] {strides = array<i32>} : memref<200x128xf32, #tpu.memory_space<vmem>>, vector<1x16xf32>,
          %get3A_461 = vector.shape_cast %get3A_460 : vector<1x16xf32> to vector<16xf32>
          %add3A_462 = arith.constant 1 : i32
          %add3A_463 = arith.addi %mul3A_375, %add3A_462 : i32
          %get3A_464 = arith.index_cast %add3A_463 : i32 to index
          %get3A_465 = arith.constant 64 : index
          %get3A_466 = tpu.vector_load %arg9[%get3A_464, %get3A_465] {strides = array<i32>} : memref<200x128xf32, #tpu.memory_space<vmem>>, vector<1x16xf32>,
          %get3A_467 = vector.shape_cast %get3A_466 : vector<1x16xf32> to vector<16xf32>
          %add3A_468 = arith.addf %get3A_461, %get3A_467 : vector<16xf32>
          %swap3A_469 = arith.index_cast %add3A_455 : i32 to index
          %swap3A_470 = arith.constant 0 : index
          %swap3A_471 = tpu.vector_load %arg7[%swap3A_469, %swap3A_470] {strides = array<i32>} : memref<200x128xf32, #tpu.memory_space<vmem>>, vector<1x16xf32>,
          %swap3A_472 = vector.shape_cast %swap3A_471 : vector<1x16xf32> to vector<16xf32>
          %swap3A_473 = vector.shape_cast %add3A_468 : vector<16xf32> to vector<1x16xf32>
          tpu.vector_store %arg7[%swap3A_469, %swap3A_470], %swap3A_473 {add = true, strides = array<i32>} : memref<200x128xf32, #tpu.memory_space<vmem>>, vector<1x16xf32>,
          %add3A_474 = arith.constant 1 : i32
          %add3A_475 = arith.addi %mul3A_375, %add3A_474 : i32
          %add3A_476 = arith.constant 1 : i32
          %add3A_477 = arith.addi %mul3A_375, %add3A_476 : i32
          %get3A_478 = arith.index_cast %add3A_477 : i32 to index
          %get3A_479 = arith.constant 80 : index
          %get3A_480 = tpu.vector_load %arg8[%get3A_478, %get3A_479] {strides = array<i32>} : memref<200x128xf32, #tpu.memory_space<vmem>>, vector<1x16xf32>,
          %get3A_481 = vector.shape_cast %get3A_480 : vector<1x16xf32> to vector<16xf32>
          %add3A_482 = arith.constant 1 : i32
          %add3A_483 = arith.addi %mul3A_375, %add3A_482 : i32
          %get3A_484 = arith.index_cast %add3A_483 : i32 to index
          %get3A_485 = arith.constant 80 : index
          %get3A_486 = tpu.vector_load %arg9[%get3A_484, %get3A_485] {strides = array<i32>} : memref<200x128xf32, #tpu.memory_space<vmem>>, vector<1x16xf32>,
          %get3A_487 = vector.shape_cast %get3A_486 : vector<1x16xf32> to vector<16xf32>
          %add3A_488 = arith.addf %get3A_481, %get3A_487 : vector<16xf32>
          %swap3A_489 = arith.index_cast %add3A_475 : i32 to index
          %swap3A_490 = arith.constant 16 : index
          %swap3A_491 = tpu.vector_load %arg7[%swap3A_489, %swap3A_490] {strides = array<i32>} : memref<200x128xf32, #tpu.memory_space<vmem>>, vector<1x16xf32>,
          %swap3A_492 = vector.shape_cast %swap3A_491 : vector<1x16xf32> to vector<16xf32>
          %swap3A_493 = vector.shape_cast %add3A_488 : vector<16xf32> to vector<1x16xf32>
          tpu.vector_store %arg7[%swap3A_489, %swap3A_490], %swap3A_493 {add = true, strides = array<i32>} : memref<200x128xf32, #tpu.memory_space<vmem>>, vector<1x16xf32>,
          %add3A_494 = arith.constant 1 : i32
          %add3A_495 = arith.addi %mul3A_375, %add3A_494 : i32
          %add3A_496 = arith.constant 1 : i32
          %add3A_497 = arith.addi %mul3A_375, %add3A_496 : i32
          %get3A_498 = arith.index_cast %add3A_497 : i32 to index
          %get3A_499 = arith.constant 96 : index
          %get3A_500 = tpu.vector_load %arg8[%get3A_498, %get3A_499] {strides = array<i32>} : memref<200x128xf32, #tpu.memory_space<vmem>>, vector<1x16xf32>,
          %get3A_501 = vector.shape_cast %get3A_500 : vector<1x16xf32> to vector<16xf32>
          %add3A_502 = arith.constant 1 : i32
          %add3A_503 = arith.addi %mul3A_375, %add3A_502 : i32
          %get3A_504 = arith.index_cast %add3A_503 : i32 to index
          %get3A_505 = arith.constant 96 : index
          %get3A_506 = tpu.vector_load %arg9[%get3A_504, %get3A_505] {strides = array<i32>} : memref<200x128xf32, #tpu.memory_space<vmem>>, vector<1x16xf32>,
          %get3A_507 = vector.shape_cast %get3A_506 : vector<1x16xf32> to vector<16xf32>
          %add3A_508 = arith.addf %get3A_501, %get3A_507 : vector<16xf32>
          %swap3A_509 = arith.index_cast %add3A_495 : i32 to index
          %swap3A_510 = arith.constant 32 : index
          %swap3A_511 = tpu.vector_load %arg7[%swap3A_509, %swap3A_510] {strides = array<i32>} : memref<200x128xf32, #tpu.memory_space<vmem>>, vector<1x16xf32>,
          %swap3A_512 = vector.shape_cast %swap3A_511 : vector<1x16xf32> to vector<16xf32>
          %swap3A_513 = vector.shape_cast %add3A_508 : vector<16xf32> to vector<1x16xf32>
          tpu.vector_store %arg7[%swap3A_509, %swap3A_510], %swap3A_513 {add = true, strides = array<i32>} : memref<200x128xf32, #tpu.memory_space<vmem>>, vector<1x16xf32>,
          %add3A_514 = arith.constant 1 : i32
          %add3A_515 = arith.addi %mul3A_375, %add3A_514 : i32
          %add3A_516 = arith.constant 1 : i32
          %add3A_517 = arith.addi %mul3A_375, %add3A_516 : i32
          %get3A_518 = arith.index_cast %add3A_517 : i32 to index
          %get3A_519 = arith.constant 112 : index
          %get3A_520 = tpu.vector_load %arg8[%get3A_518, %get3A_519] {strides = array<i32>} : memref<200x128xf32, #tpu.memory_space<vmem>>, vector<1x16xf32>,
          %get3A_521 = vector.shape_cast %get3A_520 : vector<1x16xf32> to vector<16xf32>
          %add3A_522 = arith.constant 1 : i32
          %add3A_523 = arith.addi %mul3A_375, %add3A_522 : i32
          %get3A_524 = arith.index_cast %add3A_523 : i32 to index
          %get3A_525 = arith.constant 112 : index
          %get3A_526 = tpu.vector_load %arg9[%get3A_524, %get3A_525] {strides = array<i32>} : memref<200x128xf32, #tpu.memory_space<vmem>>, vector<1x16xf32>,
          %get3A_527 = vector.shape_cast %get3A_526 : vector<1x16xf32> to vector<16xf32>
          %add3A_528 = arith.addf %get3A_521, %get3A_527 : vector<16xf32>
          %swap3A_529 = arith.index_cast %add3A_515 : i32 to index
          %swap3A_530 = arith.constant 48 : index
          %swap3A_531 = tpu.vector_load %arg7[%swap3A_529, %swap3A_530] {strides = array<i32>} : memref<200x128xf32, #tpu.memory_space<vmem>>, vector<1x16xf32>,
          %swap3A_532 = vector.shape_cast %swap3A_531 : vector<1x16xf32> to vector<16xf32>
          %swap3A_533 = vector.shape_cast %add3A_528 : vector<16xf32> to vector<1x16xf32>
          tpu.vector_store %arg7[%swap3A_529, %swap3A_530], %swap3A_533 {add = true, strides = array<i32>} : memref<200x128xf32, #tpu.memory_space<vmem>>, vector<1x16xf32>,
          %add3A_534 = arith.constant 2 : i32
          %add3A_535 = arith.addi %mul3A_375, %add3A_534 : i32
          %add3A_536 = arith.constant 2 : i32
          %add3A_537 = arith.addi %mul3A_375, %add3A_536 : i32
          %get3A_538 = arith.index_cast %add3A_537 : i32 to index
          %get3A_539 = arith.constant 64 : index
          %get3A_540 = tpu.vector_load %arg8[%get3A_538, %get3A_539] {strides = array<i32>} : memref<200x128xf32, #tpu.memory_space<vmem>>, vector<1x16xf32>,
          %get3A_541 = vector.shape_cast %get3A_540 : vector<1x16xf32> to vector<16xf32>
          %add3A_542 = arith.constant 2 : i32
          %add3A_543 = arith.addi %mul3A_375, %add3A_542 : i32
          %get3A_544 = arith.index_cast %add3A_543 : i32 to index
          %get3A_545 = arith.constant 64 : index
          %get3A_546 = tpu.vector_load %arg9[%get3A_544, %get3A_545] {strides = array<i32>} : memref<200x128xf32, #tpu.memory_space<vmem>>, vector<1x16xf32>,
          %get3A_547 = vector.shape_cast %get3A_546 : vector<1x16xf32> to vector<16xf32>
          %add3A_548 = arith.addf %get3A_541, %get3A_547 : vector<16xf32>
          %swap3A_549 = arith.index_cast %add3A_535 : i32 to index
          %swap3A_550 = arith.constant 0 : index
          %swap3A_551 = tpu.vector_load %arg7[%swap3A_549, %swap3A_550] {strides = array<i32>} : memref<200x128xf32, #tpu.memory_space<vmem>>, vector<1x16xf32>,
          %swap3A_552 = vector.shape_cast %swap3A_551 : vector<1x16xf32> to vector<16xf32>
          %swap3A_553 = vector.shape_cast %add3A_548 : vector<16xf32> to vector<1x16xf32>
          tpu.vector_store %arg7[%swap3A_549, %swap3A_550], %swap3A_553 {add = true, strides = array<i32>} : memref<200x128xf32, #tpu.memory_space<vmem>>, vector<1x16xf32>,
          %add3A_554 = arith.constant 2 : i32
          %add3A_555 = arith.addi %mul3A_375, %add3A_554 : i32
          %add3A_556 = arith.constant 2 : i32
          %add3A_557 = arith.addi %mul3A_375, %add3A_556 : i32
          %get3A_558 = arith.index_cast %add3A_557 : i32 to index
          %get3A_559 = arith.constant 80 : index
          %get3A_560 = tpu.vector_load %arg8[%get3A_558, %get3A_559] {strides = array<i32>} : memref<200x128xf32, #tpu.memory_space<vmem>>, vector<1x16xf32>,
          %get3A_561 = vector.shape_cast %get3A_560 : vector<1x16xf32> to vector<16xf32>
          %add3A_562 = arith.constant 2 : i32
          %add3A_563 = arith.addi %mul3A_375, %add3A_562 : i32
          %get3A_564 = arith.index_cast %add3A_563 : i32 to index
          %get3A_565 = arith.constant 80 : index
          %get3A_566 = tpu.vector_load %arg9[%get3A_564, %get3A_565] {strides = array<i32>} : memref<200x128xf32, #tpu.memory_space<vmem>>, vector<1x16xf32>,
          %get3A_567 = vector.shape_cast %get3A_566 : vector<1x16xf32> to vector<16xf32>
          %add3A_568 = arith.addf %get3A_561, %get3A_567 : vector<16xf32>
          %swap3A_569 = arith.index_cast %add3A_555 : i32 to index
          %swap3A_570 = arith.constant 16 : index
          %swap3A_571 = tpu.vector_load %arg7[%swap3A_569, %swap3A_570] {strides = array<i32>} : memref<200x128xf32, #tpu.memory_space<vmem>>, vector<1x16xf32>,
          %swap3A_572 = vector.shape_cast %swap3A_571 : vector<1x16xf32> to vector<16xf32>
          %swap3A_573 = vector.shape_cast %add3A_568 : vector<16xf32> to vector<1x16xf32>
          tpu.vector_store %arg7[%swap3A_569, %swap3A_570], %swap3A_573 {add = true, strides = array<i32>} : memref<200x128xf32, #tpu.memory_space<vmem>>, vector<1x16xf32>,
          %add3A_574 = arith.constant 2 : i32
          %add3A_575 = arith.addi %mul3A_375, %add3A_574 : i32
          %add3A_576 = arith.constant 2 : i32
          %add3A_577 = arith.addi %mul3A_375, %add3A_576 : i32
          %get3A_578 = arith.index_cast %add3A_577 : i32 to index
          %get3A_579 = arith.constant 96 : index
          %get3A_580 = tpu.vector_load %arg8[%get3A_578, %get3A_579] {strides = array<i32>} : memref<200x128xf32, #tpu.memory_space<vmem>>, vector<1x16xf32>,
          %get3A_581 = vector.shape_cast %get3A_580 : vector<1x16xf32> to vector<16xf32>
          %add3A_582 = arith.constant 2 : i32
          %add3A_583 = arith.addi %mul3A_375, %add3A_582 : i32
          %get3A_584 = arith.index_cast %add3A_583 : i32 to index
          %get3A_585 = arith.constant 96 : index
          %get3A_586 = tpu.vector_load %arg9[%get3A_584, %get3A_585] {strides = array<i32>} : memref<200x128xf32, #tpu.memory_space<vmem>>, vector<1x16xf32>,
          %get3A_587 = vector.shape_cast %get3A_586 : vector<1x16xf32> to vector<16xf32>
          %add3A_588 = arith.addf %get3A_581, %get3A_587 : vector<16xf32>
          %swap3A_589 = arith.index_cast %add3A_575 : i32 to index
          %swap3A_590 = arith.constant 32 : index
          %swap3A_591 = tpu.vector_load %arg7[%swap3A_589, %swap3A_590] {strides = array<i32>} : memref<200x128xf32, #tpu.memory_space<vmem>>, vector<1x16xf32>,
          %swap3A_592 = vector.shape_cast %swap3A_591 : vector<1x16xf32> to vector<16xf32>
          %swap3A_593 = vector.shape_cast %add3A_588 : vector<16xf32> to vector<1x16xf32>
          tpu.vector_store %arg7[%swap3A_589, %swap3A_590], %swap3A_593 {add = true, strides = array<i32>} : memref<200x128xf32, #tpu.memory_space<vmem>>, vector<1x16xf32>,
          %add3A_594 = arith.constant 2 : i32
          %add3A_595 = arith.addi %mul3A_375, %add3A_594 : i32
          %add3A_596 = arith.constant 2 : i32
          %add3A_597 = arith.addi %mul3A_375, %add3A_596 : i32
          %get3A_598 = arith.index_cast %add3A_597 : i32 to index
          %get3A_599 = arith.constant 112 : index
          %get3A_600 = tpu.vector_load %arg8[%get3A_598, %get3A_599] {strides = array<i32>} : memref<200x128xf32, #tpu.memory_space<vmem>>, vector<1x16xf32>,
          %get3A_601 = vector.shape_cast %get3A_600 : vector<1x16xf32> to vector<16xf32>
          %add3A_602 = arith.constant 2 : i32
          %add3A_603 = arith.addi %mul3A_375, %add3A_602 : i32
          %get3A_604 = arith.index_cast %add3A_603 : i32 to index
          %get3A_605 = arith.constant 112 : index
          %get3A_606 = tpu.vector_load %arg9[%get3A_604, %get3A_605] {strides = array<i32>} : memref<200x128xf32, #tpu.memory_space<vmem>>, vector<1x16xf32>,
          %get3A_607 = vector.shape_cast %get3A_606 : vector<1x16xf32> to vector<16xf32>
          %add3A_608 = arith.addf %get3A_601, %get3A_607 : vector<16xf32>
          %swap3A_609 = arith.index_cast %add3A_595 : i32 to index
          %swap3A_610 = arith.constant 48 : index
          %swap3A_611 = tpu.vector_load %arg7[%swap3A_609, %swap3A_610] {strides = array<i32>} : memref<200x128xf32, #tpu.memory_space<vmem>>, vector<1x16xf32>,
          %swap3A_612 = vector.shape_cast %swap3A_611 : vector<1x16xf32> to vector<16xf32>
          %swap3A_613 = vector.shape_cast %add3A_608 : vector<16xf32> to vector<1x16xf32>
          tpu.vector_store %arg7[%swap3A_609, %swap3A_610], %swap3A_613 {add = true, strides = array<i32>} : memref<200x128xf32, #tpu.memory_space<vmem>>, vector<1x16xf32>,
          %add3A_614 = arith.constant 3 : i32
          %add3A_615 = arith.addi %mul3A_375, %add3A_614 : i32
          %add3A_616 = arith.constant 3 : i32
          %add3A_617 = arith.addi %mul3A_375, %add3A_616 : i32
          %get3A_618 = arith.index_cast %add3A_617 : i32 to index
          %get3A_619 = arith.constant 64 : index
          %get3A_620 = tpu.vector_load %arg8[%get3A_618, %get3A_619] {strides = array<i32>} : memref<200x128xf32, #tpu.memory_space<vmem>>, vector<1x16xf32>,
          %get3A_621 = vector.shape_cast %get3A_620 : vector<1x16xf32> to vector<16xf32>
          %add3A_622 = arith.constant 3 : i32
          %add3A_623 = arith.addi %mul3A_375, %add3A_622 : i32
          %get3A_624 = arith.index_cast %add3A_623 : i32 to index
          %get3A_625 = arith.constant 64 : index
          %get3A_626 = tpu.vector_load %arg9[%get3A_624, %get3A_625] {strides = array<i32>} : memref<200x128xf32, #tpu.memory_space<vmem>>, vector<1x16xf32>,
          %get3A_627 = vector.shape_cast %get3A_626 : vector<1x16xf32> to vector<16xf32>
          %add3A_628 = arith.addf %get3A_621, %get3A_627 : vector<16xf32>
          %swap3A_629 = arith.index_cast %add3A_615 : i32 to index
          %swap3A_630 = arith.constant 0 : index
          %swap3A_631 = tpu.vector_load %arg7[%swap3A_629, %swap3A_630] {strides = array<i32>} : memref<200x128xf32, #tpu.memory_space<vmem>>, vector<1x16xf32>,
          %swap3A_632 = vector.shape_cast %swap3A_631 : vector<1x16xf32> to vector<16xf32>
          %swap3A_633 = vector.shape_cast %add3A_628 : vector<16xf32> to vector<1x16xf32>
          tpu.vector_store %arg7[%swap3A_629, %swap3A_630], %swap3A_633 {add = true, strides = array<i32>} : memref<200x128xf32, #tpu.memory_space<vmem>>, vector<1x16xf32>,
          %add3A_634 = arith.constant 3 : i32
          %add3A_635 = arith.addi %mul3A_375, %add3A_634 : i32
          %add3A_636 = arith.constant 3 : i32
          %add3A_637 = arith.addi %mul3A_375, %add3A_636 : i32
          %get3A_638 = arith.index_cast %add3A_637 : i32 to index
          %get3A_639 = arith.constant 80 : index
          %get3A_640 = tpu.vector_load %arg8[%get3A_638, %get3A_639] {strides = array<i32>} : memref<200x128xf32, #tpu.memory_space<vmem>>, vector<1x16xf32>,
          %get3A_641 = vector.shape_cast %get3A_640 : vector<1x16xf32> to vector<16xf32>
          %add3A_642 = arith.constant 3 : i32
          %add3A_643 = arith.addi %mul3A_375, %add3A_642 : i32
          %get3A_644 = arith.index_cast %add3A_643 : i32 to index
          %get3A_645 = arith.constant 80 : index
          %get3A_646 = tpu.vector_load %arg9[%get3A_644, %get3A_645] {strides = array<i32>} : memref<200x128xf32, #tpu.memory_space<vmem>>, vector<1x16xf32>,
          %get3A_647 = vector.shape_cast %get3A_646 : vector<1x16xf32> to vector<16xf32>
          %add3A_648 = arith.addf %get3A_641, %get3A_647 : vector<16xf32>
          %swap3A_649 = arith.index_cast %add3A_635 : i32 to index
          %swap3A_650 = arith.constant 16 : index
          %swap3A_651 = tpu.vector_load %arg7[%swap3A_649, %swap3A_650] {strides = array<i32>} : memref<200x128xf32, #tpu.memory_space<vmem>>, vector<1x16xf32>,
          %swap3A_652 = vector.shape_cast %swap3A_651 : vector<1x16xf32> to vector<16xf32>
          %swap3A_653 = vector.shape_cast %add3A_648 : vector<16xf32> to vector<1x16xf32>
          tpu.vector_store %arg7[%swap3A_649, %swap3A_650], %swap3A_653 {add = true, strides = array<i32>} : memref<200x128xf32, #tpu.memory_space<vmem>>, vector<1x16xf32>,
          %add3A_654 = arith.constant 3 : i32
          %add3A_655 = arith.addi %mul3A_375, %add3A_654 : i32
          %add3A_656 = arith.constant 3 : i32
          %add3A_657 = arith.addi %mul3A_375, %add3A_656 : i32
          %get3A_658 = arith.index_cast %add3A_657 : i32 to index
          %get3A_659 = arith.constant 96 : index
          %get3A_660 = tpu.vector_load %arg8[%get3A_658, %get3A_659] {strides = array<i32>} : memref<200x128xf32, #tpu.memory_space<vmem>>, vector<1x16xf32>,
          %get3A_661 = vector.shape_cast %get3A_660 : vector<1x16xf32> to vector<16xf32>
          %add3A_662 = arith.constant 3 : i32
          %add3A_663 = arith.addi %mul3A_375, %add3A_662 : i32
          %get3A_664 = arith.index_cast %add3A_663 : i32 to index
          %get3A_665 = arith.constant 96 : index
          %get3A_666 = tpu.vector_load %arg9[%get3A_664, %get3A_665] {strides = array<i32>} : memref<200x128xf32, #tpu.memory_space<vmem>>, vector<1x16xf32>,
          %get3A_667 = vector.shape_cast %get3A_666 : vector<1x16xf32> to vector<16xf32>
          %add3A_668 = arith.addf %get3A_661, %get3A_667 : vector<16xf32>
          %swap3A_669 = arith.index_cast %add3A_655 : i32 to index
          %swap3A_670 = arith.constant 32 : index
          %swap3A_671 = tpu.vector_load %arg7[%swap3A_669, %swap3A_670] {strides = array<i32>} : memref<200x128xf32, #tpu.memory_space<vmem>>, vector<1x16xf32>,
          %swap3A_672 = vector.shape_cast %swap3A_671 : vector<1x16xf32> to vector<16xf32>
          %swap3A_673 = vector.shape_cast %add3A_668 : vector<16xf32> to vector<1x16xf32>
          tpu.vector_store %arg7[%swap3A_669, %swap3A_670], %swap3A_673 {add = true, strides = array<i32>} : memref<200x128xf32, #tpu.memory_space<vmem>>, vector<1x16xf32>,
          %add3A_674 = arith.constant 3 : i32
          %add3A_675 = arith.addi %mul3A_375, %add3A_674 : i32
          %add3A_676 = arith.constant 3 : i32
          %add3A_677 = arith.addi %mul3A_375, %add3A_676 : i32
          %get3A_678 = arith.index_cast %add3A_677 : i32 to index
          %get3A_679 = arith.constant 112 : index
          %get3A_680 = tpu.vector_load %arg8[%get3A_678, %get3A_679] {strides = array<i32>} : memref<200x128xf32, #tpu.memory_space<vmem>>, vector<1x16xf32>,
          %get3A_681 = vector.shape_cast %get3A_680 : vector<1x16xf32> to vector<16xf32>
          %add3A_682 = arith.constant 3 : i32
          %add3A_683 = arith.addi %mul3A_375, %add3A_682 : i32
          %get3A_684 = arith.index_cast %add3A_683 : i32 to index
          %get3A_685 = arith.constant 112 : index
          %get3A_686 = tpu.vector_load %arg9[%get3A_684, %get3A_685] {strides = array<i32>} : memref<200x128xf32, #tpu.memory_space<vmem>>, vector<1x16xf32>,
          %get3A_687 = vector.shape_cast %get3A_686 : vector<1x16xf32> to vector<16xf32>
          %add3A_688 = arith.addf %get3A_681, %get3A_687 : vector<16xf32>
          %swap3A_689 = arith.index_cast %add3A_675 : i32 to index
          %swap3A_690 = arith.constant 48 : index
          %swap3A_691 = tpu.vector_load %arg7[%swap3A_689, %swap3A_690] {strides = array<i32>} : memref<200x128xf32, #tpu.memory_space<vmem>>, vector<1x16xf32>,
          %swap3A_692 = vector.shape_cast %swap3A_691 : vector<1x16xf32> to vector<16xf32>
          %swap3A_693 = vector.shape_cast %add3A_688 : vector<16xf32> to vector<1x16xf32>
          tpu.vector_store %arg7[%swap3A_689, %swap3A_690], %swap3A_693 {add = true, strides = array<i32>} : memref<200x128xf32, #tpu.memory_space<vmem>>, vector<1x16xf32>,
        }
        %scan3A_368 = arith.constant 50 : i32
        %dma_start3A_369 = arith.constant 0 : i32
        %dma_start3A_370 = tpu.memref_slice %arg5[%mul3A_35, %dma_start3A_369] : memref<28000x128xf32, #tpu.memory_space<hbm>> -> memref<200x128xf32, #tpu.memory_space<hbm>>
        %dma_start3A_371 = arith.constant 0 : i32
        %dma_start3A_372 = tpu.memref_slice %arg5[%mul3A_35, %dma_start3A_371] : memref<28000x128xf32, #tpu.memory_space<hbm>> -> memref<200x128xf32, #tpu.memory_space<hbm>>
        tpu.enqueue_dma source(%arg7 : memref<200x128xf32, #tpu.memory_space<vmem>>) target(%dma_start3A_372 : memref<200x128xf32, #tpu.memory_space<hbm>>) target_semaphore(%arg12 : memref<!tpu.dma_semaphore, #tpu.memory_space<semaphore_mem>>)
      } else {
      }
    }
    %scan3A_9 = arith.constant 5 : i32
    %dma_wait3A = arith.constant 0 : i32
    %dma_wait3A_10 = arith.constant 0 : i32
    %dma_wait3A_11 = tpu.memref_slice %arg5[%dma_wait3A, %dma_wait3A_10] : memref<28000x128xf32, #tpu.memory_space<hbm>> -> memref<200x128xf32, #tpu.memory_space<hbm>>
    %dma_wait3A_12 = arith.constant 0 : i32
    %dma_wait3A_13 = arith.constant 0 : i32
    %dma_wait3A_14 = tpu.memref_slice %arg5[%dma_wait3A_12, %dma_wait3A_13] : memref<28000x128xf32, #tpu.memory_space<hbm>> -> memref<200x128xf32, #tpu.memory_space<hbm>>
    tpu.wait_dma2 semaphore(%arg12 : memref<!tpu.dma_semaphore, #tpu.memory_space<semaphore_mem>>) src(%arg7 : memref<200x128xf32, #tpu.memory_space<vmem>>) dst(%dma_wait3A_14 : memref<200x128xf32, #tpu.memory_space<hbm>>)
    return
  }
}

module attributes {stable_mosaic.version = 14 : i64} {
  func.func @_precompute_body(%arg0: i32, %arg1: memref<4000x128xf32, #tpu.memory_space<vmem>>, %arg2: memref<128x192xf32, #tpu.memory_space<vmem>>, %arg3: memref<4000x128xf32, #tpu.memory_space<vmem>>, %arg4: memref<4000x128xf32, #tpu.memory_space<vmem>>) attributes {dimension_semantics = [#tpu.dimension_semantics<arbitrary>], iteration_bounds = array<i64: 25>, scalar_prefetch = 0 : i64, scratch_operands = 0 : i64, tpu.core_type = #tpu.core_type<tc>, window_params = [{transform_indices = @transform_0, window_bounds = array<i64: 4000, 128>}, {pipeline_mode = #tpu.pipeline_mode<synchronous>, transform_indices = @transform_1, window_bounds = array<i64: 128, 192>}, {transform_indices = @transform_2, window_bounds = array<i64: 4000, 128>}, {transform_indices = @transform_3, window_bounds = array<i64: 4000, 128>}]} {
    %get3A = arith.constant 0 : index
    %get3A_0 = arith.constant 0 : index
    %get3A_1 = vector.load %arg1[%get3A, %get3A_0] : memref<4000x128xf32, #tpu.memory_space<vmem>>, vector<4000x128xf32>
    %get3A_2 = arith.constant 0 : index
    %get3A_3 = arith.constant 0 : index
    %get3A_4 = vector.load %arg2[%get3A_2, %get3A_3] : memref<128x192xf32, #tpu.memory_space<vmem>>, vector<128x192xf32>
    %dot_general3A = arith.constant dense<0.000000e+00> : vector<4000x192xf32>
    %dot_general3A_5 = tpu.matmul %get3A_1, %get3A_4, %dot_general3A {dimension_numbers = #tpu.dot_dimension_numbers<[1], [0], [0], [1], [0, 0, 1, 1], [], []>, transpose_lhs_hint = false} : vector<4000x128xf32>, vector<128x192xf32>, vector<4000x192xf32> -> vector<4000x192xf32>
    %slice3A = vector.extract_strided_slice %dot_general3A_5 {offsets = [0, 0], sizes = [4000, 128], strides = [1, 1]} : vector<4000x192xf32> to vector<4000x128xf32>
    %swap3A = arith.constant 0 : index
    %swap3A_6 = arith.constant 0 : index
    %swap3A_7 = vector.load %arg3[%swap3A, %swap3A_6] : memref<4000x128xf32, #tpu.memory_space<vmem>>, vector<4000x128xf32>
    tpu.vector_store %arg3[%swap3A, %swap3A_6], %slice3A {strides = array<i32>} : memref<4000x128xf32, #tpu.memory_space<vmem>>, vector<4000x128xf32>,
    %slice3A_8 = vector.extract_strided_slice %dot_general3A_5 {offsets = [0, 64], sizes = [4000, 128], strides = [1, 1]} : vector<4000x192xf32> to vector<4000x128xf32>
    %swap3A_9 = arith.constant 0 : index
    %swap3A_10 = arith.constant 0 : index
    %swap3A_11 = vector.load %arg4[%swap3A_9, %swap3A_10] : memref<4000x128xf32, #tpu.memory_space<vmem>>, vector<4000x128xf32>
    tpu.vector_store %arg4[%swap3A_9, %swap3A_10], %slice3A_8 {strides = array<i32>} : memref<4000x128xf32, #tpu.memory_space<vmem>>, vector<4000x128xf32>,
    return
  }
  func.func @transform_0(%arg0: i32) -> (i32, i32) {
    %c0_i32 = arith.constant 0 : i32
    %c0_i32_0 = arith.constant 0 : i32
    return %arg0, %c0_i32 : i32, i32
  }
  func.func @transform_1(%arg0: i32) -> (i32, i32) {
    %c0_i32 = arith.constant 0 : i32
    %c0_i32_0 = arith.constant 0 : i32
    %c0_i32_1 = arith.constant 0 : i32
    return %c0_i32, %c0_i32_0 : i32, i32
  }
  func.func @transform_2(%arg0: i32) -> (i32, i32) {
    %c0_i32 = arith.constant 0 : i32
    %c0_i32_0 = arith.constant 0 : i32
    return %arg0, %c0_i32 : i32, i32
  }
  func.func @transform_3(%arg0: i32) -> (i32, i32) {
    %c0_i32 = arith.constant 0 : i32
    %c0_i32_0 = arith.constant 0 : i32
    return %arg0, %c0_i32 : i32, i32
  }
}

module attributes {stable_mosaic.version = 14 : i64} {
  func.func @_update_body(%arg0: i32, %arg1: memref<2000x128xf32, #tpu.memory_space<vmem>>, %arg2: memref<2000x128xf32, #tpu.memory_space<vmem>>, %arg3: memref<128x64xf32, #tpu.memory_space<vmem>>, %arg4: memref<1x64xf32, #tpu.memory_space<vmem>>, %arg5: memref<64x128xf32, #tpu.memory_space<vmem>>, %arg6: memref<1x128xf32, #tpu.memory_space<vmem>>, %arg7: memref<2000x128xf32, #tpu.memory_space<vmem>>) attributes {dimension_semantics = [#tpu.dimension_semantics<arbitrary>], iteration_bounds = array<i64: 28>, scalar_prefetch = 0 : i64, scratch_operands = 0 : i64, tpu.core_type = #tpu.core_type<tc>, window_params = [{transform_indices = @transform_0, window_bounds = array<i64: 2000, 128>}, {transform_indices = @transform_1, window_bounds = array<i64: 2000, 128>}, {pipeline_mode = #tpu.pipeline_mode<synchronous>, transform_indices = @transform_2, window_bounds = array<i64: 128, 64>}, {pipeline_mode = #tpu.pipeline_mode<synchronous>, transform_indices = @transform_3, window_bounds = array<i64: 1, 64>}, {pipeline_mode = #tpu.pipeline_mode<synchronous>, transform_indices = @transform_4, window_bounds = array<i64: 64, 128>}, {pipeline_mode = #tpu.pipeline_mode<synchronous>, transform_indices = @transform_5, window_bounds = array<i64: 1, 128>}, {transform_indices = @transform_6, window_bounds = array<i64: 2000, 128>}]} {
    %get3A = arith.constant 0 : index
    %get3A_0 = arith.constant 0 : index
    %get3A_1 = vector.load %arg1[%get3A, %get3A_0] : memref<2000x128xf32, #tpu.memory_space<vmem>>, vector<2000x128xf32>
    %get3A_2 = arith.constant 0 : index
    %get3A_3 = arith.constant 0 : index
    %get3A_4 = vector.load %arg3[%get3A_2, %get3A_3] : memref<128x64xf32, #tpu.memory_space<vmem>>, vector<128x64xf32>
    %dot_general3A = arith.constant dense<0.000000e+00> : vector<2000x64xf32>
    %dot_general3A_5 = tpu.matmul %get3A_1, %get3A_4, %dot_general3A {dimension_numbers = #tpu.dot_dimension_numbers<[1], [0], [0], [1], [0, 0, 1, 1], [], []>, transpose_lhs_hint = false} : vector<2000x128xf32>, vector<128x64xf32>, vector<2000x64xf32> -> vector<2000x64xf32>
    %get3A_6 = arith.constant 0 : index
    %get3A_7 = arith.constant 0 : index
    %get3A_8 = vector.load %arg2[%get3A_6, %get3A_7] : memref<2000x128xf32, #tpu.memory_space<vmem>>, vector<2000x64xf32>
    %add3A = arith.addf %dot_general3A_5, %get3A_8 : vector<2000x64xf32>
    %get3A_9 = arith.constant 0 : index
    %get3A_10 = arith.constant 0 : index
    %get3A_11 = vector.load %arg4[%get3A_9, %get3A_10] : memref<1x64xf32, #tpu.memory_space<vmem>>, vector<1x64xf32>
    %add3A_12 = vector.broadcast %get3A_11 : vector<1x64xf32> to vector<2000x64xf32>
    %add3A_13 = arith.addf %add3A, %add3A_12 : vector<2000x64xf32>
    %tanh3A = math.tanh %add3A_13 : vector<2000x64xf32>
    %get3A_14 = arith.constant 0 : index
    %get3A_15 = arith.constant 0 : index
    %get3A_16 = vector.load %arg5[%get3A_14, %get3A_15] : memref<64x128xf32, #tpu.memory_space<vmem>>, vector<64x128xf32>
    %dot_general3A_17 = arith.constant dense<0.000000e+00> : vector<2000x128xf32>
    %dot_general3A_18 = tpu.matmul %tanh3A, %get3A_16, %dot_general3A_17 {dimension_numbers = #tpu.dot_dimension_numbers<[1], [0], [0], [1], [0, 0, 1, 1], [], []>, transpose_lhs_hint = false} : vector<2000x64xf32>, vector<64x128xf32>, vector<2000x128xf32> -> vector<2000x128xf32>
    %add3A_19 = arith.addf %get3A_1, %dot_general3A_18 : vector<2000x128xf32>
    %get3A_20 = arith.constant 0 : index
    %get3A_21 = arith.constant 0 : index
    %get3A_22 = vector.load %arg6[%get3A_20, %get3A_21] : memref<1x128xf32, #tpu.memory_space<vmem>>, vector<1x128xf32>
    %add3A_23 = vector.broadcast %get3A_22 : vector<1x128xf32> to vector<2000x128xf32>
    %add3A_24 = arith.addf %add3A_19, %add3A_23 : vector<2000x128xf32>
    %swap3A = arith.constant 0 : index
    %swap3A_25 = arith.constant 0 : index
    %swap3A_26 = vector.load %arg7[%swap3A, %swap3A_25] : memref<2000x128xf32, #tpu.memory_space<vmem>>, vector<2000x128xf32>
    tpu.vector_store %arg7[%swap3A, %swap3A_25], %add3A_24 {strides = array<i32>} : memref<2000x128xf32, #tpu.memory_space<vmem>>, vector<2000x128xf32>,
    return
  }
  func.func @transform_0(%arg0: i32) -> (i32, i32) {
    %c0_i32 = arith.constant 0 : i32
    %c0_i32_0 = arith.constant 0 : i32
    return %arg0, %c0_i32 : i32, i32
  }
  func.func @transform_1(%arg0: i32) -> (i32, i32) {
    %c0_i32 = arith.constant 0 : i32
    %c0_i32_0 = arith.constant 0 : i32
    return %arg0, %c0_i32 : i32, i32
  }
  func.func @transform_2(%arg0: i32) -> (i32, i32) {
    %c0_i32 = arith.constant 0 : i32
    %c0_i32_0 = arith.constant 0 : i32
    %c0_i32_1 = arith.constant 0 : i32
    return %c0_i32, %c0_i32_0 : i32, i32
  }
  func.func @transform_3(%arg0: i32) -> (i32, i32) {
    %c0_i32 = arith.constant 0 : i32
    %c0_i32_0 = arith.constant 0 : i32
    %c0_i32_1 = arith.constant 0 : i32
    return %c0_i32, %c0_i32_0 : i32, i32
  }
  func.func @transform_4(%arg0: i32) -> (i32, i32) {
    %c0_i32 = arith.constant 0 : i32
    %c0_i32_0 = arith.constant 0 : i32
    %c0_i32_1 = arith.constant 0 : i32
    return %c0_i32, %c0_i32_0 : i32, i32
  }
  func.func @transform_5(%arg0: i32) -> (i32, i32) {
    %c0_i32 = arith.constant 0 : i32
    %c0_i32_0 = arith.constant 0 : i32
    %c0_i32_1 = arith.constant 0 : i32
    return %c0_i32, %c0_i32_0 : i32, i32
  }
  func.func @transform_6(%arg0: i32) -> (i32, i32) {
    %c0_i32 = arith.constant 0 : i32
    %c0_i32_0 = arith.constant 0 : i32
    return %arg0, %c0_i32 : i32, i32
  }
}

module attributes {stable_mosaic.version = 14 : i64} {
  func.func @_update_body_hi(%arg0: i32, %arg1: memref<8x128xf32, #tpu.memory_space<vmem>>, %arg2: memref<2000x128xf32, #tpu.memory_space<vmem>>, %arg3: memref<2000x128xf32, #tpu.memory_space<vmem>>, %arg4: memref<128x64xf32, #tpu.memory_space<vmem>>, %arg5: memref<1x64xf32, #tpu.memory_space<vmem>>, %arg6: memref<64x128xf32, #tpu.memory_space<vmem>>, %arg7: memref<1x128xf32, #tpu.memory_space<vmem>>, %arg8: memref<2000x128xf32, #tpu.memory_space<vmem>>) attributes {dimension_semantics = [#tpu.dimension_semantics<arbitrary>], iteration_bounds = array<i64: 14>, scalar_prefetch = 0 : i64, scratch_operands = 0 : i64, tpu.core_type = #tpu.core_type<tc>, window_params = [{transform_indices = @transform_0, window_bounds = array<i64: 8, 128>}, {transform_indices = @transform_1, window_bounds = array<i64: 2000, 128>}, {transform_indices = @transform_2, window_bounds = array<i64: 2000, 128>}, {pipeline_mode = #tpu.pipeline_mode<synchronous>, transform_indices = @transform_3, window_bounds = array<i64: 128, 64>}, {pipeline_mode = #tpu.pipeline_mode<synchronous>, transform_indices = @transform_4, window_bounds = array<i64: 1, 64>}, {pipeline_mode = #tpu.pipeline_mode<synchronous>, transform_indices = @transform_5, window_bounds = array<i64: 64, 128>}, {pipeline_mode = #tpu.pipeline_mode<synchronous>, transform_indices = @transform_6, window_bounds = array<i64: 1, 128>}, {transform_indices = @transform_7, window_bounds = array<i64: 2000, 128>}]} {
    %get3A = arith.constant 0 : index
    %get3A_0 = arith.constant 0 : index
    %get3A_1 = vector.load %arg2[%get3A, %get3A_0] : memref<2000x128xf32, #tpu.memory_space<vmem>>, vector<2000x128xf32>
    %get3A_2 = arith.constant 0 : index
    %get3A_3 = arith.constant 0 : index
    %get3A_4 = vector.load %arg4[%get3A_2, %get3A_3] : memref<128x64xf32, #tpu.memory_space<vmem>>, vector<128x64xf32>
    %dot_general3A = arith.constant dense<0.000000e+00> : vector<2000x64xf32>
    %dot_general3A_5 = tpu.matmul %get3A_1, %get3A_4, %dot_general3A {dimension_numbers = #tpu.dot_dimension_numbers<[1], [0], [0], [1], [0, 0, 1, 1], [], []>, transpose_lhs_hint = false} : vector<2000x128xf32>, vector<128x64xf32>, vector<2000x64xf32> -> vector<2000x64xf32>
    %get3A_6 = arith.constant 0 : index
    %get3A_7 = arith.constant 0 : index
    %get3A_8 = vector.load %arg3[%get3A_6, %get3A_7] : memref<2000x128xf32, #tpu.memory_space<vmem>>, vector<2000x64xf32>
    %add3A = arith.addf %dot_general3A_5, %get3A_8 : vector<2000x64xf32>
    %get3A_9 = arith.constant 0 : index
    %get3A_10 = arith.constant 0 : index
    %get3A_11 = vector.load %arg5[%get3A_9, %get3A_10] : memref<1x64xf32, #tpu.memory_space<vmem>>, vector<1x64xf32>
    %add3A_12 = vector.broadcast %get3A_11 : vector<1x64xf32> to vector<2000x64xf32>
    %add3A_13 = arith.addf %add3A, %add3A_12 : vector<2000x64xf32>
    %tanh3A = math.tanh %add3A_13 : vector<2000x64xf32>
    %get3A_14 = arith.constant 0 : index
    %get3A_15 = arith.constant 0 : index
    %get3A_16 = vector.load %arg6[%get3A_14, %get3A_15] : memref<64x128xf32, #tpu.memory_space<vmem>>, vector<64x128xf32>
    %dot_general3A_17 = arith.constant dense<0.000000e+00> : vector<2000x128xf32>
    %dot_general3A_18 = tpu.matmul %tanh3A, %get3A_16, %dot_general3A_17 {dimension_numbers = #tpu.dot_dimension_numbers<[1], [0], [0], [1], [0, 0, 1, 1], [], []>, transpose_lhs_hint = false} : vector<2000x64xf32>, vector<64x128xf32>, vector<2000x128xf32> -> vector<2000x128xf32>
    %add3A_19 = arith.addf %get3A_1, %dot_general3A_18 : vector<2000x128xf32>
    %get3A_20 = arith.constant 0 : index
    %get3A_21 = arith.constant 0 : index
    %get3A_22 = vector.load %arg7[%get3A_20, %get3A_21] : memref<1x128xf32, #tpu.memory_space<vmem>>, vector<1x128xf32>
    %add3A_23 = vector.broadcast %get3A_22 : vector<1x128xf32> to vector<2000x128xf32>
    %add3A_24 = arith.addf %add3A_19, %add3A_23 : vector<2000x128xf32>
    %swap3A = arith.constant 0 : index
    %swap3A_25 = arith.constant 0 : index
    %swap3A_26 = vector.load %arg8[%swap3A, %swap3A_25] : memref<2000x128xf32, #tpu.memory_space<vmem>>, vector<2000x128xf32>
    tpu.vector_store %arg8[%swap3A, %swap3A_25], %add3A_24 {strides = array<i32>} : memref<2000x128xf32, #tpu.memory_space<vmem>>, vector<2000x128xf32>,
    return
  }
  func.func @transform_0(%arg0: i32) -> (i32, i32) {
    %c0_i32 = arith.constant 0 : i32
    %c0_i32_0 = arith.constant 0 : i32
    %c0_i32_1 = arith.constant 0 : i32
    return %c0_i32, %c0_i32_0 : i32, i32
  }
  func.func @transform_1(%arg0: i32) -> (i32, i32) {
    %add3A = arith.constant 28 : i32
    %add3A_0 = arith.addi %arg0, %add3A : i32
    %c0_i32 = arith.constant 0 : i32
    %c0_i32_1 = arith.constant 0 : i32
    return %add3A_0, %c0_i32 : i32, i32
  }
  func.func @transform_2(%arg0: i32) -> (i32, i32) {
    %c0_i32 = arith.constant 0 : i32
    %c0_i32_0 = arith.constant 0 : i32
    return %arg0, %c0_i32 : i32, i32
  }
  func.func @transform_3(%arg0: i32) -> (i32, i32) {
    %c0_i32 = arith.constant 0 : i32
    %c0_i32_0 = arith.constant 0 : i32
    %c0_i32_1 = arith.constant 0 : i32
    return %c0_i32, %c0_i32_0 : i32, i32
  }
  func.func @transform_4(%arg0: i32) -> (i32, i32) {
    %c0_i32 = arith.constant 0 : i32
    %c0_i32_0 = arith.constant 0 : i32
    %c0_i32_1 = arith.constant 0 : i32
    return %c0_i32, %c0_i32_0 : i32, i32
  }
  func.func @transform_5(%arg0: i32) -> (i32, i32) {
    %c0_i32 = arith.constant 0 : i32
    %c0_i32_0 = arith.constant 0 : i32
    %c0_i32_1 = arith.constant 0 : i32
    return %c0_i32, %c0_i32_0 : i32, i32
  }
  func.func @transform_6(%arg0: i32) -> (i32, i32) {
    %c0_i32 = arith.constant 0 : i32
    %c0_i32_0 = arith.constant 0 : i32
    %c0_i32_1 = arith.constant 0 : i32
    return %c0_i32, %c0_i32_0 : i32, i32
  }
  func.func @transform_7(%arg0: i32) -> (i32, i32) {
    %add3A = arith.constant 28 : i32
    %add3A_0 = arith.addi %arg0, %add3A : i32
    %c0_i32 = arith.constant 0 : i32
    %c0_i32_1 = arith.constant 0 : i32
    return %add3A_0, %c0_i32 : i32, i32
  }
}

module attributes {stable_mosaic.version = 14 : i64} {
  func.func @_update_body_hi(%arg0: i32, %arg1: memref<8x128xf32, #tpu.memory_space<vmem>>, %arg2: memref<2000x128xf32, #tpu.memory_space<vmem>>, %arg3: memref<2000x128xf32, #tpu.memory_space<vmem>>, %arg4: memref<128x64xf32, #tpu.memory_space<vmem>>, %arg5: memref<1x64xf32, #tpu.memory_space<vmem>>, %arg6: memref<64x128xf32, #tpu.memory_space<vmem>>, %arg7: memref<1x128xf32, #tpu.memory_space<vmem>>, %arg8: memref<2000x128xf32, #tpu.memory_space<vmem>>) attributes {dimension_semantics = [#tpu.dimension_semantics<arbitrary>], iteration_bounds = array<i64: 8>, scalar_prefetch = 0 : i64, scratch_operands = 0 : i64, tpu.core_type = #tpu.core_type<tc>, window_params = [{transform_indices = @transform_0, window_bounds = array<i64: 8, 128>}, {transform_indices = @transform_1, window_bounds = array<i64: 2000, 128>}, {transform_indices = @transform_2, window_bounds = array<i64: 2000, 128>}, {pipeline_mode = #tpu.pipeline_mode<synchronous>, transform_indices = @transform_3, window_bounds = array<i64: 128, 64>}, {pipeline_mode = #tpu.pipeline_mode<synchronous>, transform_indices = @transform_4, window_bounds = array<i64: 1, 64>}, {pipeline_mode = #tpu.pipeline_mode<synchronous>, transform_indices = @transform_5, window_bounds = array<i64: 64, 128>}, {pipeline_mode = #tpu.pipeline_mode<synchronous>, transform_indices = @transform_6, window_bounds = array<i64: 1, 128>}, {transform_indices = @transform_7, window_bounds = array<i64: 2000, 128>}]} {
    %get3A = arith.constant 0 : index
    %get3A_0 = arith.constant 0 : index
    %get3A_1 = vector.load %arg2[%get3A, %get3A_0] : memref<2000x128xf32, #tpu.memory_space<vmem>>, vector<2000x128xf32>
    %get3A_2 = arith.constant 0 : index
    %get3A_3 = arith.constant 0 : index
    %get3A_4 = vector.load %arg4[%get3A_2, %get3A_3] : memref<128x64xf32, #tpu.memory_space<vmem>>, vector<128x64xf32>
    %dot_general3A = arith.constant dense<0.000000e+00> : vector<2000x64xf32>
    %dot_general3A_5 = tpu.matmul %get3A_1, %get3A_4, %dot_general3A {dimension_numbers = #tpu.dot_dimension_numbers<[1], [0], [0], [1], [0, 0, 1, 1], [], []>, transpose_lhs_hint = false} : vector<2000x128xf32>, vector<128x64xf32>, vector<2000x64xf32> -> vector<2000x64xf32>
    %get3A_6 = arith.constant 0 : index
    %get3A_7 = arith.constant 0 : index
    %get3A_8 = vector.load %arg3[%get3A_6, %get3A_7] : memref<2000x128xf32, #tpu.memory_space<vmem>>, vector<2000x64xf32>
    %add3A = arith.addf %dot_general3A_5, %get3A_8 : vector<2000x64xf32>
    %get3A_9 = arith.constant 0 : index
    %get3A_10 = arith.constant 0 : index
    %get3A_11 = vector.load %arg5[%get3A_9, %get3A_10] : memref<1x64xf32, #tpu.memory_space<vmem>>, vector<1x64xf32>
    %add3A_12 = vector.broadcast %get3A_11 : vector<1x64xf32> to vector<2000x64xf32>
    %add3A_13 = arith.addf %add3A, %add3A_12 : vector<2000x64xf32>
    %tanh3A = math.tanh %add3A_13 : vector<2000x64xf32>
    %get3A_14 = arith.constant 0 : index
    %get3A_15 = arith.constant 0 : index
    %get3A_16 = vector.load %arg6[%get3A_14, %get3A_15] : memref<64x128xf32, #tpu.memory_space<vmem>>, vector<64x128xf32>
    %dot_general3A_17 = arith.constant dense<0.000000e+00> : vector<2000x128xf32>
    %dot_general3A_18 = tpu.matmul %tanh3A, %get3A_16, %dot_general3A_17 {dimension_numbers = #tpu.dot_dimension_numbers<[1], [0], [0], [1], [0, 0, 1, 1], [], []>, transpose_lhs_hint = false} : vector<2000x64xf32>, vector<64x128xf32>, vector<2000x128xf32> -> vector<2000x128xf32>
    %add3A_19 = arith.addf %get3A_1, %dot_general3A_18 : vector<2000x128xf32>
    %get3A_20 = arith.constant 0 : index
    %get3A_21 = arith.constant 0 : index
    %get3A_22 = vector.load %arg7[%get3A_20, %get3A_21] : memref<1x128xf32, #tpu.memory_space<vmem>>, vector<1x128xf32>
    %add3A_23 = vector.broadcast %get3A_22 : vector<1x128xf32> to vector<2000x128xf32>
    %add3A_24 = arith.addf %add3A_19, %add3A_23 : vector<2000x128xf32>
    %swap3A = arith.constant 0 : index
    %swap3A_25 = arith.constant 0 : index
    %swap3A_26 = vector.load %arg8[%swap3A, %swap3A_25] : memref<2000x128xf32, #tpu.memory_space<vmem>>, vector<2000x128xf32>
    tpu.vector_store %arg8[%swap3A, %swap3A_25], %add3A_24 {strides = array<i32>} : memref<2000x128xf32, #tpu.memory_space<vmem>>, vector<2000x128xf32>,
    return
  }
  func.func @transform_0(%arg0: i32) -> (i32, i32) {
    %c0_i32 = arith.constant 0 : i32
    %c0_i32_0 = arith.constant 0 : i32
    %c0_i32_1 = arith.constant 0 : i32
    return %c0_i32, %c0_i32_0 : i32, i32
  }
  func.func @transform_1(%arg0: i32) -> (i32, i32) {
    %add3A = arith.constant 42 : i32
    %add3A_0 = arith.addi %arg0, %add3A : i32
    %c0_i32 = arith.constant 0 : i32
    %c0_i32_1 = arith.constant 0 : i32
    return %add3A_0, %c0_i32 : i32, i32
  }
  func.func @transform_2(%arg0: i32) -> (i32, i32) {
    %c0_i32 = arith.constant 0 : i32
    %c0_i32_0 = arith.constant 0 : i32
    return %arg0, %c0_i32 : i32, i32
  }
  func.func @transform_3(%arg0: i32) -> (i32, i32) {
    %c0_i32 = arith.constant 0 : i32
    %c0_i32_0 = arith.constant 0 : i32
    %c0_i32_1 = arith.constant 0 : i32
    return %c0_i32, %c0_i32_0 : i32, i32
  }
  func.func @transform_4(%arg0: i32) -> (i32, i32) {
    %c0_i32 = arith.constant 0 : i32
    %c0_i32_0 = arith.constant 0 : i32
    %c0_i32_1 = arith.constant 0 : i32
    return %c0_i32, %c0_i32_0 : i32, i32
  }
  func.func @transform_5(%arg0: i32) -> (i32, i32) {
    %c0_i32 = arith.constant 0 : i32
    %c0_i32_0 = arith.constant 0 : i32
    %c0_i32_1 = arith.constant 0 : i32
    return %c0_i32, %c0_i32_0 : i32, i32
  }
  func.func @transform_6(%arg0: i32) -> (i32, i32) {
    %c0_i32 = arith.constant 0 : i32
    %c0_i32_0 = arith.constant 0 : i32
    %c0_i32_1 = arith.constant 0 : i32
    return %c0_i32, %c0_i32_0 : i32, i32
  }
  func.func @transform_7(%arg0: i32) -> (i32, i32) {
    %add3A = arith.constant 42 : i32
    %add3A_0 = arith.addi %arg0, %add3A : i32
    %c0_i32 = arith.constant 0 : i32
    %c0_i32_1 = arith.constant 0 : i32
    return %add3A_0, %c0_i32 : i32, i32
  }
}

</mosaic_0001>

<sc_bundles>
// kernel: kernel.12.cloned.1.call-start
scs
__scs_entry_jumppad:
0x0: {  	(pc) =	sbr.rel $0x88, $3  }
0x1: {  	(tag) =	ssettag $0x0;
	lr =	simm.s32 $0x1  }
0x2: {  	[smem:$0x3F9B] =	sst lr;
	_ =	strace $0xD0000000  }
0x3: {  	_ = 	snop  }
0x4: {  	_ = 	snop  }
0x5: {  	_ = 	snop  }
0x6: {  	_ = 	snop  }
0x7: {  	_ = 	snop  }
__scs_overlays_trampoline_lowered:
0x8: {  	[smem:$0x3FAA] =	sst s0  }
0x9: {  	[smem:$0x3FAB] =	sst s1  }
0xa: {  	[smem:$0x3FAC] =	sst s2  }
0xb: {  	[smem:$0x3FAD] =	sst s3  }
0xc: {  	[smem:$0x3FAE] =	sst s4  }
0xd: {  	[smem:$0x3FAF] =	sst s5  }
0xe: {  	[smem:$0x3FB0] =	sst s6  }
0xf: {  	[smem:$0x3FB1] =	sst s7  }
0x10: {  	[smem:$0x3FB2] =	sst s8  }
0x11: {  	[smem:$0x3FB3] =	sst s9;
	s0 =	simm.s32 @!p0 $0x0  }
0x12: {  	s1 =	sld [smem:$0x3F99];
	s0 =	simm.s32 @p0 $0x1  }
0x13: {  	[smem:$0x3FB4] =	sst s0;
	s0 =	simm.s32 @!p1 $0x0  }
0x14: {  	s2 =	sld [smem:$0x3F98];
	s0 =	simm.s32 @p1 $0x1  }
0x15: {  	[smem:$0x3FB5] =	sst s0;
	s0 =	simm.s32 @!p2 $0x0  }
0x16: {  	s3 =	sld [smem:$0x3FDB];
	s0 =	simm.s32 @p2 $0x1  }
0x17: {  	s4 =	simm.s32 $0x1BF5;
	[smem:$0x3FB7] =	sst s0  }
0x18: {  	s0 =	sld [smem:$0x3F9A];
	_ =	swait.ge [sflag:s4], $0x0  }
0x19: {  	s7 =	sld [smem:$0x3F9B]  }
0x1a: {  	s8 =	sadd.s32 $0xFFFFE003, lr  }
0x1b: {  	s9 =	sadd.s32 $0xFFFFFEF7, lr;
	s5 =	simm.s32 $0xFFFFFFFF;
	p2 =	slt.u32 s8, $0xFFFFF086  }
0x1c: {  	p1 =	slt.u32 s9, $0xF7A;
	s5 =	simm.s32 @!p2 $0x0  }
0x1d: {  	s5 =	simm.s32 @p1 $0x1;
	p0 =	seq.s32 s7, s2  }
0x1e: {  	s7 =	smul.u32 @!p0 $0xF7A, s2;
	p2 =	seq.s32 @!p0 s5, $0x0  }
0x1f: {  	s9 =	smul.u32 $0xF7A, s1;
	s8 =	simm.s32 @!p0 $0x1BF5;
	p2 =	por !p2, p0  }
0x20: {  	[sflag:s8] =	ssyncset.s32 @!p0 $0xFFFFF086;
	s6 =	sadd.s32 @!p0 s3, s7;
	s7 =	simm.s32 @!p0 $0x108  }
0x21: {  	s3 =	sadd.s32 s3, s9;
	s6 =	sadd.s32 @!p0 $0x88, s6;
	s7 =	simm.s32 @p2 $0x1082  }
0x22: {  	[simem:s7], [sflag:s8] =	dma.local @!p0 [hbm:s6], $0xF7A  }
0x23: {  	s9 =	sor.u32 $0xD0000000, s2;
	s6 =	simm.s32 $0x108;
	_ =	swait.ge @!p0 [sflag:s8], $0x0  }
0x24: {  	s3 =	sadd.s32 $0x88, s3;
	s6 =	simm.s32 @!p1 $0x1082;
	[sflag:s4] =	ssyncset.s32 $0xFFFFF086  }
0x25: {  	[simem:s6], [sflag:s4] =	dma.local [hbm:s3], $0xF7A  }
0x26: {  	[smem:$0x3F9B] =	sst s1;
	(tag) =	ssettag s2;
	_ =	strace s9  }
0x27: {  	s1 =	sld [smem:$0x3FAB]  }
0x28: {  	s2 =	sld [smem:$0x3FAC]  }
0x29: {  	s4 =	sld [smem:$0x3FAE]  }
0x2a: {  	p0 =	seq.s32 s5, $0x0;
	s5 =	sld [smem:$0x3FAF]  }
0x2b: {  	s6 =	sld [smem:$0x3FB0]  }
0x2c: {  	s7 =	sld [smem:$0x3FB1]  }
0x2d: {  	s3 =	simm.s32 $0x108;
	s8 =	sld [smem:$0x3FB2]  }
0x2e: {  	s3 =	simm.s32 @!p0 $0x1082;
	s9 =	sld [smem:$0x3FB3]  }
0x2f: {  	lr =	sadd.s32 s0, s3;
	s0 =	sld [smem:$0x3FAA]  }
0x30: {  	s3 =	sld [smem:$0x3FAD]  }
0x31: {  	[smem:$0x3FB6] =	sst s10  }
0x32: {  	s10 =	sld [smem:$0x3FB4];
	_ =	sdelay $0x3  }
0x33: {  	p0 =	seq.s32 s10, $0x1;
	s10 =	sld [smem:$0x3FB6];
	_ =	sdelay $0x3  }
0x34: {  	[smem:$0x3FB6] =	sst s10  }
0x35: {  	s10 =	sld [smem:$0x3FB5];
	_ =	sdelay $0x3  }
0x36: {  	p1 =	seq.s32 s10, $0x1;
	s10 =	sld [smem:$0x3FB6];
	_ =	sdelay $0x3  }
0x37: {  	[smem:$0x3FB6] =	sst s10  }
0x38: {  	s10 =	sld [smem:$0x3FB7]  }
0x39: {  	_ = 	snop;
	(pc) =	sbr.ind lr, $3  }
0x3a: {  	_ = 	snop  }
0x3b: {  	_ = 	snop  }
0x3c: {  	p2 =	seq.s32 s10, $0x1;
	s10 =	sld [smem:$0x3FB6]  }
0x3d: {  	_ =	shalt  }
0x3e: {  	_ =	shalt  }
0x3f: {  	_ =	shalt  }
0x40: {  	_ =	shalt  }
0x41: {  	_ =	shalt  }
0x42: {  	_ =	shalt  }
0x43: {  	_ =	shalt  }
0x44: {  	_ =	shalt  }
0x45: {  	_ =	shalt  }
0x46: {  	_ =	shalt  }
0x47: {  	_ =	shalt  }
0x48: {  	_ =	shalt  }
0x49: {  	_ =	shalt  }
0x4a: {  	_ =	shalt  }
0x4b: {  	_ =	shalt  }
0x4c: {  	_ =	shalt  }
0x4d: {  	_ =	shalt  }
0x4e: {  	_ =	shalt  }
0x4f: {  	_ =	shalt  }
0x50: {  	_ =	shalt  }
0x51: {  	_ =	shalt  }
0x52: {  	_ =	shalt  }
0x53: {  	_ =	shalt  }
0x54: {  	_ =	shalt  }
0x55: {  	_ =	shalt  }
0x56: {  	_ =	shalt  }
0x57: {  	_ =	shalt  }
0x58: {  	_ =	shalt  }
0x59: {  	_ =	shalt  }
0x5a: {  	_ =	shalt  }
0x5b: {  	_ =	shalt  }
0x5c: {  	_ =	shalt  }
0x5d: {  	_ =	shalt  }
0x5e: {  	_ =	shalt  }
0x5f: {  	_ =	shalt  }
0x60: {  	_ =	shalt  }
0x61: {  	_ =	shalt  }
0x62: {  	_ =	shalt  }
0x63: {  	_ =	shalt  }
0x64: {  	_ =	shalt  }
0x65: {  	_ =	shalt  }
0x66: {  	_ =	shalt  }
0x67: {  	_ =	shalt  }
0x68: {  	_ =	shalt  }
0x69: {  	_ =	shalt  }
0x6a: {  	_ =	shalt  }
0x6b: {  	_ =	shalt  }
0x6c: {  	_ =	shalt  }
0x6d: {  	_ =	shalt  }
0x6e: {  	_ =	shalt  }
0x6f: {  	_ =	shalt  }
0x70: {  	_ =	shalt  }
0x71: {  	_ =	shalt  }
0x72: {  	_ =	shalt  }
0x73: {  	_ =	shalt  }
0x74: {  	_ =	shalt  }
0x75: {  	_ =	shalt  }
0x76: {  	_ =	shalt  }
0x77: {  	_ =	shalt  }
0x78: {  	_ =	shalt  }
0x79: {  	_ =	shalt  }
0x7a: {  	_ =	shalt  }
0x7b: {  	_ =	shalt  }
0x7c: {  	_ =	shalt  }
0x7d: {  	_ =	shalt  }
0x7e: {  	_ =	shalt  }
0x7f: {  	_ =	shalt  }
0x80: {  	_ =	shalt  }
0x81: {  	_ =	shalt  }
0x82: {  	_ =	shalt  }
0x83: {  	_ =	shalt  }
0x84: {  	_ =	shalt  }
0x85: {  	_ =	shalt  }
0x86: {  	_ =	shalt  }
0x87: {  	_ =	shalt  }
.Lfunc_end0:
.L_simem_size_0:
called_computation.1_lowered:
.L_overlay_start_0:
0x88: {  	s2 =	sld [smem:$0x3FD9]  }
0x89: {  	s3 =	sld [smem:$0x3FFE];
	_ =	sdelay $0x1  }
0x8a: {  	s1 =	srdreg.scid  }
0x8b: {  	s0 =	sand.u32 $0x1, s1  }
0x8c: {  	s17 =	sshll.u32 s0, $0xA;
	s2 =	sadd.s32 s3, s2  }
0x8d: {  	s2 =	sadd.s32 s2, s17  }
0x8e: {  	[smem:$0x3FC2] =	sst s2  }
0x8f: {  	_ = 	snop  }
0x90: {  	(tm) =	ssettm $0x1  }
0x91: {  	s18 =	sld [smem:$0x3FFB];
	_ =	sdelay $0x3  }
0x92: {  	_ =	strace s18  }
0x93: {  	s2 =	sld [smem:$0x3FFC];
	_ =	sdelay $0x3  }
0x94: {  	_ =	strace s2  }
0x95: {  	s2 =	sld [smem:$0x3FFD];
	_ =	sdelay $0x3  }
0x96: {  	_ =	strace s2  }
0x97: {  	_ =	strace $0x8FFFFFFF  }
0x98: {  	s19 =	sld [smem:$0x3FDB];
	_ =	sdelay $0x1  }
0x99: {  	s20 =	simm.s32 $_scs_section_size  }
0x9a: {  	s4 =	simm.s32 $_size__tile_overlayer_lowered;
	s5 =	simm.s32 $_tile_overlayer_lowered  }
0x9b: {  	s6 =	simm.s32 $0x1BFF;
	s21 =	sshll.u32 s5, $0x1;
	s3 =	sadd.s32 s20, s19  }
0x9c: {  	s22 =	simm.s32 $0x0;
	s4 =	sshll.u32 s4, $0x1;
	s5 =	sadd.s32 s21, s3  }
0x9d: {  	[timem:s22], [sflag:s6] =	dma.local [hbm:s5], s4  }
0x9e: {  	_ =	swait.ge [sflag:s6], s4  }
0x9f: {  	s4 =	ssub.s32 $0x0, s4;
	[sflag:s6] =	ssyncset.done $0x0  }
0xa0: {  	[sflag:s6] =	ssyncadd.s32 s4;
	_ =	sdelay $0x1  }
0xa1: {  	s23 =	simm.s32 $0x1B8B  }
0xa2: {  	_ =	swait.ge [sflag:s23], $0x1  }
0xa3: {  	[sflag:s23] =	ssyncset.done $0x0  }
0xa4: {  	[sflag:s23] =	ssyncadd.s32 $0xFFFFFFFF  }
0xa5: {  	s4 =	sld [smem:$0x0]  }
0xa6: {  	s5 =	sand.u32 $0xFFFFFFFE, s1  }
0xa7: {  	p0 =	sne.s32 s1, s5  }
0xa8: {  	s5 =	sshll.u32 @p0 s5, $0xE  }
0xa9: {  	s5 =	sadd.s32 @p0 $0x11B8D, s5;
	s6 =	sshll.u32 @p0 s4, $0x11  }
0xaa: {  	s5 =	sor.u32 @p0 s6, s5  }
0xab: {  	[sflag:s5] =	ssyncadd.remote.s32 @p0 $0x1;
	_ =	sdelay $0x1  }
0xac: {  	s5 =	simm.s32 @p0 $0x1B8D  }
0xad: {  	_ =	swait.eq @p0 [sflag:s5], $0x1  }
0xae: {  	[sflag:s5] =	ssyncadd.s32 @p0 $0xFFFFFFFF  }
0xaf: {  	s6 =	sshll.u32 @!p0 s1, $0xE  }
0xb0: {  	s6 =	sor.u32 @!p0 $0x4000, s6;
	s5 =	simm.s32 @!p0 $0x1B8D  }
0xb1: {  	s4 =	sshll.u32 @!p0 s4, $0x11;
	s6 =	sadd.s32 @!p0 $0x11B8D, s6;
	_ =	swait.eq @!p0 [sflag:s5], $0x1  }
0xb2: {  	s4 =	sor.u32 @!p0 s4, s6;
	[sflag:s5] =	ssyncadd.s32 @!p0 $0xFFFFFFFF  }
0xb3: {  	s25 =	simm.s32 $0x1B8E;
	s24 =	sld [smem:$0x3FFE];
	[sflag:s4] =	ssyncadd.remote.s32 @!p0 $0x1  }
0xb4: {  	s26 =	simm.s32 $execute0_lowered;
	[smem:$0x3FD2] =	sst s25  }
0xb5: {  	s5 =	sshll.u32 s26, $0x1;
	_ =	strace $0x80000049;
	[dreg:$0x1] =	wrdreg $0xFFFFFFFF  }
0xb6: {  	s28 =	simm.s32 $_size_execute0_lowered;
	s3 =	sadd.s32 s3, s5;
	[dreg:$0x0] =	wrdreg $0x0  }
0xb7: {  	s5 =	sshll.u32 s28, $0x1;
	[dreg:$0x2] =	wrdreg s3  }
0xb8: {  	[dreg:$0x3] =	wrdreg s5  }
0xb9: {  	[dreg:$0x4] =	wrdreg $0xC0  }
0xba: {  	_ =	task [dreg:s22], $0x5FFFF  }
0xbb: {  	[dreg:$0x1] =	wrdreg $0xFFFFFFFF  }
0xbc: {  	[dreg:$0x0] =	wrdreg $0x60  }
0xbd: {  	[dreg:$0x2] =	wrdreg s24  }
0xbe: {  	[dreg:$0x3] =	wrdreg $0xA  }
0xbf: {  	_ =	task.clear_ibuf [dreg:s22], $0x4FFFF;
	_ =	strace $0x90000049  }
0xc0: {  	s29 =	simm.s32 $0xA;
	_ =	strace $0x8000004B  }
0xc1: {  	_ =	swait.ge [sflag:s29], $0x1  }
0xc2: {  	[sflag:s29] =	ssyncadd.s32 $0xFFFFFFFF  }
0xc3: {  	_ =	strace $0x9000004B  }
0xc4: {  	_ =	sfence  }
0xc5: {  	s30 =	sld [smem:$0x0];
	_ =	sdelay $0x2  }
0xc6: {  	s31 =	sshll.u32 s1, $0xD;
	s1 =	sshrl.u32 s1, $0x2  }
0xc7: {  	s4 =	sand.u32 $0x4000, s31;
	s1 =	sadd.s32 s1, s30  }
0xc8: {  	s0 =	sor.u32 s4, s0;
	s1 =	sshll.u32 s1, $0x11  }
0xc9: {  	s0 =	sor.u32 s1, s0  }
0xca: {  	s0 =	sadd.s32 $0x8F2B, s0  }
0xcb: {  	[sflag:s0] =	ssyncadd.remote.s32 $0x1  }
0xcc: {  	_ =	sfence.sel $0xFFFF  }
0xcd: {  	[dreg:$0x0] =	wrdreg $0xFFFFFFFF;
	(pc) =	sbr.abs _section_cstart, $3  }
0xce: {  	[dreg:$0x1] =	wrdreg $0xFFFFFFFF  }
0xcf: {  	_ =	task.clear_ibuf [dreg:s22], $0x2FFFF;
	_ =	strace $0x9FFFFFFF  }
0xd0: {  	(tm) =	ssettm $0x7FFFFFFF  }
0xd1: {  	_ =	shalt  }
tec
execute0_lowered:
.L_overlay_start_1:
0x0: {  	(tag) =	ssettag $0x1  }
0x1: {  	s0 =	rddreg [dreg:$0x0]  }
0x2: {  	s1 =	srdreg.scid;
	s3 =	stileid.u32;
	s2 =	simm.s32 $0x0  }
0x3: {  	s12 =	simm.s32 $0x1;
	s13 =	simm.s32 $0x28;
	s14 =	simm.s32 $0x4B0  }
0x4: {  	s15 =	simm.s32 $0x68B0;
	s16 =	simm.s32 $0xCCB0;
	s17 =	simm.s32 $0x18B0  }
0x5: {  	s18 =	simm.s32 $0x7CB0;
	s19 =	simm.s32 $0xE0B0;
	s20 =	simm.s32 $0x2CB0  }
0x6: {  	s21 =	simm.s32 $0x90B0;
	s22 =	simm.s32 $0xF4B0;
	s23 =	simm.s32 $0x40B0  }
0x7: {  	s24 =	simm.s32 $0xA4B0;
	s25 =	simm.s32 $0x108B0;
	s28 =	simm.s32 $0xB8B0  }
0x8: {  	s29 =	simm.s32 $0x11CB0;
	s1 =	sand.u32 $0x1, s1;
	s3 =	sshll.u32 s3, $0x1  }
0x9: {  	s30 =	simm.s32 $0x2;
	[smem:$0x7FF] =	sst s2;
	s3 =	sor.u32 s1, s3  }
0xa: {  	s4 =	sadd.s32 $0xB000, s0;
	s1 =	ssub.s32 $0x2, s1;
	s7 =	smul.u32 $0xC8, s3  }
.Ltmp0:
0xb: {  	s5 =	sadd.s32 $0x191A00, s0;
	s8 =	sshrl.u32 s1, $0x1;
	(pc) =	sbr.rel .LBB2_1-.Ltmp0, $4  }
0xc: {  	s6 =	sadd.s32 $0x1C00, s0;
	s26 =	ssub.s32 s1, s8;
	s9 =	sshrl.u32 s7, $0x3  }
0xd: {  	s7 =	sadd.s32 $0x3F3000, s0;
	s0 =	smax.u32 s26, $0x1;
	s31 =	sadd.s32 s6, s9  }
0xe: {  	_ =	strace $0x8000004A;
	[dreg:$0x3] =	wrdreg s0;
	s1 =	sadd.s32 $0x1B58, s31  }
0xf: {  	s26 =	simm.s32 $0x54B0;
	s0 =	simm.s32 $0x0;
	[dreg:$0x2] =	wrdreg s1  }
.LBB2_8:
0x10: {  	s8 =	simm.s32 $0x3  }
0x11: {  	_ =	swait.ge [sflag:s8], $0x6400  }
0x12: {  	s0 =	sadd.s32 $0x1, s0;
	s1 =	rddreg [dreg:$0x3]  }
0x13: {  	p0 =	sne.s32 s0, s1  }
.Ltmp1:
0x14: {  	_ = 	snop;
	(pc) =	sbr.rel @!p0 .LBB2_9-.Ltmp1, $3  }
0x15: {  	_ =	sdelay $0x1  }
0x16: {  	[sflag:s8] =	ssyncset.done $0x0  }
0x17: {  	[sflag:s8] =	ssyncadd.s32 $0xFFFF9C00  }
.LBB2_1:
.Ltmp2:
0x18: {  	(pc) =	sbr.rel .LBB2_2-.Ltmp2, $4  }
0x19: {  	_ = 	snop  }
0x1a: {  	s1 =	rddreg [dreg:$0x2];
	s8 =	simm.s32 $0xC8;
	s9 =	simm.s32 $0x186A0  }
0x1b: {  	[tilespmem:s2], [sflag:$0x1] =	stream.strided.gather [hbm4b:s1+s8], $0x258, s9, s8, $0x38;
	[tilespmem:$0x130B0] =	vst v63  }
0x1c: {  	s1 =	simm.s32 $0x0  }
.LBB2_3:
0x1d: {  	s1 =	sadd.s32 $0x1, s1  }
.LBB2_7:
0x1e: {  	p0 =	sne.s32 s1, $0x5  }
.Ltmp3:
0x1f: {  	_ = 	snop;
	(pc) =	sbr.rel @!p0 .LBB2_8-.Ltmp3, $1  }
0x20: {  	_ =	sdelay $0x3  }
.LBB2_2:
0x21: {  	s8 =	sshll.u32 s1, $0x5  }
0x22: {  	s10 =	sor.u32 s3, s8  }
0x23: {  	p0 =	slt.u32 s10, $0x8C  }
.Ltmp4:
0x24: {  	_ = 	snop;
	(pc) =	sbr.rel @!p0 .LBB2_3-.Ltmp4, $1  }
0x25: {  	_ =	sdelay $0x3  }
0x26: {  	_ =	swait.ge [sflag:s12], $0x258  }
0x27: {  	p0 =	seq.s32 s1, $0x0;
	[sflag:s12] =	ssyncset.done $0x0  }
0x28: {  	s8 =	simm.s32 @!p0 $0x3;
	[sflag:s12] =	ssyncadd.s32 $0xFFFFFDA8  }
0x29: {  	s11 =	sand.u32 $0x1, s1;
	_ =	swait.ge @!p0 [sflag:s8], $0x6400  }
0x2a: {  	p1 =	seq.s32 s11, $0x1;
	s11 =	simm.s32 $0x258;
	[sflag:s8] =	ssyncset.done @!p0 $0x0  }
0x2b: {  	s11 =	simm.s32 @!p1 $0x0;
	[sflag:s8] =	ssyncadd.s32 @!p0 $0xFFFF9C00  }
0x2c: {  	[tilespmem:s14], [sflag:$0x2] =	stream.indirect.gather [hbm4b:s4+s13], $0x80, s11, s13, $0xb8;
	[tilespmem:$0x130B0] =	vst v63  }
0x2d: {  	s9 =	sadd.s32 $0xC8, s11  }
0x2e: {  	[tilespmem:s15], [sflag:$0x2] =	stream.indirect.gather [hbm4b:s4+s13], $0x80, s9, s13, $0xb8;
	[tilespmem:$0x130B0] =	vst v63  }
0x2f: {  	s31 =	sadd.s32 $0x190, s11  }
0x30: {  	[tilespmem:s16], [sflag:$0x2] =	stream.indirect.gather [hbm4b:s5+s13], $0x80, s31, s13, $0xb8;
	[tilespmem:$0x130B0] =	vst v63  }
0x31: {  	s9 =	sadd.s32 $0x28, s11  }
0x32: {  	[tilespmem:s17], [sflag:$0x2] =	stream.indirect.gather [hbm4b:s4+s13], $0x80, s9, s13, $0xb8;
	[tilespmem:$0x130B0] =	vst v63  }
0x33: {  	s31 =	sadd.s32 $0xF0, s11  }
0x34: {  	[tilespmem:s18], [sflag:$0x2] =	stream.indirect.gather [hbm4b:s4+s13], $0x80, s31, s13, $0xb8;
	[tilespmem:$0x130B0] =	vst v63  }
0x35: {  	s9 =	sadd.s32 $0x1B8, s11  }
0x36: {  	[tilespmem:s19], [sflag:$0x2] =	stream.indirect.gather [hbm4b:s5+s13], $0x80, s9, s13, $0xb8;
	[tilespmem:$0x130B0] =	vst v63  }
0x37: {  	s31 =	sadd.s32 $0x50, s11  }
0x38: {  	[tilespmem:s20], [sflag:$0x2] =	stream.indirect.gather [hbm4b:s4+s13], $0x80, s31, s13, $0xb8;
	[tilespmem:$0x130B0] =	vst v63  }
0x39: {  	s9 =	sadd.s32 $0x118, s11  }
0x3a: {  	[tilespmem:s21], [sflag:$0x2] =	stream.indirect.gather [hbm4b:s4+s13], $0x80, s9, s13, $0xb8;
	[tilespmem:$0x130B0] =	vst v63  }
0x3b: {  	s31 =	sadd.s32 $0x1E0, s11  }
0x3c: {  	[tilespmem:s22], [sflag:$0x2] =	stream.indirect.gather [hbm4b:s5+s13], $0x80, s31, s13, $0xb8;
	[tilespmem:$0x130B0] =	vst v63  }
0x3d: {  	s9 =	sadd.s32 $0x78, s11  }
0x3e: {  	[tilespmem:s23], [sflag:$0x2] =	stream.indirect.gather [hbm4b:s4+s13], $0x80, s9, s13, $0xb8;
	[tilespmem:$0x130B0] =	vst v63  }
0x3f: {  	s31 =	sadd.s32 $0x140, s11  }
0x40: {  	[tilespmem:s24], [sflag:$0x2] =	stream.indirect.gather [hbm4b:s4+s13], $0x80, s31, s13, $0xb8;
	[tilespmem:$0x130B0] =	vst v63  }
0x41: {  	s9 =	sadd.s32 $0x208, s11  }
0x42: {  	[tilespmem:s25], [sflag:$0x2] =	stream.indirect.gather [hbm4b:s5+s13], $0x80, s9, s13, $0xb8;
	[tilespmem:$0x130B0] =	vst v63  }
0x43: {  	s1 =	sadd.s32 $0x1, s1;
	s31 =	sor.u32 $0xA0, s11  }
0x44: {  	[tilespmem:s26], [sflag:$0x2] =	stream.indirect.gather [hbm4b:s4+s13], $0x80, s31, s13, $0xb8;
	[tilespmem:$0x130B0] =	vst v63  }
0x45: {  	s31 =	sshll.u32 s1, $0x5  }
0x46: {  	s9 =	sadd.s32 $0x168, s11;
	s8 =	sor.u32 s3, s31  }
0x47: {  	[tilespmem:s28], [sflag:$0x2] =	stream.indirect.gather [hbm4b:s4+s13], $0x80, s9, s13, $0xb8;
	[tilespmem:$0x130B0] =	vst v63  }
0x48: {  	p0 =	sgt.u32 s8, $0x8B  }
0x49: {  	s11 =	sadd.s32 $0x230, s11;
	s8 =	smul.u32 @!p0 $0xC8, s8  }
0x4a: {  	[tilespmem:s29], [sflag:$0x2] =	stream.indirect.gather [hbm4b:s5+s13], $0x80, s11, s13, $0xb8;
	[tilespmem:$0x130B0] =	vst v63  }
0x4b: {  	s11 =	sand.u32 @!p0 $0x1, s1  }
0x4c: {  	s9 =	simm.s32 @!p0 $0xC8;
	p1 =	seq.s32 @!p0 s11, $0x1;
	s8 =	sshrl.u32 @!p0 s8, $0x3  }
0x4d: {  	s11 =	simm.s32 @!p0 $0x258;
	p1 =	por !p1, p0;
	s8 =	sadd.s32 @!p0 s6, s8  }
0x4e: {  	s31 =	simm.s32 @!p0 $0x186A0;
	s11 =	simm.s32 @p1 $0x0;
	s8 =	sadd.s32 @!p0 $0x1B58, s8  }
0x4f: {  	[tilespmem:s11], [sflag:$0x1] =	stream.strided.gather @!p0 [hbm4b:s8+s9], $0x258, s31, s9, $0x38;
	[tilespmem:$0x130B0] =	vst v63  }
0x50: {  	_ =	swait.ge [sflag:s30], $0x1400  }
0x51: {  	[sflag:s30] =	ssyncset.done $0x0  }
0x52: {  	[sflag:s30] =	ssyncadd.s32 $0xFFFFEC00  }
0x53: {  	_ =	swait.ge [sflag:s30], $0x1400  }
0x54: {  	[sflag:s30] =	ssyncset.done $0x0  }
0x55: {  	[sflag:s30] =	ssyncadd.s32 $0xFFFFEC00  }
0x56: {  	_ =	swait.ge [sflag:s30], $0x1400  }
0x57: {  	[sflag:s30] =	ssyncset.done $0x0  }
0x58: {  	[sflag:s30] =	ssyncadd.s32 $0xFFFFEC00  }
0x59: {  	_ =	swait.ge [sflag:s30], $0x1400  }
0x5a: {  	[sflag:s30] =	ssyncset.done $0x0  }
0x5b: {  	[sflag:s30] =	ssyncadd.s32 $0xFFFFEC00  }
0x5c: {  	_ =	swait.ge [sflag:s30], $0x1400  }
0x5d: {  	[sflag:s30] =	ssyncset.done $0x0  }
0x5e: {  	[sflag:s30] =	ssyncadd.s32 $0xFFFFEC00  }
0x5f: {  	_ =	swait.ge [sflag:s30], $0x1400  }
0x60: {  	[sflag:s30] =	ssyncset.done $0x0  }
0x61: {  	[sflag:s30] =	ssyncadd.s32 $0xFFFFEC00  }
0x62: {  	_ =	swait.ge [sflag:s30], $0x1400  }
0x63: {  	[sflag:s30] =	ssyncset.done $0x0  }
0x64: {  	[sflag:s30] =	ssyncadd.s32 $0xFFFFEC00  }
0x65: {  	_ =	swait.ge [sflag:s30], $0x1400  }
0x66: {  	[sflag:s30] =	ssyncset.done $0x0  }
0x67: {  	[sflag:s30] =	ssyncadd.s32 $0xFFFFEC00  }
0x68: {  	_ =	swait.ge [sflag:s30], $0x1400  }
0x69: {  	[sflag:s30] =	ssyncset.done $0x0  }
0x6a: {  	[sflag:s30] =	ssyncadd.s32 $0xFFFFEC00  }
0x6b: {  	_ =	swait.ge [sflag:s30], $0x1400  }
0x6c: {  	[sflag:s30] =	ssyncset.done $0x0  }
0x6d: {  	[sflag:s30] =	ssyncadd.s32 $0xFFFFEC00  }
0x6e: {  	_ =	swait.ge [sflag:s30], $0x1400  }
0x6f: {  	[sflag:s30] =	ssyncset.done $0x0  }
0x70: {  	[sflag:s30] =	ssyncadd.s32 $0xFFFFEC00  }
0x71: {  	_ =	swait.ge [sflag:s30], $0x1400  }
0x72: {  	[sflag:s30] =	ssyncset.done $0x0  }
0x73: {  	[sflag:s30] =	ssyncadd.s32 $0xFFFFEC00  }
0x74: {  	_ =	swait.ge [sflag:s30], $0x1400  }
0x75: {  	[sflag:s30] =	ssyncset.done $0x0  }
0x76: {  	[sflag:s30] =	ssyncadd.s32 $0xFFFFEC00  }
0x77: {  	_ =	swait.ge [sflag:s30], $0x1400  }
0x78: {  	[sflag:s30] =	ssyncset.done $0x0  }
0x79: {  	[sflag:s30] =	ssyncadd.s32 $0xFFFFEC00  }
0x7a: {  	_ =	swait.ge [sflag:s30], $0x1400  }
0x7b: {  	[sflag:s30] =	ssyncset.done $0x0  }
0x7c: {  	s11 =	simm.s32 $0x0;
	[sflag:s30] =	ssyncadd.s32 $0xFFFFEC00  }
0x7d: {  	s8 =	simm.s32 $0x800;
	v0 =	vld [tilespmem:s11+$0x6AA0]  }
.LBB2_5:
0x7e: {  	p0 =	sne.s32 s8, $0x18800;
	v1 =	vld [tilespmem:s11+$0xCEA0]  }
0x7f: {  	v2 =	vld [tilespmem:s11+$0x68F0]  }
0x80: {  	v3 =	vld [tilespmem:s11+$0xCCF0]  }
0x81: {  	v4 =	vld [tilespmem:s11+$0x6900]  }
0x82: {  	v5 =	vld [tilespmem:s11+$0xCD00]  }
0x83: {  	v6 =	vld [tilespmem:s11+$0x6910];
	v0 =	vadd.f32 v1, v0  }
0x84: {  	v1 =	vld [tilespmem:s11+$0xCD10]  }
0x85: {  	v2 =	vadd.f32 v3, v2;
	[tilespmem:s11+$0x660] =	vst.add.f32.msk $0xffff, v0  }
0x86: {  	v0 =	vld [tilespmem:s11+$0x6920]  }
0x87: {  	v3 =	vadd.f32 v5, v4;
	v4 =	vld [tilespmem:s11+$0xCD20]  }
0x88: {  	v5 =	vld [tilespmem:s11+$0x6970]  }
0x89: {  	v1 =	vadd.f32 v1, v6;
	v6 =	vld [tilespmem:s11+$0xCD70]  }
0x8a: {  	v7 =	vld [tilespmem:s11+$0x6980]  }
0x8b: {  	v8 =	vld [tilespmem:s11+$0xCD80]  }
0x8c: {  	v0 =	vadd.f32 v4, v0;
	v4 =	vld [tilespmem:s11+$0x6990]  }
0x8d: {  	v9 =	vld [tilespmem:s11+$0xCD90]  }
0x8e: {  	v5 =	vadd.f32 v6, v5;
	v6 =	vld [tilespmem:s11+$0x69A0]  }
0x8f: {  	v10 =	vld [tilespmem:s11+$0xCDA0]  }
0x90: {  	v7 =	vadd.f32 v8, v7;
	v8 =	vld [tilespmem:s11+$0x69F0]  }
0x91: {  	v11 =	vld [tilespmem:s11+$0xCDF0]  }
0x92: {  	v4 =	vadd.f32 v9, v4;
	v9 =	vld [tilespmem:s11+$0x6A00]  }
0x93: {  	v12 =	vld [tilespmem:s11+$0xCE00]  }
0x94: {  	v6 =	vadd.f32 v10, v6;
	v10 =	vld [tilespmem:s11+$0x6A10]  }
0x95: {  	v13 =	vld [tilespmem:s11+$0xCE10]  }
0x96: {  	v8 =	vadd.f32 v11, v8;
	v11 =	vld [tilespmem:s11+$0x6A20]  }
0x97: {  	v14 =	vld [tilespmem:s11+$0xCE20]  }
0x98: {  	v9 =	vadd.f32 v12, v9;
	v12 =	vld [tilespmem:s11+$0x6A70]  }
0x99: {  	v15 =	vld [tilespmem:s11+$0xCE70]  }
0x9a: {  	v10 =	vadd.f32 v13, v10;
	v13 =	vld [tilespmem:s11+$0x6A80]  }
0x9b: {  	v16 =	vld [tilespmem:s11+$0xCE80]  }
0x9c: {  	v11 =	vadd.f32 v14, v11;
	v14 =	vld [tilespmem:s11+$0x6A90]  }
0x9d: {  	v17 =	vld [tilespmem:s11+$0xCE90]  }
0x9e: {  	[tilespmem:s11+$0x4B0] =	vst.add.f32.msk $0xffff, v2;
	v2 =	vadd.f32 v15, v12  }
0x9f: {  	[tilespmem:s11+$0x4C0] =	vst.add.f32.msk $0xffff, v3  }
0xa0: {  	[tilespmem:s11+$0x4D0] =	vst.add.f32.msk $0xffff, v1;
	v1 =	vadd.f32 v16, v13  }
0xa1: {  	[tilespmem:s11+$0x4E0] =	vst.add.f32.msk $0xffff, v0  }
0xa2: {  	[tilespmem:s11+$0x530] =	vst.add.f32.msk $0xffff, v5;
	v0 =	vadd.f32 v17, v14  }
0xa3: {  	[tilespmem:s11+$0x540] =	vst.add.f32.msk $0xffff, v7  }
0xa4: {  	[tilespmem:s11+$0x550] =	vst.add.f32.msk $0xffff, v4  }
0xa5: {  	[tilespmem:s11+$0x560] =	vst.add.f32.msk $0xffff, v6  }
0xa6: {  	[tilespmem:s11+$0x5B0] =	vst.add.f32.msk $0xffff, v8  }
0xa7: {  	[tilespmem:s11+$0x5C0] =	vst.add.f32.msk $0xffff, v9  }
0xa8: {  	[tilespmem:s11+$0x5D0] =	vst.add.f32.msk $0xffff, v10  }
.Ltmp5:
0xa9: {  	[tilespmem:s11+$0x5E0] =	vst.add.f32.msk $0xffff, v11;
	(pc) =	sbr.rel @p0 .LBB2_5-.Ltmp5, $4  }
0xaa: {  	[tilespmem:s11+$0x630] =	vst.add.f32.msk $0xffff, v2  }
0xab: {  	[tilespmem:s11+$0x640] =	vst.add.f32.msk $0xffff, v1  }
0xac: {  	[tilespmem:s11+$0x650] =	vst.add.f32.msk $0xffff, v0;
	s11 =	sshra.s32 s8, $0x2  }
0xad: {  	s8 =	sadd.s32 $0x800, s8;
	v0 =	vld [tilespmem:s11+$0x6AA0]  }
0xae: {  	v1 =	vld [tilespmem:s11+$0xCEA0]  }
0xaf: {  	v2 =	vld [tilespmem:s11+$0x68F0]  }
0xb0: {  	v3 =	vld [tilespmem:s11+$0xCCF0]  }
0xb1: {  	v4 =	vld [tilespmem:s11+$0x6900]  }
0xb2: {  	v5 =	vld [tilespmem:s11+$0xCD00]  }
0xb3: {  	v6 =	vld [tilespmem:s11+$0x6910]  }
0xb4: {  	v49 =	vld [tilespmem:s11+$0xCD10]  }
0xb5: {  	v50 =	vld [tilespmem:s11+$0x6920]  }
0xb6: {  	v7 =	vld [tilespmem:s11+$0xCD20]  }
0xb7: {  	v8 =	vld [tilespmem:s11+$0x6970]  }
0xb8: {  	v9 =	vld [tilespmem:s11+$0xCD70]  }
0xb9: {  	v10 =	vld [tilespmem:s11+$0x6980]  }
0xba: {  	v11 =	vld [tilespmem:s11+$0xCD80]  }
0xbb: {  	v12 =	vld [tilespmem:s11+$0x6990]  }
0xbc: {  	v13 =	vld [tilespmem:s11+$0xCD90]  }
0xbd: {  	v14 =	vld [tilespmem:s11+$0x69A0]  }
0xbe: {  	v15 =	vld [tilespmem:s11+$0xCDA0]  }
0xbf: {  	v16 =	vld [tilespmem:s11+$0x69F0]  }
0xc0: {  	v17 =	vld [tilespmem:s11+$0xCDF0]  }
0xc1: {  	v18 =	vld [tilespmem:s11+$0x6A00]  }
0xc2: {  	v19 =	vld [tilespmem:s11+$0xCE00]  }
0xc3: {  	v20 =	vld [tilespmem:s11+$0x6A10]  }
0xc4: {  	v21 =	vld [tilespmem:s11+$0xCE10]  }
0xc5: {  	v22 =	vld [tilespmem:s11+$0x6A20]  }
0xc6: {  	v23 =	vld [tilespmem:s11+$0xCE20]  }
0xc7: {  	v24 =	vld [tilespmem:s11+$0x6A70]  }
0xc8: {  	v25 =	vld [tilespmem:s11+$0xCE70]  }
0xc9: {  	v26 =	vld [tilespmem:s11+$0x6A80]  }
0xca: {  	v27 =	vld [tilespmem:s11+$0xCE80]  }
0xcb: {  	v51 =	vld [tilespmem:s11+$0x6A90];
	v0 =	vadd.f32 v1, v0  }
0xcc: {  	v52 =	vld [tilespmem:s11+$0xCE90];
	v2 =	vadd.f32 v3, v2  }
0xcd: {  	v4 =	vadd.f32 v5, v4;
	[tilespmem:s11+$0x660] =	vst.add.f32.msk $0xffff, v0  }
0xce: {  	v1 =	vadd.f32 v49, v6;
	[tilespmem:s11+$0x4B0] =	vst.add.f32.msk $0xffff, v2  }
0xcf: {  	v53 =	vadd.f32 v9, v8;
	[tilespmem:s11+$0x4C0] =	vst.add.f32.msk $0xffff, v4  }
0xd0: {  	v54 =	vadd.f32 v11, v10;
	[tilespmem:s11+$0x4D0] =	vst.add.f32.msk $0xffff, v1  }
0xd1: {  	v55 =	vadd.f32 v13, v12;
	[tilespmem:s11+$0x530] =	vst.add.f32.msk $0xffff, v53  }
0xd2: {  	v56 =	vadd.f32 v15, v14;
	[tilespmem:s11+$0x540] =	vst.add.f32.msk $0xffff, v54  }
0xd3: {  	v57 =	vadd.f32 v17, v16;
	[tilespmem:s11+$0x550] =	vst.add.f32.msk $0xffff, v55  }
0xd4: {  	v58 =	vadd.f32 v19, v18;
	[tilespmem:s11+$0x560] =	vst.add.f32.msk $0xffff, v56  }
0xd5: {  	v59 =	vadd.f32 v21, v20;
	[tilespmem:s11+$0x5B0] =	vst.add.f32.msk $0xffff, v57  }
0xd6: {  	v60 =	vadd.f32 v23, v22;
	[tilespmem:s11+$0x5C0] =	vst.add.f32.msk $0xffff, v58  }
0xd7: {  	v61 =	vadd.f32 v25, v24;
	[tilespmem:s11+$0x5D0] =	vst.add.f32.msk $0xffff, v59  }
0xd8: {  	v62 =	vadd.f32 v27, v26;
	[tilespmem:s11+$0x5E0] =	vst.add.f32.msk $0xffff, v60  }
.Ltmp6:
0xd9: {  	v63 =	vadd.f32 v52, v51;
	[tilespmem:s11+$0x630] =	vst.add.f32.msk $0xffff, v61;
	(pc) =	sbr.rel .LBB2_7-.Ltmp6, $4  }
0xda: {  	s8 =	smul.u32 $0xC80, s10;
	v0 =	vadd.f32 v7, v50;
	[tilespmem:s11+$0x640] =	vst.add.f32.msk $0xffff, v62  }
0xdb: {  	[tilespmem:s11+$0x650] =	vst.add.f32.msk $0xffff, v63  }
0xdc: {  	s8 =	sadd.s32 s7, s8;
	[tilespmem:s11+$0x4E0] =	vst.add.f32.msk $0xffff, v0  }
0xdd: {  	[hbm4b:s8+s2] =	stream.linear.scatter [tilespmem:s14], [sflag:$0x3], $0x6400, $0x38;
	[tilespmem:$0x130B0] =	vst v63  }
.LBB2_9:
0xde: {  	_ =	sfence.sel $0x180000  }
0xdf: {  	[bflag:$0x0] =	sbarrier.arrive $0xFFFF  }
0xe0: {  	_ =	strace $0x9000004A  }
0xe1: {  	s0 =	stileid.u32;
	[bflag:$0x2] =	sbarrier.arrive $0xFFFF  }
0xe2: {  	p0 =	sne.s32 s0, $0x0;
	s0 =	rddreg [dreg:$0x1]  }
0xe3: {  	s0 =	sadd.s32 @!p0 $0x100000, s0  }
0xe4: {  	[sflag:s0] =	ssyncadd.tile.s32 @!p0 $0x1;
	_ =	shalt  }
.Lfunc_end2:
_tile_overlayer_lowered:
.L_overlay_start_2:
0xe5: {  	(tag) =	ssettag $0x2  }
0xe6: {  	s0 =	rddreg [dreg:$0x0];
	s2 =	stileid.u32  }
0xe7: {  	s1 =	rddreg [dreg:$0x1];
	p0 =	sne.s32 s2, $0x0  }
0xe8: {  	s3 =	rddreg [dreg:$0x2];
	[bflag:$0x3] =	sbarrier.arrive $0xFFFF;
	s2 =	simm.s32 @!p0 $0x1C04  }
0xe9: {  	[timem:s3], [sflag:s2] =	dma.local @!p0 [hbm:s0], s1  }
0xea: {  	s0 =	simm.s32 @!p0 $0x4  }
0xeb: {  	_ =	swait.ge @!p0 [sflag:s0], s1  }
0xec: {  	s1 =	ssub.s32 @!p0 $0x0, s1;
	[sflag:s0] =	ssyncset.done @!p0 $0x0  }
0xed: {  	[sflag:s0] =	ssyncadd.s32 @!p0 s1  }
0xee: {  	[bflag:$0x3] =	sbarrier.arrive $0xFFFF  }
0xef: {  	_ =	shalt  }

// kernel: kernel.15.cloned.1.call-start
scs
__scs_entry_jumppad:
0x0: {  	(pc) =	sbr.rel $0x88, $3  }
0x1: {  	(tag) =	ssettag $0x0;
	lr =	simm.s32 $0x1  }
0x2: {  	[smem:$0x3F9B] =	sst lr;
	_ =	strace $0xD0000000  }
0x3: {  	_ = 	snop  }
0x4: {  	_ = 	snop  }
0x5: {  	_ = 	snop  }
0x6: {  	_ = 	snop  }
0x7: {  	_ = 	snop  }
__scs_overlays_trampoline_lowered:
0x8: {  	[smem:$0x3FAA] =	sst s0  }
0x9: {  	[smem:$0x3FAB] =	sst s1  }
0xa: {  	[smem:$0x3FAC] =	sst s2  }
0xb: {  	[smem:$0x3FAD] =	sst s3  }
0xc: {  	[smem:$0x3FAE] =	sst s4  }
0xd: {  	[smem:$0x3FAF] =	sst s5  }
0xe: {  	[smem:$0x3FB0] =	sst s6  }
0xf: {  	[smem:$0x3FB1] =	sst s7  }
0x10: {  	[smem:$0x3FB2] =	sst s8  }
0x11: {  	[smem:$0x3FB3] =	sst s9;
	s0 =	simm.s32 @!p0 $0x0  }
0x12: {  	s1 =	sld [smem:$0x3F99];
	s0 =	simm.s32 @p0 $0x1  }
0x13: {  	[smem:$0x3FB4] =	sst s0;
	s0 =	simm.s32 @!p1 $0x0  }
0x14: {  	s2 =	sld [smem:$0x3F98];
	s0 =	simm.s32 @p1 $0x1  }
0x15: {  	[smem:$0x3FB5] =	sst s0;
	s0 =	simm.s32 @!p2 $0x0  }
0x16: {  	s3 =	sld [smem:$0x3FDB];
	s0 =	simm.s32 @p2 $0x1  }
0x17: {  	s4 =	simm.s32 $0x1BF5;
	[smem:$0x3FB7] =	sst s0  }
0x18: {  	s0 =	sld [smem:$0x3F9A];
	_ =	swait.ge [sflag:s4], $0x0  }
0x19: {  	s7 =	sld [smem:$0x3F9B]  }
0x1a: {  	s8 =	sadd.s32 $0xFFFFE003, lr  }
0x1b: {  	s9 =	sadd.s32 $0xFFFFFEF7, lr;
	s5 =	simm.s32 $0xFFFFFFFF;
	p2 =	slt.u32 s8, $0xFFFFF086  }
0x1c: {  	p1 =	slt.u32 s9, $0xF7A;
	s5 =	simm.s32 @!p2 $0x0  }
0x1d: {  	s5 =	simm.s32 @p1 $0x1;
	p0 =	seq.s32 s7, s2  }
0x1e: {  	s7 =	smul.u32 @!p0 $0xF7A, s2;
	p2 =	seq.s32 @!p0 s5, $0x0  }
0x1f: {  	s9 =	smul.u32 $0xF7A, s1;
	s8 =	simm.s32 @!p0 $0x1BF5;
	p2 =	por !p2, p0  }
0x20: {  	[sflag:s8] =	ssyncset.s32 @!p0 $0xFFFFF086;
	s6 =	sadd.s32 @!p0 s3, s7;
	s7 =	simm.s32 @!p0 $0x108  }
0x21: {  	s3 =	sadd.s32 s3, s9;
	s6 =	sadd.s32 @!p0 $0x88, s6;
	s7 =	simm.s32 @p2 $0x1082  }
0x22: {  	[simem:s7], [sflag:s8] =	dma.local @!p0 [hbm:s6], $0xF7A  }
0x23: {  	s9 =	sor.u32 $0xD0000000, s2;
	s6 =	simm.s32 $0x108;
	_ =	swait.ge @!p0 [sflag:s8], $0x0  }
0x24: {  	s3 =	sadd.s32 $0x88, s3;
	s6 =	simm.s32 @!p1 $0x1082;
	[sflag:s4] =	ssyncset.s32 $0xFFFFF086  }
0x25: {  	[simem:s6], [sflag:s4] =	dma.local [hbm:s3], $0xF7A  }
0x26: {  	[smem:$0x3F9B] =	sst s1;
	(tag) =	ssettag s2;
	_ =	strace s9  }
0x27: {  	s1 =	sld [smem:$0x3FAB]  }
0x28: {  	s2 =	sld [smem:$0x3FAC]  }
0x29: {  	s4 =	sld [smem:$0x3FAE]  }
0x2a: {  	p0 =	seq.s32 s5, $0x0;
	s5 =	sld [smem:$0x3FAF]  }
0x2b: {  	s6 =	sld [smem:$0x3FB0]  }
0x2c: {  	s7 =	sld [smem:$0x3FB1]  }
0x2d: {  	s3 =	simm.s32 $0x108;
	s8 =	sld [smem:$0x3FB2]  }
0x2e: {  	s3 =	simm.s32 @!p0 $0x1082;
	s9 =	sld [smem:$0x3FB3]  }
0x2f: {  	lr =	sadd.s32 s0, s3;
	s0 =	sld [smem:$0x3FAA]  }
0x30: {  	s3 =	sld [smem:$0x3FAD]  }
0x31: {  	[smem:$0x3FB6] =	sst s10  }
0x32: {  	s10 =	sld [smem:$0x3FB4];
	_ =	sdelay $0x3  }
0x33: {  	p0 =	seq.s32 s10, $0x1;
	s10 =	sld [smem:$0x3FB6];
	_ =	sdelay $0x3  }
0x34: {  	[smem:$0x3FB6] =	sst s10  }
0x35: {  	s10 =	sld [smem:$0x3FB5];
	_ =	sdelay $0x3  }
0x36: {  	p1 =	seq.s32 s10, $0x1;
	s10 =	sld [smem:$0x3FB6];
	_ =	sdelay $0x3  }
0x37: {  	[smem:$0x3FB6] =	sst s10  }
0x38: {  	s10 =	sld [smem:$0x3FB7]  }
0x39: {  	_ = 	snop;
	(pc) =	sbr.ind lr, $3  }
0x3a: {  	_ = 	snop  }
0x3b: {  	_ = 	snop  }
0x3c: {  	p2 =	seq.s32 s10, $0x1;
	s10 =	sld [smem:$0x3FB6]  }
0x3d: {  	_ =	shalt  }
0x3e: {  	_ =	shalt  }
0x3f: {  	_ =	shalt  }
0x40: {  	_ =	shalt  }
0x41: {  	_ =	shalt  }
0x42: {  	_ =	shalt  }
0x43: {  	_ =	shalt  }
0x44: {  	_ =	shalt  }
0x45: {  	_ =	shalt  }
0x46: {  	_ =	shalt  }
0x47: {  	_ =	shalt  }
0x48: {  	_ =	shalt  }
0x49: {  	_ =	shalt  }
0x4a: {  	_ =	shalt  }
0x4b: {  	_ =	shalt  }
0x4c: {  	_ =	shalt  }
0x4d: {  	_ =	shalt  }
0x4e: {  	_ =	shalt  }
0x4f: {  	_ =	shalt  }
0x50: {  	_ =	shalt  }
0x51: {  	_ =	shalt  }
0x52: {  	_ =	shalt  }
0x53: {  	_ =	shalt  }
0x54: {  	_ =	shalt  }
0x55: {  	_ =	shalt  }
0x56: {  	_ =	shalt  }
0x57: {  	_ =	shalt  }
0x58: {  	_ =	shalt  }
0x59: {  	_ =	shalt  }
0x5a: {  	_ =	shalt  }
0x5b: {  	_ =	shalt  }
0x5c: {  	_ =	shalt  }
0x5d: {  	_ =	shalt  }
0x5e: {  	_ =	shalt  }
0x5f: {  	_ =	shalt  }
0x60: {  	_ =	shalt  }
0x61: {  	_ =	shalt  }
0x62: {  	_ =	shalt  }
0x63: {  	_ =	shalt  }
0x64: {  	_ =	shalt  }
0x65: {  	_ =	shalt  }
0x66: {  	_ =	shalt  }
0x67: {  	_ =	shalt  }
0x68: {  	_ =	shalt  }
0x69: {  	_ =	shalt  }
0x6a: {  	_ =	shalt  }
0x6b: {  	_ =	shalt  }
0x6c: {  	_ =	shalt  }
0x6d: {  	_ =	shalt  }
0x6e: {  	_ =	shalt  }
0x6f: {  	_ =	shalt  }
0x70: {  	_ =	shalt  }
0x71: {  	_ =	shalt  }
0x72: {  	_ =	shalt  }
0x73: {  	_ =	shalt  }
0x74: {  	_ =	shalt  }
0x75: {  	_ =	shalt  }
0x76: {  	_ =	shalt  }
0x77: {  	_ =	shalt  }
0x78: {  	_ =	shalt  }
0x79: {  	_ =	shalt  }
0x7a: {  	_ =	shalt  }
0x7b: {  	_ =	shalt  }
0x7c: {  	_ =	shalt  }
0x7d: {  	_ =	shalt  }
0x7e: {  	_ =	shalt  }
0x7f: {  	_ =	shalt  }
0x80: {  	_ =	shalt  }
0x81: {  	_ =	shalt  }
0x82: {  	_ =	shalt  }
0x83: {  	_ =	shalt  }
0x84: {  	_ =	shalt  }
0x85: {  	_ =	shalt  }
0x86: {  	_ =	shalt  }
0x87: {  	_ =	shalt  }
.Lfunc_end0:
.L_simem_size_0:
called_computation.2_lowered:
.L_overlay_start_0:
0x88: {  	s2 =	sld [smem:$0x3FD9]  }
0x89: {  	s3 =	sld [smem:$0x3FFE];
	_ =	sdelay $0x1  }
0x8a: {  	s1 =	srdreg.scid  }
0x8b: {  	s0 =	sand.u32 $0x1, s1  }
0x8c: {  	s17 =	sshll.u32 s0, $0xA;
	s2 =	sadd.s32 s3, s2  }
0x8d: {  	s2 =	sadd.s32 s2, s17  }
0x8e: {  	[smem:$0x3FC2] =	sst s2  }
0x8f: {  	_ = 	snop  }
0x90: {  	(tm) =	ssettm $0x1  }
0x91: {  	s18 =	sld [smem:$0x3FFB];
	_ =	sdelay $0x3  }
0x92: {  	_ =	strace s18  }
0x93: {  	s2 =	sld [smem:$0x3FFC];
	_ =	sdelay $0x3  }
0x94: {  	_ =	strace s2  }
0x95: {  	s2 =	sld [smem:$0x3FFD];
	_ =	sdelay $0x3  }
0x96: {  	_ =	strace s2  }
0x97: {  	_ =	strace $0x8FFFFFFF  }
0x98: {  	s19 =	sld [smem:$0x3FDB];
	_ =	sdelay $0x1  }
0x99: {  	s20 =	simm.s32 $_scs_section_size  }
0x9a: {  	s4 =	simm.s32 $_size__tile_overlayer_lowered;
	s5 =	simm.s32 $_tile_overlayer_lowered  }
0x9b: {  	s6 =	simm.s32 $0x1BFF;
	s21 =	sshll.u32 s5, $0x1;
	s3 =	sadd.s32 s20, s19  }
0x9c: {  	s22 =	simm.s32 $0x0;
	s4 =	sshll.u32 s4, $0x1;
	s5 =	sadd.s32 s21, s3  }
0x9d: {  	[timem:s22], [sflag:s6] =	dma.local [hbm:s5], s4  }
0x9e: {  	_ =	swait.ge [sflag:s6], s4  }
0x9f: {  	s4 =	ssub.s32 $0x0, s4;
	[sflag:s6] =	ssyncset.done $0x0  }
0xa0: {  	[sflag:s6] =	ssyncadd.s32 s4;
	_ =	sdelay $0x1  }
0xa1: {  	s23 =	simm.s32 $0x1B8B  }
0xa2: {  	_ =	swait.ge [sflag:s23], $0x1  }
0xa3: {  	[sflag:s23] =	ssyncset.done $0x0  }
0xa4: {  	[sflag:s23] =	ssyncadd.s32 $0xFFFFFFFF  }
0xa5: {  	s4 =	sld [smem:$0x0]  }
0xa6: {  	s5 =	sand.u32 $0xFFFFFFFE, s1  }
0xa7: {  	p0 =	sne.s32 s1, s5  }
0xa8: {  	s5 =	sshll.u32 @p0 s5, $0xE  }
0xa9: {  	s5 =	sadd.s32 @p0 $0x11B8D, s5;
	s6 =	sshll.u32 @p0 s4, $0x11  }
0xaa: {  	s5 =	sor.u32 @p0 s6, s5  }
0xab: {  	[sflag:s5] =	ssyncadd.remote.s32 @p0 $0x1;
	_ =	sdelay $0x1  }
0xac: {  	s5 =	simm.s32 @p0 $0x1B8D  }
0xad: {  	_ =	swait.eq @p0 [sflag:s5], $0x1  }
0xae: {  	[sflag:s5] =	ssyncadd.s32 @p0 $0xFFFFFFFF  }
0xaf: {  	s6 =	sshll.u32 @!p0 s1, $0xE  }
0xb0: {  	s6 =	sor.u32 @!p0 $0x4000, s6;
	s5 =	simm.s32 @!p0 $0x1B8D  }
0xb1: {  	s4 =	sshll.u32 @!p0 s4, $0x11;
	s6 =	sadd.s32 @!p0 $0x11B8D, s6;
	_ =	swait.eq @!p0 [sflag:s5], $0x1  }
0xb2: {  	s4 =	sor.u32 @!p0 s4, s6;
	[sflag:s5] =	ssyncadd.s32 @!p0 $0xFFFFFFFF  }
0xb3: {  	s25 =	simm.s32 $0x1B8E;
	s24 =	sld [smem:$0x3FFE];
	[sflag:s4] =	ssyncadd.remote.s32 @!p0 $0x1  }
0xb4: {  	s26 =	simm.s32 $execute0_lowered;
	[smem:$0x3FD2] =	sst s25  }
0xb5: {  	s5 =	sshll.u32 s26, $0x1;
	_ =	strace $0x8000004C;
	[dreg:$0x1] =	wrdreg $0xFFFFFFFF  }
0xb6: {  	s28 =	simm.s32 $_size_execute0_lowered;
	s3 =	sadd.s32 s3, s5;
	[dreg:$0x0] =	wrdreg $0x0  }
0xb7: {  	s5 =	sshll.u32 s28, $0x1;
	[dreg:$0x2] =	wrdreg s3  }
0xb8: {  	[dreg:$0x3] =	wrdreg s5  }
0xb9: {  	[dreg:$0x4] =	wrdreg $0xC0  }
0xba: {  	_ =	task [dreg:s22], $0x5FFFF  }
0xbb: {  	[dreg:$0x1] =	wrdreg $0xFFFFFFFF  }
0xbc: {  	[dreg:$0x0] =	wrdreg $0x60  }
0xbd: {  	[dreg:$0x2] =	wrdreg s24  }
0xbe: {  	[dreg:$0x3] =	wrdreg $0xB  }
0xbf: {  	_ =	task.clear_ibuf [dreg:s22], $0x4FFFF;
	_ =	strace $0x9000004C  }
0xc0: {  	s29 =	simm.s32 $0xB;
	_ =	strace $0x8000004E  }
0xc1: {  	_ =	swait.ge [sflag:s29], $0x1  }
0xc2: {  	[sflag:s29] =	ssyncadd.s32 $0xFFFFFFFF  }
0xc3: {  	_ =	strace $0x9000004E  }
0xc4: {  	_ =	sfence  }
0xc5: {  	s30 =	sld [smem:$0x0];
	_ =	sdelay $0x2  }
0xc6: {  	s31 =	sshll.u32 s1, $0xD;
	s1 =	sshrl.u32 s1, $0x2  }
0xc7: {  	s4 =	sand.u32 $0x4000, s31;
	s1 =	sadd.s32 s1, s30  }
0xc8: {  	s0 =	sor.u32 s4, s0;
	s1 =	sshll.u32 s1, $0x11  }
0xc9: {  	s0 =	sor.u32 s1, s0  }
0xca: {  	s0 =	sadd.s32 $0x8F2B, s0  }
0xcb: {  	[sflag:s0] =	ssyncadd.remote.s32 $0x1  }
0xcc: {  	_ =	sfence.sel $0xFFFF  }
0xcd: {  	[dreg:$0x0] =	wrdreg $0xFFFFFFFF;
	(pc) =	sbr.abs _section_cstart, $3  }
0xce: {  	[dreg:$0x1] =	wrdreg $0xFFFFFFFF  }
0xcf: {  	_ =	task.clear_ibuf [dreg:s22], $0x2FFFF;
	_ =	strace $0x9FFFFFFF  }
0xd0: {  	(tm) =	ssettm $0x7FFFFFFF  }
0xd1: {  	_ =	shalt  }
tec
execute0_lowered:
.L_overlay_start_1:
0x0: {  	(tag) =	ssettag $0x1  }
0x1: {  	s0 =	rddreg [dreg:$0x0]  }
0x2: {  	s1 =	srdreg.scid;
	s3 =	stileid.u32;
	s2 =	simm.s32 $0x0  }
0x3: {  	s12 =	simm.s32 $0x1;
	s13 =	simm.s32 $0x28;
	s14 =	simm.s32 $0x4B0  }
0x4: {  	s15 =	simm.s32 $0x68B0;
	s16 =	simm.s32 $0xCCB0;
	s17 =	simm.s32 $0x18B0  }
0x5: {  	s18 =	simm.s32 $0x7CB0;
	s19 =	simm.s32 $0xE0B0;
	s20 =	simm.s32 $0x2CB0  }
0x6: {  	s21 =	simm.s32 $0x90B0;
	s22 =	simm.s32 $0xF4B0;
	s23 =	simm.s32 $0x40B0  }
0x7: {  	s24 =	simm.s32 $0xA4B0;
	s25 =	simm.s32 $0x108B0;
	s28 =	simm.s32 $0xB8B0  }
0x8: {  	s29 =	simm.s32 $0x11CB0;
	s1 =	sand.u32 $0x1, s1;
	s3 =	sshll.u32 s3, $0x1  }
0x9: {  	s30 =	simm.s32 $0x2;
	[smem:$0x7FF] =	sst s2;
	s3 =	sor.u32 s1, s3  }
0xa: {  	s4 =	sadd.s32 $0xB000, s0;
	s1 =	ssub.s32 $0x2, s1;
	s7 =	smul.u32 $0xC8, s3  }
.Ltmp0:
0xb: {  	s5 =	sadd.s32 $0x191A00, s0;
	s8 =	sshrl.u32 s1, $0x1;
	(pc) =	sbr.rel .LBB2_1-.Ltmp0, $4  }
0xc: {  	s6 =	sadd.s32 $0x1C00, s0;
	s26 =	ssub.s32 s1, s8;
	s9 =	sshrl.u32 s7, $0x3  }
0xd: {  	s7 =	sadd.s32 $0x460600, s0;
	s0 =	smax.u32 s26, $0x1;
	s31 =	sadd.s32 s6, s9  }
0xe: {  	_ =	strace $0x8000004D;
	[dreg:$0x3] =	wrdreg s0;
	s1 =	sadd.s32 $0x2904, s31  }
0xf: {  	s26 =	simm.s32 $0x54B0;
	s0 =	simm.s32 $0x0;
	[dreg:$0x2] =	wrdreg s1  }
.LBB2_8:
0x10: {  	s8 =	simm.s32 $0x3  }
0x11: {  	_ =	swait.ge [sflag:s8], $0x6400  }
0x12: {  	s0 =	sadd.s32 $0x1, s0;
	s1 =	rddreg [dreg:$0x3]  }
0x13: {  	p0 =	sne.s32 s0, s1  }
.Ltmp1:
0x14: {  	_ = 	snop;
	(pc) =	sbr.rel @!p0 .LBB2_9-.Ltmp1, $3  }
0x15: {  	_ =	sdelay $0x1  }
0x16: {  	[sflag:s8] =	ssyncset.done $0x0  }
0x17: {  	[sflag:s8] =	ssyncadd.s32 $0xFFFF9C00  }
.LBB2_1:
.Ltmp2:
0x18: {  	(pc) =	sbr.rel .LBB2_2-.Ltmp2, $4  }
0x19: {  	_ = 	snop  }
0x1a: {  	s1 =	rddreg [dreg:$0x2];
	s8 =	simm.s32 $0xC8;
	s9 =	simm.s32 $0x186A0  }
0x1b: {  	[tilespmem:s2], [sflag:$0x1] =	stream.strided.gather [hbm4b:s1+s8], $0x258, s9, s8, $0x38;
	[tilespmem:$0x130B0] =	vst v63  }
0x1c: {  	s1 =	simm.s32 $0x0  }
.LBB2_3:
0x1d: {  	s1 =	sadd.s32 $0x1, s1  }
.LBB2_7:
0x1e: {  	p0 =	sne.s32 s1, $0x3  }
.Ltmp3:
0x1f: {  	_ = 	snop;
	(pc) =	sbr.rel @!p0 .LBB2_8-.Ltmp3, $1  }
0x20: {  	_ =	sdelay $0x3  }
.LBB2_2:
0x21: {  	s8 =	sshll.u32 s1, $0x5  }
0x22: {  	s10 =	sor.u32 s3, s8  }
0x23: {  	p0 =	slt.u32 s10, $0x50  }
.Ltmp4:
0x24: {  	_ = 	snop;
	(pc) =	sbr.rel @!p0 .LBB2_3-.Ltmp4, $1  }
0x25: {  	_ =	sdelay $0x3  }
0x26: {  	_ =	swait.ge [sflag:s12], $0x258  }
0x27: {  	p0 =	seq.s32 s1, $0x0;
	[sflag:s12] =	ssyncset.done $0x0  }
0x28: {  	s8 =	simm.s32 @!p0 $0x3;
	[sflag:s12] =	ssyncadd.s32 $0xFFFFFDA8  }
0x29: {  	s11 =	sand.u32 $0x1, s1;
	_ =	swait.ge @!p0 [sflag:s8], $0x6400  }
0x2a: {  	p1 =	seq.s32 s11, $0x1;
	s11 =	simm.s32 $0x258;
	[sflag:s8] =	ssyncset.done @!p0 $0x0  }
0x2b: {  	s11 =	simm.s32 @!p1 $0x0;
	[sflag:s8] =	ssyncadd.s32 @!p0 $0xFFFF9C00  }
0x2c: {  	[tilespmem:s14], [sflag:$0x2] =	stream.indirect.gather [hbm4b:s4+s13], $0x80, s11, s13, $0xb8;
	[tilespmem:$0x130B0] =	vst v63  }
0x2d: {  	s9 =	sadd.s32 $0xC8, s11  }
0x2e: {  	[tilespmem:s15], [sflag:$0x2] =	stream.indirect.gather [hbm4b:s4+s13], $0x80, s9, s13, $0xb8;
	[tilespmem:$0x130B0] =	vst v63  }
0x2f: {  	s31 =	sadd.s32 $0x190, s11  }
0x30: {  	[tilespmem:s16], [sflag:$0x2] =	stream.indirect.gather [hbm4b:s5+s13], $0x80, s31, s13, $0xb8;
	[tilespmem:$0x130B0] =	vst v63  }
0x31: {  	s9 =	sadd.s32 $0x28, s11  }
0x32: {  	[tilespmem:s17], [sflag:$0x2] =	stream.indirect.gather [hbm4b:s4+s13], $0x80, s9, s13, $0xb8;
	[tilespmem:$0x130B0] =	vst v63  }
0x33: {  	s31 =	sadd.s32 $0xF0, s11  }
0x34: {  	[tilespmem:s18], [sflag:$0x2] =	stream.indirect.gather [hbm4b:s4+s13], $0x80, s31, s13, $0xb8;
	[tilespmem:$0x130B0] =	vst v63  }
0x35: {  	s9 =	sadd.s32 $0x1B8, s11  }
0x36: {  	[tilespmem:s19], [sflag:$0x2] =	stream.indirect.gather [hbm4b:s5+s13], $0x80, s9, s13, $0xb8;
	[tilespmem:$0x130B0] =	vst v63  }
0x37: {  	s31 =	sadd.s32 $0x50, s11  }
0x38: {  	[tilespmem:s20], [sflag:$0x2] =	stream.indirect.gather [hbm4b:s4+s13], $0x80, s31, s13, $0xb8;
	[tilespmem:$0x130B0] =	vst v63  }
0x39: {  	s9 =	sadd.s32 $0x118, s11  }
0x3a: {  	[tilespmem:s21], [sflag:$0x2] =	stream.indirect.gather [hbm4b:s4+s13], $0x80, s9, s13, $0xb8;
	[tilespmem:$0x130B0] =	vst v63  }
0x3b: {  	s31 =	sadd.s32 $0x1E0, s11  }
0x3c: {  	[tilespmem:s22], [sflag:$0x2] =	stream.indirect.gather [hbm4b:s5+s13], $0x80, s31, s13, $0xb8;
	[tilespmem:$0x130B0] =	vst v63  }
0x3d: {  	s9 =	sadd.s32 $0x78, s11  }
0x3e: {  	[tilespmem:s23], [sflag:$0x2] =	stream.indirect.gather [hbm4b:s4+s13], $0x80, s9, s13, $0xb8;
	[tilespmem:$0x130B0] =	vst v63  }
0x3f: {  	s31 =	sadd.s32 $0x140, s11  }
0x40: {  	[tilespmem:s24], [sflag:$0x2] =	stream.indirect.gather [hbm4b:s4+s13], $0x80, s31, s13, $0xb8;
	[tilespmem:$0x130B0] =	vst v63  }
0x41: {  	s9 =	sadd.s32 $0x208, s11  }
0x42: {  	[tilespmem:s25], [sflag:$0x2] =	stream.indirect.gather [hbm4b:s5+s13], $0x80, s9, s13, $0xb8;
	[tilespmem:$0x130B0] =	vst v63  }
0x43: {  	s1 =	sadd.s32 $0x1, s1;
	s31 =	sor.u32 $0xA0, s11  }
0x44: {  	[tilespmem:s26], [sflag:$0x2] =	stream.indirect.gather [hbm4b:s4+s13], $0x80, s31, s13, $0xb8;
	[tilespmem:$0x130B0] =	vst v63  }
0x45: {  	s31 =	sshll.u32 s1, $0x5  }
0x46: {  	s9 =	sadd.s32 $0x168, s11;
	s8 =	sor.u32 s3, s31  }
0x47: {  	[tilespmem:s28], [sflag:$0x2] =	stream.indirect.gather [hbm4b:s4+s13], $0x80, s9, s13, $0xb8;
	[tilespmem:$0x130B0] =	vst v63  }
0x48: {  	p0 =	sgt.u32 s8, $0x4F  }
0x49: {  	s11 =	sadd.s32 $0x230, s11;
	s8 =	smul.u32 @!p0 $0xC8, s8  }
0x4a: {  	[tilespmem:s29], [sflag:$0x2] =	stream.indirect.gather [hbm4b:s5+s13], $0x80, s11, s13, $0xb8;
	[tilespmem:$0x130B0] =	vst v63  }
0x4b: {  	s11 =	sand.u32 @!p0 $0x1, s1  }
0x4c: {  	s9 =	simm.s32 @!p0 $0xC8;
	p1 =	seq.s32 @!p0 s11, $0x1;
	s8 =	sshrl.u32 @!p0 s8, $0x3  }
0x4d: {  	s11 =	simm.s32 @!p0 $0x258;
	p1 =	por !p1, p0;
	s8 =	sadd.s32 @!p0 s6, s8  }
0x4e: {  	s31 =	simm.s32 @!p0 $0x186A0;
	s11 =	simm.s32 @p1 $0x0;
	s8 =	sadd.s32 @!p0 $0x2904, s8  }
0x4f: {  	[tilespmem:s11], [sflag:$0x1] =	stream.strided.gather @!p0 [hbm4b:s8+s9], $0x258, s31, s9, $0x38;
	[tilespmem:$0x130B0] =	vst v63  }
0x50: {  	_ =	swait.ge [sflag:s30], $0x1400  }
0x51: {  	[sflag:s30] =	ssyncset.done $0x0  }
0x52: {  	[sflag:s30] =	ssyncadd.s32 $0xFFFFEC00  }
0x53: {  	_ =	swait.ge [sflag:s30], $0x1400  }
0x54: {  	[sflag:s30] =	ssyncset.done $0x0  }
0x55: {  	[sflag:s30] =	ssyncadd.s32 $0xFFFFEC00  }
0x56: {  	_ =	swait.ge [sflag:s30], $0x1400  }
0x57: {  	[sflag:s30] =	ssyncset.done $0x0  }
0x58: {  	[sflag:s30] =	ssyncadd.s32 $0xFFFFEC00  }
0x59: {  	_ =	swait.ge [sflag:s30], $0x1400  }
0x5a: {  	[sflag:s30] =	ssyncset.done $0x0  }
0x5b: {  	[sflag:s30] =	ssyncadd.s32 $0xFFFFEC00  }
0x5c: {  	_ =	swait.ge [sflag:s30], $0x1400  }
0x5d: {  	[sflag:s30] =	ssyncset.done $0x0  }
0x5e: {  	[sflag:s30] =	ssyncadd.s32 $0xFFFFEC00  }
0x5f: {  	_ =	swait.ge [sflag:s30], $0x1400  }
0x60: {  	[sflag:s30] =	ssyncset.done $0x0  }
0x61: {  	[sflag:s30] =	ssyncadd.s32 $0xFFFFEC00  }
0x62: {  	_ =	swait.ge [sflag:s30], $0x1400  }
0x63: {  	[sflag:s30] =	ssyncset.done $0x0  }
0x64: {  	[sflag:s30] =	ssyncadd.s32 $0xFFFFEC00  }
0x65: {  	_ =	swait.ge [sflag:s30], $0x1400  }
0x66: {  	[sflag:s30] =	ssyncset.done $0x0  }
0x67: {  	[sflag:s30] =	ssyncadd.s32 $0xFFFFEC00  }
0x68: {  	_ =	swait.ge [sflag:s30], $0x1400  }
0x69: {  	[sflag:s30] =	ssyncset.done $0x0  }
0x6a: {  	[sflag:s30] =	ssyncadd.s32 $0xFFFFEC00  }
0x6b: {  	_ =	swait.ge [sflag:s30], $0x1400  }
0x6c: {  	[sflag:s30] =	ssyncset.done $0x0  }
0x6d: {  	[sflag:s30] =	ssyncadd.s32 $0xFFFFEC00  }
0x6e: {  	_ =	swait.ge [sflag:s30], $0x1400  }
0x6f: {  	[sflag:s30] =	ssyncset.done $0x0  }
0x70: {  	[sflag:s30] =	ssyncadd.s32 $0xFFFFEC00  }
0x71: {  	_ =	swait.ge [sflag:s30], $0x1400  }
0x72: {  	[sflag:s30] =	ssyncset.done $0x0  }
0x73: {  	[sflag:s30] =	ssyncadd.s32 $0xFFFFEC00  }
0x74: {  	_ =	swait.ge [sflag:s30], $0x1400  }
0x75: {  	[sflag:s30] =	ssyncset.done $0x0  }
0x76: {  	[sflag:s30] =	ssyncadd.s32 $0xFFFFEC00  }
0x77: {  	_ =	swait.ge [sflag:s30], $0x1400  }
0x78: {  	[sflag:s30] =	ssyncset.done $0x0  }
0x79: {  	[sflag:s30] =	ssyncadd.s32 $0xFFFFEC00  }
0x7a: {  	_ =	swait.ge [sflag:s30], $0x1400  }
0x7b: {  	[sflag:s30] =	ssyncset.done $0x0  }
0x7c: {  	s11 =	simm.s32 $0x0;
	[sflag:s30] =	ssyncadd.s32 $0xFFFFEC00  }
0x7d: {  	s8 =	simm.s32 $0x800;
	v0 =	vld [tilespmem:s11+$0x6AA0]  }
.LBB2_5:
0x7e: {  	p0 =	sne.s32 s8, $0x18800;
	v1 =	vld [tilespmem:s11+$0xCEA0]  }
0x7f: {  	v2 =	vld [tilespmem:s11+$0x68F0]  }
0x80: {  	v3 =	vld [tilespmem:s11+$0xCCF0]  }
0x81: {  	v4 =	vld [tilespmem:s11+$0x6900]  }
0x82: {  	v5 =	vld [tilespmem:s11+$0xCD00]  }
0x83: {  	v6 =	vld [tilespmem:s11+$0x6910];
	v0 =	vadd.f32 v1, v0  }
0x84: {  	v1 =	vld [tilespmem:s11+$0xCD10]  }
0x85: {  	v2 =	vadd.f32 v3, v2;
	[tilespmem:s11+$0x660] =	vst.add.f32.msk $0xffff, v0  }
0x86: {  	v0 =	vld [tilespmem:s11+$0x6920]  }
0x87: {  	v3 =	vadd.f32 v5, v4;
	v4 =	vld [tilespmem:s11+$0xCD20]  }
0x88: {  	v5 =	vld [tilespmem:s11+$0x6970]  }
0x89: {  	v1 =	vadd.f32 v1, v6;
	v6 =	vld [tilespmem:s11+$0xCD70]  }
0x8a: {  	v7 =	vld [tilespmem:s11+$0x6980]  }
0x8b: {  	v8 =	vld [tilespmem:s11+$0xCD80]  }
0x8c: {  	v0 =	vadd.f32 v4, v0;
	v4 =	vld [tilespmem:s11+$0x6990]  }
0x8d: {  	v9 =	vld [tilespmem:s11+$0xCD90]  }
0x8e: {  	v5 =	vadd.f32 v6, v5;
	v6 =	vld [tilespmem:s11+$0x69A0]  }
0x8f: {  	v10 =	vld [tilespmem:s11+$0xCDA0]  }
0x90: {  	v7 =	vadd.f32 v8, v7;
	v8 =	vld [tilespmem:s11+$0x69F0]  }
0x91: {  	v11 =	vld [tilespmem:s11+$0xCDF0]  }
0x92: {  	v4 =	vadd.f32 v9, v4;
	v9 =	vld [tilespmem:s11+$0x6A00]  }
0x93: {  	v12 =	vld [tilespmem:s11+$0xCE00]  }
0x94: {  	v6 =	vadd.f32 v10, v6;
	v10 =	vld [tilespmem:s11+$0x6A10]  }
0x95: {  	v13 =	vld [tilespmem:s11+$0xCE10]  }
0x96: {  	v8 =	vadd.f32 v11, v8;
	v11 =	vld [tilespmem:s11+$0x6A20]  }
0x97: {  	v14 =	vld [tilespmem:s11+$0xCE20]  }
0x98: {  	v9 =	vadd.f32 v12, v9;
	v12 =	vld [tilespmem:s11+$0x6A70]  }
0x99: {  	v15 =	vld [tilespmem:s11+$0xCE70]  }
0x9a: {  	v10 =	vadd.f32 v13, v10;
	v13 =	vld [tilespmem:s11+$0x6A80]  }
0x9b: {  	v16 =	vld [tilespmem:s11+$0xCE80]  }
0x9c: {  	v11 =	vadd.f32 v14, v11;
	v14 =	vld [tilespmem:s11+$0x6A90]  }
0x9d: {  	v17 =	vld [tilespmem:s11+$0xCE90]  }
0x9e: {  	[tilespmem:s11+$0x4B0] =	vst.add.f32.msk $0xffff, v2;
	v2 =	vadd.f32 v15, v12  }
0x9f: {  	[tilespmem:s11+$0x4C0] =	vst.add.f32.msk $0xffff, v3  }
0xa0: {  	[tilespmem:s11+$0x4D0] =	vst.add.f32.msk $0xffff, v1;
	v1 =	vadd.f32 v16, v13  }
0xa1: {  	[tilespmem:s11+$0x4E0] =	vst.add.f32.msk $0xffff, v0  }
0xa2: {  	[tilespmem:s11+$0x530] =	vst.add.f32.msk $0xffff, v5;
	v0 =	vadd.f32 v17, v14  }
0xa3: {  	[tilespmem:s11+$0x540] =	vst.add.f32.msk $0xffff, v7  }
0xa4: {  	[tilespmem:s11+$0x550] =	vst.add.f32.msk $0xffff, v4  }
0xa5: {  	[tilespmem:s11+$0x560] =	vst.add.f32.msk $0xffff, v6  }
0xa6: {  	[tilespmem:s11+$0x5B0] =	vst.add.f32.msk $0xffff, v8  }
0xa7: {  	[tilespmem:s11+$0x5C0] =	vst.add.f32.msk $0xffff, v9  }
0xa8: {  	[tilespmem:s11+$0x5D0] =	vst.add.f32.msk $0xffff, v10  }
.Ltmp5:
0xa9: {  	[tilespmem:s11+$0x5E0] =	vst.add.f32.msk $0xffff, v11;
	(pc) =	sbr.rel @p0 .LBB2_5-.Ltmp5, $4  }
0xaa: {  	[tilespmem:s11+$0x630] =	vst.add.f32.msk $0xffff, v2  }
0xab: {  	[tilespmem:s11+$0x640] =	vst.add.f32.msk $0xffff, v1  }
0xac: {  	[tilespmem:s11+$0x650] =	vst.add.f32.msk $0xffff, v0;
	s11 =	sshra.s32 s8, $0x2  }
0xad: {  	s8 =	sadd.s32 $0x800, s8;
	v0 =	vld [tilespmem:s11+$0x6AA0]  }
0xae: {  	v1 =	vld [tilespmem:s11+$0xCEA0]  }
0xaf: {  	v2 =	vld [tilespmem:s11+$0x68F0]  }
0xb0: {  	v3 =	vld [tilespmem:s11+$0xCCF0]  }
0xb1: {  	v4 =	vld [tilespmem:s11+$0x6900]  }
0xb2: {  	v5 =	vld [tilespmem:s11+$0xCD00]  }
0xb3: {  	v6 =	vld [tilespmem:s11+$0x6910]  }
0xb4: {  	v49 =	vld [tilespmem:s11+$0xCD10]  }
0xb5: {  	v50 =	vld [tilespmem:s11+$0x6920]  }
0xb6: {  	v7 =	vld [tilespmem:s11+$0xCD20]  }
0xb7: {  	v8 =	vld [tilespmem:s11+$0x6970]  }
0xb8: {  	v9 =	vld [tilespmem:s11+$0xCD70]  }
0xb9: {  	v10 =	vld [tilespmem:s11+$0x6980]  }
0xba: {  	v11 =	vld [tilespmem:s11+$0xCD80]  }
0xbb: {  	v12 =	vld [tilespmem:s11+$0x6990]  }
0xbc: {  	v13 =	vld [tilespmem:s11+$0xCD90]  }
0xbd: {  	v14 =	vld [tilespmem:s11+$0x69A0]  }
0xbe: {  	v15 =	vld [tilespmem:s11+$0xCDA0]  }
0xbf: {  	v16 =	vld [tilespmem:s11+$0x69F0]  }
0xc0: {  	v17 =	vld [tilespmem:s11+$0xCDF0]  }
0xc1: {  	v18 =	vld [tilespmem:s11+$0x6A00]  }
0xc2: {  	v19 =	vld [tilespmem:s11+$0xCE00]  }
0xc3: {  	v20 =	vld [tilespmem:s11+$0x6A10]  }
0xc4: {  	v21 =	vld [tilespmem:s11+$0xCE10]  }
0xc5: {  	v22 =	vld [tilespmem:s11+$0x6A20]  }
0xc6: {  	v23 =	vld [tilespmem:s11+$0xCE20]  }
0xc7: {  	v24 =	vld [tilespmem:s11+$0x6A70]  }
0xc8: {  	v25 =	vld [tilespmem:s11+$0xCE70]  }
0xc9: {  	v26 =	vld [tilespmem:s11+$0x6A80]  }
0xca: {  	v27 =	vld [tilespmem:s11+$0xCE80]  }
0xcb: {  	v51 =	vld [tilespmem:s11+$0x6A90];
	v0 =	vadd.f32 v1, v0  }
0xcc: {  	v52 =	vld [tilespmem:s11+$0xCE90];
	v2 =	vadd.f32 v3, v2  }
0xcd: {  	v4 =	vadd.f32 v5, v4;
	[tilespmem:s11+$0x660] =	vst.add.f32.msk $0xffff, v0  }
0xce: {  	v1 =	vadd.f32 v49, v6;
	[tilespmem:s11+$0x4B0] =	vst.add.f32.msk $0xffff, v2  }
0xcf: {  	v53 =	vadd.f32 v9, v8;
	[tilespmem:s11+$0x4C0] =	vst.add.f32.msk $0xffff, v4  }
0xd0: {  	v54 =	vadd.f32 v11, v10;
	[tilespmem:s11+$0x4D0] =	vst.add.f32.msk $0xffff, v1  }
0xd1: {  	v55 =	vadd.f32 v13, v12;
	[tilespmem:s11+$0x530] =	vst.add.f32.msk $0xffff, v53  }
0xd2: {  	v56 =	vadd.f32 v15, v14;
	[tilespmem:s11+$0x540] =	vst.add.f32.msk $0xffff, v54  }
0xd3: {  	v57 =	vadd.f32 v17, v16;
	[tilespmem:s11+$0x550] =	vst.add.f32.msk $0xffff, v55  }
0xd4: {  	v58 =	vadd.f32 v19, v18;
	[tilespmem:s11+$0x560] =	vst.add.f32.msk $0xffff, v56  }
0xd5: {  	v59 =	vadd.f32 v21, v20;
	[tilespmem:s11+$0x5B0] =	vst.add.f32.msk $0xffff, v57  }
0xd6: {  	v60 =	vadd.f32 v23, v22;
	[tilespmem:s11+$0x5C0] =	vst.add.f32.msk $0xffff, v58  }
0xd7: {  	v61 =	vadd.f32 v25, v24;
	[tilespmem:s11+$0x5D0] =	vst.add.f32.msk $0xffff, v59  }
0xd8: {  	v62 =	vadd.f32 v27, v26;
	[tilespmem:s11+$0x5E0] =	vst.add.f32.msk $0xffff, v60  }
.Ltmp6:
0xd9: {  	v63 =	vadd.f32 v52, v51;
	[tilespmem:s11+$0x630] =	vst.add.f32.msk $0xffff, v61;
	(pc) =	sbr.rel .LBB2_7-.Ltmp6, $4  }
0xda: {  	s8 =	smul.u32 $0xC80, s10;
	v0 =	vadd.f32 v7, v50;
	[tilespmem:s11+$0x640] =	vst.add.f32.msk $0xffff, v62  }
0xdb: {  	[tilespmem:s11+$0x650] =	vst.add.f32.msk $0xffff, v63  }
0xdc: {  	s8 =	sadd.s32 s7, s8;
	[tilespmem:s11+$0x4E0] =	vst.add.f32.msk $0xffff, v0  }
0xdd: {  	[hbm4b:s8+s2] =	stream.linear.scatter [tilespmem:s14], [sflag:$0x3], $0x6400, $0x38;
	[tilespmem:$0x130B0] =	vst v63  }
.LBB2_9:
0xde: {  	_ =	sfence.sel $0x180000  }
0xdf: {  	[bflag:$0x0] =	sbarrier.arrive $0xFFFF  }
0xe0: {  	_ =	strace $0x9000004D  }
0xe1: {  	s0 =	stileid.u32;
	[bflag:$0x2] =	sbarrier.arrive $0xFFFF  }
0xe2: {  	p0 =	sne.s32 s0, $0x0;
	s0 =	rddreg [dreg:$0x1]  }
0xe3: {  	s0 =	sadd.s32 @!p0 $0x100000, s0  }
0xe4: {  	[sflag:s0] =	ssyncadd.tile.s32 @!p0 $0x1;
	_ =	shalt  }
.Lfunc_end2:
_tile_overlayer_lowered:
.L_overlay_start_2:
0xe5: {  	(tag) =	ssettag $0x2  }
0xe6: {  	s0 =	rddreg [dreg:$0x0];
	s2 =	stileid.u32  }
0xe7: {  	s1 =	rddreg [dreg:$0x1];
	p0 =	sne.s32 s2, $0x0  }
0xe8: {  	s3 =	rddreg [dreg:$0x2];
	[bflag:$0x3] =	sbarrier.arrive $0xFFFF;
	s2 =	simm.s32 @!p0 $0x1C04  }
0xe9: {  	[timem:s3], [sflag:s2] =	dma.local @!p0 [hbm:s0], s1  }
0xea: {  	s0 =	simm.s32 @!p0 $0x4  }
0xeb: {  	_ =	swait.ge @!p0 [sflag:s0], s1  }
0xec: {  	s1 =	ssub.s32 @!p0 $0x0, s1;
	[sflag:s0] =	ssyncset.done @!p0 $0x0  }
0xed: {  	[sflag:s0] =	ssyncadd.s32 @!p0 s1  }
0xee: {  	[bflag:$0x3] =	sbarrier.arrive $0xFFFF  }
0xef: {  	_ =	shalt  }

// kernel: kernel.9.cloned.1.call-start
scs
__scs_entry_jumppad:
0x0: {  	(pc) =	sbr.rel $0x88, $3  }
0x1: {  	(tag) =	ssettag $0x0;
	lr =	simm.s32 $0x1  }
0x2: {  	[smem:$0x3F9B] =	sst lr;
	_ =	strace $0xD0000000  }
0x3: {  	_ = 	snop  }
0x4: {  	_ = 	snop  }
0x5: {  	_ = 	snop  }
0x6: {  	_ = 	snop  }
0x7: {  	_ = 	snop  }
__scs_overlays_trampoline_lowered:
0x8: {  	[smem:$0x3FAA] =	sst s0  }
0x9: {  	[smem:$0x3FAB] =	sst s1  }
0xa: {  	[smem:$0x3FAC] =	sst s2  }
0xb: {  	[smem:$0x3FAD] =	sst s3  }
0xc: {  	[smem:$0x3FAE] =	sst s4  }
0xd: {  	[smem:$0x3FAF] =	sst s5  }
0xe: {  	[smem:$0x3FB0] =	sst s6  }
0xf: {  	[smem:$0x3FB1] =	sst s7  }
0x10: {  	[smem:$0x3FB2] =	sst s8  }
0x11: {  	[smem:$0x3FB3] =	sst s9;
	s0 =	simm.s32 @!p0 $0x0  }
0x12: {  	s1 =	sld [smem:$0x3F99];
	s0 =	simm.s32 @p0 $0x1  }
0x13: {  	[smem:$0x3FB4] =	sst s0;
	s0 =	simm.s32 @!p1 $0x0  }
0x14: {  	s2 =	sld [smem:$0x3F98];
	s0 =	simm.s32 @p1 $0x1  }
0x15: {  	[smem:$0x3FB5] =	sst s0;
	s0 =	simm.s32 @!p2 $0x0  }
0x16: {  	s3 =	sld [smem:$0x3FDB];
	s0 =	simm.s32 @p2 $0x1  }
0x17: {  	s4 =	simm.s32 $0x1BF5;
	[smem:$0x3FB7] =	sst s0  }
0x18: {  	s0 =	sld [smem:$0x3F9A];
	_ =	swait.ge [sflag:s4], $0x0  }
0x19: {  	s7 =	sld [smem:$0x3F9B]  }
0x1a: {  	s8 =	sadd.s32 $0xFFFFE003, lr  }
0x1b: {  	s9 =	sadd.s32 $0xFFFFFEF7, lr;
	s5 =	simm.s32 $0xFFFFFFFF;
	p2 =	slt.u32 s8, $0xFFFFF086  }
0x1c: {  	p1 =	slt.u32 s9, $0xF7A;
	s5 =	simm.s32 @!p2 $0x0  }
0x1d: {  	s5 =	simm.s32 @p1 $0x1;
	p0 =	seq.s32 s7, s2  }
0x1e: {  	s7 =	smul.u32 @!p0 $0xF7A, s2;
	p2 =	seq.s32 @!p0 s5, $0x0  }
0x1f: {  	s9 =	smul.u32 $0xF7A, s1;
	s8 =	simm.s32 @!p0 $0x1BF5;
	p2 =	por !p2, p0  }
0x20: {  	[sflag:s8] =	ssyncset.s32 @!p0 $0xFFFFF086;
	s6 =	sadd.s32 @!p0 s3, s7;
	s7 =	simm.s32 @!p0 $0x108  }
0x21: {  	s3 =	sadd.s32 s3, s9;
	s6 =	sadd.s32 @!p0 $0x88, s6;
	s7 =	simm.s32 @p2 $0x1082  }
0x22: {  	[simem:s7], [sflag:s8] =	dma.local @!p0 [hbm:s6], $0xF7A  }
0x23: {  	s9 =	sor.u32 $0xD0000000, s2;
	s6 =	simm.s32 $0x108;
	_ =	swait.ge @!p0 [sflag:s8], $0x0  }
0x24: {  	s3 =	sadd.s32 $0x88, s3;
	s6 =	simm.s32 @!p1 $0x1082;
	[sflag:s4] =	ssyncset.s32 $0xFFFFF086  }
0x25: {  	[simem:s6], [sflag:s4] =	dma.local [hbm:s3], $0xF7A  }
0x26: {  	[smem:$0x3F9B] =	sst s1;
	(tag) =	ssettag s2;
	_ =	strace s9  }
0x27: {  	s1 =	sld [smem:$0x3FAB]  }
0x28: {  	s2 =	sld [smem:$0x3FAC]  }
0x29: {  	s4 =	sld [smem:$0x3FAE]  }
0x2a: {  	p0 =	seq.s32 s5, $0x0;
	s5 =	sld [smem:$0x3FAF]  }
0x2b: {  	s6 =	sld [smem:$0x3FB0]  }
0x2c: {  	s7 =	sld [smem:$0x3FB1]  }
0x2d: {  	s3 =	simm.s32 $0x108;
	s8 =	sld [smem:$0x3FB2]  }
0x2e: {  	s3 =	simm.s32 @!p0 $0x1082;
	s9 =	sld [smem:$0x3FB3]  }
0x2f: {  	lr =	sadd.s32 s0, s3;
	s0 =	sld [smem:$0x3FAA]  }
0x30: {  	s3 =	sld [smem:$0x3FAD]  }
0x31: {  	[smem:$0x3FB6] =	sst s10  }
0x32: {  	s10 =	sld [smem:$0x3FB4];
	_ =	sdelay $0x3  }
0x33: {  	p0 =	seq.s32 s10, $0x1;
	s10 =	sld [smem:$0x3FB6];
	_ =	sdelay $0x3  }
0x34: {  	[smem:$0x3FB6] =	sst s10  }
0x35: {  	s10 =	sld [smem:$0x3FB5];
	_ =	sdelay $0x3  }
0x36: {  	p1 =	seq.s32 s10, $0x1;
	s10 =	sld [smem:$0x3FB6];
	_ =	sdelay $0x3  }
0x37: {  	[smem:$0x3FB6] =	sst s10  }
0x38: {  	s10 =	sld [smem:$0x3FB7]  }
0x39: {  	_ = 	snop;
	(pc) =	sbr.ind lr, $3  }
0x3a: {  	_ = 	snop  }
0x3b: {  	_ = 	snop  }
0x3c: {  	p2 =	seq.s32 s10, $0x1;
	s10 =	sld [smem:$0x3FB6]  }
0x3d: {  	_ =	shalt  }
0x3e: {  	_ =	shalt  }
0x3f: {  	_ =	shalt  }
0x40: {  	_ =	shalt  }
0x41: {  	_ =	shalt  }
0x42: {  	_ =	shalt  }
0x43: {  	_ =	shalt  }
0x44: {  	_ =	shalt  }
0x45: {  	_ =	shalt  }
0x46: {  	_ =	shalt  }
0x47: {  	_ =	shalt  }
0x48: {  	_ =	shalt  }
0x49: {  	_ =	shalt  }
0x4a: {  	_ =	shalt  }
0x4b: {  	_ =	shalt  }
0x4c: {  	_ =	shalt  }
0x4d: {  	_ =	shalt  }
0x4e: {  	_ =	shalt  }
0x4f: {  	_ =	shalt  }
0x50: {  	_ =	shalt  }
0x51: {  	_ =	shalt  }
0x52: {  	_ =	shalt  }
0x53: {  	_ =	shalt  }
0x54: {  	_ =	shalt  }
0x55: {  	_ =	shalt  }
0x56: {  	_ =	shalt  }
0x57: {  	_ =	shalt  }
0x58: {  	_ =	shalt  }
0x59: {  	_ =	shalt  }
0x5a: {  	_ =	shalt  }
0x5b: {  	_ =	shalt  }
0x5c: {  	_ =	shalt  }
0x5d: {  	_ =	shalt  }
0x5e: {  	_ =	shalt  }
0x5f: {  	_ =	shalt  }
0x60: {  	_ =	shalt  }
0x61: {  	_ =	shalt  }
0x62: {  	_ =	shalt  }
0x63: {  	_ =	shalt  }
0x64: {  	_ =	shalt  }
0x65: {  	_ =	shalt  }
0x66: {  	_ =	shalt  }
0x67: {  	_ =	shalt  }
0x68: {  	_ =	shalt  }
0x69: {  	_ =	shalt  }
0x6a: {  	_ =	shalt  }
0x6b: {  	_ =	shalt  }
0x6c: {  	_ =	shalt  }
0x6d: {  	_ =	shalt  }
0x6e: {  	_ =	shalt  }
0x6f: {  	_ =	shalt  }
0x70: {  	_ =	shalt  }
0x71: {  	_ =	shalt  }
0x72: {  	_ =	shalt  }
0x73: {  	_ =	shalt  }
0x74: {  	_ =	shalt  }
0x75: {  	_ =	shalt  }
0x76: {  	_ =	shalt  }
0x77: {  	_ =	shalt  }
0x78: {  	_ =	shalt  }
0x79: {  	_ =	shalt  }
0x7a: {  	_ =	shalt  }
0x7b: {  	_ =	shalt  }
0x7c: {  	_ =	shalt  }
0x7d: {  	_ =	shalt  }
0x7e: {  	_ =	shalt  }
0x7f: {  	_ =	shalt  }
0x80: {  	_ =	shalt  }
0x81: {  	_ =	shalt  }
0x82: {  	_ =	shalt  }
0x83: {  	_ =	shalt  }
0x84: {  	_ =	shalt  }
0x85: {  	_ =	shalt  }
0x86: {  	_ =	shalt  }
0x87: {  	_ =	shalt  }
.Lfunc_end0:
.L_simem_size_0:
called_computation_lowered:
.L_overlay_start_0:
0x88: {  	s2 =	sld [smem:$0x3FD9]  }
0x89: {  	s3 =	sld [smem:$0x3FFE];
	_ =	sdelay $0x1  }
0x8a: {  	s1 =	srdreg.scid  }
0x8b: {  	s0 =	sand.u32 $0x1, s1  }
0x8c: {  	s16 =	sshll.u32 s0, $0xA;
	s2 =	sadd.s32 s3, s2  }
0x8d: {  	s2 =	sadd.s32 s2, s16  }
0x8e: {  	[smem:$0x3FC2] =	sst s2  }
0x8f: {  	_ = 	snop  }
0x90: {  	(tm) =	ssettm $0x1  }
0x91: {  	s17 =	sld [smem:$0x3FFB];
	_ =	sdelay $0x3  }
0x92: {  	_ =	strace s17  }
0x93: {  	s2 =	sld [smem:$0x3FFC];
	_ =	sdelay $0x3  }
0x94: {  	_ =	strace s2  }
0x95: {  	s2 =	sld [smem:$0x3FFD];
	_ =	sdelay $0x3  }
0x96: {  	_ =	strace s2  }
0x97: {  	_ =	strace $0x8FFFFFFF  }
0x98: {  	s18 =	sld [smem:$0x3FDB];
	_ =	sdelay $0x1  }
0x99: {  	s19 =	simm.s32 $_scs_section_size  }
0x9a: {  	s4 =	simm.s32 $_size__tile_overlayer_lowered;
	s5 =	simm.s32 $_tile_overlayer_lowered  }
0x9b: {  	s22 =	simm.s32 $0x1BFF;
	s21 =	sshll.u32 s5, $0x1;
	s2 =	sadd.s32 s19, s18  }
0x9c: {  	s6 =	simm.s32 $0x0;
	s20 =	sshll.u32 s4, $0x1;
	s4 =	sadd.s32 s21, s2  }
0x9d: {  	[timem:s6], [sflag:s22] =	dma.local [hbm:s4], s20  }
0x9e: {  	_ =	swait.ge [sflag:s22], s20  }
0x9f: {  	s3 =	ssub.s32 $0x0, s20;
	[sflag:s22] =	ssyncset.done $0x0  }
0xa0: {  	[sflag:s22] =	ssyncadd.s32 s3;
	_ =	sdelay $0x1  }
0xa1: {  	s23 =	simm.s32 $0x1B8B  }
0xa2: {  	_ =	swait.ge [sflag:s23], $0x1  }
0xa3: {  	[sflag:s23] =	ssyncset.done $0x0  }
0xa4: {  	s25 =	simm.s32 $0x1B8E;
	s24 =	sld [smem:$0x3FFE];
	[sflag:s23] =	ssyncadd.s32 $0xFFFFFFFF  }
0xa5: {  	s26 =	simm.s32 $execute0_lowered;
	[smem:$0x3FD2] =	sst s25  }
0xa6: {  	s4 =	sshll.u32 s26, $0x1;
	_ =	strace $0x80000046;
	[dreg:$0x1] =	wrdreg $0xFFFFFFFF  }
0xa7: {  	s28 =	simm.s32 $_size_execute0_lowered;
	s2 =	sadd.s32 s2, s4;
	[dreg:$0x0] =	wrdreg $0x0  }
0xa8: {  	s4 =	sshll.u32 s28, $0x1;
	[dreg:$0x2] =	wrdreg s2  }
0xa9: {  	[dreg:$0x3] =	wrdreg s4  }
0xaa: {  	[dreg:$0x4] =	wrdreg $0xC0  }
0xab: {  	_ =	task [dreg:s6], $0x5FFFF  }
0xac: {  	[dreg:$0x1] =	wrdreg $0xFFFFFFFF  }
0xad: {  	[dreg:$0x0] =	wrdreg $0x60  }
0xae: {  	[dreg:$0x2] =	wrdreg s24  }
0xaf: {  	[dreg:$0x3] =	wrdreg $0x9  }
0xb0: {  	_ =	task.clear_ibuf [dreg:s6], $0x4FFFF;
	_ =	strace $0x90000046  }
0xb1: {  	s29 =	simm.s32 $0x9;
	_ =	strace $0x80000048  }
0xb2: {  	_ =	swait.ge [sflag:s29], $0x1  }
0xb3: {  	[sflag:s29] =	ssyncadd.s32 $0xFFFFFFFF  }
0xb4: {  	_ =	strace $0x90000048  }
0xb5: {  	_ =	sfence  }
0xb6: {  	s30 =	sld [smem:$0x0];
	_ =	sdelay $0x2  }
0xb7: {  	s31 =	sshll.u32 s1, $0xD;
	s1 =	sshrl.u32 s1, $0x2  }
0xb8: {  	s3 =	sand.u32 $0x4000, s31;
	s1 =	sadd.s32 s1, s30  }
0xb9: {  	s0 =	sor.u32 s3, s0;
	s1 =	sshll.u32 s1, $0x11  }
0xba: {  	s0 =	sor.u32 s1, s0  }
0xbb: {  	s0 =	sadd.s32 $0x8F2B, s0  }
0xbc: {  	[sflag:s0] =	ssyncadd.remote.s32 $0x1  }
0xbd: {  	_ =	sfence.sel $0xFFFF  }
0xbe: {  	[dreg:$0x0] =	wrdreg $0xFFFFFFFF;
	(pc) =	sbr.abs _section_cstart, $3  }
0xbf: {  	[dreg:$0x1] =	wrdreg $0xFFFFFFFF  }
0xc0: {  	_ =	task.clear_ibuf [dreg:s6], $0x2FFFF;
	_ =	strace $0x9FFFFFFF  }
0xc1: {  	(tm) =	ssettm $0x7FFFFFFF  }
tec
execute0_lowered:
.L_overlay_start_1:
0x0: {  	(tag) =	ssettag $0x1  }
0x1: {  	s0 =	rddreg [dreg:$0x0];
	s2 =	simm.s32 $0x0  }
0x2: {  	s1 =	srdreg.scid;
	s3 =	stileid.u32;
	s12 =	simm.s32 $0x1  }
0x3: {  	s13 =	simm.s32 $0x28;
	s14 =	simm.s32 $0x4B0;
	s15 =	simm.s32 $0x68B0  }
0x4: {  	s16 =	simm.s32 $0xCCB0;
	s17 =	simm.s32 $0x18B0;
	s18 =	simm.s32 $0x7CB0  }
0x5: {  	s19 =	simm.s32 $0xE0B0;
	s20 =	simm.s32 $0x2CB0;
	s21 =	simm.s32 $0x90B0  }
0x6: {  	s22 =	simm.s32 $0xF4B0;
	s23 =	simm.s32 $0x40B0;
	s24 =	simm.s32 $0xA4B0  }
0x7: {  	s28 =	simm.s32 $0xB8B0;
	s1 =	sand.u32 $0x1, s1;
	s4 =	sshll.u32 s3, $0x1  }
0x8: {  	s29 =	simm.s32 $0x11CB0;
	s30 =	simm.s32 $0x2;
	s4 =	sor.u32 s1, s4  }
0x9: {  	[smem:$0x7FF] =	sst s2;
	s3 =	sadd.s32 $0xB000, s0;
	s9 =	smul.u32 $0x19, s4  }
.Ltmp0:
0xa: {  	s5 =	sadd.s32 $0x191A00, s0;
	s8 =	ssub.s32 $0x2, s1;
	(pc) =	sbr.rel .LBB2_1-.Ltmp0, $4  }
0xb: {  	s6 =	sadd.s32 $0x1C00, s0;
	s7 =	sadd.s32 $0x318400, s0;
	s25 =	sshrl.u32 s8, $0x1  }
0xc: {  	_ =	strace $0x80000047;
	s26 =	ssub.s32 s8, s25;
	s31 =	sadd.s32 s6, s9  }
0xd: {  	s25 =	simm.s32 $0x108B0;
	s0 =	smax.u32 s26, $0x1;
	[dreg:$0x2] =	wrdreg s31  }
0xe: {  	s26 =	simm.s32 $0x54B0;
	[dreg:$0x3] =	wrdreg s0;
	s0 =	simm.s32 $0x0  }
.LBB2_8:
0xf: {  	s8 =	simm.s32 $0x3  }
0x10: {  	_ =	swait.ge [sflag:s8], $0x6400  }
0x11: {  	s0 =	sadd.s32 $0x1, s0;
	s1 =	rddreg [dreg:$0x3]  }
0x12: {  	p0 =	sne.s32 s0, s1  }
.Ltmp1:
0x13: {  	_ = 	snop;
	(pc) =	sbr.rel @!p0 .LBB2_9-.Ltmp1, $3  }
0x14: {  	_ =	sdelay $0x1  }
0x15: {  	[sflag:s8] =	ssyncset.done $0x0  }
0x16: {  	[sflag:s8] =	ssyncadd.s32 $0xFFFF9C00  }
.LBB2_1:
.Ltmp2:
0x17: {  	(pc) =	sbr.rel .LBB2_2-.Ltmp2, $4  }
0x18: {  	_ = 	snop  }
0x19: {  	s1 =	rddreg [dreg:$0x2];
	s8 =	simm.s32 $0xC8;
	s9 =	simm.s32 $0x186A0  }
0x1a: {  	[tilespmem:s2], [sflag:$0x1] =	stream.strided.gather [hbm4b:s1+s8], $0x258, s9, s8, $0x38;
	[tilespmem:$0x130B0] =	vst v63  }
0x1b: {  	s1 =	simm.s32 $0x0  }
.LBB2_3:
0x1c: {  	s1 =	sadd.s32 $0x1, s1  }
.LBB2_7:
0x1d: {  	p0 =	sne.s32 s1, $0x9  }
.Ltmp3:
0x1e: {  	_ = 	snop;
	(pc) =	sbr.rel @!p0 .LBB2_8-.Ltmp3, $1  }
0x1f: {  	_ =	sdelay $0x3  }
.LBB2_2:
0x20: {  	s8 =	sshll.u32 s1, $0x5  }
0x21: {  	s10 =	sor.u32 s4, s8  }
0x22: {  	p0 =	slt.u32 s10, $0x118  }
.Ltmp4:
0x23: {  	_ = 	snop;
	(pc) =	sbr.rel @!p0 .LBB2_3-.Ltmp4, $1  }
0x24: {  	_ =	sdelay $0x3  }
0x25: {  	_ =	swait.ge [sflag:s12], $0x258  }
0x26: {  	p0 =	seq.s32 s1, $0x0;
	[sflag:s12] =	ssyncset.done $0x0  }
0x27: {  	s8 =	simm.s32 @!p0 $0x3;
	[sflag:s12] =	ssyncadd.s32 $0xFFFFFDA8  }
0x28: {  	s11 =	sand.u32 $0x1, s1;
	_ =	swait.ge @!p0 [sflag:s8], $0x6400  }
0x29: {  	p1 =	seq.s32 s11, $0x1;
	s11 =	simm.s32 $0x258;
	[sflag:s8] =	ssyncset.done @!p0 $0x0  }
0x2a: {  	s11 =	simm.s32 @!p1 $0x0;
	[sflag:s8] =	ssyncadd.s32 @!p0 $0xFFFF9C00  }
0x2b: {  	[tilespmem:s14], [sflag:$0x2] =	stream.indirect.gather [hbm4b:s3+s13], $0x80, s11, s13, $0xb8;
	[tilespmem:$0x130B0] =	vst v63  }
0x2c: {  	s9 =	sadd.s32 $0xC8, s11  }
0x2d: {  	[tilespmem:s15], [sflag:$0x2] =	stream.indirect.gather [hbm4b:s3+s13], $0x80, s9, s13, $0xb8;
	[tilespmem:$0x130B0] =	vst v63  }
0x2e: {  	s31 =	sadd.s32 $0x190, s11  }
0x2f: {  	[tilespmem:s16], [sflag:$0x2] =	stream.indirect.gather [hbm4b:s5+s13], $0x80, s31, s13, $0xb8;
	[tilespmem:$0x130B0] =	vst v63  }
0x30: {  	s9 =	sadd.s32 $0x28, s11  }
0x31: {  	[tilespmem:s17], [sflag:$0x2] =	stream.indirect.gather [hbm4b:s3+s13], $0x80, s9, s13, $0xb8;
	[tilespmem:$0x130B0] =	vst v63  }
0x32: {  	s31 =	sadd.s32 $0xF0, s11  }
0x33: {  	[tilespmem:s18], [sflag:$0x2] =	stream.indirect.gather [hbm4b:s3+s13], $0x80, s31, s13, $0xb8;
	[tilespmem:$0x130B0] =	vst v63  }
0x34: {  	s9 =	sadd.s32 $0x1B8, s11  }
0x35: {  	[tilespmem:s19], [sflag:$0x2] =	stream.indirect.gather [hbm4b:s5+s13], $0x80, s9, s13, $0xb8;
	[tilespmem:$0x130B0] =	vst v63  }
0x36: {  	s31 =	sadd.s32 $0x50, s11  }
0x37: {  	[tilespmem:s20], [sflag:$0x2] =	stream.indirect.gather [hbm4b:s3+s13], $0x80, s31, s13, $0xb8;
	[tilespmem:$0x130B0] =	vst v63  }
0x38: {  	s9 =	sadd.s32 $0x118, s11  }
0x39: {  	[tilespmem:s21], [sflag:$0x2] =	stream.indirect.gather [hbm4b:s3+s13], $0x80, s9, s13, $0xb8;
	[tilespmem:$0x130B0] =	vst v63  }
0x3a: {  	s31 =	sadd.s32 $0x1E0, s11  }
0x3b: {  	[tilespmem:s22], [sflag:$0x2] =	stream.indirect.gather [hbm4b:s5+s13], $0x80, s31, s13, $0xb8;
	[tilespmem:$0x130B0] =	vst v63  }
0x3c: {  	s9 =	sadd.s32 $0x78, s11  }
0x3d: {  	[tilespmem:s23], [sflag:$0x2] =	stream.indirect.gather [hbm4b:s3+s13], $0x80, s9, s13, $0xb8;
	[tilespmem:$0x130B0] =	vst v63  }
0x3e: {  	s31 =	sadd.s32 $0x140, s11  }
0x3f: {  	[tilespmem:s24], [sflag:$0x2] =	stream.indirect.gather [hbm4b:s3+s13], $0x80, s31, s13, $0xb8;
	[tilespmem:$0x130B0] =	vst v63  }
0x40: {  	s9 =	sadd.s32 $0x208, s11  }
0x41: {  	[tilespmem:s25], [sflag:$0x2] =	stream.indirect.gather [hbm4b:s5+s13], $0x80, s9, s13, $0xb8;
	[tilespmem:$0x130B0] =	vst v63  }
0x42: {  	s1 =	sadd.s32 $0x1, s1;
	s31 =	sor.u32 $0xA0, s11  }
0x43: {  	[tilespmem:s26], [sflag:$0x2] =	stream.indirect.gather [hbm4b:s3+s13], $0x80, s31, s13, $0xb8;
	[tilespmem:$0x130B0] =	vst v63  }
0x44: {  	s31 =	sshll.u32 s1, $0x5  }
0x45: {  	s9 =	sadd.s32 $0x168, s11;
	s8 =	sor.u32 s4, s31  }
0x46: {  	[tilespmem:s28], [sflag:$0x2] =	stream.indirect.gather [hbm4b:s3+s13], $0x80, s9, s13, $0xb8;
	[tilespmem:$0x130B0] =	vst v63  }
0x47: {  	s11 =	sadd.s32 $0x230, s11;
	p0 =	sgt.u32 s8, $0x117  }
0x48: {  	[tilespmem:s29], [sflag:$0x2] =	stream.indirect.gather [hbm4b:s5+s13], $0x80, s11, s13, $0xb8;
	[tilespmem:$0x130B0] =	vst v63  }
0x49: {  	s11 =	sand.u32 @!p0 $0x1, s1  }
0x4a: {  	s8 =	smul.u32 @!p0 $0x19, s8;
	p1 =	seq.s32 @!p0 s11, $0x1  }
0x4b: {  	s9 =	simm.s32 @!p0 $0xC8;
	s11 =	simm.s32 @!p0 $0x258;
	p1 =	por !p1, p0  }
0x4c: {  	s31 =	simm.s32 @!p0 $0x186A0;
	s8 =	sadd.s32 @!p0 s6, s8;
	s11 =	simm.s32 @p1 $0x0  }
0x4d: {  	[tilespmem:s11], [sflag:$0x1] =	stream.strided.gather @!p0 [hbm4b:s8+s9], $0x258, s31, s9, $0x38;
	[tilespmem:$0x130B0] =	vst v63  }
0x4e: {  	_ =	swait.ge [sflag:s30], $0x1400  }
0x4f: {  	[sflag:s30] =	ssyncset.done $0x0  }
0x50: {  	[sflag:s30] =	ssyncadd.s32 $0xFFFFEC00  }
0x51: {  	_ =	swait.ge [sflag:s30], $0x1400  }
0x52: {  	[sflag:s30] =	ssyncset.done $0x0  }
0x53: {  	[sflag:s30] =	ssyncadd.s32 $0xFFFFEC00  }
0x54: {  	_ =	swait.ge [sflag:s30], $0x1400  }
0x55: {  	[sflag:s30] =	ssyncset.done $0x0  }
0x56: {  	[sflag:s30] =	ssyncadd.s32 $0xFFFFEC00  }
0x57: {  	_ =	swait.ge [sflag:s30], $0x1400  }
0x58: {  	[sflag:s30] =	ssyncset.done $0x0  }
0x59: {  	[sflag:s30] =	ssyncadd.s32 $0xFFFFEC00  }
0x5a: {  	_ =	swait.ge [sflag:s30], $0x1400  }
0x5b: {  	[sflag:s30] =	ssyncset.done $0x0  }
0x5c: {  	[sflag:s30] =	ssyncadd.s32 $0xFFFFEC00  }
0x5d: {  	_ =	swait.ge [sflag:s30], $0x1400  }
0x5e: {  	[sflag:s30] =	ssyncset.done $0x0  }
0x5f: {  	[sflag:s30] =	ssyncadd.s32 $0xFFFFEC00  }
0x60: {  	_ =	swait.ge [sflag:s30], $0x1400  }
0x61: {  	[sflag:s30] =	ssyncset.done $0x0  }
0x62: {  	[sflag:s30] =	ssyncadd.s32 $0xFFFFEC00  }
0x63: {  	_ =	swait.ge [sflag:s30], $0x1400  }
0x64: {  	[sflag:s30] =	ssyncset.done $0x0  }
0x65: {  	[sflag:s30] =	ssyncadd.s32 $0xFFFFEC00  }
0x66: {  	_ =	swait.ge [sflag:s30], $0x1400  }
0x67: {  	[sflag:s30] =	ssyncset.done $0x0  }
0x68: {  	[sflag:s30] =	ssyncadd.s32 $0xFFFFEC00  }
0x69: {  	_ =	swait.ge [sflag:s30], $0x1400  }
0x6a: {  	[sflag:s30] =	ssyncset.done $0x0  }
0x6b: {  	[sflag:s30] =	ssyncadd.s32 $0xFFFFEC00  }
0x6c: {  	_ =	swait.ge [sflag:s30], $0x1400  }
0x6d: {  	[sflag:s30] =	ssyncset.done $0x0  }
0x6e: {  	[sflag:s30] =	ssyncadd.s32 $0xFFFFEC00  }
0x6f: {  	_ =	swait.ge [sflag:s30], $0x1400  }
0x70: {  	[sflag:s30] =	ssyncset.done $0x0  }
0x71: {  	[sflag:s30] =	ssyncadd.s32 $0xFFFFEC00  }
0x72: {  	_ =	swait.ge [sflag:s30], $0x1400  }
0x73: {  	[sflag:s30] =	ssyncset.done $0x0  }
0x74: {  	[sflag:s30] =	ssyncadd.s32 $0xFFFFEC00  }
0x75: {  	_ =	swait.ge [sflag:s30], $0x1400  }
0x76: {  	[sflag:s30] =	ssyncset.done $0x0  }
0x77: {  	[sflag:s30] =	ssyncadd.s32 $0xFFFFEC00  }
0x78: {  	_ =	swait.ge [sflag:s30], $0x1400  }
0x79: {  	[sflag:s30] =	ssyncset.done $0x0  }
0x7a: {  	s11 =	simm.s32 $0x0;
	[sflag:s30] =	ssyncadd.s32 $0xFFFFEC00  }
0x7b: {  	s8 =	simm.s32 $0x800;
	v0 =	vld [tilespmem:s11+$0x6AA0]  }
.LBB2_5:
0x7c: {  	p0 =	sne.s32 s8, $0x18800;
	v1 =	vld [tilespmem:s11+$0xCEA0]  }
0x7d: {  	v2 =	vld [tilespmem:s11+$0x68F0]  }
0x7e: {  	v3 =	vld [tilespmem:s11+$0xCCF0]  }
0x7f: {  	v4 =	vld [tilespmem:s11+$0x6900]  }
0x80: {  	v5 =	vld [tilespmem:s11+$0xCD00]  }
0x81: {  	v6 =	vld [tilespmem:s11+$0x6910];
	v0 =	vadd.f32 v1, v0  }
0x82: {  	v1 =	vld [tilespmem:s11+$0xCD10]  }
0x83: {  	v2 =	vadd.f32 v3, v2;
	[tilespmem:s11+$0x660] =	vst.add.f32.msk $0xffff, v0  }
0x84: {  	v0 =	vld [tilespmem:s11+$0x6920]  }
0x85: {  	v3 =	vadd.f32 v5, v4;
	v4 =	vld [tilespmem:s11+$0xCD20]  }
0x86: {  	v5 =	vld [tilespmem:s11+$0x6970]  }
0x87: {  	v1 =	vadd.f32 v1, v6;
	v6 =	vld [tilespmem:s11+$0xCD70]  }
0x88: {  	v7 =	vld [tilespmem:s11+$0x6980]  }
0x89: {  	v8 =	vld [tilespmem:s11+$0xCD80]  }
0x8a: {  	v0 =	vadd.f32 v4, v0;
	v4 =	vld [tilespmem:s11+$0x6990]  }
0x8b: {  	v9 =	vld [tilespmem:s11+$0xCD90]  }
0x8c: {  	v5 =	vadd.f32 v6, v5;
	v6 =	vld [tilespmem:s11+$0x69A0]  }
0x8d: {  	v10 =	vld [tilespmem:s11+$0xCDA0]  }
0x8e: {  	v7 =	vadd.f32 v8, v7;
	v8 =	vld [tilespmem:s11+$0x69F0]  }
0x8f: {  	v11 =	vld [tilespmem:s11+$0xCDF0]  }
0x90: {  	v4 =	vadd.f32 v9, v4;
	v9 =	vld [tilespmem:s11+$0x6A00]  }
0x91: {  	v12 =	vld [tilespmem:s11+$0xCE00]  }
0x92: {  	v6 =	vadd.f32 v10, v6;
	v10 =	vld [tilespmem:s11+$0x6A10]  }
0x93: {  	v13 =	vld [tilespmem:s11+$0xCE10]  }
0x94: {  	v8 =	vadd.f32 v11, v8;
	v11 =	vld [tilespmem:s11+$0x6A20]  }
0x95: {  	v14 =	vld [tilespmem:s11+$0xCE20]  }
0x96: {  	v9 =	vadd.f32 v12, v9;
	v12 =	vld [tilespmem:s11+$0x6A70]  }
0x97: {  	v15 =	vld [tilespmem:s11+$0xCE70]  }
0x98: {  	v10 =	vadd.f32 v13, v10;
	v13 =	vld [tilespmem:s11+$0x6A80]  }
0x99: {  	v16 =	vld [tilespmem:s11+$0xCE80]  }
0x9a: {  	v11 =	vadd.f32 v14, v11;
	v14 =	vld [tilespmem:s11+$0x6A90]  }
0x9b: {  	v17 =	vld [tilespmem:s11+$0xCE90]  }
0x9c: {  	[tilespmem:s11+$0x4B0] =	vst.add.f32.msk $0xffff, v2;
	v2 =	vadd.f32 v15, v12  }
0x9d: {  	[tilespmem:s11+$0x4C0] =	vst.add.f32.msk $0xffff, v3  }
0x9e: {  	[tilespmem:s11+$0x4D0] =	vst.add.f32.msk $0xffff, v1;
	v1 =	vadd.f32 v16, v13  }
0x9f: {  	[tilespmem:s11+$0x4E0] =	vst.add.f32.msk $0xffff, v0  }
0xa0: {  	[tilespmem:s11+$0x530] =	vst.add.f32.msk $0xffff, v5;
	v0 =	vadd.f32 v17, v14  }
0xa1: {  	[tilespmem:s11+$0x540] =	vst.add.f32.msk $0xffff, v7  }
0xa2: {  	[tilespmem:s11+$0x550] =	vst.add.f32.msk $0xffff, v4  }
0xa3: {  	[tilespmem:s11+$0x560] =	vst.add.f32.msk $0xffff, v6  }
0xa4: {  	[tilespmem:s11+$0x5B0] =	vst.add.f32.msk $0xffff, v8  }
0xa5: {  	[tilespmem:s11+$0x5C0] =	vst.add.f32.msk $0xffff, v9  }
0xa6: {  	[tilespmem:s11+$0x5D0] =	vst.add.f32.msk $0xffff, v10  }
.Ltmp5:
0xa7: {  	[tilespmem:s11+$0x5E0] =	vst.add.f32.msk $0xffff, v11;
	(pc) =	sbr.rel @p0 .LBB2_5-.Ltmp5, $4  }
0xa8: {  	[tilespmem:s11+$0x630] =	vst.add.f32.msk $0xffff, v2  }
0xa9: {  	[tilespmem:s11+$0x640] =	vst.add.f32.msk $0xffff, v1  }
0xaa: {  	[tilespmem:s11+$0x650] =	vst.add.f32.msk $0xffff, v0;
	s11 =	sshra.s32 s8, $0x2  }
0xab: {  	s8 =	sadd.s32 $0x800, s8;
	v0 =	vld [tilespmem:s11+$0x6AA0]  }
0xac: {  	v1 =	vld [tilespmem:s11+$0xCEA0]  }
0xad: {  	v2 =	vld [tilespmem:s11+$0x68F0]  }
0xae: {  	v3 =	vld [tilespmem:s11+$0xCCF0]  }
0xaf: {  	v4 =	vld [tilespmem:s11+$0x6900]  }
0xb0: {  	v5 =	vld [tilespmem:s11+$0xCD00]  }
0xb1: {  	v6 =	vld [tilespmem:s11+$0x6910]  }
0xb2: {  	v49 =	vld [tilespmem:s11+$0xCD10]  }
0xb3: {  	v50 =	vld [tilespmem:s11+$0x6920]  }
0xb4: {  	v7 =	vld [tilespmem:s11+$0xCD20]  }
0xb5: {  	v8 =	vld [tilespmem:s11+$0x6970]  }
0xb6: {  	v9 =	vld [tilespmem:s11+$0xCD70]  }
0xb7: {  	v10 =	vld [tilespmem:s11+$0x6980]  }
0xb8: {  	v11 =	vld [tilespmem:s11+$0xCD80]  }
0xb9: {  	v12 =	vld [tilespmem:s11+$0x6990]  }
0xba: {  	v13 =	vld [tilespmem:s11+$0xCD90]  }
0xbb: {  	v14 =	vld [tilespmem:s11+$0x69A0]  }
0xbc: {  	v15 =	vld [tilespmem:s11+$0xCDA0]  }
0xbd: {  	v16 =	vld [tilespmem:s11+$0x69F0]  }
0xbe: {  	v17 =	vld [tilespmem:s11+$0xCDF0]  }
0xbf: {  	v18 =	vld [tilespmem:s11+$0x6A00]  }
0xc0: {  	v19 =	vld [tilespmem:s11+$0xCE00]  }
0xc1: {  	v20 =	vld [tilespmem:s11+$0x6A10]  }
0xc2: {  	v21 =	vld [tilespmem:s11+$0xCE10]  }
0xc3: {  	v22 =	vld [tilespmem:s11+$0x6A20]  }
0xc4: {  	v23 =	vld [tilespmem:s11+$0xCE20]  }
0xc5: {  	v24 =	vld [tilespmem:s11+$0x6A70]  }
0xc6: {  	v25 =	vld [tilespmem:s11+$0xCE70]  }
0xc7: {  	v26 =	vld [tilespmem:s11+$0x6A80]  }
0xc8: {  	v27 =	vld [tilespmem:s11+$0xCE80]  }
0xc9: {  	v51 =	vld [tilespmem:s11+$0x6A90];
	v0 =	vadd.f32 v1, v0  }
0xca: {  	v52 =	vld [tilespmem:s11+$0xCE90];
	v2 =	vadd.f32 v3, v2  }
0xcb: {  	v4 =	vadd.f32 v5, v4;
	[tilespmem:s11+$0x660] =	vst.add.f32.msk $0xffff, v0  }
0xcc: {  	v1 =	vadd.f32 v49, v6;
	[tilespmem:s11+$0x4B0] =	vst.add.f32.msk $0xffff, v2  }
0xcd: {  	v53 =	vadd.f32 v9, v8;
	[tilespmem:s11+$0x4C0] =	vst.add.f32.msk $0xffff, v4  }
0xce: {  	v54 =	vadd.f32 v11, v10;
	[tilespmem:s11+$0x4D0] =	vst.add.f32.msk $0xffff, v1  }
0xcf: {  	v55 =	vadd.f32 v13, v12;
	[tilespmem:s11+$0x530] =	vst.add.f32.msk $0xffff, v53  }
0xd0: {  	v56 =	vadd.f32 v15, v14;
	[tilespmem:s11+$0x540] =	vst.add.f32.msk $0xffff, v54  }
0xd1: {  	v57 =	vadd.f32 v17, v16;
	[tilespmem:s11+$0x550] =	vst.add.f32.msk $0xffff, v55  }
0xd2: {  	v58 =	vadd.f32 v19, v18;
	[tilespmem:s11+$0x560] =	vst.add.f32.msk $0xffff, v56  }
0xd3: {  	v59 =	vadd.f32 v21, v20;
	[tilespmem:s11+$0x5B0] =	vst.add.f32.msk $0xffff, v57  }
0xd4: {  	v60 =	vadd.f32 v23, v22;
	[tilespmem:s11+$0x5C0] =	vst.add.f32.msk $0xffff, v58  }
0xd5: {  	v61 =	vadd.f32 v25, v24;
	[tilespmem:s11+$0x5D0] =	vst.add.f32.msk $0xffff, v59  }
0xd6: {  	v62 =	vadd.f32 v27, v26;
	[tilespmem:s11+$0x5E0] =	vst.add.f32.msk $0xffff, v60  }
.Ltmp6:
0xd7: {  	v63 =	vadd.f32 v52, v51;
	[tilespmem:s11+$0x630] =	vst.add.f32.msk $0xffff, v61;
	(pc) =	sbr.rel .LBB2_7-.Ltmp6, $4  }
0xd8: {  	s8 =	smul.u32 $0xC80, s10;
	v0 =	vadd.f32 v7, v50;
	[tilespmem:s11+$0x640] =	vst.add.f32.msk $0xffff, v62  }
0xd9: {  	[tilespmem:s11+$0x650] =	vst.add.f32.msk $0xffff, v63  }
0xda: {  	s8 =	sadd.s32 s7, s8;
	[tilespmem:s11+$0x4E0] =	vst.add.f32.msk $0xffff, v0  }
0xdb: {  	[hbm4b:s8+s2] =	stream.linear.scatter [tilespmem:s14], [sflag:$0x3], $0x6400, $0x38;
	[tilespmem:$0x130B0] =	vst v63  }
.LBB2_9:
0xdc: {  	_ =	sfence.sel $0x180000  }
0xdd: {  	[bflag:$0x0] =	sbarrier.arrive $0xFFFF  }
0xde: {  	_ =	strace $0x90000047  }
0xdf: {  	s0 =	stileid.u32;
	[bflag:$0x2] =	sbarrier.arrive $0xFFFF  }
0xe0: {  	p0 =	sne.s32 s0, $0x0;
	s0 =	rddreg [dreg:$0x1]  }
0xe1: {  	s0 =	sadd.s32 @!p0 $0x100000, s0  }
0xe2: {  	[sflag:s0] =	ssyncadd.tile.s32 @!p0 $0x1;
	_ =	shalt  }
.Lfunc_end2:
_tile_overlayer_lowered:
.L_overlay_start_2:
0xe3: {  	(tag) =	ssettag $0x2  }
0xe4: {  	s0 =	rddreg [dreg:$0x0];
	s2 =	stileid.u32  }
0xe5: {  	s1 =	rddreg [dreg:$0x1];
	p0 =	sne.s32 s2, $0x0  }
0xe6: {  	s3 =	rddreg [dreg:$0x2];
	[bflag:$0x3] =	sbarrier.arrive $0xFFFF;
	s2 =	simm.s32 @!p0 $0x1C04  }
0xe7: {  	[timem:s3], [sflag:s2] =	dma.local @!p0 [hbm:s0], s1  }
0xe8: {  	s0 =	simm.s32 @!p0 $0x4  }
0xe9: {  	_ =	swait.ge @!p0 [sflag:s0], s1  }
0xea: {  	s1 =	ssub.s32 @!p0 $0x0, s1;
	[sflag:s0] =	ssyncset.done @!p0 $0x0  }
0xeb: {  	[sflag:s0] =	ssyncadd.s32 @!p0 s1  }
0xec: {  	[bflag:$0x3] =	sbarrier.arrive $0xFFFF  }
0xed: {  	_ =	shalt  }

</sc_bundles>
